<compile_context>
chip_gen: v7x
topology: tpu7x:2x2x1
jax: 0.10.2.dev20260603
libtpu: 0.0.44.dev20260713+nightly
codegen_flags: <defaults>
</compile_context>

<pallas_src>
import jax
import jax.numpy as jnp
from jax import lax
from jax.experimental import pallas as pl
from jax.experimental.pallas import tpu as pltpu
from jax.experimental.pallas import tpu_sc as plsc

NUM_CLASSES = 5
LAT = 16
BATCH = 16384
NC, NS, L = 2, 16, 16
NW = NC * NS
BPW = BATCH // NW
NBLK = BPW // L
SUB = 1
SLOTS = 8
SPB = L // SUB
SLAB = 128


def _body(user_hbm, movie_hbm, utmf_hbm, mtmf_hbm, ut_hbm, mt_hbm,
          fcw_hbm, fcb_hbm, out_hbm, idx_u, idx_m, *rest):
    slabs = rest[:SLOTS * SUB * 4]
    w_v, b_v, out_vt, *sems = rest[SLOTS * SUB * 4:]
    tabs = [utmf_hbm, mtmf_hbm, ut_hbm, mt_hbm]

    wid = lax.axis_index("s") * NC + lax.axis_index("c")
    base = wid * BPW

    pltpu.sync_copy(user_hbm.at[pl.ds(base, BPW)], idx_u)
    pltpu.sync_copy(movie_hbm.at[pl.ds(base, BPW)], idx_m)
    pltpu.sync_copy(fcw_hbm, w_v)
    pltpu.sync_copy(fcb_hbm, b_v)

    def slab_ref(slot, i, t):
        return slabs[(slot * SUB + i) * 4 + t]

    def fire(iv_u, iv_m, j, slot):
        for i in range(SUB):
            ru = iv_u[j * SUB + i]
            rm = iv_m[j * SUB + i]
            off_u = pl.multiple_of((ru >> 7) << 7, SLAB)
            off_m = pl.multiple_of((rm >> 7) << 7, SLAB)
            for t in range(4):
                off = off_u if t in (0, 2) else off_m
                pltpu.async_copy(tabs[t].at[:, pl.ds(off, SLAB)],
                                 slab_ref(slot, i, t), sems[slot])

    def drain(slot):
        for i in range(SUB):
            for t in range(4):
                pltpu.make_async_copy(tabs[t].at[:, pl.ds(0, SLAB)],
                                      slab_ref(slot, i, t), sems[slot]).wait()

    lane = lax.iota(jnp.int32, L)
    bias = b_v[...]

    iv_u0 = idx_u[pl.ds(0, L)]
    iv_m0 = idx_m[pl.ds(0, L)]
    for j in range(SLOTS):
        fire(iv_u0, iv_m0, j, j)

    def blk_body(blk, carry):
        sb = pl.ds(blk * L, L)
        iv_u = idx_u[sb]
        iv_m = idx_m[sb]
        nb = jnp.minimum(blk + 1, NBLK - 1)
        snb = pl.ds(nb * L, L)
        ivn_u = idx_u[snb]
        ivn_m = idx_m[snb]
        for j in range(SPB):
            slot = j % SLOTS
            drain(slot)
            for i in range(SUB):
                ru = iv_u[j * SUB + i]
                rm = iv_m[j * SUB + i]
                cu = jnp.full((L,), ru & (SLAB - 1), jnp.int32)
                cm = jnp.full((L,), rm & (SLAB - 1), jnp.int32)
                umf = plsc.load_gather(slab_ref(slot, i, 0), [lane, cu])
                mmf = plsc.load_gather(slab_ref(slot, i, 1), [lane, cm])
                u = plsc.load_gather(slab_ref(slot, i, 2), [lane, cu])
                m = plsc.load_gather(slab_ref(slot, i, 3), [lane, cm])
                mf = umf * mmf
                acc = bias
                for c in range(NUM_CLASSES):
                    t = (mf * w_v[c, 0:LAT] + u * w_v[c, LAT:2 * LAT]
                         + m * w_v[c, 2 * LAT:3 * LAT])
                    s = jnp.sum(t)
                    acc = jnp.where(lane == c, acc + s, acc)
                bpos = jnp.full((L,), blk * L + j * SUB + i, jnp.int32)
                plsc.store_scatter(out_vt, [lane, bpos], acc)
            if j < SPB - SLOTS:
                fire(iv_u, iv_m, j + SLOTS, slot)
            else:

                @pl.when(blk < NBLK - 1)
                def _(j=j, slot=slot, ivn_u=ivn_u, ivn_m=ivn_m):
                    fire(ivn_u, ivn_m, j + SLOTS - SPB, slot)

        return carry

    lax.fori_loop(0, NBLK, blk_body, 0)

    pltpu.sync_copy(out_vt, out_hbm.at[:, pl.ds(base, BPW)])


def kernel(user, movie, user_table_mf, movie_table_mf, user_table,
           movie_table, fc_w, fc_b):
    fcb_pad = jnp.pad(fc_b, (0, L - NUM_CLASSES))
    run = pl.kernel(
        _body,
        out_type=jax.ShapeDtypeStruct((L, BATCH), jnp.float32),
        mesh=plsc.VectorSubcoreMesh(core_axis_name="c", subcore_axis_name="s"),
        compiler_params=pltpu.CompilerParams(needs_layout_passes=False,
                                             use_tc_tiling_on_sc=True),
        scratch_types=[
            pltpu.VMEM((BPW,), jnp.int32),
            pltpu.VMEM((BPW,), jnp.int32),
        ] + [pltpu.VMEM((LAT, SLAB), jnp.float32)
             for _ in range(SLOTS * SUB * 4)] + [
            pltpu.VMEM((NUM_CLASSES, 3 * LAT), jnp.float32),
            pltpu.VMEM((L,), jnp.float32),
            pltpu.VMEM((L, BPW), jnp.float32),
        ] + [pltpu.SemaphoreType.DMA for _ in range(SLOTS)],
    )
    out_t = run(user, movie, user_table_mf.T, movie_table_mf.T,
                user_table.T, movie_table.T, fc_w, fcb_pad)
    return out_t[:NUM_CLASSES, :].T

# --- scband reference (transcript-rebuilt; emitter-appended) ---
"""Pipeline reference for scband-movie-lens-model-19653770347036 (READ-ONLY COPY).

The authoritative reference and input builder live on the scoring server;
editing this copy changes nothing except your own understanding.
"""

import jax, jax.numpy as jnp
import numpy as np

NUM_USERS = 1000000
NUM_MOVIES = 1000000
LATENT_USER = 16
LATENT_MOVIE = 16
LATENT_MF = 16
NUM_CLASSES = 5
BATCH = 16384


def setup_inputs(seed: int = 0) -> dict:
    key = jax.random.key(seed)
    ks = jax.random.split(key, 8)
    user = jax.random.randint(ks[0], (BATCH,), 0, NUM_USERS, dtype=jnp.int64 if jax.config.jax_enable_x64 else jnp.int32).astype(jnp.int32)
    movie = jax.random.randint(ks[1], (BATCH,), 0, NUM_MOVIES, dtype=jnp.int64 if jax.config.jax_enable_x64 else jnp.int32).astype(jnp.int32)
    user_table_mf = jax.random.normal(ks[2], (NUM_USERS, LATENT_MF), dtype=jnp.float32)
    movie_table_mf = jax.random.normal(ks[3], (NUM_MOVIES, LATENT_MF), dtype=jnp.float32)
    user_table = jax.random.normal(ks[4], (NUM_USERS, LATENT_USER), dtype=jnp.float32)
    movie_table = jax.random.normal(ks[5], (NUM_MOVIES, LATENT_MOVIE), dtype=jnp.float32)
    fan_in = LATENT_USER + LATENT_MOVIE + LATENT_MF
    bound = 1.0 / np.sqrt(fan_in)
    fc_w = jax.random.uniform(ks[6], (NUM_CLASSES, fan_in), dtype=jnp.float32, minval=-bound, maxval=bound)
    fc_b = jax.random.uniform(ks[7], (NUM_CLASSES,), dtype=jnp.float32, minval=-bound, maxval=bound)
    return {
        "user": user,
        "movie": movie,
        "user_table_mf": user_table_mf,
        "movie_table_mf": movie_table_mf,
        "user_table": user_table,
        "movie_table": movie_table,
        "fc_w": fc_w,
        "fc_b": fc_b,
    }


def reference(user, movie, user_table_mf, movie_table_mf, user_table, movie_table, fc_w, fc_b):
    user_embedding_mf = jnp.take(user_table_mf, user, axis=0)
    movie_embedding_mf = jnp.take(movie_table_mf, movie, axis=0)
    mf_vector = user_embedding_mf * movie_embedding_mf
    user_embedding = jnp.take(user_table, user, axis=0)
    movie_embedding = jnp.take(movie_table, movie, axis=0)
    mlp_vector = jnp.concatenate([user_embedding, movie_embedding], axis=-1)
    predict_vector = jnp.concatenate([mf_vector, mlp_vector], axis=-1)
    output = predict_vector @ fc_w.T + fc_b
    return output

if __name__ == "__main__":
    import jax
    _d = setup_inputs()
    print(jax.jit(kernel)(*tuple(_d.values())))

</pallas_src>

<mosaic_0001>
#map = affine_map<(d0, d1) -> (0)>
#map1 = affine_map<(d0, d1) -> (0, 0)>
module attributes {stable_mosaic.version = 14 : i64} {
  func.func @_body(%arg0: i32, %arg1: i32, %arg2: memref<16384xi32, #tpu.memory_space<hbm>>, %arg3: memref<16384xi32, #tpu.memory_space<hbm>>, %arg4: memref<16x1000000xf32, #tpu.memory_space<hbm>>, %arg5: memref<16x1000000xf32, #tpu.memory_space<hbm>>, %arg6: memref<16x1000000xf32, #tpu.memory_space<hbm>>, %arg7: memref<16x1000000xf32, #tpu.memory_space<hbm>>, %arg8: memref<5x48xf32, #tpu.memory_space<hbm>>, %arg9: memref<16xf32, #tpu.memory_space<hbm>>, %arg10: memref<16x16384xf32, #tpu.memory_space<hbm>>, %arg11: memref<512xi32, #tpu.memory_space<vmem>>, %arg12: memref<512xi32, #tpu.memory_space<vmem>>, %arg13: memref<16x128xf32, #tpu.memory_space<vmem>>, %arg14: memref<16x128xf32, #tpu.memory_space<vmem>>, %arg15: memref<16x128xf32, #tpu.memory_space<vmem>>, %arg16: memref<16x128xf32, #tpu.memory_space<vmem>>, %arg17: memref<16x128xf32, #tpu.memory_space<vmem>>, %arg18: memref<16x128xf32, #tpu.memory_space<vmem>>, %arg19: memref<16x128xf32, #tpu.memory_space<vmem>>, %arg20: memref<16x128xf32, #tpu.memory_space<vmem>>, %arg21: memref<16x128xf32, #tpu.memory_space<vmem>>, %arg22: memref<16x128xf32, #tpu.memory_space<vmem>>, %arg23: memref<16x128xf32, #tpu.memory_space<vmem>>, %arg24: memref<16x128xf32, #tpu.memory_space<vmem>>, %arg25: memref<16x128xf32, #tpu.memory_space<vmem>>, %arg26: memref<16x128xf32, #tpu.memory_space<vmem>>, %arg27: memref<16x128xf32, #tpu.memory_space<vmem>>, %arg28: memref<16x128xf32, #tpu.memory_space<vmem>>, %arg29: memref<16x128xf32, #tpu.memory_space<vmem>>, %arg30: memref<16x128xf32, #tpu.memory_space<vmem>>, %arg31: memref<16x128xf32, #tpu.memory_space<vmem>>, %arg32: memref<16x128xf32, #tpu.memory_space<vmem>>, %arg33: memref<16x128xf32, #tpu.memory_space<vmem>>, %arg34: memref<16x128xf32, #tpu.memory_space<vmem>>, %arg35: memref<16x128xf32, #tpu.memory_space<vmem>>, %arg36: memref<16x128xf32, #tpu.memory_space<vmem>>, %arg37: memref<16x128xf32, #tpu.memory_space<vmem>>, %arg38: memref<16x128xf32, #tpu.memory_space<vmem>>, %arg39: memref<16x128xf32, #tpu.memory_space<vmem>>, %arg40: memref<16x128xf32, #tpu.memory_space<vmem>>, %arg41: memref<16x128xf32, #tpu.memory_space<vmem>>, %arg42: memref<16x128xf32, #tpu.memory_space<vmem>>, %arg43: memref<16x128xf32, #tpu.memory_space<vmem>>, %arg44: memref<16x128xf32, #tpu.memory_space<vmem>>, %arg45: memref<5x48xf32, #tpu.memory_space<vmem>>, %arg46: memref<16xf32, #tpu.memory_space<vmem>>, %arg47: memref<16x512xf32, #tpu.memory_space<vmem>>, %arg48: memref<!tpu.dma_semaphore, #tpu.memory_space<semaphore_mem>>, %arg49: memref<!tpu.dma_semaphore, #tpu.memory_space<semaphore_mem>>, %arg50: memref<!tpu.dma_semaphore, #tpu.memory_space<semaphore_mem>>, %arg51: memref<!tpu.dma_semaphore, #tpu.memory_space<semaphore_mem>>, %arg52: memref<!tpu.dma_semaphore, #tpu.memory_space<semaphore_mem>>, %arg53: memref<!tpu.dma_semaphore, #tpu.memory_space<semaphore_mem>>, %arg54: memref<!tpu.dma_semaphore, #tpu.memory_space<semaphore_mem>>, %arg55: memref<!tpu.dma_semaphore, #tpu.memory_space<semaphore_mem>>) attributes {dimension_semantics = [#tpu.dimension_semantics<core_parallel>, #tpu.dimension_semantics<subcore_parallel>], iteration_bounds = array<i64: 2, 16>, scalar_prefetch = 0 : i64, scratch_operands = 45 : i64, tpu.core_type = #tpu.core_type<sc_vector_subcore>, window_params = [{transform_indices = #map}, {transform_indices = #map}, {transform_indices = #map1}, {transform_indices = #map1}, {transform_indices = #map1}, {transform_indices = #map1}, {transform_indices = #map1}, {transform_indices = #map}, {transform_indices = #map1}]} {
    %mul3A = arith.constant 2 : i32
    %mul3A_0 = arith.muli %arg1, %mul3A : i32
    %add3A = arith.addi %mul3A_0, %arg0 : i32
    %mul3A_1 = arith.constant 512 : i32
    %mul3A_2 = arith.muli %add3A, %mul3A_1 : i32
    "tpu.region"() ({
      %run_scoped3A = tpu.sem_alloc : memref<!tpu.dma_semaphore, #tpu.memory_space<semaphore_mem>>
      %dma_start3A_247 = tpu.memref_slice %arg2[%mul3A_2] : memref<16384xi32, #tpu.memory_space<hbm>> -> memref<512xi32, #tpu.memory_space<hbm>>
      %dma_start3A_248 = tpu.memref_slice %arg2[%mul3A_2] : memref<16384xi32, #tpu.memory_space<hbm>> -> memref<512xi32, #tpu.memory_space<hbm>>
      tpu.enqueue_dma source(%dma_start3A_248 : memref<512xi32, #tpu.memory_space<hbm>>) target(%arg11 : memref<512xi32, #tpu.memory_space<vmem>>) target_semaphore(%run_scoped3A : memref<!tpu.dma_semaphore, #tpu.memory_space<semaphore_mem>>)
      %dma_wait3A = tpu.memref_slice %arg2[%mul3A_2] : memref<16384xi32, #tpu.memory_space<hbm>> -> memref<512xi32, #tpu.memory_space<hbm>>
      %dma_wait3A_249 = tpu.memref_slice %arg2[%mul3A_2] : memref<16384xi32, #tpu.memory_space<hbm>> -> memref<512xi32, #tpu.memory_space<hbm>>
      tpu.wait_dma2 semaphore(%run_scoped3A : memref<!tpu.dma_semaphore, #tpu.memory_space<semaphore_mem>>) src(%dma_wait3A_249 : memref<512xi32, #tpu.memory_space<hbm>>) dst(%arg11 : memref<512xi32, #tpu.memory_space<vmem>>)
      tpu.yield
    }) : () -> ()
    "tpu.region"() ({
      %run_scoped3A = tpu.sem_alloc : memref<!tpu.dma_semaphore, #tpu.memory_space<semaphore_mem>>
      %dma_start3A_247 = tpu.memref_slice %arg3[%mul3A_2] : memref<16384xi32, #tpu.memory_space<hbm>> -> memref<512xi32, #tpu.memory_space<hbm>>
      %dma_start3A_248 = tpu.memref_slice %arg3[%mul3A_2] : memref<16384xi32, #tpu.memory_space<hbm>> -> memref<512xi32, #tpu.memory_space<hbm>>
      tpu.enqueue_dma source(%dma_start3A_248 : memref<512xi32, #tpu.memory_space<hbm>>) target(%arg12 : memref<512xi32, #tpu.memory_space<vmem>>) target_semaphore(%run_scoped3A : memref<!tpu.dma_semaphore, #tpu.memory_space<semaphore_mem>>)
      %dma_wait3A = tpu.memref_slice %arg3[%mul3A_2] : memref<16384xi32, #tpu.memory_space<hbm>> -> memref<512xi32, #tpu.memory_space<hbm>>
      %dma_wait3A_249 = tpu.memref_slice %arg3[%mul3A_2] : memref<16384xi32, #tpu.memory_space<hbm>> -> memref<512xi32, #tpu.memory_space<hbm>>
      tpu.wait_dma2 semaphore(%run_scoped3A : memref<!tpu.dma_semaphore, #tpu.memory_space<semaphore_mem>>) src(%dma_wait3A_249 : memref<512xi32, #tpu.memory_space<hbm>>) dst(%arg12 : memref<512xi32, #tpu.memory_space<vmem>>)
      tpu.yield
    }) : () -> ()
    "tpu.region"() ({
      %run_scoped3A = tpu.sem_alloc : memref<!tpu.dma_semaphore, #tpu.memory_space<semaphore_mem>>
      tpu.enqueue_dma source(%arg8 : memref<5x48xf32, #tpu.memory_space<hbm>>) target(%arg45 : memref<5x48xf32, #tpu.memory_space<vmem>>) target_semaphore(%run_scoped3A : memref<!tpu.dma_semaphore, #tpu.memory_space<semaphore_mem>>)
      tpu.wait_dma2 semaphore(%run_scoped3A : memref<!tpu.dma_semaphore, #tpu.memory_space<semaphore_mem>>) src(%arg8 : memref<5x48xf32, #tpu.memory_space<hbm>>) dst(%arg45 : memref<5x48xf32, #tpu.memory_space<vmem>>)
      tpu.yield
    }) : () -> ()
    "tpu.region"() ({
      %run_scoped3A = tpu.sem_alloc : memref<!tpu.dma_semaphore, #tpu.memory_space<semaphore_mem>>
      tpu.enqueue_dma source(%arg9 : memref<16xf32, #tpu.memory_space<hbm>>) target(%arg46 : memref<16xf32, #tpu.memory_space<vmem>>) target_semaphore(%run_scoped3A : memref<!tpu.dma_semaphore, #tpu.memory_space<semaphore_mem>>)
      tpu.wait_dma2 semaphore(%run_scoped3A : memref<!tpu.dma_semaphore, #tpu.memory_space<semaphore_mem>>) src(%arg9 : memref<16xf32, #tpu.memory_space<hbm>>) dst(%arg46 : memref<16xf32, #tpu.memory_space<vmem>>)
      tpu.yield
    }) : () -> ()
    %iota3A = tpu.iota {dimensions = array<i32: 0>} : vector<16xi32>
    %get3A = arith.constant 0 : index
    %get3A_3 = tpu.vector_load %arg46[%get3A] {strides = array<i32>} : memref<16xf32, #tpu.memory_space<vmem>>, vector<16xf32>,
    %get3A_4 = arith.constant 0 : index
    %get3A_5 = tpu.vector_load %arg11[%get3A_4] {strides = array<i32>} : memref<512xi32, #tpu.memory_space<vmem>>, vector<16xi32>,
    %get3A_6 = arith.constant 0 : index
    %get3A_7 = tpu.vector_load %arg12[%get3A_6] {strides = array<i32>} : memref<512xi32, #tpu.memory_space<vmem>>, vector<16xi32>,
    %slice3A = vector.extract_strided_slice %get3A_5 {offsets = [0], sizes = [1], strides = [1]} : vector<16xi32> to vector<1xi32>
    %squeeze3A = vector.extract %slice3A[0] : i32 from vector<1xi32>
    %slice3A_8 = vector.extract_strided_slice %get3A_7 {offsets = [0], sizes = [1], strides = [1]} : vector<16xi32> to vector<1xi32>
    %squeeze3A_9 = vector.extract %slice3A_8[0] : i32 from vector<1xi32>
    %shift_right_arithmetic3A = arith.constant 7 : i32
    %shift_right_arithmetic3A_10 = arith.shrsi %squeeze3A, %shift_right_arithmetic3A : i32
    %shift_left3A = arith.constant 7 : i32
    %shift_left3A_11 = arith.shli %shift_right_arithmetic3A_10, %shift_left3A : i32
    %multiple_of3A = tpu.assume_multiple %shift_left3A_11, 128 : i32
    %shift_right_arithmetic3A_12 = arith.constant 7 : i32
    %shift_right_arithmetic3A_13 = arith.shrsi %squeeze3A_9, %shift_right_arithmetic3A_12 : i32
    %shift_left3A_14 = arith.constant 7 : i32
    %shift_left3A_15 = arith.shli %shift_right_arithmetic3A_13, %shift_left3A_14 : i32
    %multiple_of3A_16 = tpu.assume_multiple %shift_left3A_15, 128 : i32
    %dma_start3A = arith.constant 0 : i32
    %dma_start3A_17 = tpu.memref_slice %arg4[%dma_start3A, %multiple_of3A] : memref<16x1000000xf32, #tpu.memory_space<hbm>> -> memref<16x128xf32, #tpu.memory_space<hbm>>
    %dma_start3A_18 = arith.constant 0 : i32
    %dma_start3A_19 = tpu.memref_slice %arg4[%dma_start3A_18, %multiple_of3A] : memref<16x1000000xf32, #tpu.memory_space<hbm>> -> memref<16x128xf32, #tpu.memory_space<hbm>>
    tpu.enqueue_dma source(%dma_start3A_19 : memref<16x128xf32, #tpu.memory_space<hbm>>) target(%arg13 : memref<16x128xf32, #tpu.memory_space<vmem>>) target_semaphore(%arg48 : memref<!tpu.dma_semaphore, #tpu.memory_space<semaphore_mem>>)
    %dma_start3A_20 = arith.constant 0 : i32
    %dma_start3A_21 = tpu.memref_slice %arg5[%dma_start3A_20, %multiple_of3A_16] : memref<16x1000000xf32, #tpu.memory_space<hbm>> -> memref<16x128xf32, #tpu.memory_space<hbm>>
    %dma_start3A_22 = arith.constant 0 : i32
    %dma_start3A_23 = tpu.memref_slice %arg5[%dma_start3A_22, %multiple_of3A_16] : memref<16x1000000xf32, #tpu.memory_space<hbm>> -> memref<16x128xf32, #tpu.memory_space<hbm>>
    tpu.enqueue_dma source(%dma_start3A_23 : memref<16x128xf32, #tpu.memory_space<hbm>>) target(%arg14 : memref<16x128xf32, #tpu.memory_space<vmem>>) target_semaphore(%arg48 : memref<!tpu.dma_semaphore, #tpu.memory_space<semaphore_mem>>)
    %dma_start3A_24 = arith.constant 0 : i32
    %dma_start3A_25 = tpu.memref_slice %arg6[%dma_start3A_24, %multiple_of3A] : memref<16x1000000xf32, #tpu.memory_space<hbm>> -> memref<16x128xf32, #tpu.memory_space<hbm>>
    %dma_start3A_26 = arith.constant 0 : i32
    %dma_start3A_27 = tpu.memref_slice %arg6[%dma_start3A_26, %multiple_of3A] : memref<16x1000000xf32, #tpu.memory_space<hbm>> -> memref<16x128xf32, #tpu.memory_space<hbm>>
    tpu.enqueue_dma source(%dma_start3A_27 : memref<16x128xf32, #tpu.memory_space<hbm>>) target(%arg15 : memref<16x128xf32, #tpu.memory_space<vmem>>) target_semaphore(%arg48 : memref<!tpu.dma_semaphore, #tpu.memory_space<semaphore_mem>>)
    %dma_start3A_28 = arith.constant 0 : i32
    %dma_start3A_29 = tpu.memref_slice %arg7[%dma_start3A_28, %multiple_of3A_16] : memref<16x1000000xf32, #tpu.memory_space<hbm>> -> memref<16x128xf32, #tpu.memory_space<hbm>>
    %dma_start3A_30 = arith.constant 0 : i32
    %dma_start3A_31 = tpu.memref_slice %arg7[%dma_start3A_30, %multiple_of3A_16] : memref<16x1000000xf32, #tpu.memory_space<hbm>> -> memref<16x128xf32, #tpu.memory_space<hbm>>
    tpu.enqueue_dma source(%dma_start3A_31 : memref<16x128xf32, #tpu.memory_space<hbm>>) target(%arg16 : memref<16x128xf32, #tpu.memory_space<vmem>>) target_semaphore(%arg48 : memref<!tpu.dma_semaphore, #tpu.memory_space<semaphore_mem>>)
    %slice3A_32 = vector.extract_strided_slice %get3A_5 {offsets = [1], sizes = [1], strides = [1]} : vector<16xi32> to vector<1xi32>
    %squeeze3A_33 = vector.extract %slice3A_32[0] : i32 from vector<1xi32>
    %slice3A_34 = vector.extract_strided_slice %get3A_7 {offsets = [1], sizes = [1], strides = [1]} : vector<16xi32> to vector<1xi32>
    %squeeze3A_35 = vector.extract %slice3A_34[0] : i32 from vector<1xi32>
    %shift_right_arithmetic3A_36 = arith.constant 7 : i32
    %shift_right_arithmetic3A_37 = arith.shrsi %squeeze3A_33, %shift_right_arithmetic3A_36 : i32
    %shift_left3A_38 = arith.constant 7 : i32
    %shift_left3A_39 = arith.shli %shift_right_arithmetic3A_37, %shift_left3A_38 : i32
    %multiple_of3A_40 = tpu.assume_multiple %shift_left3A_39, 128 : i32
    %shift_right_arithmetic3A_41 = arith.constant 7 : i32
    %shift_right_arithmetic3A_42 = arith.shrsi %squeeze3A_35, %shift_right_arithmetic3A_41 : i32
    %shift_left3A_43 = arith.constant 7 : i32
    %shift_left3A_44 = arith.shli %shift_right_arithmetic3A_42, %shift_left3A_43 : i32
    %multiple_of3A_45 = tpu.assume_multiple %shift_left3A_44, 128 : i32
    %dma_start3A_46 = arith.constant 0 : i32
    %dma_start3A_47 = tpu.memref_slice %arg4[%dma_start3A_46, %multiple_of3A_40] : memref<16x1000000xf32, #tpu.memory_space<hbm>> -> memref<16x128xf32, #tpu.memory_space<hbm>>
    %dma_start3A_48 = arith.constant 0 : i32
    %dma_start3A_49 = tpu.memref_slice %arg4[%dma_start3A_48, %multiple_of3A_40] : memref<16x1000000xf32, #tpu.memory_space<hbm>> -> memref<16x128xf32, #tpu.memory_space<hbm>>
    tpu.enqueue_dma source(%dma_start3A_49 : memref<16x128xf32, #tpu.memory_space<hbm>>) target(%arg17 : memref<16x128xf32, #tpu.memory_space<vmem>>) target_semaphore(%arg49 : memref<!tpu.dma_semaphore, #tpu.memory_space<semaphore_mem>>)
    %dma_start3A_50 = arith.constant 0 : i32
    %dma_start3A_51 = tpu.memref_slice %arg5[%dma_start3A_50, %multiple_of3A_45] : memref<16x1000000xf32, #tpu.memory_space<hbm>> -> memref<16x128xf32, #tpu.memory_space<hbm>>
    %dma_start3A_52 = arith.constant 0 : i32
    %dma_start3A_53 = tpu.memref_slice %arg5[%dma_start3A_52, %multiple_of3A_45] : memref<16x1000000xf32, #tpu.memory_space<hbm>> -> memref<16x128xf32, #tpu.memory_space<hbm>>
    tpu.enqueue_dma source(%dma_start3A_53 : memref<16x128xf32, #tpu.memory_space<hbm>>) target(%arg18 : memref<16x128xf32, #tpu.memory_space<vmem>>) target_semaphore(%arg49 : memref<!tpu.dma_semaphore, #tpu.memory_space<semaphore_mem>>)
    %dma_start3A_54 = arith.constant 0 : i32
    %dma_start3A_55 = tpu.memref_slice %arg6[%dma_start3A_54, %multiple_of3A_40] : memref<16x1000000xf32, #tpu.memory_space<hbm>> -> memref<16x128xf32, #tpu.memory_space<hbm>>
    %dma_start3A_56 = arith.constant 0 : i32
    %dma_start3A_57 = tpu.memref_slice %arg6[%dma_start3A_56, %multiple_of3A_40] : memref<16x1000000xf32, #tpu.memory_space<hbm>> -> memref<16x128xf32, #tpu.memory_space<hbm>>
    tpu.enqueue_dma source(%dma_start3A_57 : memref<16x128xf32, #tpu.memory_space<hbm>>) target(%arg19 : memref<16x128xf32, #tpu.memory_space<vmem>>) target_semaphore(%arg49 : memref<!tpu.dma_semaphore, #tpu.memory_space<semaphore_mem>>)
    %dma_start3A_58 = arith.constant 0 : i32
    %dma_start3A_59 = tpu.memref_slice %arg7[%dma_start3A_58, %multiple_of3A_45] : memref<16x1000000xf32, #tpu.memory_space<hbm>> -> memref<16x128xf32, #tpu.memory_space<hbm>>
    %dma_start3A_60 = arith.constant 0 : i32
    %dma_start3A_61 = tpu.memref_slice %arg7[%dma_start3A_60, %multiple_of3A_45] : memref<16x1000000xf32, #tpu.memory_space<hbm>> -> memref<16x128xf32, #tpu.memory_space<hbm>>
    tpu.enqueue_dma source(%dma_start3A_61 : memref<16x128xf32, #tpu.memory_space<hbm>>) target(%arg20 : memref<16x128xf32, #tpu.memory_space<vmem>>) target_semaphore(%arg49 : memref<!tpu.dma_semaphore, #tpu.memory_space<semaphore_mem>>)
    %slice3A_62 = vector.extract_strided_slice %get3A_5 {offsets = [2], sizes = [1], strides = [1]} : vector<16xi32> to vector<1xi32>
    %squeeze3A_63 = vector.extract %slice3A_62[0] : i32 from vector<1xi32>
    %slice3A_64 = vector.extract_strided_slice %get3A_7 {offsets = [2], sizes = [1], strides = [1]} : vector<16xi32> to vector<1xi32>
    %squeeze3A_65 = vector.extract %slice3A_64[0] : i32 from vector<1xi32>
    %shift_right_arithmetic3A_66 = arith.constant 7 : i32
    %shift_right_arithmetic3A_67 = arith.shrsi %squeeze3A_63, %shift_right_arithmetic3A_66 : i32
    %shift_left3A_68 = arith.constant 7 : i32
    %shift_left3A_69 = arith.shli %shift_right_arithmetic3A_67, %shift_left3A_68 : i32
    %multiple_of3A_70 = tpu.assume_multiple %shift_left3A_69, 128 : i32
    %shift_right_arithmetic3A_71 = arith.constant 7 : i32
    %shift_right_arithmetic3A_72 = arith.shrsi %squeeze3A_65, %shift_right_arithmetic3A_71 : i32
    %shift_left3A_73 = arith.constant 7 : i32
    %shift_left3A_74 = arith.shli %shift_right_arithmetic3A_72, %shift_left3A_73 : i32
    %multiple_of3A_75 = tpu.assume_multiple %shift_left3A_74, 128 : i32
    %dma_start3A_76 = arith.constant 0 : i32
    %dma_start3A_77 = tpu.memref_slice %arg4[%dma_start3A_76, %multiple_of3A_70] : memref<16x1000000xf32, #tpu.memory_space<hbm>> -> memref<16x128xf32, #tpu.memory_space<hbm>>
    %dma_start3A_78 = arith.constant 0 : i32
    %dma_start3A_79 = tpu.memref_slice %arg4[%dma_start3A_78, %multiple_of3A_70] : memref<16x1000000xf32, #tpu.memory_space<hbm>> -> memref<16x128xf32, #tpu.memory_space<hbm>>
    tpu.enqueue_dma source(%dma_start3A_79 : memref<16x128xf32, #tpu.memory_space<hbm>>) target(%arg21 : memref<16x128xf32, #tpu.memory_space<vmem>>) target_semaphore(%arg50 : memref<!tpu.dma_semaphore, #tpu.memory_space<semaphore_mem>>)
    %dma_start3A_80 = arith.constant 0 : i32
    %dma_start3A_81 = tpu.memref_slice %arg5[%dma_start3A_80, %multiple_of3A_75] : memref<16x1000000xf32, #tpu.memory_space<hbm>> -> memref<16x128xf32, #tpu.memory_space<hbm>>
    %dma_start3A_82 = arith.constant 0 : i32
    %dma_start3A_83 = tpu.memref_slice %arg5[%dma_start3A_82, %multiple_of3A_75] : memref<16x1000000xf32, #tpu.memory_space<hbm>> -> memref<16x128xf32, #tpu.memory_space<hbm>>
    tpu.enqueue_dma source(%dma_start3A_83 : memref<16x128xf32, #tpu.memory_space<hbm>>) target(%arg22 : memref<16x128xf32, #tpu.memory_space<vmem>>) target_semaphore(%arg50 : memref<!tpu.dma_semaphore, #tpu.memory_space<semaphore_mem>>)
    %dma_start3A_84 = arith.constant 0 : i32
    %dma_start3A_85 = tpu.memref_slice %arg6[%dma_start3A_84, %multiple_of3A_70] : memref<16x1000000xf32, #tpu.memory_space<hbm>> -> memref<16x128xf32, #tpu.memory_space<hbm>>
    %dma_start3A_86 = arith.constant 0 : i32
    %dma_start3A_87 = tpu.memref_slice %arg6[%dma_start3A_86, %multiple_of3A_70] : memref<16x1000000xf32, #tpu.memory_space<hbm>> -> memref<16x128xf32, #tpu.memory_space<hbm>>
    tpu.enqueue_dma source(%dma_start3A_87 : memref<16x128xf32, #tpu.memory_space<hbm>>) target(%arg23 : memref<16x128xf32, #tpu.memory_space<vmem>>) target_semaphore(%arg50 : memref<!tpu.dma_semaphore, #tpu.memory_space<semaphore_mem>>)
    %dma_start3A_88 = arith.constant 0 : i32
    %dma_start3A_89 = tpu.memref_slice %arg7[%dma_start3A_88, %multiple_of3A_75] : memref<16x1000000xf32, #tpu.memory_space<hbm>> -> memref<16x128xf32, #tpu.memory_space<hbm>>
    %dma_start3A_90 = arith.constant 0 : i32
    %dma_start3A_91 = tpu.memref_slice %arg7[%dma_start3A_90, %multiple_of3A_75] : memref<16x1000000xf32, #tpu.memory_space<hbm>> -> memref<16x128xf32, #tpu.memory_space<hbm>>
    tpu.enqueue_dma source(%dma_start3A_91 : memref<16x128xf32, #tpu.memory_space<hbm>>) target(%arg24 : memref<16x128xf32, #tpu.memory_space<vmem>>) target_semaphore(%arg50 : memref<!tpu.dma_semaphore, #tpu.memory_space<semaphore_mem>>)
    %slice3A_92 = vector.extract_strided_slice %get3A_5 {offsets = [3], sizes = [1], strides = [1]} : vector<16xi32> to vector<1xi32>
    %squeeze3A_93 = vector.extract %slice3A_92[0] : i32 from vector<1xi32>
    %slice3A_94 = vector.extract_strided_slice %get3A_7 {offsets = [3], sizes = [1], strides = [1]} : vector<16xi32> to vector<1xi32>
    %squeeze3A_95 = vector.extract %slice3A_94[0] : i32 from vector<1xi32>
    %shift_right_arithmetic3A_96 = arith.constant 7 : i32
    %shift_right_arithmetic3A_97 = arith.shrsi %squeeze3A_93, %shift_right_arithmetic3A_96 : i32
    %shift_left3A_98 = arith.constant 7 : i32
    %shift_left3A_99 = arith.shli %shift_right_arithmetic3A_97, %shift_left3A_98 : i32
    %multiple_of3A_100 = tpu.assume_multiple %shift_left3A_99, 128 : i32
    %shift_right_arithmetic3A_101 = arith.constant 7 : i32
    %shift_right_arithmetic3A_102 = arith.shrsi %squeeze3A_95, %shift_right_arithmetic3A_101 : i32
    %shift_left3A_103 = arith.constant 7 : i32
    %shift_left3A_104 = arith.shli %shift_right_arithmetic3A_102, %shift_left3A_103 : i32
    %multiple_of3A_105 = tpu.assume_multiple %shift_left3A_104, 128 : i32
    %dma_start3A_106 = arith.constant 0 : i32
    %dma_start3A_107 = tpu.memref_slice %arg4[%dma_start3A_106, %multiple_of3A_100] : memref<16x1000000xf32, #tpu.memory_space<hbm>> -> memref<16x128xf32, #tpu.memory_space<hbm>>
    %dma_start3A_108 = arith.constant 0 : i32
    %dma_start3A_109 = tpu.memref_slice %arg4[%dma_start3A_108, %multiple_of3A_100] : memref<16x1000000xf32, #tpu.memory_space<hbm>> -> memref<16x128xf32, #tpu.memory_space<hbm>>
    tpu.enqueue_dma source(%dma_start3A_109 : memref<16x128xf32, #tpu.memory_space<hbm>>) target(%arg25 : memref<16x128xf32, #tpu.memory_space<vmem>>) target_semaphore(%arg51 : memref<!tpu.dma_semaphore, #tpu.memory_space<semaphore_mem>>)
    %dma_start3A_110 = arith.constant 0 : i32
    %dma_start3A_111 = tpu.memref_slice %arg5[%dma_start3A_110, %multiple_of3A_105] : memref<16x1000000xf32, #tpu.memory_space<hbm>> -> memref<16x128xf32, #tpu.memory_space<hbm>>
    %dma_start3A_112 = arith.constant 0 : i32
    %dma_start3A_113 = tpu.memref_slice %arg5[%dma_start3A_112, %multiple_of3A_105] : memref<16x1000000xf32, #tpu.memory_space<hbm>> -> memref<16x128xf32, #tpu.memory_space<hbm>>
    tpu.enqueue_dma source(%dma_start3A_113 : memref<16x128xf32, #tpu.memory_space<hbm>>) target(%arg26 : memref<16x128xf32, #tpu.memory_space<vmem>>) target_semaphore(%arg51 : memref<!tpu.dma_semaphore, #tpu.memory_space<semaphore_mem>>)
    %dma_start3A_114 = arith.constant 0 : i32
    %dma_start3A_115 = tpu.memref_slice %arg6[%dma_start3A_114, %multiple_of3A_100] : memref<16x1000000xf32, #tpu.memory_space<hbm>> -> memref<16x128xf32, #tpu.memory_space<hbm>>
    %dma_start3A_116 = arith.constant 0 : i32
    %dma_start3A_117 = tpu.memref_slice %arg6[%dma_start3A_116, %multiple_of3A_100] : memref<16x1000000xf32, #tpu.memory_space<hbm>> -> memref<16x128xf32, #tpu.memory_space<hbm>>
    tpu.enqueue_dma source(%dma_start3A_117 : memref<16x128xf32, #tpu.memory_space<hbm>>) target(%arg27 : memref<16x128xf32, #tpu.memory_space<vmem>>) target_semaphore(%arg51 : memref<!tpu.dma_semaphore, #tpu.memory_space<semaphore_mem>>)
    %dma_start3A_118 = arith.constant 0 : i32
    %dma_start3A_119 = tpu.memref_slice %arg7[%dma_start3A_118, %multiple_of3A_105] : memref<16x1000000xf32, #tpu.memory_space<hbm>> -> memref<16x128xf32, #tpu.memory_space<hbm>>
    %dma_start3A_120 = arith.constant 0 : i32
    %dma_start3A_121 = tpu.memref_slice %arg7[%dma_start3A_120, %multiple_of3A_105] : memref<16x1000000xf32, #tpu.memory_space<hbm>> -> memref<16x128xf32, #tpu.memory_space<hbm>>
    tpu.enqueue_dma source(%dma_start3A_121 : memref<16x128xf32, #tpu.memory_space<hbm>>) target(%arg28 : memref<16x128xf32, #tpu.memory_space<vmem>>) target_semaphore(%arg51 : memref<!tpu.dma_semaphore, #tpu.memory_space<semaphore_mem>>)
    %slice3A_122 = vector.extract_strided_slice %get3A_5 {offsets = [4], sizes = [1], strides = [1]} : vector<16xi32> to vector<1xi32>
    %squeeze3A_123 = vector.extract %slice3A_122[0] : i32 from vector<1xi32>
    %slice3A_124 = vector.extract_strided_slice %get3A_7 {offsets = [4], sizes = [1], strides = [1]} : vector<16xi32> to vector<1xi32>
    %squeeze3A_125 = vector.extract %slice3A_124[0] : i32 from vector<1xi32>
    %shift_right_arithmetic3A_126 = arith.constant 7 : i32
    %shift_right_arithmetic3A_127 = arith.shrsi %squeeze3A_123, %shift_right_arithmetic3A_126 : i32
    %shift_left3A_128 = arith.constant 7 : i32
    %shift_left3A_129 = arith.shli %shift_right_arithmetic3A_127, %shift_left3A_128 : i32
    %multiple_of3A_130 = tpu.assume_multiple %shift_left3A_129, 128 : i32
    %shift_right_arithmetic3A_131 = arith.constant 7 : i32
    %shift_right_arithmetic3A_132 = arith.shrsi %squeeze3A_125, %shift_right_arithmetic3A_131 : i32
    %shift_left3A_133 = arith.constant 7 : i32
    %shift_left3A_134 = arith.shli %shift_right_arithmetic3A_132, %shift_left3A_133 : i32
    %multiple_of3A_135 = tpu.assume_multiple %shift_left3A_134, 128 : i32
    %dma_start3A_136 = arith.constant 0 : i32
    %dma_start3A_137 = tpu.memref_slice %arg4[%dma_start3A_136, %multiple_of3A_130] : memref<16x1000000xf32, #tpu.memory_space<hbm>> -> memref<16x128xf32, #tpu.memory_space<hbm>>
    %dma_start3A_138 = arith.constant 0 : i32
    %dma_start3A_139 = tpu.memref_slice %arg4[%dma_start3A_138, %multiple_of3A_130] : memref<16x1000000xf32, #tpu.memory_space<hbm>> -> memref<16x128xf32, #tpu.memory_space<hbm>>
    tpu.enqueue_dma source(%dma_start3A_139 : memref<16x128xf32, #tpu.memory_space<hbm>>) target(%arg29 : memref<16x128xf32, #tpu.memory_space<vmem>>) target_semaphore(%arg52 : memref<!tpu.dma_semaphore, #tpu.memory_space<semaphore_mem>>)
    %dma_start3A_140 = arith.constant 0 : i32
    %dma_start3A_141 = tpu.memref_slice %arg5[%dma_start3A_140, %multiple_of3A_135] : memref<16x1000000xf32, #tpu.memory_space<hbm>> -> memref<16x128xf32, #tpu.memory_space<hbm>>
    %dma_start3A_142 = arith.constant 0 : i32
    %dma_start3A_143 = tpu.memref_slice %arg5[%dma_start3A_142, %multiple_of3A_135] : memref<16x1000000xf32, #tpu.memory_space<hbm>> -> memref<16x128xf32, #tpu.memory_space<hbm>>
    tpu.enqueue_dma source(%dma_start3A_143 : memref<16x128xf32, #tpu.memory_space<hbm>>) target(%arg30 : memref<16x128xf32, #tpu.memory_space<vmem>>) target_semaphore(%arg52 : memref<!tpu.dma_semaphore, #tpu.memory_space<semaphore_mem>>)
    %dma_start3A_144 = arith.constant 0 : i32
    %dma_start3A_145 = tpu.memref_slice %arg6[%dma_start3A_144, %multiple_of3A_130] : memref<16x1000000xf32, #tpu.memory_space<hbm>> -> memref<16x128xf32, #tpu.memory_space<hbm>>
    %dma_start3A_146 = arith.constant 0 : i32
    %dma_start3A_147 = tpu.memref_slice %arg6[%dma_start3A_146, %multiple_of3A_130] : memref<16x1000000xf32, #tpu.memory_space<hbm>> -> memref<16x128xf32, #tpu.memory_space<hbm>>
    tpu.enqueue_dma source(%dma_start3A_147 : memref<16x128xf32, #tpu.memory_space<hbm>>) target(%arg31 : memref<16x128xf32, #tpu.memory_space<vmem>>) target_semaphore(%arg52 : memref<!tpu.dma_semaphore, #tpu.memory_space<semaphore_mem>>)
    %dma_start3A_148 = arith.constant 0 : i32
    %dma_start3A_149 = tpu.memref_slice %arg7[%dma_start3A_148, %multiple_of3A_135] : memref<16x1000000xf32, #tpu.memory_space<hbm>> -> memref<16x128xf32, #tpu.memory_space<hbm>>
    %dma_start3A_150 = arith.constant 0 : i32
    %dma_start3A_151 = tpu.memref_slice %arg7[%dma_start3A_150, %multiple_of3A_135] : memref<16x1000000xf32, #tpu.memory_space<hbm>> -> memref<16x128xf32, #tpu.memory_space<hbm>>
    tpu.enqueue_dma source(%dma_start3A_151 : memref<16x128xf32, #tpu.memory_space<hbm>>) target(%arg32 : memref<16x128xf32, #tpu.memory_space<vmem>>) target_semaphore(%arg52 : memref<!tpu.dma_semaphore, #tpu.memory_space<semaphore_mem>>)
    %slice3A_152 = vector.extract_strided_slice %get3A_5 {offsets = [5], sizes = [1], strides = [1]} : vector<16xi32> to vector<1xi32>
    %squeeze3A_153 = vector.extract %slice3A_152[0] : i32 from vector<1xi32>
    %slice3A_154 = vector.extract_strided_slice %get3A_7 {offsets = [5], sizes = [1], strides = [1]} : vector<16xi32> to vector<1xi32>
    %squeeze3A_155 = vector.extract %slice3A_154[0] : i32 from vector<1xi32>
    %shift_right_arithmetic3A_156 = arith.constant 7 : i32
    %shift_right_arithmetic3A_157 = arith.shrsi %squeeze3A_153, %shift_right_arithmetic3A_156 : i32
    %shift_left3A_158 = arith.constant 7 : i32
    %shift_left3A_159 = arith.shli %shift_right_arithmetic3A_157, %shift_left3A_158 : i32
    %multiple_of3A_160 = tpu.assume_multiple %shift_left3A_159, 128 : i32
    %shift_right_arithmetic3A_161 = arith.constant 7 : i32
    %shift_right_arithmetic3A_162 = arith.shrsi %squeeze3A_155, %shift_right_arithmetic3A_161 : i32
    %shift_left3A_163 = arith.constant 7 : i32
    %shift_left3A_164 = arith.shli %shift_right_arithmetic3A_162, %shift_left3A_163 : i32
    %multiple_of3A_165 = tpu.assume_multiple %shift_left3A_164, 128 : i32
    %dma_start3A_166 = arith.constant 0 : i32
    %dma_start3A_167 = tpu.memref_slice %arg4[%dma_start3A_166, %multiple_of3A_160] : memref<16x1000000xf32, #tpu.memory_space<hbm>> -> memref<16x128xf32, #tpu.memory_space<hbm>>
    %dma_start3A_168 = arith.constant 0 : i32
    %dma_start3A_169 = tpu.memref_slice %arg4[%dma_start3A_168, %multiple_of3A_160] : memref<16x1000000xf32, #tpu.memory_space<hbm>> -> memref<16x128xf32, #tpu.memory_space<hbm>>
    tpu.enqueue_dma source(%dma_start3A_169 : memref<16x128xf32, #tpu.memory_space<hbm>>) target(%arg33 : memref<16x128xf32, #tpu.memory_space<vmem>>) target_semaphore(%arg53 : memref<!tpu.dma_semaphore, #tpu.memory_space<semaphore_mem>>)
    %dma_start3A_170 = arith.constant 0 : i32
    %dma_start3A_171 = tpu.memref_slice %arg5[%dma_start3A_170, %multiple_of3A_165] : memref<16x1000000xf32, #tpu.memory_space<hbm>> -> memref<16x128xf32, #tpu.memory_space<hbm>>
    %dma_start3A_172 = arith.constant 0 : i32
    %dma_start3A_173 = tpu.memref_slice %arg5[%dma_start3A_172, %multiple_of3A_165] : memref<16x1000000xf32, #tpu.memory_space<hbm>> -> memref<16x128xf32, #tpu.memory_space<hbm>>
    tpu.enqueue_dma source(%dma_start3A_173 : memref<16x128xf32, #tpu.memory_space<hbm>>) target(%arg34 : memref<16x128xf32, #tpu.memory_space<vmem>>) target_semaphore(%arg53 : memref<!tpu.dma_semaphore, #tpu.memory_space<semaphore_mem>>)
    %dma_start3A_174 = arith.constant 0 : i32
    %dma_start3A_175 = tpu.memref_slice %arg6[%dma_start3A_174, %multiple_of3A_160] : memref<16x1000000xf32, #tpu.memory_space<hbm>> -> memref<16x128xf32, #tpu.memory_space<hbm>>
    %dma_start3A_176 = arith.constant 0 : i32
    %dma_start3A_177 = tpu.memref_slice %arg6[%dma_start3A_176, %multiple_of3A_160] : memref<16x1000000xf32, #tpu.memory_space<hbm>> -> memref<16x128xf32, #tpu.memory_space<hbm>>
    tpu.enqueue_dma source(%dma_start3A_177 : memref<16x128xf32, #tpu.memory_space<hbm>>) target(%arg35 : memref<16x128xf32, #tpu.memory_space<vmem>>) target_semaphore(%arg53 : memref<!tpu.dma_semaphore, #tpu.memory_space<semaphore_mem>>)
    %dma_start3A_178 = arith.constant 0 : i32
    %dma_start3A_179 = tpu.memref_slice %arg7[%dma_start3A_178, %multiple_of3A_165] : memref<16x1000000xf32, #tpu.memory_space<hbm>> -> memref<16x128xf32, #tpu.memory_space<hbm>>
    %dma_start3A_180 = arith.constant 0 : i32
    %dma_start3A_181 = tpu.memref_slice %arg7[%dma_start3A_180, %multiple_of3A_165] : memref<16x1000000xf32, #tpu.memory_space<hbm>> -> memref<16x128xf32, #tpu.memory_space<hbm>>
    tpu.enqueue_dma source(%dma_start3A_181 : memref<16x128xf32, #tpu.memory_space<hbm>>) target(%arg36 : memref<16x128xf32, #tpu.memory_space<vmem>>) target_semaphore(%arg53 : memref<!tpu.dma_semaphore, #tpu.memory_space<semaphore_mem>>)
    %slice3A_182 = vector.extract_strided_slice %get3A_5 {offsets = [6], sizes = [1], strides = [1]} : vector<16xi32> to vector<1xi32>
    %squeeze3A_183 = vector.extract %slice3A_182[0] : i32 from vector<1xi32>
    %slice3A_184 = vector.extract_strided_slice %get3A_7 {offsets = [6], sizes = [1], strides = [1]} : vector<16xi32> to vector<1xi32>
    %squeeze3A_185 = vector.extract %slice3A_184[0] : i32 from vector<1xi32>
    %shift_right_arithmetic3A_186 = arith.constant 7 : i32
    %shift_right_arithmetic3A_187 = arith.shrsi %squeeze3A_183, %shift_right_arithmetic3A_186 : i32
    %shift_left3A_188 = arith.constant 7 : i32
    %shift_left3A_189 = arith.shli %shift_right_arithmetic3A_187, %shift_left3A_188 : i32
    %multiple_of3A_190 = tpu.assume_multiple %shift_left3A_189, 128 : i32
    %shift_right_arithmetic3A_191 = arith.constant 7 : i32
    %shift_right_arithmetic3A_192 = arith.shrsi %squeeze3A_185, %shift_right_arithmetic3A_191 : i32
    %shift_left3A_193 = arith.constant 7 : i32
    %shift_left3A_194 = arith.shli %shift_right_arithmetic3A_192, %shift_left3A_193 : i32
    %multiple_of3A_195 = tpu.assume_multiple %shift_left3A_194, 128 : i32
    %dma_start3A_196 = arith.constant 0 : i32
    %dma_start3A_197 = tpu.memref_slice %arg4[%dma_start3A_196, %multiple_of3A_190] : memref<16x1000000xf32, #tpu.memory_space<hbm>> -> memref<16x128xf32, #tpu.memory_space<hbm>>
    %dma_start3A_198 = arith.constant 0 : i32
    %dma_start3A_199 = tpu.memref_slice %arg4[%dma_start3A_198, %multiple_of3A_190] : memref<16x1000000xf32, #tpu.memory_space<hbm>> -> memref<16x128xf32, #tpu.memory_space<hbm>>
    tpu.enqueue_dma source(%dma_start3A_199 : memref<16x128xf32, #tpu.memory_space<hbm>>) target(%arg37 : memref<16x128xf32, #tpu.memory_space<vmem>>) target_semaphore(%arg54 : memref<!tpu.dma_semaphore, #tpu.memory_space<semaphore_mem>>)
    %dma_start3A_200 = arith.constant 0 : i32
    %dma_start3A_201 = tpu.memref_slice %arg5[%dma_start3A_200, %multiple_of3A_195] : memref<16x1000000xf32, #tpu.memory_space<hbm>> -> memref<16x128xf32, #tpu.memory_space<hbm>>
    %dma_start3A_202 = arith.constant 0 : i32
    %dma_start3A_203 = tpu.memref_slice %arg5[%dma_start3A_202, %multiple_of3A_195] : memref<16x1000000xf32, #tpu.memory_space<hbm>> -> memref<16x128xf32, #tpu.memory_space<hbm>>
    tpu.enqueue_dma source(%dma_start3A_203 : memref<16x128xf32, #tpu.memory_space<hbm>>) target(%arg38 : memref<16x128xf32, #tpu.memory_space<vmem>>) target_semaphore(%arg54 : memref<!tpu.dma_semaphore, #tpu.memory_space<semaphore_mem>>)
    %dma_start3A_204 = arith.constant 0 : i32
    %dma_start3A_205 = tpu.memref_slice %arg6[%dma_start3A_204, %multiple_of3A_190] : memref<16x1000000xf32, #tpu.memory_space<hbm>> -> memref<16x128xf32, #tpu.memory_space<hbm>>
    %dma_start3A_206 = arith.constant 0 : i32
    %dma_start3A_207 = tpu.memref_slice %arg6[%dma_start3A_206, %multiple_of3A_190] : memref<16x1000000xf32, #tpu.memory_space<hbm>> -> memref<16x128xf32, #tpu.memory_space<hbm>>
    tpu.enqueue_dma source(%dma_start3A_207 : memref<16x128xf32, #tpu.memory_space<hbm>>) target(%arg39 : memref<16x128xf32, #tpu.memory_space<vmem>>) target_semaphore(%arg54 : memref<!tpu.dma_semaphore, #tpu.memory_space<semaphore_mem>>)
    %dma_start3A_208 = arith.constant 0 : i32
    %dma_start3A_209 = tpu.memref_slice %arg7[%dma_start3A_208, %multiple_of3A_195] : memref<16x1000000xf32, #tpu.memory_space<hbm>> -> memref<16x128xf32, #tpu.memory_space<hbm>>
    %dma_start3A_210 = arith.constant 0 : i32
    %dma_start3A_211 = tpu.memref_slice %arg7[%dma_start3A_210, %multiple_of3A_195] : memref<16x1000000xf32, #tpu.memory_space<hbm>> -> memref<16x128xf32, #tpu.memory_space<hbm>>
    tpu.enqueue_dma source(%dma_start3A_211 : memref<16x128xf32, #tpu.memory_space<hbm>>) target(%arg40 : memref<16x128xf32, #tpu.memory_space<vmem>>) target_semaphore(%arg54 : memref<!tpu.dma_semaphore, #tpu.memory_space<semaphore_mem>>)
    %slice3A_212 = vector.extract_strided_slice %get3A_5 {offsets = [7], sizes = [1], strides = [1]} : vector<16xi32> to vector<1xi32>
    %squeeze3A_213 = vector.extract %slice3A_212[0] : i32 from vector<1xi32>
    %slice3A_214 = vector.extract_strided_slice %get3A_7 {offsets = [7], sizes = [1], strides = [1]} : vector<16xi32> to vector<1xi32>
    %squeeze3A_215 = vector.extract %slice3A_214[0] : i32 from vector<1xi32>
    %shift_right_arithmetic3A_216 = arith.constant 7 : i32
    %shift_right_arithmetic3A_217 = arith.shrsi %squeeze3A_213, %shift_right_arithmetic3A_216 : i32
    %shift_left3A_218 = arith.constant 7 : i32
    %shift_left3A_219 = arith.shli %shift_right_arithmetic3A_217, %shift_left3A_218 : i32
    %multiple_of3A_220 = tpu.assume_multiple %shift_left3A_219, 128 : i32
    %shift_right_arithmetic3A_221 = arith.constant 7 : i32
    %shift_right_arithmetic3A_222 = arith.shrsi %squeeze3A_215, %shift_right_arithmetic3A_221 : i32
    %shift_left3A_223 = arith.constant 7 : i32
    %shift_left3A_224 = arith.shli %shift_right_arithmetic3A_222, %shift_left3A_223 : i32
    %multiple_of3A_225 = tpu.assume_multiple %shift_left3A_224, 128 : i32
    %dma_start3A_226 = arith.constant 0 : i32
    %dma_start3A_227 = tpu.memref_slice %arg4[%dma_start3A_226, %multiple_of3A_220] : memref<16x1000000xf32, #tpu.memory_space<hbm>> -> memref<16x128xf32, #tpu.memory_space<hbm>>
    %dma_start3A_228 = arith.constant 0 : i32
    %dma_start3A_229 = tpu.memref_slice %arg4[%dma_start3A_228, %multiple_of3A_220] : memref<16x1000000xf32, #tpu.memory_space<hbm>> -> memref<16x128xf32, #tpu.memory_space<hbm>>
    tpu.enqueue_dma source(%dma_start3A_229 : memref<16x128xf32, #tpu.memory_space<hbm>>) target(%arg41 : memref<16x128xf32, #tpu.memory_space<vmem>>) target_semaphore(%arg55 : memref<!tpu.dma_semaphore, #tpu.memory_space<semaphore_mem>>)
    %dma_start3A_230 = arith.constant 0 : i32
    %dma_start3A_231 = tpu.memref_slice %arg5[%dma_start3A_230, %multiple_of3A_225] : memref<16x1000000xf32, #tpu.memory_space<hbm>> -> memref<16x128xf32, #tpu.memory_space<hbm>>
    %dma_start3A_232 = arith.constant 0 : i32
    %dma_start3A_233 = tpu.memref_slice %arg5[%dma_start3A_232, %multiple_of3A_225] : memref<16x1000000xf32, #tpu.memory_space<hbm>> -> memref<16x128xf32, #tpu.memory_space<hbm>>
    tpu.enqueue_dma source(%dma_start3A_233 : memref<16x128xf32, #tpu.memory_space<hbm>>) target(%arg42 : memref<16x128xf32, #tpu.memory_space<vmem>>) target_semaphore(%arg55 : memref<!tpu.dma_semaphore, #tpu.memory_space<semaphore_mem>>)
    %dma_start3A_234 = arith.constant 0 : i32
    %dma_start3A_235 = tpu.memref_slice %arg6[%dma_start3A_234, %multiple_of3A_220] : memref<16x1000000xf32, #tpu.memory_space<hbm>> -> memref<16x128xf32, #tpu.memory_space<hbm>>
    %dma_start3A_236 = arith.constant 0 : i32
    %dma_start3A_237 = tpu.memref_slice %arg6[%dma_start3A_236, %multiple_of3A_220] : memref<16x1000000xf32, #tpu.memory_space<hbm>> -> memref<16x128xf32, #tpu.memory_space<hbm>>
    tpu.enqueue_dma source(%dma_start3A_237 : memref<16x128xf32, #tpu.memory_space<hbm>>) target(%arg43 : memref<16x128xf32, #tpu.memory_space<vmem>>) target_semaphore(%arg55 : memref<!tpu.dma_semaphore, #tpu.memory_space<semaphore_mem>>)
    %dma_start3A_238 = arith.constant 0 : i32
    %dma_start3A_239 = tpu.memref_slice %arg7[%dma_start3A_238, %multiple_of3A_225] : memref<16x1000000xf32, #tpu.memory_space<hbm>> -> memref<16x128xf32, #tpu.memory_space<hbm>>
    %dma_start3A_240 = arith.constant 0 : i32
    %dma_start3A_241 = tpu.memref_slice %arg7[%dma_start3A_240, %multiple_of3A_225] : memref<16x1000000xf32, #tpu.memory_space<hbm>> -> memref<16x128xf32, #tpu.memory_space<hbm>>
    tpu.enqueue_dma source(%dma_start3A_241 : memref<16x128xf32, #tpu.memory_space<hbm>>) target(%arg44 : memref<16x128xf32, #tpu.memory_space<vmem>>) target_semaphore(%arg55 : memref<!tpu.dma_semaphore, #tpu.memory_space<semaphore_mem>>)
    %scan3A = arith.constant 0 : i32
    %scan3A_242 = arith.constant 0 : i32
    %scan3A_243 = arith.constant 32 : i32
    %scan3A_244 = arith.addi %scan3A_242, %scan3A_243 : i32
    %scan3A_245 = arith.constant 1 : i32
    scf.for %scan3A_247 = %scan3A_242 to %scan3A_244 step %scan3A_245  : i32 {
      %mul3A_248 = arith.constant 16 : i32
      %mul3A_249 = arith.muli %scan3A_247, %mul3A_248 : i32
      %get3A_250 = arith.index_cast %mul3A_249 : i32 to index
      %get3A_251 = tpu.vector_load %arg11[%get3A_250] {strides = array<i32>} : memref<512xi32, #tpu.memory_space<vmem>>, vector<16xi32>,
      %get3A_252 = arith.index_cast %mul3A_249 : i32 to index
      %get3A_253 = tpu.vector_load %arg12[%get3A_252] {strides = array<i32>} : memref<512xi32, #tpu.memory_space<vmem>>, vector<16xi32>,
      %add3A_254 = arith.constant 1 : i32
      %add3A_255 = arith.addi %scan3A_247, %add3A_254 : i32
      %min3A = arith.constant 31 : i32
      %min3A_256 = arith.minsi %add3A_255, %min3A : i32
      %mul3A_257 = arith.constant 16 : i32
      %mul3A_258 = arith.muli %min3A_256, %mul3A_257 : i32
      %get3A_259 = arith.index_cast %mul3A_258 : i32 to index
      %get3A_260 = tpu.vector_load %arg11[%get3A_259] {strides = array<i32>} : memref<512xi32, #tpu.memory_space<vmem>>, vector<16xi32>,
      %get3A_261 = arith.index_cast %mul3A_258 : i32 to index
      %get3A_262 = tpu.vector_load %arg12[%get3A_261] {strides = array<i32>} : memref<512xi32, #tpu.memory_space<vmem>>, vector<16xi32>,
      %dma_wait3A = arith.constant 0 : i32
      %dma_wait3A_263 = arith.constant 0 : i32
      %dma_wait3A_264 = tpu.memref_slice %arg4[%dma_wait3A, %dma_wait3A_263] : memref<16x1000000xf32, #tpu.memory_space<hbm>> -> memref<16x128xf32, #tpu.memory_space<hbm>>
      %dma_wait3A_265 = arith.constant 0 : i32
      %dma_wait3A_266 = arith.constant 0 : i32
      %dma_wait3A_267 = tpu.memref_slice %arg4[%dma_wait3A_265, %dma_wait3A_266] : memref<16x1000000xf32, #tpu.memory_space<hbm>> -> memref<16x128xf32, #tpu.memory_space<hbm>>
      tpu.wait_dma2 semaphore(%arg48 : memref<!tpu.dma_semaphore, #tpu.memory_space<semaphore_mem>>) src(%dma_wait3A_267 : memref<16x128xf32, #tpu.memory_space<hbm>>) dst(%arg13 : memref<16x128xf32, #tpu.memory_space<vmem>>)
      %dma_wait3A_268 = arith.constant 0 : i32
      %dma_wait3A_269 = arith.constant 0 : i32
      %dma_wait3A_270 = tpu.memref_slice %arg5[%dma_wait3A_268, %dma_wait3A_269] : memref<16x1000000xf32, #tpu.memory_space<hbm>> -> memref<16x128xf32, #tpu.memory_space<hbm>>
      %dma_wait3A_271 = arith.constant 0 : i32
      %dma_wait3A_272 = arith.constant 0 : i32
      %dma_wait3A_273 = tpu.memref_slice %arg5[%dma_wait3A_271, %dma_wait3A_272] : memref<16x1000000xf32, #tpu.memory_space<hbm>> -> memref<16x128xf32, #tpu.memory_space<hbm>>
      tpu.wait_dma2 semaphore(%arg48 : memref<!tpu.dma_semaphore, #tpu.memory_space<semaphore_mem>>) src(%dma_wait3A_273 : memref<16x128xf32, #tpu.memory_space<hbm>>) dst(%arg14 : memref<16x128xf32, #tpu.memory_space<vmem>>)
      %dma_wait3A_274 = arith.constant 0 : i32
      %dma_wait3A_275 = arith.constant 0 : i32
      %dma_wait3A_276 = tpu.memref_slice %arg6[%dma_wait3A_274, %dma_wait3A_275] : memref<16x1000000xf32, #tpu.memory_space<hbm>> -> memref<16x128xf32, #tpu.memory_space<hbm>>
      %dma_wait3A_277 = arith.constant 0 : i32
      %dma_wait3A_278 = arith.constant 0 : i32
      %dma_wait3A_279 = tpu.memref_slice %arg6[%dma_wait3A_277, %dma_wait3A_278] : memref<16x1000000xf32, #tpu.memory_space<hbm>> -> memref<16x128xf32, #tpu.memory_space<hbm>>
      tpu.wait_dma2 semaphore(%arg48 : memref<!tpu.dma_semaphore, #tpu.memory_space<semaphore_mem>>) src(%dma_wait3A_279 : memref<16x128xf32, #tpu.memory_space<hbm>>) dst(%arg15 : memref<16x128xf32, #tpu.memory_space<vmem>>)
      %dma_wait3A_280 = arith.constant 0 : i32
      %dma_wait3A_281 = arith.constant 0 : i32
      %dma_wait3A_282 = tpu.memref_slice %arg7[%dma_wait3A_280, %dma_wait3A_281] : memref<16x1000000xf32, #tpu.memory_space<hbm>> -> memref<16x128xf32, #tpu.memory_space<hbm>>
      %dma_wait3A_283 = arith.constant 0 : i32
      %dma_wait3A_284 = arith.constant 0 : i32
      %dma_wait3A_285 = tpu.memref_slice %arg7[%dma_wait3A_283, %dma_wait3A_284] : memref<16x1000000xf32, #tpu.memory_space<hbm>> -> memref<16x128xf32, #tpu.memory_space<hbm>>
      tpu.wait_dma2 semaphore(%arg48 : memref<!tpu.dma_semaphore, #tpu.memory_space<semaphore_mem>>) src(%dma_wait3A_285 : memref<16x128xf32, #tpu.memory_space<hbm>>) dst(%arg16 : memref<16x128xf32, #tpu.memory_space<vmem>>)
      %slice3A_286 = vector.extract_strided_slice %get3A_251 {offsets = [0], sizes = [1], strides = [1]} : vector<16xi32> to vector<1xi32>
      %squeeze3A_287 = vector.extract %slice3A_286[0] : i32 from vector<1xi32>
      %slice3A_288 = vector.extract_strided_slice %get3A_253 {offsets = [0], sizes = [1], strides = [1]} : vector<16xi32> to vector<1xi32>
      %squeeze3A_289 = vector.extract %slice3A_288[0] : i32 from vector<1xi32>
      %and3A = arith.constant 127 : i32
      %and3A_290 = arith.andi %squeeze3A_287, %and3A : i32
      %broadcast_in_dim3A = vector.broadcast %and3A_290 : i32 to vector<16xi32>
      %and3A_291 = arith.constant 127 : i32
      %and3A_292 = arith.andi %squeeze3A_289, %and3A_291 : i32
      %broadcast_in_dim3A_293 = vector.broadcast %and3A_292 : i32 to vector<16xi32>
      %gather3A = tpu.vector_load_idx %arg13[%iota3A, %broadcast_in_dim3A] : memref<16x128xf32, #tpu.memory_space<vmem>>[vector<16xi32>, vector<16xi32>], vector<16xf32>,
      %gather3A_294 = tpu.vector_load_idx %arg14[%iota3A, %broadcast_in_dim3A_293] : memref<16x128xf32, #tpu.memory_space<vmem>>[vector<16xi32>, vector<16xi32>], vector<16xf32>,
      %gather3A_295 = tpu.vector_load_idx %arg15[%iota3A, %broadcast_in_dim3A] : memref<16x128xf32, #tpu.memory_space<vmem>>[vector<16xi32>, vector<16xi32>], vector<16xf32>,
      %gather3A_296 = tpu.vector_load_idx %arg16[%iota3A, %broadcast_in_dim3A_293] : memref<16x128xf32, #tpu.memory_space<vmem>>[vector<16xi32>, vector<16xi32>], vector<16xf32>,
      %mul3A_297 = arith.mulf %gather3A, %gather3A_294 : vector<16xf32>
      %get3A_298 = arith.constant 0 : i32
      %get3A_299 = arith.index_cast %get3A_298 : i32 to index
      %get3A_300 = arith.constant 0 : index
      %get3A_301 = tpu.vector_load %arg45[%get3A_299, %get3A_300] {strides = array<i32>} : memref<5x48xf32, #tpu.memory_space<vmem>>, vector<16xf32>,
      %mul3A_302 = arith.mulf %mul3A_297, %get3A_301 : vector<16xf32>
      %get3A_303 = arith.constant 0 : i32
      %get3A_304 = arith.index_cast %get3A_303 : i32 to index
      %get3A_305 = arith.constant 16 : index
      %get3A_306 = tpu.vector_load %arg45[%get3A_304, %get3A_305] {strides = array<i32>} : memref<5x48xf32, #tpu.memory_space<vmem>>, vector<16xf32>,
      %mul3A_307 = arith.mulf %gather3A_295, %get3A_306 : vector<16xf32>
      %add3A_308 = arith.addf %mul3A_302, %mul3A_307 : vector<16xf32>
      %get3A_309 = arith.constant 0 : i32
      %get3A_310 = arith.index_cast %get3A_309 : i32 to index
      %get3A_311 = arith.constant 32 : index
      %get3A_312 = tpu.vector_load %arg45[%get3A_310, %get3A_311] {strides = array<i32>} : memref<5x48xf32, #tpu.memory_space<vmem>>, vector<16xf32>,
      %mul3A_313 = arith.mulf %gather3A_296, %get3A_312 : vector<16xf32>
      %add3A_314 = arith.addf %add3A_308, %mul3A_313 : vector<16xf32>
      %reduce_sum3A = arith.constant true
      %reduce_sum3A_315 = vector.broadcast %reduce_sum3A : i1 to vector<16xi1>
      %reduce_sum3A_316 = tpu.scan <sum>, %add3A_314 masked %reduce_sum3A_315 : vector<16xf32>, vector<16xi1> -> vector<16xf32>
      %reduce_sum3A_317 = vector.extract %reduce_sum3A_316[15] : f32 from vector<16xf32>
      %eq3A = arith.constant 0 : i32
      %eq3A_318 = vector.broadcast %eq3A : i32 to vector<16xi32>
      %eq3A_319 = arith.cmpi eq, %iota3A, %eq3A_318 : vector<16xi32>
      %add3A_320 = vector.broadcast %reduce_sum3A_317 : f32 to vector<16xf32>
      %add3A_321 = arith.addf %get3A_3, %add3A_320 : vector<16xf32>
      %select_n3A = arith.select %eq3A_319, %add3A_321, %get3A_3 : vector<16xi1>, vector<16xf32>
      %get3A_322 = arith.constant 1 : i32
      %get3A_323 = arith.index_cast %get3A_322 : i32 to index
      %get3A_324 = arith.constant 0 : index
      %get3A_325 = tpu.vector_load %arg45[%get3A_323, %get3A_324] {strides = array<i32>} : memref<5x48xf32, #tpu.memory_space<vmem>>, vector<16xf32>,
      %mul3A_326 = arith.mulf %mul3A_297, %get3A_325 : vector<16xf32>
      %get3A_327 = arith.constant 1 : i32
      %get3A_328 = arith.index_cast %get3A_327 : i32 to index
      %get3A_329 = arith.constant 16 : index
      %get3A_330 = tpu.vector_load %arg45[%get3A_328, %get3A_329] {strides = array<i32>} : memref<5x48xf32, #tpu.memory_space<vmem>>, vector<16xf32>,
      %mul3A_331 = arith.mulf %gather3A_295, %get3A_330 : vector<16xf32>
      %add3A_332 = arith.addf %mul3A_326, %mul3A_331 : vector<16xf32>
      %get3A_333 = arith.constant 1 : i32
      %get3A_334 = arith.index_cast %get3A_333 : i32 to index
      %get3A_335 = arith.constant 32 : index
      %get3A_336 = tpu.vector_load %arg45[%get3A_334, %get3A_335] {strides = array<i32>} : memref<5x48xf32, #tpu.memory_space<vmem>>, vector<16xf32>,
      %mul3A_337 = arith.mulf %gather3A_296, %get3A_336 : vector<16xf32>
      %add3A_338 = arith.addf %add3A_332, %mul3A_337 : vector<16xf32>
      %reduce_sum3A_339 = arith.constant true
      %reduce_sum3A_340 = vector.broadcast %reduce_sum3A_339 : i1 to vector<16xi1>
      %reduce_sum3A_341 = tpu.scan <sum>, %add3A_338 masked %reduce_sum3A_340 : vector<16xf32>, vector<16xi1> -> vector<16xf32>
      %reduce_sum3A_342 = vector.extract %reduce_sum3A_341[15] : f32 from vector<16xf32>
      %eq3A_343 = arith.constant 1 : i32
      %eq3A_344 = vector.broadcast %eq3A_343 : i32 to vector<16xi32>
      %eq3A_345 = arith.cmpi eq, %iota3A, %eq3A_344 : vector<16xi32>
      %add3A_346 = vector.broadcast %reduce_sum3A_342 : f32 to vector<16xf32>
      %add3A_347 = arith.addf %select_n3A, %add3A_346 : vector<16xf32>
      %select_n3A_348 = arith.select %eq3A_345, %add3A_347, %select_n3A : vector<16xi1>, vector<16xf32>
      %get3A_349 = arith.constant 2 : i32
      %get3A_350 = arith.index_cast %get3A_349 : i32 to index
      %get3A_351 = arith.constant 0 : index
      %get3A_352 = tpu.vector_load %arg45[%get3A_350, %get3A_351] {strides = array<i32>} : memref<5x48xf32, #tpu.memory_space<vmem>>, vector<16xf32>,
      %mul3A_353 = arith.mulf %mul3A_297, %get3A_352 : vector<16xf32>
      %get3A_354 = arith.constant 2 : i32
      %get3A_355 = arith.index_cast %get3A_354 : i32 to index
      %get3A_356 = arith.constant 16 : index
      %get3A_357 = tpu.vector_load %arg45[%get3A_355, %get3A_356] {strides = array<i32>} : memref<5x48xf32, #tpu.memory_space<vmem>>, vector<16xf32>,
      %mul3A_358 = arith.mulf %gather3A_295, %get3A_357 : vector<16xf32>
      %add3A_359 = arith.addf %mul3A_353, %mul3A_358 : vector<16xf32>
      %get3A_360 = arith.constant 2 : i32
      %get3A_361 = arith.index_cast %get3A_360 : i32 to index
      %get3A_362 = arith.constant 32 : index
      %get3A_363 = tpu.vector_load %arg45[%get3A_361, %get3A_362] {strides = array<i32>} : memref<5x48xf32, #tpu.memory_space<vmem>>, vector<16xf32>,
      %mul3A_364 = arith.mulf %gather3A_296, %get3A_363 : vector<16xf32>
      %add3A_365 = arith.addf %add3A_359, %mul3A_364 : vector<16xf32>
      %reduce_sum3A_366 = arith.constant true
      %reduce_sum3A_367 = vector.broadcast %reduce_sum3A_366 : i1 to vector<16xi1>
      %reduce_sum3A_368 = tpu.scan <sum>, %add3A_365 masked %reduce_sum3A_367 : vector<16xf32>, vector<16xi1> -> vector<16xf32>
      %reduce_sum3A_369 = vector.extract %reduce_sum3A_368[15] : f32 from vector<16xf32>
      %eq3A_370 = arith.constant 2 : i32
      %eq3A_371 = vector.broadcast %eq3A_370 : i32 to vector<16xi32>
      %eq3A_372 = arith.cmpi eq, %iota3A, %eq3A_371 : vector<16xi32>
      %add3A_373 = vector.broadcast %reduce_sum3A_369 : f32 to vector<16xf32>
      %add3A_374 = arith.addf %select_n3A_348, %add3A_373 : vector<16xf32>
      %select_n3A_375 = arith.select %eq3A_372, %add3A_374, %select_n3A_348 : vector<16xi1>, vector<16xf32>
      %get3A_376 = arith.constant 3 : i32
      %get3A_377 = arith.index_cast %get3A_376 : i32 to index
      %get3A_378 = arith.constant 0 : index
      %get3A_379 = tpu.vector_load %arg45[%get3A_377, %get3A_378] {strides = array<i32>} : memref<5x48xf32, #tpu.memory_space<vmem>>, vector<16xf32>,
      %mul3A_380 = arith.mulf %mul3A_297, %get3A_379 : vector<16xf32>
      %get3A_381 = arith.constant 3 : i32
      %get3A_382 = arith.index_cast %get3A_381 : i32 to index
      %get3A_383 = arith.constant 16 : index
      %get3A_384 = tpu.vector_load %arg45[%get3A_382, %get3A_383] {strides = array<i32>} : memref<5x48xf32, #tpu.memory_space<vmem>>, vector<16xf32>,
      %mul3A_385 = arith.mulf %gather3A_295, %get3A_384 : vector<16xf32>
      %add3A_386 = arith.addf %mul3A_380, %mul3A_385 : vector<16xf32>
      %get3A_387 = arith.constant 3 : i32
      %get3A_388 = arith.index_cast %get3A_387 : i32 to index
      %get3A_389 = arith.constant 32 : index
      %get3A_390 = tpu.vector_load %arg45[%get3A_388, %get3A_389] {strides = array<i32>} : memref<5x48xf32, #tpu.memory_space<vmem>>, vector<16xf32>,
      %mul3A_391 = arith.mulf %gather3A_296, %get3A_390 : vector<16xf32>
      %add3A_392 = arith.addf %add3A_386, %mul3A_391 : vector<16xf32>
      %reduce_sum3A_393 = arith.constant true
      %reduce_sum3A_394 = vector.broadcast %reduce_sum3A_393 : i1 to vector<16xi1>
      %reduce_sum3A_395 = tpu.scan <sum>, %add3A_392 masked %reduce_sum3A_394 : vector<16xf32>, vector<16xi1> -> vector<16xf32>
      %reduce_sum3A_396 = vector.extract %reduce_sum3A_395[15] : f32 from vector<16xf32>
      %eq3A_397 = arith.constant 3 : i32
      %eq3A_398 = vector.broadcast %eq3A_397 : i32 to vector<16xi32>
      %eq3A_399 = arith.cmpi eq, %iota3A, %eq3A_398 : vector<16xi32>
      %add3A_400 = vector.broadcast %reduce_sum3A_396 : f32 to vector<16xf32>
      %add3A_401 = arith.addf %select_n3A_375, %add3A_400 : vector<16xf32>
      %select_n3A_402 = arith.select %eq3A_399, %add3A_401, %select_n3A_375 : vector<16xi1>, vector<16xf32>
      %get3A_403 = arith.constant 4 : i32
      %get3A_404 = arith.index_cast %get3A_403 : i32 to index
      %get3A_405 = arith.constant 0 : index
      %get3A_406 = tpu.vector_load %arg45[%get3A_404, %get3A_405] {strides = array<i32>} : memref<5x48xf32, #tpu.memory_space<vmem>>, vector<16xf32>,
      %mul3A_407 = arith.mulf %mul3A_297, %get3A_406 : vector<16xf32>
      %get3A_408 = arith.constant 4 : i32
      %get3A_409 = arith.index_cast %get3A_408 : i32 to index
      %get3A_410 = arith.constant 16 : index
      %get3A_411 = tpu.vector_load %arg45[%get3A_409, %get3A_410] {strides = array<i32>} : memref<5x48xf32, #tpu.memory_space<vmem>>, vector<16xf32>,
      %mul3A_412 = arith.mulf %gather3A_295, %get3A_411 : vector<16xf32>
      %add3A_413 = arith.addf %mul3A_407, %mul3A_412 : vector<16xf32>
      %get3A_414 = arith.constant 4 : i32
      %get3A_415 = arith.index_cast %get3A_414 : i32 to index
      %get3A_416 = arith.constant 32 : index
      %get3A_417 = tpu.vector_load %arg45[%get3A_415, %get3A_416] {strides = array<i32>} : memref<5x48xf32, #tpu.memory_space<vmem>>, vector<16xf32>,
      %mul3A_418 = arith.mulf %gather3A_296, %get3A_417 : vector<16xf32>
      %add3A_419 = arith.addf %add3A_413, %mul3A_418 : vector<16xf32>
      %reduce_sum3A_420 = arith.constant true
      %reduce_sum3A_421 = vector.broadcast %reduce_sum3A_420 : i1 to vector<16xi1>
      %reduce_sum3A_422 = tpu.scan <sum>, %add3A_419 masked %reduce_sum3A_421 : vector<16xf32>, vector<16xi1> -> vector<16xf32>
      %reduce_sum3A_423 = vector.extract %reduce_sum3A_422[15] : f32 from vector<16xf32>
      %eq3A_424 = arith.constant 4 : i32
      %eq3A_425 = vector.broadcast %eq3A_424 : i32 to vector<16xi32>
      %eq3A_426 = arith.cmpi eq, %iota3A, %eq3A_425 : vector<16xi32>
      %add3A_427 = vector.broadcast %reduce_sum3A_423 : f32 to vector<16xf32>
      %add3A_428 = arith.addf %select_n3A_402, %add3A_427 : vector<16xf32>
      %select_n3A_429 = arith.select %eq3A_426, %add3A_428, %select_n3A_402 : vector<16xi1>, vector<16xf32>
      %mul3A_430 = arith.constant 16 : i32
      %mul3A_431 = arith.muli %scan3A_247, %mul3A_430 : i32
      %add3A_432 = arith.constant 0 : i32
      %add3A_433 = arith.addi %mul3A_431, %add3A_432 : i32
      %add3A_434 = arith.constant 0 : i32
      %add3A_435 = arith.addi %add3A_433, %add3A_434 : i32
      %broadcast_in_dim3A_436 = vector.broadcast %add3A_435 : i32 to vector<16xi32>
      tpu.vector_store_idx %arg47[%iota3A, %broadcast_in_dim3A_436], %select_n3A_429 : memref<16x512xf32, #tpu.memory_space<vmem>>[vector<16xi32>, vector<16xi32>], vector<16xf32>,
      %slice3A_437 = vector.extract_strided_slice %get3A_251 {offsets = [8], sizes = [1], strides = [1]} : vector<16xi32> to vector<1xi32>
      %squeeze3A_438 = vector.extract %slice3A_437[0] : i32 from vector<1xi32>
      %slice3A_439 = vector.extract_strided_slice %get3A_253 {offsets = [8], sizes = [1], strides = [1]} : vector<16xi32> to vector<1xi32>
      %squeeze3A_440 = vector.extract %slice3A_439[0] : i32 from vector<1xi32>
      %shift_right_arithmetic3A_441 = arith.constant 7 : i32
      %shift_right_arithmetic3A_442 = arith.shrsi %squeeze3A_438, %shift_right_arithmetic3A_441 : i32
      %shift_left3A_443 = arith.constant 7 : i32
      %shift_left3A_444 = arith.shli %shift_right_arithmetic3A_442, %shift_left3A_443 : i32
      %multiple_of3A_445 = tpu.assume_multiple %shift_left3A_444, 128 : i32
      %shift_right_arithmetic3A_446 = arith.constant 7 : i32
      %shift_right_arithmetic3A_447 = arith.shrsi %squeeze3A_440, %shift_right_arithmetic3A_446 : i32
      %shift_left3A_448 = arith.constant 7 : i32
      %shift_left3A_449 = arith.shli %shift_right_arithmetic3A_447, %shift_left3A_448 : i32
      %multiple_of3A_450 = tpu.assume_multiple %shift_left3A_449, 128 : i32
      %dma_start3A_451 = arith.constant 0 : i32
      %dma_start3A_452 = tpu.memref_slice %arg4[%dma_start3A_451, %multiple_of3A_445] : memref<16x1000000xf32, #tpu.memory_space<hbm>> -> memref<16x128xf32, #tpu.memory_space<hbm>>
      %dma_start3A_453 = arith.constant 0 : i32
      %dma_start3A_454 = tpu.memref_slice %arg4[%dma_start3A_453, %multiple_of3A_445] : memref<16x1000000xf32, #tpu.memory_space<hbm>> -> memref<16x128xf32, #tpu.memory_space<hbm>>
      tpu.enqueue_dma source(%dma_start3A_454 : memref<16x128xf32, #tpu.memory_space<hbm>>) target(%arg13 : memref<16x128xf32, #tpu.memory_space<vmem>>) target_semaphore(%arg48 : memref<!tpu.dma_semaphore, #tpu.memory_space<semaphore_mem>>)
      %dma_start3A_455 = arith.constant 0 : i32
      %dma_start3A_456 = tpu.memref_slice %arg5[%dma_start3A_455, %multiple_of3A_450] : memref<16x1000000xf32, #tpu.memory_space<hbm>> -> memref<16x128xf32, #tpu.memory_space<hbm>>
      %dma_start3A_457 = arith.constant 0 : i32
      %dma_start3A_458 = tpu.memref_slice %arg5[%dma_start3A_457, %multiple_of3A_450] : memref<16x1000000xf32, #tpu.memory_space<hbm>> -> memref<16x128xf32, #tpu.memory_space<hbm>>
      tpu.enqueue_dma source(%dma_start3A_458 : memref<16x128xf32, #tpu.memory_space<hbm>>) target(%arg14 : memref<16x128xf32, #tpu.memory_space<vmem>>) target_semaphore(%arg48 : memref<!tpu.dma_semaphore, #tpu.memory_space<semaphore_mem>>)
      %dma_start3A_459 = arith.constant 0 : i32
      %dma_start3A_460 = tpu.memref_slice %arg6[%dma_start3A_459, %multiple_of3A_445] : memref<16x1000000xf32, #tpu.memory_space<hbm>> -> memref<16x128xf32, #tpu.memory_space<hbm>>
      %dma_start3A_461 = arith.constant 0 : i32
      %dma_start3A_462 = tpu.memref_slice %arg6[%dma_start3A_461, %multiple_of3A_445] : memref<16x1000000xf32, #tpu.memory_space<hbm>> -> memref<16x128xf32, #tpu.memory_space<hbm>>
      tpu.enqueue_dma source(%dma_start3A_462 : memref<16x128xf32, #tpu.memory_space<hbm>>) target(%arg15 : memref<16x128xf32, #tpu.memory_space<vmem>>) target_semaphore(%arg48 : memref<!tpu.dma_semaphore, #tpu.memory_space<semaphore_mem>>)
      %dma_start3A_463 = arith.constant 0 : i32
      %dma_start3A_464 = tpu.memref_slice %arg7[%dma_start3A_463, %multiple_of3A_450] : memref<16x1000000xf32, #tpu.memory_space<hbm>> -> memref<16x128xf32, #tpu.memory_space<hbm>>
      %dma_start3A_465 = arith.constant 0 : i32
      %dma_start3A_466 = tpu.memref_slice %arg7[%dma_start3A_465, %multiple_of3A_450] : memref<16x1000000xf32, #tpu.memory_space<hbm>> -> memref<16x128xf32, #tpu.memory_space<hbm>>
      tpu.enqueue_dma source(%dma_start3A_466 : memref<16x128xf32, #tpu.memory_space<hbm>>) target(%arg16 : memref<16x128xf32, #tpu.memory_space<vmem>>) target_semaphore(%arg48 : memref<!tpu.dma_semaphore, #tpu.memory_space<semaphore_mem>>)
      %dma_wait3A_467 = arith.constant 0 : i32
      %dma_wait3A_468 = arith.constant 0 : i32
      %dma_wait3A_469 = tpu.memref_slice %arg4[%dma_wait3A_467, %dma_wait3A_468] : memref<16x1000000xf32, #tpu.memory_space<hbm>> -> memref<16x128xf32, #tpu.memory_space<hbm>>
      %dma_wait3A_470 = arith.constant 0 : i32
      %dma_wait3A_471 = arith.constant 0 : i32
      %dma_wait3A_472 = tpu.memref_slice %arg4[%dma_wait3A_470, %dma_wait3A_471] : memref<16x1000000xf32, #tpu.memory_space<hbm>> -> memref<16x128xf32, #tpu.memory_space<hbm>>
      tpu.wait_dma2 semaphore(%arg49 : memref<!tpu.dma_semaphore, #tpu.memory_space<semaphore_mem>>) src(%dma_wait3A_472 : memref<16x128xf32, #tpu.memory_space<hbm>>) dst(%arg17 : memref<16x128xf32, #tpu.memory_space<vmem>>)
      %dma_wait3A_473 = arith.constant 0 : i32
      %dma_wait3A_474 = arith.constant 0 : i32
      %dma_wait3A_475 = tpu.memref_slice %arg5[%dma_wait3A_473, %dma_wait3A_474] : memref<16x1000000xf32, #tpu.memory_space<hbm>> -> memref<16x128xf32, #tpu.memory_space<hbm>>
      %dma_wait3A_476 = arith.constant 0 : i32
      %dma_wait3A_477 = arith.constant 0 : i32
      %dma_wait3A_478 = tpu.memref_slice %arg5[%dma_wait3A_476, %dma_wait3A_477] : memref<16x1000000xf32, #tpu.memory_space<hbm>> -> memref<16x128xf32, #tpu.memory_space<hbm>>
      tpu.wait_dma2 semaphore(%arg49 : memref<!tpu.dma_semaphore, #tpu.memory_space<semaphore_mem>>) src(%dma_wait3A_478 : memref<16x128xf32, #tpu.memory_space<hbm>>) dst(%arg18 : memref<16x128xf32, #tpu.memory_space<vmem>>)
      %dma_wait3A_479 = arith.constant 0 : i32
      %dma_wait3A_480 = arith.constant 0 : i32
      %dma_wait3A_481 = tpu.memref_slice %arg6[%dma_wait3A_479, %dma_wait3A_480] : memref<16x1000000xf32, #tpu.memory_space<hbm>> -> memref<16x128xf32, #tpu.memory_space<hbm>>
      %dma_wait3A_482 = arith.constant 0 : i32
      %dma_wait3A_483 = arith.constant 0 : i32
      %dma_wait3A_484 = tpu.memref_slice %arg6[%dma_wait3A_482, %dma_wait3A_483] : memref<16x1000000xf32, #tpu.memory_space<hbm>> -> memref<16x128xf32, #tpu.memory_space<hbm>>
      tpu.wait_dma2 semaphore(%arg49 : memref<!tpu.dma_semaphore, #tpu.memory_space<semaphore_mem>>) src(%dma_wait3A_484 : memref<16x128xf32, #tpu.memory_space<hbm>>) dst(%arg19 : memref<16x128xf32, #tpu.memory_space<vmem>>)
      %dma_wait3A_485 = arith.constant 0 : i32
      %dma_wait3A_486 = arith.constant 0 : i32
      %dma_wait3A_487 = tpu.memref_slice %arg7[%dma_wait3A_485, %dma_wait3A_486] : memref<16x1000000xf32, #tpu.memory_space<hbm>> -> memref<16x128xf32, #tpu.memory_space<hbm>>
      %dma_wait3A_488 = arith.constant 0 : i32
      %dma_wait3A_489 = arith.constant 0 : i32
      %dma_wait3A_490 = tpu.memref_slice %arg7[%dma_wait3A_488, %dma_wait3A_489] : memref<16x1000000xf32, #tpu.memory_space<hbm>> -> memref<16x128xf32, #tpu.memory_space<hbm>>
      tpu.wait_dma2 semaphore(%arg49 : memref<!tpu.dma_semaphore, #tpu.memory_space<semaphore_mem>>) src(%dma_wait3A_490 : memref<16x128xf32, #tpu.memory_space<hbm>>) dst(%arg20 : memref<16x128xf32, #tpu.memory_space<vmem>>)
      %slice3A_491 = vector.extract_strided_slice %get3A_251 {offsets = [1], sizes = [1], strides = [1]} : vector<16xi32> to vector<1xi32>
      %squeeze3A_492 = vector.extract %slice3A_491[0] : i32 from vector<1xi32>
      %slice3A_493 = vector.extract_strided_slice %get3A_253 {offsets = [1], sizes = [1], strides = [1]} : vector<16xi32> to vector<1xi32>
      %squeeze3A_494 = vector.extract %slice3A_493[0] : i32 from vector<1xi32>
      %and3A_495 = arith.constant 127 : i32
      %and3A_496 = arith.andi %squeeze3A_492, %and3A_495 : i32
      %broadcast_in_dim3A_497 = vector.broadcast %and3A_496 : i32 to vector<16xi32>
      %and3A_498 = arith.constant 127 : i32
      %and3A_499 = arith.andi %squeeze3A_494, %and3A_498 : i32
      %broadcast_in_dim3A_500 = vector.broadcast %and3A_499 : i32 to vector<16xi32>
      %gather3A_501 = tpu.vector_load_idx %arg17[%iota3A, %broadcast_in_dim3A_497] : memref<16x128xf32, #tpu.memory_space<vmem>>[vector<16xi32>, vector<16xi32>], vector<16xf32>,
      %gather3A_502 = tpu.vector_load_idx %arg18[%iota3A, %broadcast_in_dim3A_500] : memref<16x128xf32, #tpu.memory_space<vmem>>[vector<16xi32>, vector<16xi32>], vector<16xf32>,
      %gather3A_503 = tpu.vector_load_idx %arg19[%iota3A, %broadcast_in_dim3A_497] : memref<16x128xf32, #tpu.memory_space<vmem>>[vector<16xi32>, vector<16xi32>], vector<16xf32>,
      %gather3A_504 = tpu.vector_load_idx %arg20[%iota3A, %broadcast_in_dim3A_500] : memref<16x128xf32, #tpu.memory_space<vmem>>[vector<16xi32>, vector<16xi32>], vector<16xf32>,
      %mul3A_505 = arith.mulf %gather3A_501, %gather3A_502 : vector<16xf32>
      %get3A_506 = arith.constant 0 : i32
      %get3A_507 = arith.index_cast %get3A_506 : i32 to index
      %get3A_508 = arith.constant 0 : index
      %get3A_509 = tpu.vector_load %arg45[%get3A_507, %get3A_508] {strides = array<i32>} : memref<5x48xf32, #tpu.memory_space<vmem>>, vector<16xf32>,
      %mul3A_510 = arith.mulf %mul3A_505, %get3A_509 : vector<16xf32>
      %get3A_511 = arith.constant 0 : i32
      %get3A_512 = arith.index_cast %get3A_511 : i32 to index
      %get3A_513 = arith.constant 16 : index
      %get3A_514 = tpu.vector_load %arg45[%get3A_512, %get3A_513] {strides = array<i32>} : memref<5x48xf32, #tpu.memory_space<vmem>>, vector<16xf32>,
      %mul3A_515 = arith.mulf %gather3A_503, %get3A_514 : vector<16xf32>
      %add3A_516 = arith.addf %mul3A_510, %mul3A_515 : vector<16xf32>
      %get3A_517 = arith.constant 0 : i32
      %get3A_518 = arith.index_cast %get3A_517 : i32 to index
      %get3A_519 = arith.constant 32 : index
      %get3A_520 = tpu.vector_load %arg45[%get3A_518, %get3A_519] {strides = array<i32>} : memref<5x48xf32, #tpu.memory_space<vmem>>, vector<16xf32>,
      %mul3A_521 = arith.mulf %gather3A_504, %get3A_520 : vector<16xf32>
      %add3A_522 = arith.addf %add3A_516, %mul3A_521 : vector<16xf32>
      %reduce_sum3A_523 = arith.constant true
      %reduce_sum3A_524 = vector.broadcast %reduce_sum3A_523 : i1 to vector<16xi1>
      %reduce_sum3A_525 = tpu.scan <sum>, %add3A_522 masked %reduce_sum3A_524 : vector<16xf32>, vector<16xi1> -> vector<16xf32>
      %reduce_sum3A_526 = vector.extract %reduce_sum3A_525[15] : f32 from vector<16xf32>
      %eq3A_527 = arith.constant 0 : i32
      %eq3A_528 = vector.broadcast %eq3A_527 : i32 to vector<16xi32>
      %eq3A_529 = arith.cmpi eq, %iota3A, %eq3A_528 : vector<16xi32>
      %add3A_530 = vector.broadcast %reduce_sum3A_526 : f32 to vector<16xf32>
      %add3A_531 = arith.addf %get3A_3, %add3A_530 : vector<16xf32>
      %select_n3A_532 = arith.select %eq3A_529, %add3A_531, %get3A_3 : vector<16xi1>, vector<16xf32>
      %get3A_533 = arith.constant 1 : i32
      %get3A_534 = arith.index_cast %get3A_533 : i32 to index
      %get3A_535 = arith.constant 0 : index
      %get3A_536 = tpu.vector_load %arg45[%get3A_534, %get3A_535] {strides = array<i32>} : memref<5x48xf32, #tpu.memory_space<vmem>>, vector<16xf32>,
      %mul3A_537 = arith.mulf %mul3A_505, %get3A_536 : vector<16xf32>
      %get3A_538 = arith.constant 1 : i32
      %get3A_539 = arith.index_cast %get3A_538 : i32 to index
      %get3A_540 = arith.constant 16 : index
      %get3A_541 = tpu.vector_load %arg45[%get3A_539, %get3A_540] {strides = array<i32>} : memref<5x48xf32, #tpu.memory_space<vmem>>, vector<16xf32>,
      %mul3A_542 = arith.mulf %gather3A_503, %get3A_541 : vector<16xf32>
      %add3A_543 = arith.addf %mul3A_537, %mul3A_542 : vector<16xf32>
      %get3A_544 = arith.constant 1 : i32
      %get3A_545 = arith.index_cast %get3A_544 : i32 to index
      %get3A_546 = arith.constant 32 : index
      %get3A_547 = tpu.vector_load %arg45[%get3A_545, %get3A_546] {strides = array<i32>} : memref<5x48xf32, #tpu.memory_space<vmem>>, vector<16xf32>,
      %mul3A_548 = arith.mulf %gather3A_504, %get3A_547 : vector<16xf32>
      %add3A_549 = arith.addf %add3A_543, %mul3A_548 : vector<16xf32>
      %reduce_sum3A_550 = arith.constant true
      %reduce_sum3A_551 = vector.broadcast %reduce_sum3A_550 : i1 to vector<16xi1>
      %reduce_sum3A_552 = tpu.scan <sum>, %add3A_549 masked %reduce_sum3A_551 : vector<16xf32>, vector<16xi1> -> vector<16xf32>
      %reduce_sum3A_553 = vector.extract %reduce_sum3A_552[15] : f32 from vector<16xf32>
      %eq3A_554 = arith.constant 1 : i32
      %eq3A_555 = vector.broadcast %eq3A_554 : i32 to vector<16xi32>
      %eq3A_556 = arith.cmpi eq, %iota3A, %eq3A_555 : vector<16xi32>
      %add3A_557 = vector.broadcast %reduce_sum3A_553 : f32 to vector<16xf32>
      %add3A_558 = arith.addf %select_n3A_532, %add3A_557 : vector<16xf32>
      %select_n3A_559 = arith.select %eq3A_556, %add3A_558, %select_n3A_532 : vector<16xi1>, vector<16xf32>
      %get3A_560 = arith.constant 2 : i32
      %get3A_561 = arith.index_cast %get3A_560 : i32 to index
      %get3A_562 = arith.constant 0 : index
      %get3A_563 = tpu.vector_load %arg45[%get3A_561, %get3A_562] {strides = array<i32>} : memref<5x48xf32, #tpu.memory_space<vmem>>, vector<16xf32>,
      %mul3A_564 = arith.mulf %mul3A_505, %get3A_563 : vector<16xf32>
      %get3A_565 = arith.constant 2 : i32
      %get3A_566 = arith.index_cast %get3A_565 : i32 to index
      %get3A_567 = arith.constant 16 : index
      %get3A_568 = tpu.vector_load %arg45[%get3A_566, %get3A_567] {strides = array<i32>} : memref<5x48xf32, #tpu.memory_space<vmem>>, vector<16xf32>,
      %mul3A_569 = arith.mulf %gather3A_503, %get3A_568 : vector<16xf32>
      %add3A_570 = arith.addf %mul3A_564, %mul3A_569 : vector<16xf32>
      %get3A_571 = arith.constant 2 : i32
      %get3A_572 = arith.index_cast %get3A_571 : i32 to index
      %get3A_573 = arith.constant 32 : index
      %get3A_574 = tpu.vector_load %arg45[%get3A_572, %get3A_573] {strides = array<i32>} : memref<5x48xf32, #tpu.memory_space<vmem>>, vector<16xf32>,
      %mul3A_575 = arith.mulf %gather3A_504, %get3A_574 : vector<16xf32>
      %add3A_576 = arith.addf %add3A_570, %mul3A_575 : vector<16xf32>
      %reduce_sum3A_577 = arith.constant true
      %reduce_sum3A_578 = vector.broadcast %reduce_sum3A_577 : i1 to vector<16xi1>
      %reduce_sum3A_579 = tpu.scan <sum>, %add3A_576 masked %reduce_sum3A_578 : vector<16xf32>, vector<16xi1> -> vector<16xf32>
      %reduce_sum3A_580 = vector.extract %reduce_sum3A_579[15] : f32 from vector<16xf32>
      %eq3A_581 = arith.constant 2 : i32
      %eq3A_582 = vector.broadcast %eq3A_581 : i32 to vector<16xi32>
      %eq3A_583 = arith.cmpi eq, %iota3A, %eq3A_582 : vector<16xi32>
      %add3A_584 = vector.broadcast %reduce_sum3A_580 : f32 to vector<16xf32>
      %add3A_585 = arith.addf %select_n3A_559, %add3A_584 : vector<16xf32>
      %select_n3A_586 = arith.select %eq3A_583, %add3A_585, %select_n3A_559 : vector<16xi1>, vector<16xf32>
      %get3A_587 = arith.constant 3 : i32
      %get3A_588 = arith.index_cast %get3A_587 : i32 to index
      %get3A_589 = arith.constant 0 : index
      %get3A_590 = tpu.vector_load %arg45[%get3A_588, %get3A_589] {strides = array<i32>} : memref<5x48xf32, #tpu.memory_space<vmem>>, vector<16xf32>,
      %mul3A_591 = arith.mulf %mul3A_505, %get3A_590 : vector<16xf32>
      %get3A_592 = arith.constant 3 : i32
      %get3A_593 = arith.index_cast %get3A_592 : i32 to index
      %get3A_594 = arith.constant 16 : index
      %get3A_595 = tpu.vector_load %arg45[%get3A_593, %get3A_594] {strides = array<i32>} : memref<5x48xf32, #tpu.memory_space<vmem>>, vector<16xf32>,
      %mul3A_596 = arith.mulf %gather3A_503, %get3A_595 : vector<16xf32>
      %add3A_597 = arith.addf %mul3A_591, %mul3A_596 : vector<16xf32>
      %get3A_598 = arith.constant 3 : i32
      %get3A_599 = arith.index_cast %get3A_598 : i32 to index
      %get3A_600 = arith.constant 32 : index
      %get3A_601 = tpu.vector_load %arg45[%get3A_599, %get3A_600] {strides = array<i32>} : memref<5x48xf32, #tpu.memory_space<vmem>>, vector<16xf32>,
      %mul3A_602 = arith.mulf %gather3A_504, %get3A_601 : vector<16xf32>
      %add3A_603 = arith.addf %add3A_597, %mul3A_602 : vector<16xf32>
      %reduce_sum3A_604 = arith.constant true
      %reduce_sum3A_605 = vector.broadcast %reduce_sum3A_604 : i1 to vector<16xi1>
      %reduce_sum3A_606 = tpu.scan <sum>, %add3A_603 masked %reduce_sum3A_605 : vector<16xf32>, vector<16xi1> -> vector<16xf32>
      %reduce_sum3A_607 = vector.extract %reduce_sum3A_606[15] : f32 from vector<16xf32>
      %eq3A_608 = arith.constant 3 : i32
      %eq3A_609 = vector.broadcast %eq3A_608 : i32 to vector<16xi32>
      %eq3A_610 = arith.cmpi eq, %iota3A, %eq3A_609 : vector<16xi32>
      %add3A_611 = vector.broadcast %reduce_sum3A_607 : f32 to vector<16xf32>
      %add3A_612 = arith.addf %select_n3A_586, %add3A_611 : vector<16xf32>
      %select_n3A_613 = arith.select %eq3A_610, %add3A_612, %select_n3A_586 : vector<16xi1>, vector<16xf32>
      %get3A_614 = arith.constant 4 : i32
      %get3A_615 = arith.index_cast %get3A_614 : i32 to index
      %get3A_616 = arith.constant 0 : index
      %get3A_617 = tpu.vector_load %arg45[%get3A_615, %get3A_616] {strides = array<i32>} : memref<5x48xf32, #tpu.memory_space<vmem>>, vector<16xf32>,
      %mul3A_618 = arith.mulf %mul3A_505, %get3A_617 : vector<16xf32>
      %get3A_619 = arith.constant 4 : i32
      %get3A_620 = arith.index_cast %get3A_619 : i32 to index
      %get3A_621 = arith.constant 16 : index
      %get3A_622 = tpu.vector_load %arg45[%get3A_620, %get3A_621] {strides = array<i32>} : memref<5x48xf32, #tpu.memory_space<vmem>>, vector<16xf32>,
      %mul3A_623 = arith.mulf %gather3A_503, %get3A_622 : vector<16xf32>
      %add3A_624 = arith.addf %mul3A_618, %mul3A_623 : vector<16xf32>
      %get3A_625 = arith.constant 4 : i32
      %get3A_626 = arith.index_cast %get3A_625 : i32 to index
      %get3A_627 = arith.constant 32 : index
      %get3A_628 = tpu.vector_load %arg45[%get3A_626, %get3A_627] {strides = array<i32>} : memref<5x48xf32, #tpu.memory_space<vmem>>, vector<16xf32>,
      %mul3A_629 = arith.mulf %gather3A_504, %get3A_628 : vector<16xf32>
      %add3A_630 = arith.addf %add3A_624, %mul3A_629 : vector<16xf32>
      %reduce_sum3A_631 = arith.constant true
      %reduce_sum3A_632 = vector.broadcast %reduce_sum3A_631 : i1 to vector<16xi1>
      %reduce_sum3A_633 = tpu.scan <sum>, %add3A_630 masked %reduce_sum3A_632 : vector<16xf32>, vector<16xi1> -> vector<16xf32>
      %reduce_sum3A_634 = vector.extract %reduce_sum3A_633[15] : f32 from vector<16xf32>
      %eq3A_635 = arith.constant 4 : i32
      %eq3A_636 = vector.broadcast %eq3A_635 : i32 to vector<16xi32>
      %eq3A_637 = arith.cmpi eq, %iota3A, %eq3A_636 : vector<16xi32>
      %add3A_638 = vector.broadcast %reduce_sum3A_634 : f32 to vector<16xf32>
      %add3A_639 = arith.addf %select_n3A_613, %add3A_638 : vector<16xf32>
      %select_n3A_640 = arith.select %eq3A_637, %add3A_639, %select_n3A_613 : vector<16xi1>, vector<16xf32>
      %mul3A_641 = arith.constant 16 : i32
      %mul3A_642 = arith.muli %scan3A_247, %mul3A_641 : i32
      %add3A_643 = arith.constant 1 : i32
      %add3A_644 = arith.addi %mul3A_642, %add3A_643 : i32
      %add3A_645 = arith.constant 0 : i32
      %add3A_646 = arith.addi %add3A_644, %add3A_645 : i32
      %broadcast_in_dim3A_647 = vector.broadcast %add3A_646 : i32 to vector<16xi32>
      tpu.vector_store_idx %arg47[%iota3A, %broadcast_in_dim3A_647], %select_n3A_640 : memref<16x512xf32, #tpu.memory_space<vmem>>[vector<16xi32>, vector<16xi32>], vector<16xf32>,
      %slice3A_648 = vector.extract_strided_slice %get3A_251 {offsets = [9], sizes = [1], strides = [1]} : vector<16xi32> to vector<1xi32>
      %squeeze3A_649 = vector.extract %slice3A_648[0] : i32 from vector<1xi32>
      %slice3A_650 = vector.extract_strided_slice %get3A_253 {offsets = [9], sizes = [1], strides = [1]} : vector<16xi32> to vector<1xi32>
      %squeeze3A_651 = vector.extract %slice3A_650[0] : i32 from vector<1xi32>
      %shift_right_arithmetic3A_652 = arith.constant 7 : i32
      %shift_right_arithmetic3A_653 = arith.shrsi %squeeze3A_649, %shift_right_arithmetic3A_652 : i32
      %shift_left3A_654 = arith.constant 7 : i32
      %shift_left3A_655 = arith.shli %shift_right_arithmetic3A_653, %shift_left3A_654 : i32
      %multiple_of3A_656 = tpu.assume_multiple %shift_left3A_655, 128 : i32
      %shift_right_arithmetic3A_657 = arith.constant 7 : i32
      %shift_right_arithmetic3A_658 = arith.shrsi %squeeze3A_651, %shift_right_arithmetic3A_657 : i32
      %shift_left3A_659 = arith.constant 7 : i32
      %shift_left3A_660 = arith.shli %shift_right_arithmetic3A_658, %shift_left3A_659 : i32
      %multiple_of3A_661 = tpu.assume_multiple %shift_left3A_660, 128 : i32
      %dma_start3A_662 = arith.constant 0 : i32
      %dma_start3A_663 = tpu.memref_slice %arg4[%dma_start3A_662, %multiple_of3A_656] : memref<16x1000000xf32, #tpu.memory_space<hbm>> -> memref<16x128xf32, #tpu.memory_space<hbm>>
      %dma_start3A_664 = arith.constant 0 : i32
      %dma_start3A_665 = tpu.memref_slice %arg4[%dma_start3A_664, %multiple_of3A_656] : memref<16x1000000xf32, #tpu.memory_space<hbm>> -> memref<16x128xf32, #tpu.memory_space<hbm>>
      tpu.enqueue_dma source(%dma_start3A_665 : memref<16x128xf32, #tpu.memory_space<hbm>>) target(%arg17 : memref<16x128xf32, #tpu.memory_space<vmem>>) target_semaphore(%arg49 : memref<!tpu.dma_semaphore, #tpu.memory_space<semaphore_mem>>)
      %dma_start3A_666 = arith.constant 0 : i32
      %dma_start3A_667 = tpu.memref_slice %arg5[%dma_start3A_666, %multiple_of3A_661] : memref<16x1000000xf32, #tpu.memory_space<hbm>> -> memref<16x128xf32, #tpu.memory_space<hbm>>
      %dma_start3A_668 = arith.constant 0 : i32
      %dma_start3A_669 = tpu.memref_slice %arg5[%dma_start3A_668, %multiple_of3A_661] : memref<16x1000000xf32, #tpu.memory_space<hbm>> -> memref<16x128xf32, #tpu.memory_space<hbm>>
      tpu.enqueue_dma source(%dma_start3A_669 : memref<16x128xf32, #tpu.memory_space<hbm>>) target(%arg18 : memref<16x128xf32, #tpu.memory_space<vmem>>) target_semaphore(%arg49 : memref<!tpu.dma_semaphore, #tpu.memory_space<semaphore_mem>>)
      %dma_start3A_670 = arith.constant 0 : i32
      %dma_start3A_671 = tpu.memref_slice %arg6[%dma_start3A_670, %multiple_of3A_656] : memref<16x1000000xf32, #tpu.memory_space<hbm>> -> memref<16x128xf32, #tpu.memory_space<hbm>>
      %dma_start3A_672 = arith.constant 0 : i32
      %dma_start3A_673 = tpu.memref_slice %arg6[%dma_start3A_672, %multiple_of3A_656] : memref<16x1000000xf32, #tpu.memory_space<hbm>> -> memref<16x128xf32, #tpu.memory_space<hbm>>
      tpu.enqueue_dma source(%dma_start3A_673 : memref<16x128xf32, #tpu.memory_space<hbm>>) target(%arg19 : memref<16x128xf32, #tpu.memory_space<vmem>>) target_semaphore(%arg49 : memref<!tpu.dma_semaphore, #tpu.memory_space<semaphore_mem>>)
      %dma_start3A_674 = arith.constant 0 : i32
      %dma_start3A_675 = tpu.memref_slice %arg7[%dma_start3A_674, %multiple_of3A_661] : memref<16x1000000xf32, #tpu.memory_space<hbm>> -> memref<16x128xf32, #tpu.memory_space<hbm>>
      %dma_start3A_676 = arith.constant 0 : i32
      %dma_start3A_677 = tpu.memref_slice %arg7[%dma_start3A_676, %multiple_of3A_661] : memref<16x1000000xf32, #tpu.memory_space<hbm>> -> memref<16x128xf32, #tpu.memory_space<hbm>>
      tpu.enqueue_dma source(%dma_start3A_677 : memref<16x128xf32, #tpu.memory_space<hbm>>) target(%arg20 : memref<16x128xf32, #tpu.memory_space<vmem>>) target_semaphore(%arg49 : memref<!tpu.dma_semaphore, #tpu.memory_space<semaphore_mem>>)
      %dma_wait3A_678 = arith.constant 0 : i32
      %dma_wait3A_679 = arith.constant 0 : i32
      %dma_wait3A_680 = tpu.memref_slice %arg4[%dma_wait3A_678, %dma_wait3A_679] : memref<16x1000000xf32, #tpu.memory_space<hbm>> -> memref<16x128xf32, #tpu.memory_space<hbm>>
      %dma_wait3A_681 = arith.constant 0 : i32
      %dma_wait3A_682 = arith.constant 0 : i32
      %dma_wait3A_683 = tpu.memref_slice %arg4[%dma_wait3A_681, %dma_wait3A_682] : memref<16x1000000xf32, #tpu.memory_space<hbm>> -> memref<16x128xf32, #tpu.memory_space<hbm>>
      tpu.wait_dma2 semaphore(%arg50 : memref<!tpu.dma_semaphore, #tpu.memory_space<semaphore_mem>>) src(%dma_wait3A_683 : memref<16x128xf32, #tpu.memory_space<hbm>>) dst(%arg21 : memref<16x128xf32, #tpu.memory_space<vmem>>)
      %dma_wait3A_684 = arith.constant 0 : i32
      %dma_wait3A_685 = arith.constant 0 : i32
      %dma_wait3A_686 = tpu.memref_slice %arg5[%dma_wait3A_684, %dma_wait3A_685] : memref<16x1000000xf32, #tpu.memory_space<hbm>> -> memref<16x128xf32, #tpu.memory_space<hbm>>
      %dma_wait3A_687 = arith.constant 0 : i32
      %dma_wait3A_688 = arith.constant 0 : i32
      %dma_wait3A_689 = tpu.memref_slice %arg5[%dma_wait3A_687, %dma_wait3A_688] : memref<16x1000000xf32, #tpu.memory_space<hbm>> -> memref<16x128xf32, #tpu.memory_space<hbm>>
      tpu.wait_dma2 semaphore(%arg50 : memref<!tpu.dma_semaphore, #tpu.memory_space<semaphore_mem>>) src(%dma_wait3A_689 : memref<16x128xf32, #tpu.memory_space<hbm>>) dst(%arg22 : memref<16x128xf32, #tpu.memory_space<vmem>>)
      %dma_wait3A_690 = arith.constant 0 : i32
      %dma_wait3A_691 = arith.constant 0 : i32
      %dma_wait3A_692 = tpu.memref_slice %arg6[%dma_wait3A_690, %dma_wait3A_691] : memref<16x1000000xf32, #tpu.memory_space<hbm>> -> memref<16x128xf32, #tpu.memory_space<hbm>>
      %dma_wait3A_693 = arith.constant 0 : i32
      %dma_wait3A_694 = arith.constant 0 : i32
      %dma_wait3A_695 = tpu.memref_slice %arg6[%dma_wait3A_693, %dma_wait3A_694] : memref<16x1000000xf32, #tpu.memory_space<hbm>> -> memref<16x128xf32, #tpu.memory_space<hbm>>
      tpu.wait_dma2 semaphore(%arg50 : memref<!tpu.dma_semaphore, #tpu.memory_space<semaphore_mem>>) src(%dma_wait3A_695 : memref<16x128xf32, #tpu.memory_space<hbm>>) dst(%arg23 : memref<16x128xf32, #tpu.memory_space<vmem>>)
      %dma_wait3A_696 = arith.constant 0 : i32
      %dma_wait3A_697 = arith.constant 0 : i32
      %dma_wait3A_698 = tpu.memref_slice %arg7[%dma_wait3A_696, %dma_wait3A_697] : memref<16x1000000xf32, #tpu.memory_space<hbm>> -> memref<16x128xf32, #tpu.memory_space<hbm>>
      %dma_wait3A_699 = arith.constant 0 : i32
      %dma_wait3A_700 = arith.constant 0 : i32
      %dma_wait3A_701 = tpu.memref_slice %arg7[%dma_wait3A_699, %dma_wait3A_700] : memref<16x1000000xf32, #tpu.memory_space<hbm>> -> memref<16x128xf32, #tpu.memory_space<hbm>>
      tpu.wait_dma2 semaphore(%arg50 : memref<!tpu.dma_semaphore, #tpu.memory_space<semaphore_mem>>) src(%dma_wait3A_701 : memref<16x128xf32, #tpu.memory_space<hbm>>) dst(%arg24 : memref<16x128xf32, #tpu.memory_space<vmem>>)
      %slice3A_702 = vector.extract_strided_slice %get3A_251 {offsets = [2], sizes = [1], strides = [1]} : vector<16xi32> to vector<1xi32>
      %squeeze3A_703 = vector.extract %slice3A_702[0] : i32 from vector<1xi32>
      %slice3A_704 = vector.extract_strided_slice %get3A_253 {offsets = [2], sizes = [1], strides = [1]} : vector<16xi32> to vector<1xi32>
      %squeeze3A_705 = vector.extract %slice3A_704[0] : i32 from vector<1xi32>
      %and3A_706 = arith.constant 127 : i32
      %and3A_707 = arith.andi %squeeze3A_703, %and3A_706 : i32
      %broadcast_in_dim3A_708 = vector.broadcast %and3A_707 : i32 to vector<16xi32>
      %and3A_709 = arith.constant 127 : i32
      %and3A_710 = arith.andi %squeeze3A_705, %and3A_709 : i32
      %broadcast_in_dim3A_711 = vector.broadcast %and3A_710 : i32 to vector<16xi32>
      %gather3A_712 = tpu.vector_load_idx %arg21[%iota3A, %broadcast_in_dim3A_708] : memref<16x128xf32, #tpu.memory_space<vmem>>[vector<16xi32>, vector<16xi32>], vector<16xf32>,
      %gather3A_713 = tpu.vector_load_idx %arg22[%iota3A, %broadcast_in_dim3A_711] : memref<16x128xf32, #tpu.memory_space<vmem>>[vector<16xi32>, vector<16xi32>], vector<16xf32>,
      %gather3A_714 = tpu.vector_load_idx %arg23[%iota3A, %broadcast_in_dim3A_708] : memref<16x128xf32, #tpu.memory_space<vmem>>[vector<16xi32>, vector<16xi32>], vector<16xf32>,
      %gather3A_715 = tpu.vector_load_idx %arg24[%iota3A, %broadcast_in_dim3A_711] : memref<16x128xf32, #tpu.memory_space<vmem>>[vector<16xi32>, vector<16xi32>], vector<16xf32>,
      %mul3A_716 = arith.mulf %gather3A_712, %gather3A_713 : vector<16xf32>
      %get3A_717 = arith.constant 0 : i32
      %get3A_718 = arith.index_cast %get3A_717 : i32 to index
      %get3A_719 = arith.constant 0 : index
      %get3A_720 = tpu.vector_load %arg45[%get3A_718, %get3A_719] {strides = array<i32>} : memref<5x48xf32, #tpu.memory_space<vmem>>, vector<16xf32>,
      %mul3A_721 = arith.mulf %mul3A_716, %get3A_720 : vector<16xf32>
      %get3A_722 = arith.constant 0 : i32
      %get3A_723 = arith.index_cast %get3A_722 : i32 to index
      %get3A_724 = arith.constant 16 : index
      %get3A_725 = tpu.vector_load %arg45[%get3A_723, %get3A_724] {strides = array<i32>} : memref<5x48xf32, #tpu.memory_space<vmem>>, vector<16xf32>,
      %mul3A_726 = arith.mulf %gather3A_714, %get3A_725 : vector<16xf32>
      %add3A_727 = arith.addf %mul3A_721, %mul3A_726 : vector<16xf32>
      %get3A_728 = arith.constant 0 : i32
      %get3A_729 = arith.index_cast %get3A_728 : i32 to index
      %get3A_730 = arith.constant 32 : index
      %get3A_731 = tpu.vector_load %arg45[%get3A_729, %get3A_730] {strides = array<i32>} : memref<5x48xf32, #tpu.memory_space<vmem>>, vector<16xf32>,
      %mul3A_732 = arith.mulf %gather3A_715, %get3A_731 : vector<16xf32>
      %add3A_733 = arith.addf %add3A_727, %mul3A_732 : vector<16xf32>
      %reduce_sum3A_734 = arith.constant true
      %reduce_sum3A_735 = vector.broadcast %reduce_sum3A_734 : i1 to vector<16xi1>
      %reduce_sum3A_736 = tpu.scan <sum>, %add3A_733 masked %reduce_sum3A_735 : vector<16xf32>, vector<16xi1> -> vector<16xf32>
      %reduce_sum3A_737 = vector.extract %reduce_sum3A_736[15] : f32 from vector<16xf32>
      %eq3A_738 = arith.constant 0 : i32
      %eq3A_739 = vector.broadcast %eq3A_738 : i32 to vector<16xi32>
      %eq3A_740 = arith.cmpi eq, %iota3A, %eq3A_739 : vector<16xi32>
      %add3A_741 = vector.broadcast %reduce_sum3A_737 : f32 to vector<16xf32>
      %add3A_742 = arith.addf %get3A_3, %add3A_741 : vector<16xf32>
      %select_n3A_743 = arith.select %eq3A_740, %add3A_742, %get3A_3 : vector<16xi1>, vector<16xf32>
      %get3A_744 = arith.constant 1 : i32
      %get3A_745 = arith.index_cast %get3A_744 : i32 to index
      %get3A_746 = arith.constant 0 : index
      %get3A_747 = tpu.vector_load %arg45[%get3A_745, %get3A_746] {strides = array<i32>} : memref<5x48xf32, #tpu.memory_space<vmem>>, vector<16xf32>,
      %mul3A_748 = arith.mulf %mul3A_716, %get3A_747 : vector<16xf32>
      %get3A_749 = arith.constant 1 : i32
      %get3A_750 = arith.index_cast %get3A_749 : i32 to index
      %get3A_751 = arith.constant 16 : index
      %get3A_752 = tpu.vector_load %arg45[%get3A_750, %get3A_751] {strides = array<i32>} : memref<5x48xf32, #tpu.memory_space<vmem>>, vector<16xf32>,
      %mul3A_753 = arith.mulf %gather3A_714, %get3A_752 : vector<16xf32>
      %add3A_754 = arith.addf %mul3A_748, %mul3A_753 : vector<16xf32>
      %get3A_755 = arith.constant 1 : i32
      %get3A_756 = arith.index_cast %get3A_755 : i32 to index
      %get3A_757 = arith.constant 32 : index
      %get3A_758 = tpu.vector_load %arg45[%get3A_756, %get3A_757] {strides = array<i32>} : memref<5x48xf32, #tpu.memory_space<vmem>>, vector<16xf32>,
      %mul3A_759 = arith.mulf %gather3A_715, %get3A_758 : vector<16xf32>
      %add3A_760 = arith.addf %add3A_754, %mul3A_759 : vector<16xf32>
      %reduce_sum3A_761 = arith.constant true
      %reduce_sum3A_762 = vector.broadcast %reduce_sum3A_761 : i1 to vector<16xi1>
      %reduce_sum3A_763 = tpu.scan <sum>, %add3A_760 masked %reduce_sum3A_762 : vector<16xf32>, vector<16xi1> -> vector<16xf32>
      %reduce_sum3A_764 = vector.extract %reduce_sum3A_763[15] : f32 from vector<16xf32>
      %eq3A_765 = arith.constant 1 : i32
      %eq3A_766 = vector.broadcast %eq3A_765 : i32 to vector<16xi32>
      %eq3A_767 = arith.cmpi eq, %iota3A, %eq3A_766 : vector<16xi32>
      %add3A_768 = vector.broadcast %reduce_sum3A_764 : f32 to vector<16xf32>
      %add3A_769 = arith.addf %select_n3A_743, %add3A_768 : vector<16xf32>
      %select_n3A_770 = arith.select %eq3A_767, %add3A_769, %select_n3A_743 : vector<16xi1>, vector<16xf32>
      %get3A_771 = arith.constant 2 : i32
      %get3A_772 = arith.index_cast %get3A_771 : i32 to index
      %get3A_773 = arith.constant 0 : index
      %get3A_774 = tpu.vector_load %arg45[%get3A_772, %get3A_773] {strides = array<i32>} : memref<5x48xf32, #tpu.memory_space<vmem>>, vector<16xf32>,
      %mul3A_775 = arith.mulf %mul3A_716, %get3A_774 : vector<16xf32>
      %get3A_776 = arith.constant 2 : i32
      %get3A_777 = arith.index_cast %get3A_776 : i32 to index
      %get3A_778 = arith.constant 16 : index
      %get3A_779 = tpu.vector_load %arg45[%get3A_777, %get3A_778] {strides = array<i32>} : memref<5x48xf32, #tpu.memory_space<vmem>>, vector<16xf32>,
      %mul3A_780 = arith.mulf %gather3A_714, %get3A_779 : vector<16xf32>
      %add3A_781 = arith.addf %mul3A_775, %mul3A_780 : vector<16xf32>
      %get3A_782 = arith.constant 2 : i32
      %get3A_783 = arith.index_cast %get3A_782 : i32 to index
      %get3A_784 = arith.constant 32 : index
      %get3A_785 = tpu.vector_load %arg45[%get3A_783, %get3A_784] {strides = array<i32>} : memref<5x48xf32, #tpu.memory_space<vmem>>, vector<16xf32>,
      %mul3A_786 = arith.mulf %gather3A_715, %get3A_785 : vector<16xf32>
      %add3A_787 = arith.addf %add3A_781, %mul3A_786 : vector<16xf32>
      %reduce_sum3A_788 = arith.constant true
      %reduce_sum3A_789 = vector.broadcast %reduce_sum3A_788 : i1 to vector<16xi1>
      %reduce_sum3A_790 = tpu.scan <sum>, %add3A_787 masked %reduce_sum3A_789 : vector<16xf32>, vector<16xi1> -> vector<16xf32>
      %reduce_sum3A_791 = vector.extract %reduce_sum3A_790[15] : f32 from vector<16xf32>
      %eq3A_792 = arith.constant 2 : i32
      %eq3A_793 = vector.broadcast %eq3A_792 : i32 to vector<16xi32>
      %eq3A_794 = arith.cmpi eq, %iota3A, %eq3A_793 : vector<16xi32>
      %add3A_795 = vector.broadcast %reduce_sum3A_791 : f32 to vector<16xf32>
      %add3A_796 = arith.addf %select_n3A_770, %add3A_795 : vector<16xf32>
      %select_n3A_797 = arith.select %eq3A_794, %add3A_796, %select_n3A_770 : vector<16xi1>, vector<16xf32>
      %get3A_798 = arith.constant 3 : i32
      %get3A_799 = arith.index_cast %get3A_798 : i32 to index
      %get3A_800 = arith.constant 0 : index
      %get3A_801 = tpu.vector_load %arg45[%get3A_799, %get3A_800] {strides = array<i32>} : memref<5x48xf32, #tpu.memory_space<vmem>>, vector<16xf32>,
      %mul3A_802 = arith.mulf %mul3A_716, %get3A_801 : vector<16xf32>
      %get3A_803 = arith.constant 3 : i32
      %get3A_804 = arith.index_cast %get3A_803 : i32 to index
      %get3A_805 = arith.constant 16 : index
      %get3A_806 = tpu.vector_load %arg45[%get3A_804, %get3A_805] {strides = array<i32>} : memref<5x48xf32, #tpu.memory_space<vmem>>, vector<16xf32>,
      %mul3A_807 = arith.mulf %gather3A_714, %get3A_806 : vector<16xf32>
      %add3A_808 = arith.addf %mul3A_802, %mul3A_807 : vector<16xf32>
      %get3A_809 = arith.constant 3 : i32
      %get3A_810 = arith.index_cast %get3A_809 : i32 to index
      %get3A_811 = arith.constant 32 : index
      %get3A_812 = tpu.vector_load %arg45[%get3A_810, %get3A_811] {strides = array<i32>} : memref<5x48xf32, #tpu.memory_space<vmem>>, vector<16xf32>,
      %mul3A_813 = arith.mulf %gather3A_715, %get3A_812 : vector<16xf32>
      %add3A_814 = arith.addf %add3A_808, %mul3A_813 : vector<16xf32>
      %reduce_sum3A_815 = arith.constant true
      %reduce_sum3A_816 = vector.broadcast %reduce_sum3A_815 : i1 to vector<16xi1>
      %reduce_sum3A_817 = tpu.scan <sum>, %add3A_814 masked %reduce_sum3A_816 : vector<16xf32>, vector<16xi1> -> vector<16xf32>
      %reduce_sum3A_818 = vector.extract %reduce_sum3A_817[15] : f32 from vector<16xf32>
      %eq3A_819 = arith.constant 3 : i32
      %eq3A_820 = vector.broadcast %eq3A_819 : i32 to vector<16xi32>
      %eq3A_821 = arith.cmpi eq, %iota3A, %eq3A_820 : vector<16xi32>
      %add3A_822 = vector.broadcast %reduce_sum3A_818 : f32 to vector<16xf32>
      %add3A_823 = arith.addf %select_n3A_797, %add3A_822 : vector<16xf32>
      %select_n3A_824 = arith.select %eq3A_821, %add3A_823, %select_n3A_797 : vector<16xi1>, vector<16xf32>
      %get3A_825 = arith.constant 4 : i32
      %get3A_826 = arith.index_cast %get3A_825 : i32 to index
      %get3A_827 = arith.constant 0 : index
      %get3A_828 = tpu.vector_load %arg45[%get3A_826, %get3A_827] {strides = array<i32>} : memref<5x48xf32, #tpu.memory_space<vmem>>, vector<16xf32>,
      %mul3A_829 = arith.mulf %mul3A_716, %get3A_828 : vector<16xf32>
      %get3A_830 = arith.constant 4 : i32
      %get3A_831 = arith.index_cast %get3A_830 : i32 to index
      %get3A_832 = arith.constant 16 : index
      %get3A_833 = tpu.vector_load %arg45[%get3A_831, %get3A_832] {strides = array<i32>} : memref<5x48xf32, #tpu.memory_space<vmem>>, vector<16xf32>,
      %mul3A_834 = arith.mulf %gather3A_714, %get3A_833 : vector<16xf32>
      %add3A_835 = arith.addf %mul3A_829, %mul3A_834 : vector<16xf32>
      %get3A_836 = arith.constant 4 : i32
      %get3A_837 = arith.index_cast %get3A_836 : i32 to index
      %get3A_838 = arith.constant 32 : index
      %get3A_839 = tpu.vector_load %arg45[%get3A_837, %get3A_838] {strides = array<i32>} : memref<5x48xf32, #tpu.memory_space<vmem>>, vector<16xf32>,
      %mul3A_840 = arith.mulf %gather3A_715, %get3A_839 : vector<16xf32>
      %add3A_841 = arith.addf %add3A_835, %mul3A_840 : vector<16xf32>
      %reduce_sum3A_842 = arith.constant true
      %reduce_sum3A_843 = vector.broadcast %reduce_sum3A_842 : i1 to vector<16xi1>
      %reduce_sum3A_844 = tpu.scan <sum>, %add3A_841 masked %reduce_sum3A_843 : vector<16xf32>, vector<16xi1> -> vector<16xf32>
      %reduce_sum3A_845 = vector.extract %reduce_sum3A_844[15] : f32 from vector<16xf32>
      %eq3A_846 = arith.constant 4 : i32
      %eq3A_847 = vector.broadcast %eq3A_846 : i32 to vector<16xi32>
      %eq3A_848 = arith.cmpi eq, %iota3A, %eq3A_847 : vector<16xi32>
      %add3A_849 = vector.broadcast %reduce_sum3A_845 : f32 to vector<16xf32>
      %add3A_850 = arith.addf %select_n3A_824, %add3A_849 : vector<16xf32>
      %select_n3A_851 = arith.select %eq3A_848, %add3A_850, %select_n3A_824 : vector<16xi1>, vector<16xf32>
      %mul3A_852 = arith.constant 16 : i32
      %mul3A_853 = arith.muli %scan3A_247, %mul3A_852 : i32
      %add3A_854 = arith.constant 2 : i32
      %add3A_855 = arith.addi %mul3A_853, %add3A_854 : i32
      %add3A_856 = arith.constant 0 : i32
      %add3A_857 = arith.addi %add3A_855, %add3A_856 : i32
      %broadcast_in_dim3A_858 = vector.broadcast %add3A_857 : i32 to vector<16xi32>
      tpu.vector_store_idx %arg47[%iota3A, %broadcast_in_dim3A_858], %select_n3A_851 : memref<16x512xf32, #tpu.memory_space<vmem>>[vector<16xi32>, vector<16xi32>], vector<16xf32>,
      %slice3A_859 = vector.extract_strided_slice %get3A_251 {offsets = [10], sizes = [1], strides = [1]} : vector<16xi32> to vector<1xi32>
      %squeeze3A_860 = vector.extract %slice3A_859[0] : i32 from vector<1xi32>
      %slice3A_861 = vector.extract_strided_slice %get3A_253 {offsets = [10], sizes = [1], strides = [1]} : vector<16xi32> to vector<1xi32>
      %squeeze3A_862 = vector.extract %slice3A_861[0] : i32 from vector<1xi32>
      %shift_right_arithmetic3A_863 = arith.constant 7 : i32
      %shift_right_arithmetic3A_864 = arith.shrsi %squeeze3A_860, %shift_right_arithmetic3A_863 : i32
      %shift_left3A_865 = arith.constant 7 : i32
      %shift_left3A_866 = arith.shli %shift_right_arithmetic3A_864, %shift_left3A_865 : i32
      %multiple_of3A_867 = tpu.assume_multiple %shift_left3A_866, 128 : i32
      %shift_right_arithmetic3A_868 = arith.constant 7 : i32
      %shift_right_arithmetic3A_869 = arith.shrsi %squeeze3A_862, %shift_right_arithmetic3A_868 : i32
      %shift_left3A_870 = arith.constant 7 : i32
      %shift_left3A_871 = arith.shli %shift_right_arithmetic3A_869, %shift_left3A_870 : i32
      %multiple_of3A_872 = tpu.assume_multiple %shift_left3A_871, 128 : i32
      %dma_start3A_873 = arith.constant 0 : i32
      %dma_start3A_874 = tpu.memref_slice %arg4[%dma_start3A_873, %multiple_of3A_867] : memref<16x1000000xf32, #tpu.memory_space<hbm>> -> memref<16x128xf32, #tpu.memory_space<hbm>>
      %dma_start3A_875 = arith.constant 0 : i32
      %dma_start3A_876 = tpu.memref_slice %arg4[%dma_start3A_875, %multiple_of3A_867] : memref<16x1000000xf32, #tpu.memory_space<hbm>> -> memref<16x128xf32, #tpu.memory_space<hbm>>
      tpu.enqueue_dma source(%dma_start3A_876 : memref<16x128xf32, #tpu.memory_space<hbm>>) target(%arg21 : memref<16x128xf32, #tpu.memory_space<vmem>>) target_semaphore(%arg50 : memref<!tpu.dma_semaphore, #tpu.memory_space<semaphore_mem>>)
      %dma_start3A_877 = arith.constant 0 : i32
      %dma_start3A_878 = tpu.memref_slice %arg5[%dma_start3A_877, %multiple_of3A_872] : memref<16x1000000xf32, #tpu.memory_space<hbm>> -> memref<16x128xf32, #tpu.memory_space<hbm>>
      %dma_start3A_879 = arith.constant 0 : i32
      %dma_start3A_880 = tpu.memref_slice %arg5[%dma_start3A_879, %multiple_of3A_872] : memref<16x1000000xf32, #tpu.memory_space<hbm>> -> memref<16x128xf32, #tpu.memory_space<hbm>>
      tpu.enqueue_dma source(%dma_start3A_880 : memref<16x128xf32, #tpu.memory_space<hbm>>) target(%arg22 : memref<16x128xf32, #tpu.memory_space<vmem>>) target_semaphore(%arg50 : memref<!tpu.dma_semaphore, #tpu.memory_space<semaphore_mem>>)
      %dma_start3A_881 = arith.constant 0 : i32
      %dma_start3A_882 = tpu.memref_slice %arg6[%dma_start3A_881, %multiple_of3A_867] : memref<16x1000000xf32, #tpu.memory_space<hbm>> -> memref<16x128xf32, #tpu.memory_space<hbm>>
      %dma_start3A_883 = arith.constant 0 : i32
      %dma_start3A_884 = tpu.memref_slice %arg6[%dma_start3A_883, %multiple_of3A_867] : memref<16x1000000xf32, #tpu.memory_space<hbm>> -> memref<16x128xf32, #tpu.memory_space<hbm>>
      tpu.enqueue_dma source(%dma_start3A_884 : memref<16x128xf32, #tpu.memory_space<hbm>>) target(%arg23 : memref<16x128xf32, #tpu.memory_space<vmem>>) target_semaphore(%arg50 : memref<!tpu.dma_semaphore, #tpu.memory_space<semaphore_mem>>)
      %dma_start3A_885 = arith.constant 0 : i32
      %dma_start3A_886 = tpu.memref_slice %arg7[%dma_start3A_885, %multiple_of3A_872] : memref<16x1000000xf32, #tpu.memory_space<hbm>> -> memref<16x128xf32, #tpu.memory_space<hbm>>
      %dma_start3A_887 = arith.constant 0 : i32
      %dma_start3A_888 = tpu.memref_slice %arg7[%dma_start3A_887, %multiple_of3A_872] : memref<16x1000000xf32, #tpu.memory_space<hbm>> -> memref<16x128xf32, #tpu.memory_space<hbm>>
      tpu.enqueue_dma source(%dma_start3A_888 : memref<16x128xf32, #tpu.memory_space<hbm>>) target(%arg24 : memref<16x128xf32, #tpu.memory_space<vmem>>) target_semaphore(%arg50 : memref<!tpu.dma_semaphore, #tpu.memory_space<semaphore_mem>>)
      %dma_wait3A_889 = arith.constant 0 : i32
      %dma_wait3A_890 = arith.constant 0 : i32
      %dma_wait3A_891 = tpu.memref_slice %arg4[%dma_wait3A_889, %dma_wait3A_890] : memref<16x1000000xf32, #tpu.memory_space<hbm>> -> memref<16x128xf32, #tpu.memory_space<hbm>>
      %dma_wait3A_892 = arith.constant 0 : i32
      %dma_wait3A_893 = arith.constant 0 : i32
      %dma_wait3A_894 = tpu.memref_slice %arg4[%dma_wait3A_892, %dma_wait3A_893] : memref<16x1000000xf32, #tpu.memory_space<hbm>> -> memref<16x128xf32, #tpu.memory_space<hbm>>
      tpu.wait_dma2 semaphore(%arg51 : memref<!tpu.dma_semaphore, #tpu.memory_space<semaphore_mem>>) src(%dma_wait3A_894 : memref<16x128xf32, #tpu.memory_space<hbm>>) dst(%arg25 : memref<16x128xf32, #tpu.memory_space<vmem>>)
      %dma_wait3A_895 = arith.constant 0 : i32
      %dma_wait3A_896 = arith.constant 0 : i32
      %dma_wait3A_897 = tpu.memref_slice %arg5[%dma_wait3A_895, %dma_wait3A_896] : memref<16x1000000xf32, #tpu.memory_space<hbm>> -> memref<16x128xf32, #tpu.memory_space<hbm>>
      %dma_wait3A_898 = arith.constant 0 : i32
      %dma_wait3A_899 = arith.constant 0 : i32
      %dma_wait3A_900 = tpu.memref_slice %arg5[%dma_wait3A_898, %dma_wait3A_899] : memref<16x1000000xf32, #tpu.memory_space<hbm>> -> memref<16x128xf32, #tpu.memory_space<hbm>>
      tpu.wait_dma2 semaphore(%arg51 : memref<!tpu.dma_semaphore, #tpu.memory_space<semaphore_mem>>) src(%dma_wait3A_900 : memref<16x128xf32, #tpu.memory_space<hbm>>) dst(%arg26 : memref<16x128xf32, #tpu.memory_space<vmem>>)
      %dma_wait3A_901 = arith.constant 0 : i32
      %dma_wait3A_902 = arith.constant 0 : i32
      %dma_wait3A_903 = tpu.memref_slice %arg6[%dma_wait3A_901, %dma_wait3A_902] : memref<16x1000000xf32, #tpu.memory_space<hbm>> -> memref<16x128xf32, #tpu.memory_space<hbm>>
      %dma_wait3A_904 = arith.constant 0 : i32
      %dma_wait3A_905 = arith.constant 0 : i32
      %dma_wait3A_906 = tpu.memref_slice %arg6[%dma_wait3A_904, %dma_wait3A_905] : memref<16x1000000xf32, #tpu.memory_space<hbm>> -> memref<16x128xf32, #tpu.memory_space<hbm>>
      tpu.wait_dma2 semaphore(%arg51 : memref<!tpu.dma_semaphore, #tpu.memory_space<semaphore_mem>>) src(%dma_wait3A_906 : memref<16x128xf32, #tpu.memory_space<hbm>>) dst(%arg27 : memref<16x128xf32, #tpu.memory_space<vmem>>)
      %dma_wait3A_907 = arith.constant 0 : i32
      %dma_wait3A_908 = arith.constant 0 : i32
      %dma_wait3A_909 = tpu.memref_slice %arg7[%dma_wait3A_907, %dma_wait3A_908] : memref<16x1000000xf32, #tpu.memory_space<hbm>> -> memref<16x128xf32, #tpu.memory_space<hbm>>
      %dma_wait3A_910 = arith.constant 0 : i32
      %dma_wait3A_911 = arith.constant 0 : i32
      %dma_wait3A_912 = tpu.memref_slice %arg7[%dma_wait3A_910, %dma_wait3A_911] : memref<16x1000000xf32, #tpu.memory_space<hbm>> -> memref<16x128xf32, #tpu.memory_space<hbm>>
      tpu.wait_dma2 semaphore(%arg51 : memref<!tpu.dma_semaphore, #tpu.memory_space<semaphore_mem>>) src(%dma_wait3A_912 : memref<16x128xf32, #tpu.memory_space<hbm>>) dst(%arg28 : memref<16x128xf32, #tpu.memory_space<vmem>>)
      %slice3A_913 = vector.extract_strided_slice %get3A_251 {offsets = [3], sizes = [1], strides = [1]} : vector<16xi32> to vector<1xi32>
      %squeeze3A_914 = vector.extract %slice3A_913[0] : i32 from vector<1xi32>
      %slice3A_915 = vector.extract_strided_slice %get3A_253 {offsets = [3], sizes = [1], strides = [1]} : vector<16xi32> to vector<1xi32>
      %squeeze3A_916 = vector.extract %slice3A_915[0] : i32 from vector<1xi32>
      %and3A_917 = arith.constant 127 : i32
      %and3A_918 = arith.andi %squeeze3A_914, %and3A_917 : i32
      %broadcast_in_dim3A_919 = vector.broadcast %and3A_918 : i32 to vector<16xi32>
      %and3A_920 = arith.constant 127 : i32
      %and3A_921 = arith.andi %squeeze3A_916, %and3A_920 : i32
      %broadcast_in_dim3A_922 = vector.broadcast %and3A_921 : i32 to vector<16xi32>
      %gather3A_923 = tpu.vector_load_idx %arg25[%iota3A, %broadcast_in_dim3A_919] : memref<16x128xf32, #tpu.memory_space<vmem>>[vector<16xi32>, vector<16xi32>], vector<16xf32>,
      %gather3A_924 = tpu.vector_load_idx %arg26[%iota3A, %broadcast_in_dim3A_922] : memref<16x128xf32, #tpu.memory_space<vmem>>[vector<16xi32>, vector<16xi32>], vector<16xf32>,
      %gather3A_925 = tpu.vector_load_idx %arg27[%iota3A, %broadcast_in_dim3A_919] : memref<16x128xf32, #tpu.memory_space<vmem>>[vector<16xi32>, vector<16xi32>], vector<16xf32>,
      %gather3A_926 = tpu.vector_load_idx %arg28[%iota3A, %broadcast_in_dim3A_922] : memref<16x128xf32, #tpu.memory_space<vmem>>[vector<16xi32>, vector<16xi32>], vector<16xf32>,
      %mul3A_927 = arith.mulf %gather3A_923, %gather3A_924 : vector<16xf32>
      %get3A_928 = arith.constant 0 : i32
      %get3A_929 = arith.index_cast %get3A_928 : i32 to index
      %get3A_930 = arith.constant 0 : index
      %get3A_931 = tpu.vector_load %arg45[%get3A_929, %get3A_930] {strides = array<i32>} : memref<5x48xf32, #tpu.memory_space<vmem>>, vector<16xf32>,
      %mul3A_932 = arith.mulf %mul3A_927, %get3A_931 : vector<16xf32>
      %get3A_933 = arith.constant 0 : i32
      %get3A_934 = arith.index_cast %get3A_933 : i32 to index
      %get3A_935 = arith.constant 16 : index
      %get3A_936 = tpu.vector_load %arg45[%get3A_934, %get3A_935] {strides = array<i32>} : memref<5x48xf32, #tpu.memory_space<vmem>>, vector<16xf32>,
      %mul3A_937 = arith.mulf %gather3A_925, %get3A_936 : vector<16xf32>
      %add3A_938 = arith.addf %mul3A_932, %mul3A_937 : vector<16xf32>
      %get3A_939 = arith.constant 0 : i32
      %get3A_940 = arith.index_cast %get3A_939 : i32 to index
      %get3A_941 = arith.constant 32 : index
      %get3A_942 = tpu.vector_load %arg45[%get3A_940, %get3A_941] {strides = array<i32>} : memref<5x48xf32, #tpu.memory_space<vmem>>, vector<16xf32>,
      %mul3A_943 = arith.mulf %gather3A_926, %get3A_942 : vector<16xf32>
      %add3A_944 = arith.addf %add3A_938, %mul3A_943 : vector<16xf32>
      %reduce_sum3A_945 = arith.constant true
      %reduce_sum3A_946 = vector.broadcast %reduce_sum3A_945 : i1 to vector<16xi1>
      %reduce_sum3A_947 = tpu.scan <sum>, %add3A_944 masked %reduce_sum3A_946 : vector<16xf32>, vector<16xi1> -> vector<16xf32>
      %reduce_sum3A_948 = vector.extract %reduce_sum3A_947[15] : f32 from vector<16xf32>
      %eq3A_949 = arith.constant 0 : i32
      %eq3A_950 = vector.broadcast %eq3A_949 : i32 to vector<16xi32>
      %eq3A_951 = arith.cmpi eq, %iota3A, %eq3A_950 : vector<16xi32>
      %add3A_952 = vector.broadcast %reduce_sum3A_948 : f32 to vector<16xf32>
      %add3A_953 = arith.addf %get3A_3, %add3A_952 : vector<16xf32>
      %select_n3A_954 = arith.select %eq3A_951, %add3A_953, %get3A_3 : vector<16xi1>, vector<16xf32>
      %get3A_955 = arith.constant 1 : i32
      %get3A_956 = arith.index_cast %get3A_955 : i32 to index
      %get3A_957 = arith.constant 0 : index
      %get3A_958 = tpu.vector_load %arg45[%get3A_956, %get3A_957] {strides = array<i32>} : memref<5x48xf32, #tpu.memory_space<vmem>>, vector<16xf32>,
      %mul3A_959 = arith.mulf %mul3A_927, %get3A_958 : vector<16xf32>
      %get3A_960 = arith.constant 1 : i32
      %get3A_961 = arith.index_cast %get3A_960 : i32 to index
      %get3A_962 = arith.constant 16 : index
      %get3A_963 = tpu.vector_load %arg45[%get3A_961, %get3A_962] {strides = array<i32>} : memref<5x48xf32, #tpu.memory_space<vmem>>, vector<16xf32>,
      %mul3A_964 = arith.mulf %gather3A_925, %get3A_963 : vector<16xf32>
      %add3A_965 = arith.addf %mul3A_959, %mul3A_964 : vector<16xf32>
      %get3A_966 = arith.constant 1 : i32
      %get3A_967 = arith.index_cast %get3A_966 : i32 to index
      %get3A_968 = arith.constant 32 : index
      %get3A_969 = tpu.vector_load %arg45[%get3A_967, %get3A_968] {strides = array<i32>} : memref<5x48xf32, #tpu.memory_space<vmem>>, vector<16xf32>,
      %mul3A_970 = arith.mulf %gather3A_926, %get3A_969 : vector<16xf32>
      %add3A_971 = arith.addf %add3A_965, %mul3A_970 : vector<16xf32>
      %reduce_sum3A_972 = arith.constant true
      %reduce_sum3A_973 = vector.broadcast %reduce_sum3A_972 : i1 to vector<16xi1>
      %reduce_sum3A_974 = tpu.scan <sum>, %add3A_971 masked %reduce_sum3A_973 : vector<16xf32>, vector<16xi1> -> vector<16xf32>
      %reduce_sum3A_975 = vector.extract %reduce_sum3A_974[15] : f32 from vector<16xf32>
      %eq3A_976 = arith.constant 1 : i32
      %eq3A_977 = vector.broadcast %eq3A_976 : i32 to vector<16xi32>
      %eq3A_978 = arith.cmpi eq, %iota3A, %eq3A_977 : vector<16xi32>
      %add3A_979 = vector.broadcast %reduce_sum3A_975 : f32 to vector<16xf32>
      %add3A_980 = arith.addf %select_n3A_954, %add3A_979 : vector<16xf32>
      %select_n3A_981 = arith.select %eq3A_978, %add3A_980, %select_n3A_954 : vector<16xi1>, vector<16xf32>
      %get3A_982 = arith.constant 2 : i32
      %get3A_983 = arith.index_cast %get3A_982 : i32 to index
      %get3A_984 = arith.constant 0 : index
      %get3A_985 = tpu.vector_load %arg45[%get3A_983, %get3A_984] {strides = array<i32>} : memref<5x48xf32, #tpu.memory_space<vmem>>, vector<16xf32>,
      %mul3A_986 = arith.mulf %mul3A_927, %get3A_985 : vector<16xf32>
      %get3A_987 = arith.constant 2 : i32
      %get3A_988 = arith.index_cast %get3A_987 : i32 to index
      %get3A_989 = arith.constant 16 : index
      %get3A_990 = tpu.vector_load %arg45[%get3A_988, %get3A_989] {strides = array<i32>} : memref<5x48xf32, #tpu.memory_space<vmem>>, vector<16xf32>,
      %mul3A_991 = arith.mulf %gather3A_925, %get3A_990 : vector<16xf32>
      %add3A_992 = arith.addf %mul3A_986, %mul3A_991 : vector<16xf32>
      %get3A_993 = arith.constant 2 : i32
      %get3A_994 = arith.index_cast %get3A_993 : i32 to index
      %get3A_995 = arith.constant 32 : index
      %get3A_996 = tpu.vector_load %arg45[%get3A_994, %get3A_995] {strides = array<i32>} : memref<5x48xf32, #tpu.memory_space<vmem>>, vector<16xf32>,
      %mul3A_997 = arith.mulf %gather3A_926, %get3A_996 : vector<16xf32>
      %add3A_998 = arith.addf %add3A_992, %mul3A_997 : vector<16xf32>
      %reduce_sum3A_999 = arith.constant true
      %reduce_sum3A_1000 = vector.broadcast %reduce_sum3A_999 : i1 to vector<16xi1>
      %reduce_sum3A_1001 = tpu.scan <sum>, %add3A_998 masked %reduce_sum3A_1000 : vector<16xf32>, vector<16xi1> -> vector<16xf32>
      %reduce_sum3A_1002 = vector.extract %reduce_sum3A_1001[15] : f32 from vector<16xf32>
      %eq3A_1003 = arith.constant 2 : i32
      %eq3A_1004 = vector.broadcast %eq3A_1003 : i32 to vector<16xi32>
      %eq3A_1005 = arith.cmpi eq, %iota3A, %eq3A_1004 : vector<16xi32>
      %add3A_1006 = vector.broadcast %reduce_sum3A_1002 : f32 to vector<16xf32>
      %add3A_1007 = arith.addf %select_n3A_981, %add3A_1006 : vector<16xf32>
      %select_n3A_1008 = arith.select %eq3A_1005, %add3A_1007, %select_n3A_981 : vector<16xi1>, vector<16xf32>
      %get3A_1009 = arith.constant 3 : i32
      %get3A_1010 = arith.index_cast %get3A_1009 : i32 to index
      %get3A_1011 = arith.constant 0 : index
      %get3A_1012 = tpu.vector_load %arg45[%get3A_1010, %get3A_1011] {strides = array<i32>} : memref<5x48xf32, #tpu.memory_space<vmem>>, vector<16xf32>,
      %mul3A_1013 = arith.mulf %mul3A_927, %get3A_1012 : vector<16xf32>
      %get3A_1014 = arith.constant 3 : i32
      %get3A_1015 = arith.index_cast %get3A_1014 : i32 to index
      %get3A_1016 = arith.constant 16 : index
      %get3A_1017 = tpu.vector_load %arg45[%get3A_1015, %get3A_1016] {strides = array<i32>} : memref<5x48xf32, #tpu.memory_space<vmem>>, vector<16xf32>,
      %mul3A_1018 = arith.mulf %gather3A_925, %get3A_1017 : vector<16xf32>
      %add3A_1019 = arith.addf %mul3A_1013, %mul3A_1018 : vector<16xf32>
      %get3A_1020 = arith.constant 3 : i32
      %get3A_1021 = arith.index_cast %get3A_1020 : i32 to index
      %get3A_1022 = arith.constant 32 : index
      %get3A_1023 = tpu.vector_load %arg45[%get3A_1021, %get3A_1022] {strides = array<i32>} : memref<5x48xf32, #tpu.memory_space<vmem>>, vector<16xf32>,
      %mul3A_1024 = arith.mulf %gather3A_926, %get3A_1023 : vector<16xf32>
      %add3A_1025 = arith.addf %add3A_1019, %mul3A_1024 : vector<16xf32>
      %reduce_sum3A_1026 = arith.constant true
      %reduce_sum3A_1027 = vector.broadcast %reduce_sum3A_1026 : i1 to vector<16xi1>
      %reduce_sum3A_1028 = tpu.scan <sum>, %add3A_1025 masked %reduce_sum3A_1027 : vector<16xf32>, vector<16xi1> -> vector<16xf32>
      %reduce_sum3A_1029 = vector.extract %reduce_sum3A_1028[15] : f32 from vector<16xf32>
      %eq3A_1030 = arith.constant 3 : i32
      %eq3A_1031 = vector.broadcast %eq3A_1030 : i32 to vector<16xi32>
      %eq3A_1032 = arith.cmpi eq, %iota3A, %eq3A_1031 : vector<16xi32>
      %add3A_1033 = vector.broadcast %reduce_sum3A_1029 : f32 to vector<16xf32>
      %add3A_1034 = arith.addf %select_n3A_1008, %add3A_1033 : vector<16xf32>
      %select_n3A_1035 = arith.select %eq3A_1032, %add3A_1034, %select_n3A_1008 : vector<16xi1>, vector<16xf32>
      %get3A_1036 = arith.constant 4 : i32
      %get3A_1037 = arith.index_cast %get3A_1036 : i32 to index
      %get3A_1038 = arith.constant 0 : index
      %get3A_1039 = tpu.vector_load %arg45[%get3A_1037, %get3A_1038] {strides = array<i32>} : memref<5x48xf32, #tpu.memory_space<vmem>>, vector<16xf32>,
      %mul3A_1040 = arith.mulf %mul3A_927, %get3A_1039 : vector<16xf32>
      %get3A_1041 = arith.constant 4 : i32
      %get3A_1042 = arith.index_cast %get3A_1041 : i32 to index
      %get3A_1043 = arith.constant 16 : index
      %get3A_1044 = tpu.vector_load %arg45[%get3A_1042, %get3A_1043] {strides = array<i32>} : memref<5x48xf32, #tpu.memory_space<vmem>>, vector<16xf32>,
      %mul3A_1045 = arith.mulf %gather3A_925, %get3A_1044 : vector<16xf32>
      %add3A_1046 = arith.addf %mul3A_1040, %mul3A_1045 : vector<16xf32>
      %get3A_1047 = arith.constant 4 : i32
      %get3A_1048 = arith.index_cast %get3A_1047 : i32 to index
      %get3A_1049 = arith.constant 32 : index
      %get3A_1050 = tpu.vector_load %arg45[%get3A_1048, %get3A_1049] {strides = array<i32>} : memref<5x48xf32, #tpu.memory_space<vmem>>, vector<16xf32>,
      %mul3A_1051 = arith.mulf %gather3A_926, %get3A_1050 : vector<16xf32>
      %add3A_1052 = arith.addf %add3A_1046, %mul3A_1051 : vector<16xf32>
      %reduce_sum3A_1053 = arith.constant true
      %reduce_sum3A_1054 = vector.broadcast %reduce_sum3A_1053 : i1 to vector<16xi1>
      %reduce_sum3A_1055 = tpu.scan <sum>, %add3A_1052 masked %reduce_sum3A_1054 : vector<16xf32>, vector<16xi1> -> vector<16xf32>
      %reduce_sum3A_1056 = vector.extract %reduce_sum3A_1055[15] : f32 from vector<16xf32>
      %eq3A_1057 = arith.constant 4 : i32
      %eq3A_1058 = vector.broadcast %eq3A_1057 : i32 to vector<16xi32>
      %eq3A_1059 = arith.cmpi eq, %iota3A, %eq3A_1058 : vector<16xi32>
      %add3A_1060 = vector.broadcast %reduce_sum3A_1056 : f32 to vector<16xf32>
      %add3A_1061 = arith.addf %select_n3A_1035, %add3A_1060 : vector<16xf32>
      %select_n3A_1062 = arith.select %eq3A_1059, %add3A_1061, %select_n3A_1035 : vector<16xi1>, vector<16xf32>
      %mul3A_1063 = arith.constant 16 : i32
      %mul3A_1064 = arith.muli %scan3A_247, %mul3A_1063 : i32
      %add3A_1065 = arith.constant 3 : i32
      %add3A_1066 = arith.addi %mul3A_1064, %add3A_1065 : i32
      %add3A_1067 = arith.constant 0 : i32
      %add3A_1068 = arith.addi %add3A_1066, %add3A_1067 : i32
      %broadcast_in_dim3A_1069 = vector.broadcast %add3A_1068 : i32 to vector<16xi32>
      tpu.vector_store_idx %arg47[%iota3A, %broadcast_in_dim3A_1069], %select_n3A_1062 : memref<16x512xf32, #tpu.memory_space<vmem>>[vector<16xi32>, vector<16xi32>], vector<16xf32>,
      %slice3A_1070 = vector.extract_strided_slice %get3A_251 {offsets = [11], sizes = [1], strides = [1]} : vector<16xi32> to vector<1xi32>
      %squeeze3A_1071 = vector.extract %slice3A_1070[0] : i32 from vector<1xi32>
      %slice3A_1072 = vector.extract_strided_slice %get3A_253 {offsets = [11], sizes = [1], strides = [1]} : vector<16xi32> to vector<1xi32>
      %squeeze3A_1073 = vector.extract %slice3A_1072[0] : i32 from vector<1xi32>
      %shift_right_arithmetic3A_1074 = arith.constant 7 : i32
      %shift_right_arithmetic3A_1075 = arith.shrsi %squeeze3A_1071, %shift_right_arithmetic3A_1074 : i32
      %shift_left3A_1076 = arith.constant 7 : i32
      %shift_left3A_1077 = arith.shli %shift_right_arithmetic3A_1075, %shift_left3A_1076 : i32
      %multiple_of3A_1078 = tpu.assume_multiple %shift_left3A_1077, 128 : i32
      %shift_right_arithmetic3A_1079 = arith.constant 7 : i32
      %shift_right_arithmetic3A_1080 = arith.shrsi %squeeze3A_1073, %shift_right_arithmetic3A_1079 : i32
      %shift_left3A_1081 = arith.constant 7 : i32
      %shift_left3A_1082 = arith.shli %shift_right_arithmetic3A_1080, %shift_left3A_1081 : i32
      %multiple_of3A_1083 = tpu.assume_multiple %shift_left3A_1082, 128 : i32
      %dma_start3A_1084 = arith.constant 0 : i32
      %dma_start3A_1085 = tpu.memref_slice %arg4[%dma_start3A_1084, %multiple_of3A_1078] : memref<16x1000000xf32, #tpu.memory_space<hbm>> -> memref<16x128xf32, #tpu.memory_space<hbm>>
      %dma_start3A_1086 = arith.constant 0 : i32
      %dma_start3A_1087 = tpu.memref_slice %arg4[%dma_start3A_1086, %multiple_of3A_1078] : memref<16x1000000xf32, #tpu.memory_space<hbm>> -> memref<16x128xf32, #tpu.memory_space<hbm>>
      tpu.enqueue_dma source(%dma_start3A_1087 : memref<16x128xf32, #tpu.memory_space<hbm>>) target(%arg25 : memref<16x128xf32, #tpu.memory_space<vmem>>) target_semaphore(%arg51 : memref<!tpu.dma_semaphore, #tpu.memory_space<semaphore_mem>>)
      %dma_start3A_1088 = arith.constant 0 : i32
      %dma_start3A_1089 = tpu.memref_slice %arg5[%dma_start3A_1088, %multiple_of3A_1083] : memref<16x1000000xf32, #tpu.memory_space<hbm>> -> memref<16x128xf32, #tpu.memory_space<hbm>>
      %dma_start3A_1090 = arith.constant 0 : i32
      %dma_start3A_1091 = tpu.memref_slice %arg5[%dma_start3A_1090, %multiple_of3A_1083] : memref<16x1000000xf32, #tpu.memory_space<hbm>> -> memref<16x128xf32, #tpu.memory_space<hbm>>
      tpu.enqueue_dma source(%dma_start3A_1091 : memref<16x128xf32, #tpu.memory_space<hbm>>) target(%arg26 : memref<16x128xf32, #tpu.memory_space<vmem>>) target_semaphore(%arg51 : memref<!tpu.dma_semaphore, #tpu.memory_space<semaphore_mem>>)
      %dma_start3A_1092 = arith.constant 0 : i32
      %dma_start3A_1093 = tpu.memref_slice %arg6[%dma_start3A_1092, %multiple_of3A_1078] : memref<16x1000000xf32, #tpu.memory_space<hbm>> -> memref<16x128xf32, #tpu.memory_space<hbm>>
      %dma_start3A_1094 = arith.constant 0 : i32
      %dma_start3A_1095 = tpu.memref_slice %arg6[%dma_start3A_1094, %multiple_of3A_1078] : memref<16x1000000xf32, #tpu.memory_space<hbm>> -> memref<16x128xf32, #tpu.memory_space<hbm>>
      tpu.enqueue_dma source(%dma_start3A_1095 : memref<16x128xf32, #tpu.memory_space<hbm>>) target(%arg27 : memref<16x128xf32, #tpu.memory_space<vmem>>) target_semaphore(%arg51 : memref<!tpu.dma_semaphore, #tpu.memory_space<semaphore_mem>>)
      %dma_start3A_1096 = arith.constant 0 : i32
      %dma_start3A_1097 = tpu.memref_slice %arg7[%dma_start3A_1096, %multiple_of3A_1083] : memref<16x1000000xf32, #tpu.memory_space<hbm>> -> memref<16x128xf32, #tpu.memory_space<hbm>>
      %dma_start3A_1098 = arith.constant 0 : i32
      %dma_start3A_1099 = tpu.memref_slice %arg7[%dma_start3A_1098, %multiple_of3A_1083] : memref<16x1000000xf32, #tpu.memory_space<hbm>> -> memref<16x128xf32, #tpu.memory_space<hbm>>
      tpu.enqueue_dma source(%dma_start3A_1099 : memref<16x128xf32, #tpu.memory_space<hbm>>) target(%arg28 : memref<16x128xf32, #tpu.memory_space<vmem>>) target_semaphore(%arg51 : memref<!tpu.dma_semaphore, #tpu.memory_space<semaphore_mem>>)
      %dma_wait3A_1100 = arith.constant 0 : i32
      %dma_wait3A_1101 = arith.constant 0 : i32
      %dma_wait3A_1102 = tpu.memref_slice %arg4[%dma_wait3A_1100, %dma_wait3A_1101] : memref<16x1000000xf32, #tpu.memory_space<hbm>> -> memref<16x128xf32, #tpu.memory_space<hbm>>
      %dma_wait3A_1103 = arith.constant 0 : i32
      %dma_wait3A_1104 = arith.constant 0 : i32
      %dma_wait3A_1105 = tpu.memref_slice %arg4[%dma_wait3A_1103, %dma_wait3A_1104] : memref<16x1000000xf32, #tpu.memory_space<hbm>> -> memref<16x128xf32, #tpu.memory_space<hbm>>
      tpu.wait_dma2 semaphore(%arg52 : memref<!tpu.dma_semaphore, #tpu.memory_space<semaphore_mem>>) src(%dma_wait3A_1105 : memref<16x128xf32, #tpu.memory_space<hbm>>) dst(%arg29 : memref<16x128xf32, #tpu.memory_space<vmem>>)
      %dma_wait3A_1106 = arith.constant 0 : i32
      %dma_wait3A_1107 = arith.constant 0 : i32
      %dma_wait3A_1108 = tpu.memref_slice %arg5[%dma_wait3A_1106, %dma_wait3A_1107] : memref<16x1000000xf32, #tpu.memory_space<hbm>> -> memref<16x128xf32, #tpu.memory_space<hbm>>
      %dma_wait3A_1109 = arith.constant 0 : i32
      %dma_wait3A_1110 = arith.constant 0 : i32
      %dma_wait3A_1111 = tpu.memref_slice %arg5[%dma_wait3A_1109, %dma_wait3A_1110] : memref<16x1000000xf32, #tpu.memory_space<hbm>> -> memref<16x128xf32, #tpu.memory_space<hbm>>
      tpu.wait_dma2 semaphore(%arg52 : memref<!tpu.dma_semaphore, #tpu.memory_space<semaphore_mem>>) src(%dma_wait3A_1111 : memref<16x128xf32, #tpu.memory_space<hbm>>) dst(%arg30 : memref<16x128xf32, #tpu.memory_space<vmem>>)
      %dma_wait3A_1112 = arith.constant 0 : i32
      %dma_wait3A_1113 = arith.constant 0 : i32
      %dma_wait3A_1114 = tpu.memref_slice %arg6[%dma_wait3A_1112, %dma_wait3A_1113] : memref<16x1000000xf32, #tpu.memory_space<hbm>> -> memref<16x128xf32, #tpu.memory_space<hbm>>
      %dma_wait3A_1115 = arith.constant 0 : i32
      %dma_wait3A_1116 = arith.constant 0 : i32
      %dma_wait3A_1117 = tpu.memref_slice %arg6[%dma_wait3A_1115, %dma_wait3A_1116] : memref<16x1000000xf32, #tpu.memory_space<hbm>> -> memref<16x128xf32, #tpu.memory_space<hbm>>
      tpu.wait_dma2 semaphore(%arg52 : memref<!tpu.dma_semaphore, #tpu.memory_space<semaphore_mem>>) src(%dma_wait3A_1117 : memref<16x128xf32, #tpu.memory_space<hbm>>) dst(%arg31 : memref<16x128xf32, #tpu.memory_space<vmem>>)
      %dma_wait3A_1118 = arith.constant 0 : i32
      %dma_wait3A_1119 = arith.constant 0 : i32
      %dma_wait3A_1120 = tpu.memref_slice %arg7[%dma_wait3A_1118, %dma_wait3A_1119] : memref<16x1000000xf32, #tpu.memory_space<hbm>> -> memref<16x128xf32, #tpu.memory_space<hbm>>
      %dma_wait3A_1121 = arith.constant 0 : i32
      %dma_wait3A_1122 = arith.constant 0 : i32
      %dma_wait3A_1123 = tpu.memref_slice %arg7[%dma_wait3A_1121, %dma_wait3A_1122] : memref<16x1000000xf32, #tpu.memory_space<hbm>> -> memref<16x128xf32, #tpu.memory_space<hbm>>
      tpu.wait_dma2 semaphore(%arg52 : memref<!tpu.dma_semaphore, #tpu.memory_space<semaphore_mem>>) src(%dma_wait3A_1123 : memref<16x128xf32, #tpu.memory_space<hbm>>) dst(%arg32 : memref<16x128xf32, #tpu.memory_space<vmem>>)
      %slice3A_1124 = vector.extract_strided_slice %get3A_251 {offsets = [4], sizes = [1], strides = [1]} : vector<16xi32> to vector<1xi32>
      %squeeze3A_1125 = vector.extract %slice3A_1124[0] : i32 from vector<1xi32>
      %slice3A_1126 = vector.extract_strided_slice %get3A_253 {offsets = [4], sizes = [1], strides = [1]} : vector<16xi32> to vector<1xi32>
      %squeeze3A_1127 = vector.extract %slice3A_1126[0] : i32 from vector<1xi32>
      %and3A_1128 = arith.constant 127 : i32
      %and3A_1129 = arith.andi %squeeze3A_1125, %and3A_1128 : i32
      %broadcast_in_dim3A_1130 = vector.broadcast %and3A_1129 : i32 to vector<16xi32>
      %and3A_1131 = arith.constant 127 : i32
      %and3A_1132 = arith.andi %squeeze3A_1127, %and3A_1131 : i32
      %broadcast_in_dim3A_1133 = vector.broadcast %and3A_1132 : i32 to vector<16xi32>
      %gather3A_1134 = tpu.vector_load_idx %arg29[%iota3A, %broadcast_in_dim3A_1130] : memref<16x128xf32, #tpu.memory_space<vmem>>[vector<16xi32>, vector<16xi32>], vector<16xf32>,
      %gather3A_1135 = tpu.vector_load_idx %arg30[%iota3A, %broadcast_in_dim3A_1133] : memref<16x128xf32, #tpu.memory_space<vmem>>[vector<16xi32>, vector<16xi32>], vector<16xf32>,
      %gather3A_1136 = tpu.vector_load_idx %arg31[%iota3A, %broadcast_in_dim3A_1130] : memref<16x128xf32, #tpu.memory_space<vmem>>[vector<16xi32>, vector<16xi32>], vector<16xf32>,
      %gather3A_1137 = tpu.vector_load_idx %arg32[%iota3A, %broadcast_in_dim3A_1133] : memref<16x128xf32, #tpu.memory_space<vmem>>[vector<16xi32>, vector<16xi32>], vector<16xf32>,
      %mul3A_1138 = arith.mulf %gather3A_1134, %gather3A_1135 : vector<16xf32>
      %get3A_1139 = arith.constant 0 : i32
      %get3A_1140 = arith.index_cast %get3A_1139 : i32 to index
      %get3A_1141 = arith.constant 0 : index
      %get3A_1142 = tpu.vector_load %arg45[%get3A_1140, %get3A_1141] {strides = array<i32>} : memref<5x48xf32, #tpu.memory_space<vmem>>, vector<16xf32>,
      %mul3A_1143 = arith.mulf %mul3A_1138, %get3A_1142 : vector<16xf32>
      %get3A_1144 = arith.constant 0 : i32
      %get3A_1145 = arith.index_cast %get3A_1144 : i32 to index
      %get3A_1146 = arith.constant 16 : index
      %get3A_1147 = tpu.vector_load %arg45[%get3A_1145, %get3A_1146] {strides = array<i32>} : memref<5x48xf32, #tpu.memory_space<vmem>>, vector<16xf32>,
      %mul3A_1148 = arith.mulf %gather3A_1136, %get3A_1147 : vector<16xf32>
      %add3A_1149 = arith.addf %mul3A_1143, %mul3A_1148 : vector<16xf32>
      %get3A_1150 = arith.constant 0 : i32
      %get3A_1151 = arith.index_cast %get3A_1150 : i32 to index
      %get3A_1152 = arith.constant 32 : index
      %get3A_1153 = tpu.vector_load %arg45[%get3A_1151, %get3A_1152] {strides = array<i32>} : memref<5x48xf32, #tpu.memory_space<vmem>>, vector<16xf32>,
      %mul3A_1154 = arith.mulf %gather3A_1137, %get3A_1153 : vector<16xf32>
      %add3A_1155 = arith.addf %add3A_1149, %mul3A_1154 : vector<16xf32>
      %reduce_sum3A_1156 = arith.constant true
      %reduce_sum3A_1157 = vector.broadcast %reduce_sum3A_1156 : i1 to vector<16xi1>
      %reduce_sum3A_1158 = tpu.scan <sum>, %add3A_1155 masked %reduce_sum3A_1157 : vector<16xf32>, vector<16xi1> -> vector<16xf32>
      %reduce_sum3A_1159 = vector.extract %reduce_sum3A_1158[15] : f32 from vector<16xf32>
      %eq3A_1160 = arith.constant 0 : i32
      %eq3A_1161 = vector.broadcast %eq3A_1160 : i32 to vector<16xi32>
      %eq3A_1162 = arith.cmpi eq, %iota3A, %eq3A_1161 : vector<16xi32>
      %add3A_1163 = vector.broadcast %reduce_sum3A_1159 : f32 to vector<16xf32>
      %add3A_1164 = arith.addf %get3A_3, %add3A_1163 : vector<16xf32>
      %select_n3A_1165 = arith.select %eq3A_1162, %add3A_1164, %get3A_3 : vector<16xi1>, vector<16xf32>
      %get3A_1166 = arith.constant 1 : i32
      %get3A_1167 = arith.index_cast %get3A_1166 : i32 to index
      %get3A_1168 = arith.constant 0 : index
      %get3A_1169 = tpu.vector_load %arg45[%get3A_1167, %get3A_1168] {strides = array<i32>} : memref<5x48xf32, #tpu.memory_space<vmem>>, vector<16xf32>,
      %mul3A_1170 = arith.mulf %mul3A_1138, %get3A_1169 : vector<16xf32>
      %get3A_1171 = arith.constant 1 : i32
      %get3A_1172 = arith.index_cast %get3A_1171 : i32 to index
      %get3A_1173 = arith.constant 16 : index
      %get3A_1174 = tpu.vector_load %arg45[%get3A_1172, %get3A_1173] {strides = array<i32>} : memref<5x48xf32, #tpu.memory_space<vmem>>, vector<16xf32>,
      %mul3A_1175 = arith.mulf %gather3A_1136, %get3A_1174 : vector<16xf32>
      %add3A_1176 = arith.addf %mul3A_1170, %mul3A_1175 : vector<16xf32>
      %get3A_1177 = arith.constant 1 : i32
      %get3A_1178 = arith.index_cast %get3A_1177 : i32 to index
      %get3A_1179 = arith.constant 32 : index
      %get3A_1180 = tpu.vector_load %arg45[%get3A_1178, %get3A_1179] {strides = array<i32>} : memref<5x48xf32, #tpu.memory_space<vmem>>, vector<16xf32>,
      %mul3A_1181 = arith.mulf %gather3A_1137, %get3A_1180 : vector<16xf32>
      %add3A_1182 = arith.addf %add3A_1176, %mul3A_1181 : vector<16xf32>
      %reduce_sum3A_1183 = arith.constant true
      %reduce_sum3A_1184 = vector.broadcast %reduce_sum3A_1183 : i1 to vector<16xi1>
      %reduce_sum3A_1185 = tpu.scan <sum>, %add3A_1182 masked %reduce_sum3A_1184 : vector<16xf32>, vector<16xi1> -> vector<16xf32>
      %reduce_sum3A_1186 = vector.extract %reduce_sum3A_1185[15] : f32 from vector<16xf32>
      %eq3A_1187 = arith.constant 1 : i32
      %eq3A_1188 = vector.broadcast %eq3A_1187 : i32 to vector<16xi32>
      %eq3A_1189 = arith.cmpi eq, %iota3A, %eq3A_1188 : vector<16xi32>
      %add3A_1190 = vector.broadcast %reduce_sum3A_1186 : f32 to vector<16xf32>
      %add3A_1191 = arith.addf %select_n3A_1165, %add3A_1190 : vector<16xf32>
      %select_n3A_1192 = arith.select %eq3A_1189, %add3A_1191, %select_n3A_1165 : vector<16xi1>, vector<16xf32>
      %get3A_1193 = arith.constant 2 : i32
      %get3A_1194 = arith.index_cast %get3A_1193 : i32 to index
      %get3A_1195 = arith.constant 0 : index
      %get3A_1196 = tpu.vector_load %arg45[%get3A_1194, %get3A_1195] {strides = array<i32>} : memref<5x48xf32, #tpu.memory_space<vmem>>, vector<16xf32>,
      %mul3A_1197 = arith.mulf %mul3A_1138, %get3A_1196 : vector<16xf32>
      %get3A_1198 = arith.constant 2 : i32
      %get3A_1199 = arith.index_cast %get3A_1198 : i32 to index
      %get3A_1200 = arith.constant 16 : index
      %get3A_1201 = tpu.vector_load %arg45[%get3A_1199, %get3A_1200] {strides = array<i32>} : memref<5x48xf32, #tpu.memory_space<vmem>>, vector<16xf32>,
      %mul3A_1202 = arith.mulf %gather3A_1136, %get3A_1201 : vector<16xf32>
      %add3A_1203 = arith.addf %mul3A_1197, %mul3A_1202 : vector<16xf32>
      %get3A_1204 = arith.constant 2 : i32
      %get3A_1205 = arith.index_cast %get3A_1204 : i32 to index
      %get3A_1206 = arith.constant 32 : index
      %get3A_1207 = tpu.vector_load %arg45[%get3A_1205, %get3A_1206] {strides = array<i32>} : memref<5x48xf32, #tpu.memory_space<vmem>>, vector<16xf32>,
      %mul3A_1208 = arith.mulf %gather3A_1137, %get3A_1207 : vector<16xf32>
      %add3A_1209 = arith.addf %add3A_1203, %mul3A_1208 : vector<16xf32>
      %reduce_sum3A_1210 = arith.constant true
      %reduce_sum3A_1211 = vector.broadcast %reduce_sum3A_1210 : i1 to vector<16xi1>
      %reduce_sum3A_1212 = tpu.scan <sum>, %add3A_1209 masked %reduce_sum3A_1211 : vector<16xf32>, vector<16xi1> -> vector<16xf32>
      %reduce_sum3A_1213 = vector.extract %reduce_sum3A_1212[15] : f32 from vector<16xf32>
      %eq3A_1214 = arith.constant 2 : i32
      %eq3A_1215 = vector.broadcast %eq3A_1214 : i32 to vector<16xi32>
      %eq3A_1216 = arith.cmpi eq, %iota3A, %eq3A_1215 : vector<16xi32>
      %add3A_1217 = vector.broadcast %reduce_sum3A_1213 : f32 to vector<16xf32>
      %add3A_1218 = arith.addf %select_n3A_1192, %add3A_1217 : vector<16xf32>
      %select_n3A_1219 = arith.select %eq3A_1216, %add3A_1218, %select_n3A_1192 : vector<16xi1>, vector<16xf32>
      %get3A_1220 = arith.constant 3 : i32
      %get3A_1221 = arith.index_cast %get3A_1220 : i32 to index
      %get3A_1222 = arith.constant 0 : index
      %get3A_1223 = tpu.vector_load %arg45[%get3A_1221, %get3A_1222] {strides = array<i32>} : memref<5x48xf32, #tpu.memory_space<vmem>>, vector<16xf32>,
      %mul3A_1224 = arith.mulf %mul3A_1138, %get3A_1223 : vector<16xf32>
      %get3A_1225 = arith.constant 3 : i32
      %get3A_1226 = arith.index_cast %get3A_1225 : i32 to index
      %get3A_1227 = arith.constant 16 : index
      %get3A_1228 = tpu.vector_load %arg45[%get3A_1226, %get3A_1227] {strides = array<i32>} : memref<5x48xf32, #tpu.memory_space<vmem>>, vector<16xf32>,
      %mul3A_1229 = arith.mulf %gather3A_1136, %get3A_1228 : vector<16xf32>
      %add3A_1230 = arith.addf %mul3A_1224, %mul3A_1229 : vector<16xf32>
      %get3A_1231 = arith.constant 3 : i32
      %get3A_1232 = arith.index_cast %get3A_1231 : i32 to index
      %get3A_1233 = arith.constant 32 : index
      %get3A_1234 = tpu.vector_load %arg45[%get3A_1232, %get3A_1233] {strides = array<i32>} : memref<5x48xf32, #tpu.memory_space<vmem>>, vector<16xf32>,
      %mul3A_1235 = arith.mulf %gather3A_1137, %get3A_1234 : vector<16xf32>
      %add3A_1236 = arith.addf %add3A_1230, %mul3A_1235 : vector<16xf32>
      %reduce_sum3A_1237 = arith.constant true
      %reduce_sum3A_1238 = vector.broadcast %reduce_sum3A_1237 : i1 to vector<16xi1>
      %reduce_sum3A_1239 = tpu.scan <sum>, %add3A_1236 masked %reduce_sum3A_1238 : vector<16xf32>, vector<16xi1> -> vector<16xf32>
      %reduce_sum3A_1240 = vector.extract %reduce_sum3A_1239[15] : f32 from vector<16xf32>
      %eq3A_1241 = arith.constant 3 : i32
      %eq3A_1242 = vector.broadcast %eq3A_1241 : i32 to vector<16xi32>
      %eq3A_1243 = arith.cmpi eq, %iota3A, %eq3A_1242 : vector<16xi32>
      %add3A_1244 = vector.broadcast %reduce_sum3A_1240 : f32 to vector<16xf32>
      %add3A_1245 = arith.addf %select_n3A_1219, %add3A_1244 : vector<16xf32>
      %select_n3A_1246 = arith.select %eq3A_1243, %add3A_1245, %select_n3A_1219 : vector<16xi1>, vector<16xf32>
      %get3A_1247 = arith.constant 4 : i32
      %get3A_1248 = arith.index_cast %get3A_1247 : i32 to index
      %get3A_1249 = arith.constant 0 : index
      %get3A_1250 = tpu.vector_load %arg45[%get3A_1248, %get3A_1249] {strides = array<i32>} : memref<5x48xf32, #tpu.memory_space<vmem>>, vector<16xf32>,
      %mul3A_1251 = arith.mulf %mul3A_1138, %get3A_1250 : vector<16xf32>
      %get3A_1252 = arith.constant 4 : i32
      %get3A_1253 = arith.index_cast %get3A_1252 : i32 to index
      %get3A_1254 = arith.constant 16 : index
      %get3A_1255 = tpu.vector_load %arg45[%get3A_1253, %get3A_1254] {strides = array<i32>} : memref<5x48xf32, #tpu.memory_space<vmem>>, vector<16xf32>,
      %mul3A_1256 = arith.mulf %gather3A_1136, %get3A_1255 : vector<16xf32>
      %add3A_1257 = arith.addf %mul3A_1251, %mul3A_1256 : vector<16xf32>
      %get3A_1258 = arith.constant 4 : i32
      %get3A_1259 = arith.index_cast %get3A_1258 : i32 to index
      %get3A_1260 = arith.constant 32 : index
      %get3A_1261 = tpu.vector_load %arg45[%get3A_1259, %get3A_1260] {strides = array<i32>} : memref<5x48xf32, #tpu.memory_space<vmem>>, vector<16xf32>,
      %mul3A_1262 = arith.mulf %gather3A_1137, %get3A_1261 : vector<16xf32>
      %add3A_1263 = arith.addf %add3A_1257, %mul3A_1262 : vector<16xf32>
      %reduce_sum3A_1264 = arith.constant true
      %reduce_sum3A_1265 = vector.broadcast %reduce_sum3A_1264 : i1 to vector<16xi1>
      %reduce_sum3A_1266 = tpu.scan <sum>, %add3A_1263 masked %reduce_sum3A_1265 : vector<16xf32>, vector<16xi1> -> vector<16xf32>
      %reduce_sum3A_1267 = vector.extract %reduce_sum3A_1266[15] : f32 from vector<16xf32>
      %eq3A_1268 = arith.constant 4 : i32
      %eq3A_1269 = vector.broadcast %eq3A_1268 : i32 to vector<16xi32>
      %eq3A_1270 = arith.cmpi eq, %iota3A, %eq3A_1269 : vector<16xi32>
      %add3A_1271 = vector.broadcast %reduce_sum3A_1267 : f32 to vector<16xf32>
      %add3A_1272 = arith.addf %select_n3A_1246, %add3A_1271 : vector<16xf32>
      %select_n3A_1273 = arith.select %eq3A_1270, %add3A_1272, %select_n3A_1246 : vector<16xi1>, vector<16xf32>
      %mul3A_1274 = arith.constant 16 : i32
      %mul3A_1275 = arith.muli %scan3A_247, %mul3A_1274 : i32
      %add3A_1276 = arith.constant 4 : i32
      %add3A_1277 = arith.addi %mul3A_1275, %add3A_1276 : i32
      %add3A_1278 = arith.constant 0 : i32
      %add3A_1279 = arith.addi %add3A_1277, %add3A_1278 : i32
      %broadcast_in_dim3A_1280 = vector.broadcast %add3A_1279 : i32 to vector<16xi32>
      tpu.vector_store_idx %arg47[%iota3A, %broadcast_in_dim3A_1280], %select_n3A_1273 : memref<16x512xf32, #tpu.memory_space<vmem>>[vector<16xi32>, vector<16xi32>], vector<16xf32>,
      %slice3A_1281 = vector.extract_strided_slice %get3A_251 {offsets = [12], sizes = [1], strides = [1]} : vector<16xi32> to vector<1xi32>
      %squeeze3A_1282 = vector.extract %slice3A_1281[0] : i32 from vector<1xi32>
      %slice3A_1283 = vector.extract_strided_slice %get3A_253 {offsets = [12], sizes = [1], strides = [1]} : vector<16xi32> to vector<1xi32>
      %squeeze3A_1284 = vector.extract %slice3A_1283[0] : i32 from vector<1xi32>
      %shift_right_arithmetic3A_1285 = arith.constant 7 : i32
      %shift_right_arithmetic3A_1286 = arith.shrsi %squeeze3A_1282, %shift_right_arithmetic3A_1285 : i32
      %shift_left3A_1287 = arith.constant 7 : i32
      %shift_left3A_1288 = arith.shli %shift_right_arithmetic3A_1286, %shift_left3A_1287 : i32
      %multiple_of3A_1289 = tpu.assume_multiple %shift_left3A_1288, 128 : i32
      %shift_right_arithmetic3A_1290 = arith.constant 7 : i32
      %shift_right_arithmetic3A_1291 = arith.shrsi %squeeze3A_1284, %shift_right_arithmetic3A_1290 : i32
      %shift_left3A_1292 = arith.constant 7 : i32
      %shift_left3A_1293 = arith.shli %shift_right_arithmetic3A_1291, %shift_left3A_1292 : i32
      %multiple_of3A_1294 = tpu.assume_multiple %shift_left3A_1293, 128 : i32
      %dma_start3A_1295 = arith.constant 0 : i32
      %dma_start3A_1296 = tpu.memref_slice %arg4[%dma_start3A_1295, %multiple_of3A_1289] : memref<16x1000000xf32, #tpu.memory_space<hbm>> -> memref<16x128xf32, #tpu.memory_space<hbm>>
      %dma_start3A_1297 = arith.constant 0 : i32
      %dma_start3A_1298 = tpu.memref_slice %arg4[%dma_start3A_1297, %multiple_of3A_1289] : memref<16x1000000xf32, #tpu.memory_space<hbm>> -> memref<16x128xf32, #tpu.memory_space<hbm>>
      tpu.enqueue_dma source(%dma_start3A_1298 : memref<16x128xf32, #tpu.memory_space<hbm>>) target(%arg29 : memref<16x128xf32, #tpu.memory_space<vmem>>) target_semaphore(%arg52 : memref<!tpu.dma_semaphore, #tpu.memory_space<semaphore_mem>>)
      %dma_start3A_1299 = arith.constant 0 : i32
      %dma_start3A_1300 = tpu.memref_slice %arg5[%dma_start3A_1299, %multiple_of3A_1294] : memref<16x1000000xf32, #tpu.memory_space<hbm>> -> memref<16x128xf32, #tpu.memory_space<hbm>>
      %dma_start3A_1301 = arith.constant 0 : i32
      %dma_start3A_1302 = tpu.memref_slice %arg5[%dma_start3A_1301, %multiple_of3A_1294] : memref<16x1000000xf32, #tpu.memory_space<hbm>> -> memref<16x128xf32, #tpu.memory_space<hbm>>
      tpu.enqueue_dma source(%dma_start3A_1302 : memref<16x128xf32, #tpu.memory_space<hbm>>) target(%arg30 : memref<16x128xf32, #tpu.memory_space<vmem>>) target_semaphore(%arg52 : memref<!tpu.dma_semaphore, #tpu.memory_space<semaphore_mem>>)
      %dma_start3A_1303 = arith.constant 0 : i32
      %dma_start3A_1304 = tpu.memref_slice %arg6[%dma_start3A_1303, %multiple_of3A_1289] : memref<16x1000000xf32, #tpu.memory_space<hbm>> -> memref<16x128xf32, #tpu.memory_space<hbm>>
      %dma_start3A_1305 = arith.constant 0 : i32
      %dma_start3A_1306 = tpu.memref_slice %arg6[%dma_start3A_1305, %multiple_of3A_1289] : memref<16x1000000xf32, #tpu.memory_space<hbm>> -> memref<16x128xf32, #tpu.memory_space<hbm>>
      tpu.enqueue_dma source(%dma_start3A_1306 : memref<16x128xf32, #tpu.memory_space<hbm>>) target(%arg31 : memref<16x128xf32, #tpu.memory_space<vmem>>) target_semaphore(%arg52 : memref<!tpu.dma_semaphore, #tpu.memory_space<semaphore_mem>>)
      %dma_start3A_1307 = arith.constant 0 : i32
      %dma_start3A_1308 = tpu.memref_slice %arg7[%dma_start3A_1307, %multiple_of3A_1294] : memref<16x1000000xf32, #tpu.memory_space<hbm>> -> memref<16x128xf32, #tpu.memory_space<hbm>>
      %dma_start3A_1309 = arith.constant 0 : i32
      %dma_start3A_1310 = tpu.memref_slice %arg7[%dma_start3A_1309, %multiple_of3A_1294] : memref<16x1000000xf32, #tpu.memory_space<hbm>> -> memref<16x128xf32, #tpu.memory_space<hbm>>
      tpu.enqueue_dma source(%dma_start3A_1310 : memref<16x128xf32, #tpu.memory_space<hbm>>) target(%arg32 : memref<16x128xf32, #tpu.memory_space<vmem>>) target_semaphore(%arg52 : memref<!tpu.dma_semaphore, #tpu.memory_space<semaphore_mem>>)
      %dma_wait3A_1311 = arith.constant 0 : i32
      %dma_wait3A_1312 = arith.constant 0 : i32
      %dma_wait3A_1313 = tpu.memref_slice %arg4[%dma_wait3A_1311, %dma_wait3A_1312] : memref<16x1000000xf32, #tpu.memory_space<hbm>> -> memref<16x128xf32, #tpu.memory_space<hbm>>
      %dma_wait3A_1314 = arith.constant 0 : i32
      %dma_wait3A_1315 = arith.constant 0 : i32
      %dma_wait3A_1316 = tpu.memref_slice %arg4[%dma_wait3A_1314, %dma_wait3A_1315] : memref<16x1000000xf32, #tpu.memory_space<hbm>> -> memref<16x128xf32, #tpu.memory_space<hbm>>
      tpu.wait_dma2 semaphore(%arg53 : memref<!tpu.dma_semaphore, #tpu.memory_space<semaphore_mem>>) src(%dma_wait3A_1316 : memref<16x128xf32, #tpu.memory_space<hbm>>) dst(%arg33 : memref<16x128xf32, #tpu.memory_space<vmem>>)
      %dma_wait3A_1317 = arith.constant 0 : i32
      %dma_wait3A_1318 = arith.constant 0 : i32
      %dma_wait3A_1319 = tpu.memref_slice %arg5[%dma_wait3A_1317, %dma_wait3A_1318] : memref<16x1000000xf32, #tpu.memory_space<hbm>> -> memref<16x128xf32, #tpu.memory_space<hbm>>
      %dma_wait3A_1320 = arith.constant 0 : i32
      %dma_wait3A_1321 = arith.constant 0 : i32
      %dma_wait3A_1322 = tpu.memref_slice %arg5[%dma_wait3A_1320, %dma_wait3A_1321] : memref<16x1000000xf32, #tpu.memory_space<hbm>> -> memref<16x128xf32, #tpu.memory_space<hbm>>
      tpu.wait_dma2 semaphore(%arg53 : memref<!tpu.dma_semaphore, #tpu.memory_space<semaphore_mem>>) src(%dma_wait3A_1322 : memref<16x128xf32, #tpu.memory_space<hbm>>) dst(%arg34 : memref<16x128xf32, #tpu.memory_space<vmem>>)
      %dma_wait3A_1323 = arith.constant 0 : i32
      %dma_wait3A_1324 = arith.constant 0 : i32
      %dma_wait3A_1325 = tpu.memref_slice %arg6[%dma_wait3A_1323, %dma_wait3A_1324] : memref<16x1000000xf32, #tpu.memory_space<hbm>> -> memref<16x128xf32, #tpu.memory_space<hbm>>
      %dma_wait3A_1326 = arith.constant 0 : i32
      %dma_wait3A_1327 = arith.constant 0 : i32
      %dma_wait3A_1328 = tpu.memref_slice %arg6[%dma_wait3A_1326, %dma_wait3A_1327] : memref<16x1000000xf32, #tpu.memory_space<hbm>> -> memref<16x128xf32, #tpu.memory_space<hbm>>
      tpu.wait_dma2 semaphore(%arg53 : memref<!tpu.dma_semaphore, #tpu.memory_space<semaphore_mem>>) src(%dma_wait3A_1328 : memref<16x128xf32, #tpu.memory_space<hbm>>) dst(%arg35 : memref<16x128xf32, #tpu.memory_space<vmem>>)
      %dma_wait3A_1329 = arith.constant 0 : i32
      %dma_wait3A_1330 = arith.constant 0 : i32
      %dma_wait3A_1331 = tpu.memref_slice %arg7[%dma_wait3A_1329, %dma_wait3A_1330] : memref<16x1000000xf32, #tpu.memory_space<hbm>> -> memref<16x128xf32, #tpu.memory_space<hbm>>
      %dma_wait3A_1332 = arith.constant 0 : i32
      %dma_wait3A_1333 = arith.constant 0 : i32
      %dma_wait3A_1334 = tpu.memref_slice %arg7[%dma_wait3A_1332, %dma_wait3A_1333] : memref<16x1000000xf32, #tpu.memory_space<hbm>> -> memref<16x128xf32, #tpu.memory_space<hbm>>
      tpu.wait_dma2 semaphore(%arg53 : memref<!tpu.dma_semaphore, #tpu.memory_space<semaphore_mem>>) src(%dma_wait3A_1334 : memref<16x128xf32, #tpu.memory_space<hbm>>) dst(%arg36 : memref<16x128xf32, #tpu.memory_space<vmem>>)
      %slice3A_1335 = vector.extract_strided_slice %get3A_251 {offsets = [5], sizes = [1], strides = [1]} : vector<16xi32> to vector<1xi32>
      %squeeze3A_1336 = vector.extract %slice3A_1335[0] : i32 from vector<1xi32>
      %slice3A_1337 = vector.extract_strided_slice %get3A_253 {offsets = [5], sizes = [1], strides = [1]} : vector<16xi32> to vector<1xi32>
      %squeeze3A_1338 = vector.extract %slice3A_1337[0] : i32 from vector<1xi32>
      %and3A_1339 = arith.constant 127 : i32
      %and3A_1340 = arith.andi %squeeze3A_1336, %and3A_1339 : i32
      %broadcast_in_dim3A_1341 = vector.broadcast %and3A_1340 : i32 to vector<16xi32>
      %and3A_1342 = arith.constant 127 : i32
      %and3A_1343 = arith.andi %squeeze3A_1338, %and3A_1342 : i32
      %broadcast_in_dim3A_1344 = vector.broadcast %and3A_1343 : i32 to vector<16xi32>
      %gather3A_1345 = tpu.vector_load_idx %arg33[%iota3A, %broadcast_in_dim3A_1341] : memref<16x128xf32, #tpu.memory_space<vmem>>[vector<16xi32>, vector<16xi32>], vector<16xf32>,
      %gather3A_1346 = tpu.vector_load_idx %arg34[%iota3A, %broadcast_in_dim3A_1344] : memref<16x128xf32, #tpu.memory_space<vmem>>[vector<16xi32>, vector<16xi32>], vector<16xf32>,
      %gather3A_1347 = tpu.vector_load_idx %arg35[%iota3A, %broadcast_in_dim3A_1341] : memref<16x128xf32, #tpu.memory_space<vmem>>[vector<16xi32>, vector<16xi32>], vector<16xf32>,
      %gather3A_1348 = tpu.vector_load_idx %arg36[%iota3A, %broadcast_in_dim3A_1344] : memref<16x128xf32, #tpu.memory_space<vmem>>[vector<16xi32>, vector<16xi32>], vector<16xf32>,
      %mul3A_1349 = arith.mulf %gather3A_1345, %gather3A_1346 : vector<16xf32>
      %get3A_1350 = arith.constant 0 : i32
      %get3A_1351 = arith.index_cast %get3A_1350 : i32 to index
      %get3A_1352 = arith.constant 0 : index
      %get3A_1353 = tpu.vector_load %arg45[%get3A_1351, %get3A_1352] {strides = array<i32>} : memref<5x48xf32, #tpu.memory_space<vmem>>, vector<16xf32>,
      %mul3A_1354 = arith.mulf %mul3A_1349, %get3A_1353 : vector<16xf32>
      %get3A_1355 = arith.constant 0 : i32
      %get3A_1356 = arith.index_cast %get3A_1355 : i32 to index
      %get3A_1357 = arith.constant 16 : index
      %get3A_1358 = tpu.vector_load %arg45[%get3A_1356, %get3A_1357] {strides = array<i32>} : memref<5x48xf32, #tpu.memory_space<vmem>>, vector<16xf32>,
      %mul3A_1359 = arith.mulf %gather3A_1347, %get3A_1358 : vector<16xf32>
      %add3A_1360 = arith.addf %mul3A_1354, %mul3A_1359 : vector<16xf32>
      %get3A_1361 = arith.constant 0 : i32
      %get3A_1362 = arith.index_cast %get3A_1361 : i32 to index
      %get3A_1363 = arith.constant 32 : index
      %get3A_1364 = tpu.vector_load %arg45[%get3A_1362, %get3A_1363] {strides = array<i32>} : memref<5x48xf32, #tpu.memory_space<vmem>>, vector<16xf32>,
      %mul3A_1365 = arith.mulf %gather3A_1348, %get3A_1364 : vector<16xf32>
      %add3A_1366 = arith.addf %add3A_1360, %mul3A_1365 : vector<16xf32>
      %reduce_sum3A_1367 = arith.constant true
      %reduce_sum3A_1368 = vector.broadcast %reduce_sum3A_1367 : i1 to vector<16xi1>
      %reduce_sum3A_1369 = tpu.scan <sum>, %add3A_1366 masked %reduce_sum3A_1368 : vector<16xf32>, vector<16xi1> -> vector<16xf32>
      %reduce_sum3A_1370 = vector.extract %reduce_sum3A_1369[15] : f32 from vector<16xf32>
      %eq3A_1371 = arith.constant 0 : i32
      %eq3A_1372 = vector.broadcast %eq3A_1371 : i32 to vector<16xi32>
      %eq3A_1373 = arith.cmpi eq, %iota3A, %eq3A_1372 : vector<16xi32>
      %add3A_1374 = vector.broadcast %reduce_sum3A_1370 : f32 to vector<16xf32>
      %add3A_1375 = arith.addf %get3A_3, %add3A_1374 : vector<16xf32>
      %select_n3A_1376 = arith.select %eq3A_1373, %add3A_1375, %get3A_3 : vector<16xi1>, vector<16xf32>
      %get3A_1377 = arith.constant 1 : i32
      %get3A_1378 = arith.index_cast %get3A_1377 : i32 to index
      %get3A_1379 = arith.constant 0 : index
      %get3A_1380 = tpu.vector_load %arg45[%get3A_1378, %get3A_1379] {strides = array<i32>} : memref<5x48xf32, #tpu.memory_space<vmem>>, vector<16xf32>,
      %mul3A_1381 = arith.mulf %mul3A_1349, %get3A_1380 : vector<16xf32>
      %get3A_1382 = arith.constant 1 : i32
      %get3A_1383 = arith.index_cast %get3A_1382 : i32 to index
      %get3A_1384 = arith.constant 16 : index
      %get3A_1385 = tpu.vector_load %arg45[%get3A_1383, %get3A_1384] {strides = array<i32>} : memref<5x48xf32, #tpu.memory_space<vmem>>, vector<16xf32>,
      %mul3A_1386 = arith.mulf %gather3A_1347, %get3A_1385 : vector<16xf32>
      %add3A_1387 = arith.addf %mul3A_1381, %mul3A_1386 : vector<16xf32>
      %get3A_1388 = arith.constant 1 : i32
      %get3A_1389 = arith.index_cast %get3A_1388 : i32 to index
      %get3A_1390 = arith.constant 32 : index
      %get3A_1391 = tpu.vector_load %arg45[%get3A_1389, %get3A_1390] {strides = array<i32>} : memref<5x48xf32, #tpu.memory_space<vmem>>, vector<16xf32>,
      %mul3A_1392 = arith.mulf %gather3A_1348, %get3A_1391 : vector<16xf32>
      %add3A_1393 = arith.addf %add3A_1387, %mul3A_1392 : vector<16xf32>
      %reduce_sum3A_1394 = arith.constant true
      %reduce_sum3A_1395 = vector.broadcast %reduce_sum3A_1394 : i1 to vector<16xi1>
      %reduce_sum3A_1396 = tpu.scan <sum>, %add3A_1393 masked %reduce_sum3A_1395 : vector<16xf32>, vector<16xi1> -> vector<16xf32>
      %reduce_sum3A_1397 = vector.extract %reduce_sum3A_1396[15] : f32 from vector<16xf32>
      %eq3A_1398 = arith.constant 1 : i32
      %eq3A_1399 = vector.broadcast %eq3A_1398 : i32 to vector<16xi32>
      %eq3A_1400 = arith.cmpi eq, %iota3A, %eq3A_1399 : vector<16xi32>
      %add3A_1401 = vector.broadcast %reduce_sum3A_1397 : f32 to vector<16xf32>
      %add3A_1402 = arith.addf %select_n3A_1376, %add3A_1401 : vector<16xf32>
      %select_n3A_1403 = arith.select %eq3A_1400, %add3A_1402, %select_n3A_1376 : vector<16xi1>, vector<16xf32>
      %get3A_1404 = arith.constant 2 : i32
      %get3A_1405 = arith.index_cast %get3A_1404 : i32 to index
      %get3A_1406 = arith.constant 0 : index
      %get3A_1407 = tpu.vector_load %arg45[%get3A_1405, %get3A_1406] {strides = array<i32>} : memref<5x48xf32, #tpu.memory_space<vmem>>, vector<16xf32>,
      %mul3A_1408 = arith.mulf %mul3A_1349, %get3A_1407 : vector<16xf32>
      %get3A_1409 = arith.constant 2 : i32
      %get3A_1410 = arith.index_cast %get3A_1409 : i32 to index
      %get3A_1411 = arith.constant 16 : index
      %get3A_1412 = tpu.vector_load %arg45[%get3A_1410, %get3A_1411] {strides = array<i32>} : memref<5x48xf32, #tpu.memory_space<vmem>>, vector<16xf32>,
      %mul3A_1413 = arith.mulf %gather3A_1347, %get3A_1412 : vector<16xf32>
      %add3A_1414 = arith.addf %mul3A_1408, %mul3A_1413 : vector<16xf32>
      %get3A_1415 = arith.constant 2 : i32
      %get3A_1416 = arith.index_cast %get3A_1415 : i32 to index
      %get3A_1417 = arith.constant 32 : index
      %get3A_1418 = tpu.vector_load %arg45[%get3A_1416, %get3A_1417] {strides = array<i32>} : memref<5x48xf32, #tpu.memory_space<vmem>>, vector<16xf32>,
      %mul3A_1419 = arith.mulf %gather3A_1348, %get3A_1418 : vector<16xf32>
      %add3A_1420 = arith.addf %add3A_1414, %mul3A_1419 : vector<16xf32>
      %reduce_sum3A_1421 = arith.constant true
      %reduce_sum3A_1422 = vector.broadcast %reduce_sum3A_1421 : i1 to vector<16xi1>
      %reduce_sum3A_1423 = tpu.scan <sum>, %add3A_1420 masked %reduce_sum3A_1422 : vector<16xf32>, vector<16xi1> -> vector<16xf32>
      %reduce_sum3A_1424 = vector.extract %reduce_sum3A_1423[15] : f32 from vector<16xf32>
      %eq3A_1425 = arith.constant 2 : i32
      %eq3A_1426 = vector.broadcast %eq3A_1425 : i32 to vector<16xi32>
      %eq3A_1427 = arith.cmpi eq, %iota3A, %eq3A_1426 : vector<16xi32>
      %add3A_1428 = vector.broadcast %reduce_sum3A_1424 : f32 to vector<16xf32>
      %add3A_1429 = arith.addf %select_n3A_1403, %add3A_1428 : vector<16xf32>
      %select_n3A_1430 = arith.select %eq3A_1427, %add3A_1429, %select_n3A_1403 : vector<16xi1>, vector<16xf32>
      %get3A_1431 = arith.constant 3 : i32
      %get3A_1432 = arith.index_cast %get3A_1431 : i32 to index
      %get3A_1433 = arith.constant 0 : index
      %get3A_1434 = tpu.vector_load %arg45[%get3A_1432, %get3A_1433] {strides = array<i32>} : memref<5x48xf32, #tpu.memory_space<vmem>>, vector<16xf32>,
      %mul3A_1435 = arith.mulf %mul3A_1349, %get3A_1434 : vector<16xf32>
      %get3A_1436 = arith.constant 3 : i32
      %get3A_1437 = arith.index_cast %get3A_1436 : i32 to index
      %get3A_1438 = arith.constant 16 : index
      %get3A_1439 = tpu.vector_load %arg45[%get3A_1437, %get3A_1438] {strides = array<i32>} : memref<5x48xf32, #tpu.memory_space<vmem>>, vector<16xf32>,
      %mul3A_1440 = arith.mulf %gather3A_1347, %get3A_1439 : vector<16xf32>
      %add3A_1441 = arith.addf %mul3A_1435, %mul3A_1440 : vector<16xf32>
      %get3A_1442 = arith.constant 3 : i32
      %get3A_1443 = arith.index_cast %get3A_1442 : i32 to index
      %get3A_1444 = arith.constant 32 : index
      %get3A_1445 = tpu.vector_load %arg45[%get3A_1443, %get3A_1444] {strides = array<i32>} : memref<5x48xf32, #tpu.memory_space<vmem>>, vector<16xf32>,
      %mul3A_1446 = arith.mulf %gather3A_1348, %get3A_1445 : vector<16xf32>
      %add3A_1447 = arith.addf %add3A_1441, %mul3A_1446 : vector<16xf32>
      %reduce_sum3A_1448 = arith.constant true
      %reduce_sum3A_1449 = vector.broadcast %reduce_sum3A_1448 : i1 to vector<16xi1>
      %reduce_sum3A_1450 = tpu.scan <sum>, %add3A_1447 masked %reduce_sum3A_1449 : vector<16xf32>, vector<16xi1> -> vector<16xf32>
      %reduce_sum3A_1451 = vector.extract %reduce_sum3A_1450[15] : f32 from vector<16xf32>
      %eq3A_1452 = arith.constant 3 : i32
      %eq3A_1453 = vector.broadcast %eq3A_1452 : i32 to vector<16xi32>
      %eq3A_1454 = arith.cmpi eq, %iota3A, %eq3A_1453 : vector<16xi32>
      %add3A_1455 = vector.broadcast %reduce_sum3A_1451 : f32 to vector<16xf32>
      %add3A_1456 = arith.addf %select_n3A_1430, %add3A_1455 : vector<16xf32>
      %select_n3A_1457 = arith.select %eq3A_1454, %add3A_1456, %select_n3A_1430 : vector<16xi1>, vector<16xf32>
      %get3A_1458 = arith.constant 4 : i32
      %get3A_1459 = arith.index_cast %get3A_1458 : i32 to index
      %get3A_1460 = arith.constant 0 : index
      %get3A_1461 = tpu.vector_load %arg45[%get3A_1459, %get3A_1460] {strides = array<i32>} : memref<5x48xf32, #tpu.memory_space<vmem>>, vector<16xf32>,
      %mul3A_1462 = arith.mulf %mul3A_1349, %get3A_1461 : vector<16xf32>
      %get3A_1463 = arith.constant 4 : i32
      %get3A_1464 = arith.index_cast %get3A_1463 : i32 to index
      %get3A_1465 = arith.constant 16 : index
      %get3A_1466 = tpu.vector_load %arg45[%get3A_1464, %get3A_1465] {strides = array<i32>} : memref<5x48xf32, #tpu.memory_space<vmem>>, vector<16xf32>,
      %mul3A_1467 = arith.mulf %gather3A_1347, %get3A_1466 : vector<16xf32>
      %add3A_1468 = arith.addf %mul3A_1462, %mul3A_1467 : vector<16xf32>
      %get3A_1469 = arith.constant 4 : i32
      %get3A_1470 = arith.index_cast %get3A_1469 : i32 to index
      %get3A_1471 = arith.constant 32 : index
      %get3A_1472 = tpu.vector_load %arg45[%get3A_1470, %get3A_1471] {strides = array<i32>} : memref<5x48xf32, #tpu.memory_space<vmem>>, vector<16xf32>,
      %mul3A_1473 = arith.mulf %gather3A_1348, %get3A_1472 : vector<16xf32>
      %add3A_1474 = arith.addf %add3A_1468, %mul3A_1473 : vector<16xf32>
      %reduce_sum3A_1475 = arith.constant true
      %reduce_sum3A_1476 = vector.broadcast %reduce_sum3A_1475 : i1 to vector<16xi1>
      %reduce_sum3A_1477 = tpu.scan <sum>, %add3A_1474 masked %reduce_sum3A_1476 : vector<16xf32>, vector<16xi1> -> vector<16xf32>
      %reduce_sum3A_1478 = vector.extract %reduce_sum3A_1477[15] : f32 from vector<16xf32>
      %eq3A_1479 = arith.constant 4 : i32
      %eq3A_1480 = vector.broadcast %eq3A_1479 : i32 to vector<16xi32>
      %eq3A_1481 = arith.cmpi eq, %iota3A, %eq3A_1480 : vector<16xi32>
      %add3A_1482 = vector.broadcast %reduce_sum3A_1478 : f32 to vector<16xf32>
      %add3A_1483 = arith.addf %select_n3A_1457, %add3A_1482 : vector<16xf32>
      %select_n3A_1484 = arith.select %eq3A_1481, %add3A_1483, %select_n3A_1457 : vector<16xi1>, vector<16xf32>
      %mul3A_1485 = arith.constant 16 : i32
      %mul3A_1486 = arith.muli %scan3A_247, %mul3A_1485 : i32
      %add3A_1487 = arith.constant 5 : i32
      %add3A_1488 = arith.addi %mul3A_1486, %add3A_1487 : i32
      %add3A_1489 = arith.constant 0 : i32
      %add3A_1490 = arith.addi %add3A_1488, %add3A_1489 : i32
      %broadcast_in_dim3A_1491 = vector.broadcast %add3A_1490 : i32 to vector<16xi32>
      tpu.vector_store_idx %arg47[%iota3A, %broadcast_in_dim3A_1491], %select_n3A_1484 : memref<16x512xf32, #tpu.memory_space<vmem>>[vector<16xi32>, vector<16xi32>], vector<16xf32>,
      %slice3A_1492 = vector.extract_strided_slice %get3A_251 {offsets = [13], sizes = [1], strides = [1]} : vector<16xi32> to vector<1xi32>
      %squeeze3A_1493 = vector.extract %slice3A_1492[0] : i32 from vector<1xi32>
      %slice3A_1494 = vector.extract_strided_slice %get3A_253 {offsets = [13], sizes = [1], strides = [1]} : vector<16xi32> to vector<1xi32>
      %squeeze3A_1495 = vector.extract %slice3A_1494[0] : i32 from vector<1xi32>
      %shift_right_arithmetic3A_1496 = arith.constant 7 : i32
      %shift_right_arithmetic3A_1497 = arith.shrsi %squeeze3A_1493, %shift_right_arithmetic3A_1496 : i32
      %shift_left3A_1498 = arith.constant 7 : i32
      %shift_left3A_1499 = arith.shli %shift_right_arithmetic3A_1497, %shift_left3A_1498 : i32
      %multiple_of3A_1500 = tpu.assume_multiple %shift_left3A_1499, 128 : i32
      %shift_right_arithmetic3A_1501 = arith.constant 7 : i32
      %shift_right_arithmetic3A_1502 = arith.shrsi %squeeze3A_1495, %shift_right_arithmetic3A_1501 : i32
      %shift_left3A_1503 = arith.constant 7 : i32
      %shift_left3A_1504 = arith.shli %shift_right_arithmetic3A_1502, %shift_left3A_1503 : i32
      %multiple_of3A_1505 = tpu.assume_multiple %shift_left3A_1504, 128 : i32
      %dma_start3A_1506 = arith.constant 0 : i32
      %dma_start3A_1507 = tpu.memref_slice %arg4[%dma_start3A_1506, %multiple_of3A_1500] : memref<16x1000000xf32, #tpu.memory_space<hbm>> -> memref<16x128xf32, #tpu.memory_space<hbm>>
      %dma_start3A_1508 = arith.constant 0 : i32
      %dma_start3A_1509 = tpu.memref_slice %arg4[%dma_start3A_1508, %multiple_of3A_1500] : memref<16x1000000xf32, #tpu.memory_space<hbm>> -> memref<16x128xf32, #tpu.memory_space<hbm>>
      tpu.enqueue_dma source(%dma_start3A_1509 : memref<16x128xf32, #tpu.memory_space<hbm>>) target(%arg33 : memref<16x128xf32, #tpu.memory_space<vmem>>) target_semaphore(%arg53 : memref<!tpu.dma_semaphore, #tpu.memory_space<semaphore_mem>>)
      %dma_start3A_1510 = arith.constant 0 : i32
      %dma_start3A_1511 = tpu.memref_slice %arg5[%dma_start3A_1510, %multiple_of3A_1505] : memref<16x1000000xf32, #tpu.memory_space<hbm>> -> memref<16x128xf32, #tpu.memory_space<hbm>>
      %dma_start3A_1512 = arith.constant 0 : i32
      %dma_start3A_1513 = tpu.memref_slice %arg5[%dma_start3A_1512, %multiple_of3A_1505] : memref<16x1000000xf32, #tpu.memory_space<hbm>> -> memref<16x128xf32, #tpu.memory_space<hbm>>
      tpu.enqueue_dma source(%dma_start3A_1513 : memref<16x128xf32, #tpu.memory_space<hbm>>) target(%arg34 : memref<16x128xf32, #tpu.memory_space<vmem>>) target_semaphore(%arg53 : memref<!tpu.dma_semaphore, #tpu.memory_space<semaphore_mem>>)
      %dma_start3A_1514 = arith.constant 0 : i32
      %dma_start3A_1515 = tpu.memref_slice %arg6[%dma_start3A_1514, %multiple_of3A_1500] : memref<16x1000000xf32, #tpu.memory_space<hbm>> -> memref<16x128xf32, #tpu.memory_space<hbm>>
      %dma_start3A_1516 = arith.constant 0 : i32
      %dma_start3A_1517 = tpu.memref_slice %arg6[%dma_start3A_1516, %multiple_of3A_1500] : memref<16x1000000xf32, #tpu.memory_space<hbm>> -> memref<16x128xf32, #tpu.memory_space<hbm>>
      tpu.enqueue_dma source(%dma_start3A_1517 : memref<16x128xf32, #tpu.memory_space<hbm>>) target(%arg35 : memref<16x128xf32, #tpu.memory_space<vmem>>) target_semaphore(%arg53 : memref<!tpu.dma_semaphore, #tpu.memory_space<semaphore_mem>>)
      %dma_start3A_1518 = arith.constant 0 : i32
      %dma_start3A_1519 = tpu.memref_slice %arg7[%dma_start3A_1518, %multiple_of3A_1505] : memref<16x1000000xf32, #tpu.memory_space<hbm>> -> memref<16x128xf32, #tpu.memory_space<hbm>>
      %dma_start3A_1520 = arith.constant 0 : i32
      %dma_start3A_1521 = tpu.memref_slice %arg7[%dma_start3A_1520, %multiple_of3A_1505] : memref<16x1000000xf32, #tpu.memory_space<hbm>> -> memref<16x128xf32, #tpu.memory_space<hbm>>
      tpu.enqueue_dma source(%dma_start3A_1521 : memref<16x128xf32, #tpu.memory_space<hbm>>) target(%arg36 : memref<16x128xf32, #tpu.memory_space<vmem>>) target_semaphore(%arg53 : memref<!tpu.dma_semaphore, #tpu.memory_space<semaphore_mem>>)
      %dma_wait3A_1522 = arith.constant 0 : i32
      %dma_wait3A_1523 = arith.constant 0 : i32
      %dma_wait3A_1524 = tpu.memref_slice %arg4[%dma_wait3A_1522, %dma_wait3A_1523] : memref<16x1000000xf32, #tpu.memory_space<hbm>> -> memref<16x128xf32, #tpu.memory_space<hbm>>
      %dma_wait3A_1525 = arith.constant 0 : i32
      %dma_wait3A_1526 = arith.constant 0 : i32
      %dma_wait3A_1527 = tpu.memref_slice %arg4[%dma_wait3A_1525, %dma_wait3A_1526] : memref<16x1000000xf32, #tpu.memory_space<hbm>> -> memref<16x128xf32, #tpu.memory_space<hbm>>
      tpu.wait_dma2 semaphore(%arg54 : memref<!tpu.dma_semaphore, #tpu.memory_space<semaphore_mem>>) src(%dma_wait3A_1527 : memref<16x128xf32, #tpu.memory_space<hbm>>) dst(%arg37 : memref<16x128xf32, #tpu.memory_space<vmem>>)
      %dma_wait3A_1528 = arith.constant 0 : i32
      %dma_wait3A_1529 = arith.constant 0 : i32
      %dma_wait3A_1530 = tpu.memref_slice %arg5[%dma_wait3A_1528, %dma_wait3A_1529] : memref<16x1000000xf32, #tpu.memory_space<hbm>> -> memref<16x128xf32, #tpu.memory_space<hbm>>
      %dma_wait3A_1531 = arith.constant 0 : i32
      %dma_wait3A_1532 = arith.constant 0 : i32
      %dma_wait3A_1533 = tpu.memref_slice %arg5[%dma_wait3A_1531, %dma_wait3A_1532] : memref<16x1000000xf32, #tpu.memory_space<hbm>> -> memref<16x128xf32, #tpu.memory_space<hbm>>
      tpu.wait_dma2 semaphore(%arg54 : memref<!tpu.dma_semaphore, #tpu.memory_space<semaphore_mem>>) src(%dma_wait3A_1533 : memref<16x128xf32, #tpu.memory_space<hbm>>) dst(%arg38 : memref<16x128xf32, #tpu.memory_space<vmem>>)
      %dma_wait3A_1534 = arith.constant 0 : i32
      %dma_wait3A_1535 = arith.constant 0 : i32
      %dma_wait3A_1536 = tpu.memref_slice %arg6[%dma_wait3A_1534, %dma_wait3A_1535] : memref<16x1000000xf32, #tpu.memory_space<hbm>> -> memref<16x128xf32, #tpu.memory_space<hbm>>
      %dma_wait3A_1537 = arith.constant 0 : i32
      %dma_wait3A_1538 = arith.constant 0 : i32
      %dma_wait3A_1539 = tpu.memref_slice %arg6[%dma_wait3A_1537, %dma_wait3A_1538] : memref<16x1000000xf32, #tpu.memory_space<hbm>> -> memref<16x128xf32, #tpu.memory_space<hbm>>
      tpu.wait_dma2 semaphore(%arg54 : memref<!tpu.dma_semaphore, #tpu.memory_space<semaphore_mem>>) src(%dma_wait3A_1539 : memref<16x128xf32, #tpu.memory_space<hbm>>) dst(%arg39 : memref<16x128xf32, #tpu.memory_space<vmem>>)
      %dma_wait3A_1540 = arith.constant 0 : i32
      %dma_wait3A_1541 = arith.constant 0 : i32
      %dma_wait3A_1542 = tpu.memref_slice %arg7[%dma_wait3A_1540, %dma_wait3A_1541] : memref<16x1000000xf32, #tpu.memory_space<hbm>> -> memref<16x128xf32, #tpu.memory_space<hbm>>
      %dma_wait3A_1543 = arith.constant 0 : i32
      %dma_wait3A_1544 = arith.constant 0 : i32
      %dma_wait3A_1545 = tpu.memref_slice %arg7[%dma_wait3A_1543, %dma_wait3A_1544] : memref<16x1000000xf32, #tpu.memory_space<hbm>> -> memref<16x128xf32, #tpu.memory_space<hbm>>
      tpu.wait_dma2 semaphore(%arg54 : memref<!tpu.dma_semaphore, #tpu.memory_space<semaphore_mem>>) src(%dma_wait3A_1545 : memref<16x128xf32, #tpu.memory_space<hbm>>) dst(%arg40 : memref<16x128xf32, #tpu.memory_space<vmem>>)
      %slice3A_1546 = vector.extract_strided_slice %get3A_251 {offsets = [6], sizes = [1], strides = [1]} : vector<16xi32> to vector<1xi32>
      %squeeze3A_1547 = vector.extract %slice3A_1546[0] : i32 from vector<1xi32>
      %slice3A_1548 = vector.extract_strided_slice %get3A_253 {offsets = [6], sizes = [1], strides = [1]} : vector<16xi32> to vector<1xi32>
      %squeeze3A_1549 = vector.extract %slice3A_1548[0] : i32 from vector<1xi32>
      %and3A_1550 = arith.constant 127 : i32
      %and3A_1551 = arith.andi %squeeze3A_1547, %and3A_1550 : i32
      %broadcast_in_dim3A_1552 = vector.broadcast %and3A_1551 : i32 to vector<16xi32>
      %and3A_1553 = arith.constant 127 : i32
      %and3A_1554 = arith.andi %squeeze3A_1549, %and3A_1553 : i32
      %broadcast_in_dim3A_1555 = vector.broadcast %and3A_1554 : i32 to vector<16xi32>
      %gather3A_1556 = tpu.vector_load_idx %arg37[%iota3A, %broadcast_in_dim3A_1552] : memref<16x128xf32, #tpu.memory_space<vmem>>[vector<16xi32>, vector<16xi32>], vector<16xf32>,
      %gather3A_1557 = tpu.vector_load_idx %arg38[%iota3A, %broadcast_in_dim3A_1555] : memref<16x128xf32, #tpu.memory_space<vmem>>[vector<16xi32>, vector<16xi32>], vector<16xf32>,
      %gather3A_1558 = tpu.vector_load_idx %arg39[%iota3A, %broadcast_in_dim3A_1552] : memref<16x128xf32, #tpu.memory_space<vmem>>[vector<16xi32>, vector<16xi32>], vector<16xf32>,
      %gather3A_1559 = tpu.vector_load_idx %arg40[%iota3A, %broadcast_in_dim3A_1555] : memref<16x128xf32, #tpu.memory_space<vmem>>[vector<16xi32>, vector<16xi32>], vector<16xf32>,
      %mul3A_1560 = arith.mulf %gather3A_1556, %gather3A_1557 : vector<16xf32>
      %get3A_1561 = arith.constant 0 : i32
      %get3A_1562 = arith.index_cast %get3A_1561 : i32 to index
      %get3A_1563 = arith.constant 0 : index
      %get3A_1564 = tpu.vector_load %arg45[%get3A_1562, %get3A_1563] {strides = array<i32>} : memref<5x48xf32, #tpu.memory_space<vmem>>, vector<16xf32>,
      %mul3A_1565 = arith.mulf %mul3A_1560, %get3A_1564 : vector<16xf32>
      %get3A_1566 = arith.constant 0 : i32
      %get3A_1567 = arith.index_cast %get3A_1566 : i32 to index
      %get3A_1568 = arith.constant 16 : index
      %get3A_1569 = tpu.vector_load %arg45[%get3A_1567, %get3A_1568] {strides = array<i32>} : memref<5x48xf32, #tpu.memory_space<vmem>>, vector<16xf32>,
      %mul3A_1570 = arith.mulf %gather3A_1558, %get3A_1569 : vector<16xf32>
      %add3A_1571 = arith.addf %mul3A_1565, %mul3A_1570 : vector<16xf32>
      %get3A_1572 = arith.constant 0 : i32
      %get3A_1573 = arith.index_cast %get3A_1572 : i32 to index
      %get3A_1574 = arith.constant 32 : index
      %get3A_1575 = tpu.vector_load %arg45[%get3A_1573, %get3A_1574] {strides = array<i32>} : memref<5x48xf32, #tpu.memory_space<vmem>>, vector<16xf32>,
      %mul3A_1576 = arith.mulf %gather3A_1559, %get3A_1575 : vector<16xf32>
      %add3A_1577 = arith.addf %add3A_1571, %mul3A_1576 : vector<16xf32>
      %reduce_sum3A_1578 = arith.constant true
      %reduce_sum3A_1579 = vector.broadcast %reduce_sum3A_1578 : i1 to vector<16xi1>
      %reduce_sum3A_1580 = tpu.scan <sum>, %add3A_1577 masked %reduce_sum3A_1579 : vector<16xf32>, vector<16xi1> -> vector<16xf32>
      %reduce_sum3A_1581 = vector.extract %reduce_sum3A_1580[15] : f32 from vector<16xf32>
      %eq3A_1582 = arith.constant 0 : i32
      %eq3A_1583 = vector.broadcast %eq3A_1582 : i32 to vector<16xi32>
      %eq3A_1584 = arith.cmpi eq, %iota3A, %eq3A_1583 : vector<16xi32>
      %add3A_1585 = vector.broadcast %reduce_sum3A_1581 : f32 to vector<16xf32>
      %add3A_1586 = arith.addf %get3A_3, %add3A_1585 : vector<16xf32>
      %select_n3A_1587 = arith.select %eq3A_1584, %add3A_1586, %get3A_3 : vector<16xi1>, vector<16xf32>
      %get3A_1588 = arith.constant 1 : i32
      %get3A_1589 = arith.index_cast %get3A_1588 : i32 to index
      %get3A_1590 = arith.constant 0 : index
      %get3A_1591 = tpu.vector_load %arg45[%get3A_1589, %get3A_1590] {strides = array<i32>} : memref<5x48xf32, #tpu.memory_space<vmem>>, vector<16xf32>,
      %mul3A_1592 = arith.mulf %mul3A_1560, %get3A_1591 : vector<16xf32>
      %get3A_1593 = arith.constant 1 : i32
      %get3A_1594 = arith.index_cast %get3A_1593 : i32 to index
      %get3A_1595 = arith.constant 16 : index
      %get3A_1596 = tpu.vector_load %arg45[%get3A_1594, %get3A_1595] {strides = array<i32>} : memref<5x48xf32, #tpu.memory_space<vmem>>, vector<16xf32>,
      %mul3A_1597 = arith.mulf %gather3A_1558, %get3A_1596 : vector<16xf32>
      %add3A_1598 = arith.addf %mul3A_1592, %mul3A_1597 : vector<16xf32>
      %get3A_1599 = arith.constant 1 : i32
      %get3A_1600 = arith.index_cast %get3A_1599 : i32 to index
      %get3A_1601 = arith.constant 32 : index
      %get3A_1602 = tpu.vector_load %arg45[%get3A_1600, %get3A_1601] {strides = array<i32>} : memref<5x48xf32, #tpu.memory_space<vmem>>, vector<16xf32>,
      %mul3A_1603 = arith.mulf %gather3A_1559, %get3A_1602 : vector<16xf32>
      %add3A_1604 = arith.addf %add3A_1598, %mul3A_1603 : vector<16xf32>
      %reduce_sum3A_1605 = arith.constant true
      %reduce_sum3A_1606 = vector.broadcast %reduce_sum3A_1605 : i1 to vector<16xi1>
      %reduce_sum3A_1607 = tpu.scan <sum>, %add3A_1604 masked %reduce_sum3A_1606 : vector<16xf32>, vector<16xi1> -> vector<16xf32>
      %reduce_sum3A_1608 = vector.extract %reduce_sum3A_1607[15] : f32 from vector<16xf32>
      %eq3A_1609 = arith.constant 1 : i32
      %eq3A_1610 = vector.broadcast %eq3A_1609 : i32 to vector<16xi32>
      %eq3A_1611 = arith.cmpi eq, %iota3A, %eq3A_1610 : vector<16xi32>
      %add3A_1612 = vector.broadcast %reduce_sum3A_1608 : f32 to vector<16xf32>
      %add3A_1613 = arith.addf %select_n3A_1587, %add3A_1612 : vector<16xf32>
      %select_n3A_1614 = arith.select %eq3A_1611, %add3A_1613, %select_n3A_1587 : vector<16xi1>, vector<16xf32>
      %get3A_1615 = arith.constant 2 : i32
      %get3A_1616 = arith.index_cast %get3A_1615 : i32 to index
      %get3A_1617 = arith.constant 0 : index
      %get3A_1618 = tpu.vector_load %arg45[%get3A_1616, %get3A_1617] {strides = array<i32>} : memref<5x48xf32, #tpu.memory_space<vmem>>, vector<16xf32>,
      %mul3A_1619 = arith.mulf %mul3A_1560, %get3A_1618 : vector<16xf32>
      %get3A_1620 = arith.constant 2 : i32
      %get3A_1621 = arith.index_cast %get3A_1620 : i32 to index
      %get3A_1622 = arith.constant 16 : index
      %get3A_1623 = tpu.vector_load %arg45[%get3A_1621, %get3A_1622] {strides = array<i32>} : memref<5x48xf32, #tpu.memory_space<vmem>>, vector<16xf32>,
      %mul3A_1624 = arith.mulf %gather3A_1558, %get3A_1623 : vector<16xf32>
      %add3A_1625 = arith.addf %mul3A_1619, %mul3A_1624 : vector<16xf32>
      %get3A_1626 = arith.constant 2 : i32
      %get3A_1627 = arith.index_cast %get3A_1626 : i32 to index
      %get3A_1628 = arith.constant 32 : index
      %get3A_1629 = tpu.vector_load %arg45[%get3A_1627, %get3A_1628] {strides = array<i32>} : memref<5x48xf32, #tpu.memory_space<vmem>>, vector<16xf32>,
      %mul3A_1630 = arith.mulf %gather3A_1559, %get3A_1629 : vector<16xf32>
      %add3A_1631 = arith.addf %add3A_1625, %mul3A_1630 : vector<16xf32>
      %reduce_sum3A_1632 = arith.constant true
      %reduce_sum3A_1633 = vector.broadcast %reduce_sum3A_1632 : i1 to vector<16xi1>
      %reduce_sum3A_1634 = tpu.scan <sum>, %add3A_1631 masked %reduce_sum3A_1633 : vector<16xf32>, vector<16xi1> -> vector<16xf32>
      %reduce_sum3A_1635 = vector.extract %reduce_sum3A_1634[15] : f32 from vector<16xf32>
      %eq3A_1636 = arith.constant 2 : i32
      %eq3A_1637 = vector.broadcast %eq3A_1636 : i32 to vector<16xi32>
      %eq3A_1638 = arith.cmpi eq, %iota3A, %eq3A_1637 : vector<16xi32>
      %add3A_1639 = vector.broadcast %reduce_sum3A_1635 : f32 to vector<16xf32>
      %add3A_1640 = arith.addf %select_n3A_1614, %add3A_1639 : vector<16xf32>
      %select_n3A_1641 = arith.select %eq3A_1638, %add3A_1640, %select_n3A_1614 : vector<16xi1>, vector<16xf32>
      %get3A_1642 = arith.constant 3 : i32
      %get3A_1643 = arith.index_cast %get3A_1642 : i32 to index
      %get3A_1644 = arith.constant 0 : index
      %get3A_1645 = tpu.vector_load %arg45[%get3A_1643, %get3A_1644] {strides = array<i32>} : memref<5x48xf32, #tpu.memory_space<vmem>>, vector<16xf32>,
      %mul3A_1646 = arith.mulf %mul3A_1560, %get3A_1645 : vector<16xf32>
      %get3A_1647 = arith.constant 3 : i32
      %get3A_1648 = arith.index_cast %get3A_1647 : i32 to index
      %get3A_1649 = arith.constant 16 : index
      %get3A_1650 = tpu.vector_load %arg45[%get3A_1648, %get3A_1649] {strides = array<i32>} : memref<5x48xf32, #tpu.memory_space<vmem>>, vector<16xf32>,
      %mul3A_1651 = arith.mulf %gather3A_1558, %get3A_1650 : vector<16xf32>
      %add3A_1652 = arith.addf %mul3A_1646, %mul3A_1651 : vector<16xf32>
      %get3A_1653 = arith.constant 3 : i32
      %get3A_1654 = arith.index_cast %get3A_1653 : i32 to index
      %get3A_1655 = arith.constant 32 : index
      %get3A_1656 = tpu.vector_load %arg45[%get3A_1654, %get3A_1655] {strides = array<i32>} : memref<5x48xf32, #tpu.memory_space<vmem>>, vector<16xf32>,
      %mul3A_1657 = arith.mulf %gather3A_1559, %get3A_1656 : vector<16xf32>
      %add3A_1658 = arith.addf %add3A_1652, %mul3A_1657 : vector<16xf32>
      %reduce_sum3A_1659 = arith.constant true
      %reduce_sum3A_1660 = vector.broadcast %reduce_sum3A_1659 : i1 to vector<16xi1>
      %reduce_sum3A_1661 = tpu.scan <sum>, %add3A_1658 masked %reduce_sum3A_1660 : vector<16xf32>, vector<16xi1> -> vector<16xf32>
      %reduce_sum3A_1662 = vector.extract %reduce_sum3A_1661[15] : f32 from vector<16xf32>
      %eq3A_1663 = arith.constant 3 : i32
      %eq3A_1664 = vector.broadcast %eq3A_1663 : i32 to vector<16xi32>
      %eq3A_1665 = arith.cmpi eq, %iota3A, %eq3A_1664 : vector<16xi32>
      %add3A_1666 = vector.broadcast %reduce_sum3A_1662 : f32 to vector<16xf32>
      %add3A_1667 = arith.addf %select_n3A_1641, %add3A_1666 : vector<16xf32>
      %select_n3A_1668 = arith.select %eq3A_1665, %add3A_1667, %select_n3A_1641 : vector<16xi1>, vector<16xf32>
      %get3A_1669 = arith.constant 4 : i32
      %get3A_1670 = arith.index_cast %get3A_1669 : i32 to index
      %get3A_1671 = arith.constant 0 : index
      %get3A_1672 = tpu.vector_load %arg45[%get3A_1670, %get3A_1671] {strides = array<i32>} : memref<5x48xf32, #tpu.memory_space<vmem>>, vector<16xf32>,
      %mul3A_1673 = arith.mulf %mul3A_1560, %get3A_1672 : vector<16xf32>
      %get3A_1674 = arith.constant 4 : i32
      %get3A_1675 = arith.index_cast %get3A_1674 : i32 to index
      %get3A_1676 = arith.constant 16 : index
      %get3A_1677 = tpu.vector_load %arg45[%get3A_1675, %get3A_1676] {strides = array<i32>} : memref<5x48xf32, #tpu.memory_space<vmem>>, vector<16xf32>,
      %mul3A_1678 = arith.mulf %gather3A_1558, %get3A_1677 : vector<16xf32>
      %add3A_1679 = arith.addf %mul3A_1673, %mul3A_1678 : vector<16xf32>
      %get3A_1680 = arith.constant 4 : i32
      %get3A_1681 = arith.index_cast %get3A_1680 : i32 to index
      %get3A_1682 = arith.constant 32 : index
      %get3A_1683 = tpu.vector_load %arg45[%get3A_1681, %get3A_1682] {strides = array<i32>} : memref<5x48xf32, #tpu.memory_space<vmem>>, vector<16xf32>,
      %mul3A_1684 = arith.mulf %gather3A_1559, %get3A_1683 : vector<16xf32>
      %add3A_1685 = arith.addf %add3A_1679, %mul3A_1684 : vector<16xf32>
      %reduce_sum3A_1686 = arith.constant true
      %reduce_sum3A_1687 = vector.broadcast %reduce_sum3A_1686 : i1 to vector<16xi1>
      %reduce_sum3A_1688 = tpu.scan <sum>, %add3A_1685 masked %reduce_sum3A_1687 : vector<16xf32>, vector<16xi1> -> vector<16xf32>
      %reduce_sum3A_1689 = vector.extract %reduce_sum3A_1688[15] : f32 from vector<16xf32>
      %eq3A_1690 = arith.constant 4 : i32
      %eq3A_1691 = vector.broadcast %eq3A_1690 : i32 to vector<16xi32>
      %eq3A_1692 = arith.cmpi eq, %iota3A, %eq3A_1691 : vector<16xi32>
      %add3A_1693 = vector.broadcast %reduce_sum3A_1689 : f32 to vector<16xf32>
      %add3A_1694 = arith.addf %select_n3A_1668, %add3A_1693 : vector<16xf32>
      %select_n3A_1695 = arith.select %eq3A_1692, %add3A_1694, %select_n3A_1668 : vector<16xi1>, vector<16xf32>
      %mul3A_1696 = arith.constant 16 : i32
      %mul3A_1697 = arith.muli %scan3A_247, %mul3A_1696 : i32
      %add3A_1698 = arith.constant 6 : i32
      %add3A_1699 = arith.addi %mul3A_1697, %add3A_1698 : i32
      %add3A_1700 = arith.constant 0 : i32
      %add3A_1701 = arith.addi %add3A_1699, %add3A_1700 : i32
      %broadcast_in_dim3A_1702 = vector.broadcast %add3A_1701 : i32 to vector<16xi32>
      tpu.vector_store_idx %arg47[%iota3A, %broadcast_in_dim3A_1702], %select_n3A_1695 : memref<16x512xf32, #tpu.memory_space<vmem>>[vector<16xi32>, vector<16xi32>], vector<16xf32>,
      %slice3A_1703 = vector.extract_strided_slice %get3A_251 {offsets = [14], sizes = [1], strides = [1]} : vector<16xi32> to vector<1xi32>
      %squeeze3A_1704 = vector.extract %slice3A_1703[0] : i32 from vector<1xi32>
      %slice3A_1705 = vector.extract_strided_slice %get3A_253 {offsets = [14], sizes = [1], strides = [1]} : vector<16xi32> to vector<1xi32>
      %squeeze3A_1706 = vector.extract %slice3A_1705[0] : i32 from vector<1xi32>
      %shift_right_arithmetic3A_1707 = arith.constant 7 : i32
      %shift_right_arithmetic3A_1708 = arith.shrsi %squeeze3A_1704, %shift_right_arithmetic3A_1707 : i32
      %shift_left3A_1709 = arith.constant 7 : i32
      %shift_left3A_1710 = arith.shli %shift_right_arithmetic3A_1708, %shift_left3A_1709 : i32
      %multiple_of3A_1711 = tpu.assume_multiple %shift_left3A_1710, 128 : i32
      %shift_right_arithmetic3A_1712 = arith.constant 7 : i32
      %shift_right_arithmetic3A_1713 = arith.shrsi %squeeze3A_1706, %shift_right_arithmetic3A_1712 : i32
      %shift_left3A_1714 = arith.constant 7 : i32
      %shift_left3A_1715 = arith.shli %shift_right_arithmetic3A_1713, %shift_left3A_1714 : i32
      %multiple_of3A_1716 = tpu.assume_multiple %shift_left3A_1715, 128 : i32
      %dma_start3A_1717 = arith.constant 0 : i32
      %dma_start3A_1718 = tpu.memref_slice %arg4[%dma_start3A_1717, %multiple_of3A_1711] : memref<16x1000000xf32, #tpu.memory_space<hbm>> -> memref<16x128xf32, #tpu.memory_space<hbm>>
      %dma_start3A_1719 = arith.constant 0 : i32
      %dma_start3A_1720 = tpu.memref_slice %arg4[%dma_start3A_1719, %multiple_of3A_1711] : memref<16x1000000xf32, #tpu.memory_space<hbm>> -> memref<16x128xf32, #tpu.memory_space<hbm>>
      tpu.enqueue_dma source(%dma_start3A_1720 : memref<16x128xf32, #tpu.memory_space<hbm>>) target(%arg37 : memref<16x128xf32, #tpu.memory_space<vmem>>) target_semaphore(%arg54 : memref<!tpu.dma_semaphore, #tpu.memory_space<semaphore_mem>>)
      %dma_start3A_1721 = arith.constant 0 : i32
      %dma_start3A_1722 = tpu.memref_slice %arg5[%dma_start3A_1721, %multiple_of3A_1716] : memref<16x1000000xf32, #tpu.memory_space<hbm>> -> memref<16x128xf32, #tpu.memory_space<hbm>>
      %dma_start3A_1723 = arith.constant 0 : i32
      %dma_start3A_1724 = tpu.memref_slice %arg5[%dma_start3A_1723, %multiple_of3A_1716] : memref<16x1000000xf32, #tpu.memory_space<hbm>> -> memref<16x128xf32, #tpu.memory_space<hbm>>
      tpu.enqueue_dma source(%dma_start3A_1724 : memref<16x128xf32, #tpu.memory_space<hbm>>) target(%arg38 : memref<16x128xf32, #tpu.memory_space<vmem>>) target_semaphore(%arg54 : memref<!tpu.dma_semaphore, #tpu.memory_space<semaphore_mem>>)
      %dma_start3A_1725 = arith.constant 0 : i32
      %dma_start3A_1726 = tpu.memref_slice %arg6[%dma_start3A_1725, %multiple_of3A_1711] : memref<16x1000000xf32, #tpu.memory_space<hbm>> -> memref<16x128xf32, #tpu.memory_space<hbm>>
      %dma_start3A_1727 = arith.constant 0 : i32
      %dma_start3A_1728 = tpu.memref_slice %arg6[%dma_start3A_1727, %multiple_of3A_1711] : memref<16x1000000xf32, #tpu.memory_space<hbm>> -> memref<16x128xf32, #tpu.memory_space<hbm>>
      tpu.enqueue_dma source(%dma_start3A_1728 : memref<16x128xf32, #tpu.memory_space<hbm>>) target(%arg39 : memref<16x128xf32, #tpu.memory_space<vmem>>) target_semaphore(%arg54 : memref<!tpu.dma_semaphore, #tpu.memory_space<semaphore_mem>>)
      %dma_start3A_1729 = arith.constant 0 : i32
      %dma_start3A_1730 = tpu.memref_slice %arg7[%dma_start3A_1729, %multiple_of3A_1716] : memref<16x1000000xf32, #tpu.memory_space<hbm>> -> memref<16x128xf32, #tpu.memory_space<hbm>>
      %dma_start3A_1731 = arith.constant 0 : i32
      %dma_start3A_1732 = tpu.memref_slice %arg7[%dma_start3A_1731, %multiple_of3A_1716] : memref<16x1000000xf32, #tpu.memory_space<hbm>> -> memref<16x128xf32, #tpu.memory_space<hbm>>
      tpu.enqueue_dma source(%dma_start3A_1732 : memref<16x128xf32, #tpu.memory_space<hbm>>) target(%arg40 : memref<16x128xf32, #tpu.memory_space<vmem>>) target_semaphore(%arg54 : memref<!tpu.dma_semaphore, #tpu.memory_space<semaphore_mem>>)
      %dma_wait3A_1733 = arith.constant 0 : i32
      %dma_wait3A_1734 = arith.constant 0 : i32
      %dma_wait3A_1735 = tpu.memref_slice %arg4[%dma_wait3A_1733, %dma_wait3A_1734] : memref<16x1000000xf32, #tpu.memory_space<hbm>> -> memref<16x128xf32, #tpu.memory_space<hbm>>
      %dma_wait3A_1736 = arith.constant 0 : i32
      %dma_wait3A_1737 = arith.constant 0 : i32
      %dma_wait3A_1738 = tpu.memref_slice %arg4[%dma_wait3A_1736, %dma_wait3A_1737] : memref<16x1000000xf32, #tpu.memory_space<hbm>> -> memref<16x128xf32, #tpu.memory_space<hbm>>
      tpu.wait_dma2 semaphore(%arg55 : memref<!tpu.dma_semaphore, #tpu.memory_space<semaphore_mem>>) src(%dma_wait3A_1738 : memref<16x128xf32, #tpu.memory_space<hbm>>) dst(%arg41 : memref<16x128xf32, #tpu.memory_space<vmem>>)
      %dma_wait3A_1739 = arith.constant 0 : i32
      %dma_wait3A_1740 = arith.constant 0 : i32
      %dma_wait3A_1741 = tpu.memref_slice %arg5[%dma_wait3A_1739, %dma_wait3A_1740] : memref<16x1000000xf32, #tpu.memory_space<hbm>> -> memref<16x128xf32, #tpu.memory_space<hbm>>
      %dma_wait3A_1742 = arith.constant 0 : i32
      %dma_wait3A_1743 = arith.constant 0 : i32
      %dma_wait3A_1744 = tpu.memref_slice %arg5[%dma_wait3A_1742, %dma_wait3A_1743] : memref<16x1000000xf32, #tpu.memory_space<hbm>> -> memref<16x128xf32, #tpu.memory_space<hbm>>
      tpu.wait_dma2 semaphore(%arg55 : memref<!tpu.dma_semaphore, #tpu.memory_space<semaphore_mem>>) src(%dma_wait3A_1744 : memref<16x128xf32, #tpu.memory_space<hbm>>) dst(%arg42 : memref<16x128xf32, #tpu.memory_space<vmem>>)
      %dma_wait3A_1745 = arith.constant 0 : i32
      %dma_wait3A_1746 = arith.constant 0 : i32
      %dma_wait3A_1747 = tpu.memref_slice %arg6[%dma_wait3A_1745, %dma_wait3A_1746] : memref<16x1000000xf32, #tpu.memory_space<hbm>> -> memref<16x128xf32, #tpu.memory_space<hbm>>
      %dma_wait3A_1748 = arith.constant 0 : i32
      %dma_wait3A_1749 = arith.constant 0 : i32
      %dma_wait3A_1750 = tpu.memref_slice %arg6[%dma_wait3A_1748, %dma_wait3A_1749] : memref<16x1000000xf32, #tpu.memory_space<hbm>> -> memref<16x128xf32, #tpu.memory_space<hbm>>
      tpu.wait_dma2 semaphore(%arg55 : memref<!tpu.dma_semaphore, #tpu.memory_space<semaphore_mem>>) src(%dma_wait3A_1750 : memref<16x128xf32, #tpu.memory_space<hbm>>) dst(%arg43 : memref<16x128xf32, #tpu.memory_space<vmem>>)
      %dma_wait3A_1751 = arith.constant 0 : i32
      %dma_wait3A_1752 = arith.constant 0 : i32
      %dma_wait3A_1753 = tpu.memref_slice %arg7[%dma_wait3A_1751, %dma_wait3A_1752] : memref<16x1000000xf32, #tpu.memory_space<hbm>> -> memref<16x128xf32, #tpu.memory_space<hbm>>
      %dma_wait3A_1754 = arith.constant 0 : i32
      %dma_wait3A_1755 = arith.constant 0 : i32
      %dma_wait3A_1756 = tpu.memref_slice %arg7[%dma_wait3A_1754, %dma_wait3A_1755] : memref<16x1000000xf32, #tpu.memory_space<hbm>> -> memref<16x128xf32, #tpu.memory_space<hbm>>
      tpu.wait_dma2 semaphore(%arg55 : memref<!tpu.dma_semaphore, #tpu.memory_space<semaphore_mem>>) src(%dma_wait3A_1756 : memref<16x128xf32, #tpu.memory_space<hbm>>) dst(%arg44 : memref<16x128xf32, #tpu.memory_space<vmem>>)
      %slice3A_1757 = vector.extract_strided_slice %get3A_251 {offsets = [7], sizes = [1], strides = [1]} : vector<16xi32> to vector<1xi32>
      %squeeze3A_1758 = vector.extract %slice3A_1757[0] : i32 from vector<1xi32>
      %slice3A_1759 = vector.extract_strided_slice %get3A_253 {offsets = [7], sizes = [1], strides = [1]} : vector<16xi32> to vector<1xi32>
      %squeeze3A_1760 = vector.extract %slice3A_1759[0] : i32 from vector<1xi32>
      %and3A_1761 = arith.constant 127 : i32
      %and3A_1762 = arith.andi %squeeze3A_1758, %and3A_1761 : i32
      %broadcast_in_dim3A_1763 = vector.broadcast %and3A_1762 : i32 to vector<16xi32>
      %and3A_1764 = arith.constant 127 : i32
      %and3A_1765 = arith.andi %squeeze3A_1760, %and3A_1764 : i32
      %broadcast_in_dim3A_1766 = vector.broadcast %and3A_1765 : i32 to vector<16xi32>
      %gather3A_1767 = tpu.vector_load_idx %arg41[%iota3A, %broadcast_in_dim3A_1763] : memref<16x128xf32, #tpu.memory_space<vmem>>[vector<16xi32>, vector<16xi32>], vector<16xf32>,
      %gather3A_1768 = tpu.vector_load_idx %arg42[%iota3A, %broadcast_in_dim3A_1766] : memref<16x128xf32, #tpu.memory_space<vmem>>[vector<16xi32>, vector<16xi32>], vector<16xf32>,
      %gather3A_1769 = tpu.vector_load_idx %arg43[%iota3A, %broadcast_in_dim3A_1763] : memref<16x128xf32, #tpu.memory_space<vmem>>[vector<16xi32>, vector<16xi32>], vector<16xf32>,
      %gather3A_1770 = tpu.vector_load_idx %arg44[%iota3A, %broadcast_in_dim3A_1766] : memref<16x128xf32, #tpu.memory_space<vmem>>[vector<16xi32>, vector<16xi32>], vector<16xf32>,
      %mul3A_1771 = arith.mulf %gather3A_1767, %gather3A_1768 : vector<16xf32>
      %get3A_1772 = arith.constant 0 : i32
      %get3A_1773 = arith.index_cast %get3A_1772 : i32 to index
      %get3A_1774 = arith.constant 0 : index
      %get3A_1775 = tpu.vector_load %arg45[%get3A_1773, %get3A_1774] {strides = array<i32>} : memref<5x48xf32, #tpu.memory_space<vmem>>, vector<16xf32>,
      %mul3A_1776 = arith.mulf %mul3A_1771, %get3A_1775 : vector<16xf32>
      %get3A_1777 = arith.constant 0 : i32
      %get3A_1778 = arith.index_cast %get3A_1777 : i32 to index
      %get3A_1779 = arith.constant 16 : index
      %get3A_1780 = tpu.vector_load %arg45[%get3A_1778, %get3A_1779] {strides = array<i32>} : memref<5x48xf32, #tpu.memory_space<vmem>>, vector<16xf32>,
      %mul3A_1781 = arith.mulf %gather3A_1769, %get3A_1780 : vector<16xf32>
      %add3A_1782 = arith.addf %mul3A_1776, %mul3A_1781 : vector<16xf32>
      %get3A_1783 = arith.constant 0 : i32
      %get3A_1784 = arith.index_cast %get3A_1783 : i32 to index
      %get3A_1785 = arith.constant 32 : index
      %get3A_1786 = tpu.vector_load %arg45[%get3A_1784, %get3A_1785] {strides = array<i32>} : memref<5x48xf32, #tpu.memory_space<vmem>>, vector<16xf32>,
      %mul3A_1787 = arith.mulf %gather3A_1770, %get3A_1786 : vector<16xf32>
      %add3A_1788 = arith.addf %add3A_1782, %mul3A_1787 : vector<16xf32>
      %reduce_sum3A_1789 = arith.constant true
      %reduce_sum3A_1790 = vector.broadcast %reduce_sum3A_1789 : i1 to vector<16xi1>
      %reduce_sum3A_1791 = tpu.scan <sum>, %add3A_1788 masked %reduce_sum3A_1790 : vector<16xf32>, vector<16xi1> -> vector<16xf32>
      %reduce_sum3A_1792 = vector.extract %reduce_sum3A_1791[15] : f32 from vector<16xf32>
      %eq3A_1793 = arith.constant 0 : i32
      %eq3A_1794 = vector.broadcast %eq3A_1793 : i32 to vector<16xi32>
      %eq3A_1795 = arith.cmpi eq, %iota3A, %eq3A_1794 : vector<16xi32>
      %add3A_1796 = vector.broadcast %reduce_sum3A_1792 : f32 to vector<16xf32>
      %add3A_1797 = arith.addf %get3A_3, %add3A_1796 : vector<16xf32>
      %select_n3A_1798 = arith.select %eq3A_1795, %add3A_1797, %get3A_3 : vector<16xi1>, vector<16xf32>
      %get3A_1799 = arith.constant 1 : i32
      %get3A_1800 = arith.index_cast %get3A_1799 : i32 to index
      %get3A_1801 = arith.constant 0 : index
      %get3A_1802 = tpu.vector_load %arg45[%get3A_1800, %get3A_1801] {strides = array<i32>} : memref<5x48xf32, #tpu.memory_space<vmem>>, vector<16xf32>,
      %mul3A_1803 = arith.mulf %mul3A_1771, %get3A_1802 : vector<16xf32>
      %get3A_1804 = arith.constant 1 : i32
      %get3A_1805 = arith.index_cast %get3A_1804 : i32 to index
      %get3A_1806 = arith.constant 16 : index
      %get3A_1807 = tpu.vector_load %arg45[%get3A_1805, %get3A_1806] {strides = array<i32>} : memref<5x48xf32, #tpu.memory_space<vmem>>, vector<16xf32>,
      %mul3A_1808 = arith.mulf %gather3A_1769, %get3A_1807 : vector<16xf32>
      %add3A_1809 = arith.addf %mul3A_1803, %mul3A_1808 : vector<16xf32>
      %get3A_1810 = arith.constant 1 : i32
      %get3A_1811 = arith.index_cast %get3A_1810 : i32 to index
      %get3A_1812 = arith.constant 32 : index
      %get3A_1813 = tpu.vector_load %arg45[%get3A_1811, %get3A_1812] {strides = array<i32>} : memref<5x48xf32, #tpu.memory_space<vmem>>, vector<16xf32>,
      %mul3A_1814 = arith.mulf %gather3A_1770, %get3A_1813 : vector<16xf32>
      %add3A_1815 = arith.addf %add3A_1809, %mul3A_1814 : vector<16xf32>
      %reduce_sum3A_1816 = arith.constant true
      %reduce_sum3A_1817 = vector.broadcast %reduce_sum3A_1816 : i1 to vector<16xi1>
      %reduce_sum3A_1818 = tpu.scan <sum>, %add3A_1815 masked %reduce_sum3A_1817 : vector<16xf32>, vector<16xi1> -> vector<16xf32>
      %reduce_sum3A_1819 = vector.extract %reduce_sum3A_1818[15] : f32 from vector<16xf32>
      %eq3A_1820 = arith.constant 1 : i32
      %eq3A_1821 = vector.broadcast %eq3A_1820 : i32 to vector<16xi32>
      %eq3A_1822 = arith.cmpi eq, %iota3A, %eq3A_1821 : vector<16xi32>
      %add3A_1823 = vector.broadcast %reduce_sum3A_1819 : f32 to vector<16xf32>
      %add3A_1824 = arith.addf %select_n3A_1798, %add3A_1823 : vector<16xf32>
      %select_n3A_1825 = arith.select %eq3A_1822, %add3A_1824, %select_n3A_1798 : vector<16xi1>, vector<16xf32>
      %get3A_1826 = arith.constant 2 : i32
      %get3A_1827 = arith.index_cast %get3A_1826 : i32 to index
      %get3A_1828 = arith.constant 0 : index
      %get3A_1829 = tpu.vector_load %arg45[%get3A_1827, %get3A_1828] {strides = array<i32>} : memref<5x48xf32, #tpu.memory_space<vmem>>, vector<16xf32>,
      %mul3A_1830 = arith.mulf %mul3A_1771, %get3A_1829 : vector<16xf32>
      %get3A_1831 = arith.constant 2 : i32
      %get3A_1832 = arith.index_cast %get3A_1831 : i32 to index
      %get3A_1833 = arith.constant 16 : index
      %get3A_1834 = tpu.vector_load %arg45[%get3A_1832, %get3A_1833] {strides = array<i32>} : memref<5x48xf32, #tpu.memory_space<vmem>>, vector<16xf32>,
      %mul3A_1835 = arith.mulf %gather3A_1769, %get3A_1834 : vector<16xf32>
      %add3A_1836 = arith.addf %mul3A_1830, %mul3A_1835 : vector<16xf32>
      %get3A_1837 = arith.constant 2 : i32
      %get3A_1838 = arith.index_cast %get3A_1837 : i32 to index
      %get3A_1839 = arith.constant 32 : index
      %get3A_1840 = tpu.vector_load %arg45[%get3A_1838, %get3A_1839] {strides = array<i32>} : memref<5x48xf32, #tpu.memory_space<vmem>>, vector<16xf32>,
      %mul3A_1841 = arith.mulf %gather3A_1770, %get3A_1840 : vector<16xf32>
      %add3A_1842 = arith.addf %add3A_1836, %mul3A_1841 : vector<16xf32>
      %reduce_sum3A_1843 = arith.constant true
      %reduce_sum3A_1844 = vector.broadcast %reduce_sum3A_1843 : i1 to vector<16xi1>
      %reduce_sum3A_1845 = tpu.scan <sum>, %add3A_1842 masked %reduce_sum3A_1844 : vector<16xf32>, vector<16xi1> -> vector<16xf32>
      %reduce_sum3A_1846 = vector.extract %reduce_sum3A_1845[15] : f32 from vector<16xf32>
      %eq3A_1847 = arith.constant 2 : i32
      %eq3A_1848 = vector.broadcast %eq3A_1847 : i32 to vector<16xi32>
      %eq3A_1849 = arith.cmpi eq, %iota3A, %eq3A_1848 : vector<16xi32>
      %add3A_1850 = vector.broadcast %reduce_sum3A_1846 : f32 to vector<16xf32>
      %add3A_1851 = arith.addf %select_n3A_1825, %add3A_1850 : vector<16xf32>
      %select_n3A_1852 = arith.select %eq3A_1849, %add3A_1851, %select_n3A_1825 : vector<16xi1>, vector<16xf32>
      %get3A_1853 = arith.constant 3 : i32
      %get3A_1854 = arith.index_cast %get3A_1853 : i32 to index
      %get3A_1855 = arith.constant 0 : index
      %get3A_1856 = tpu.vector_load %arg45[%get3A_1854, %get3A_1855] {strides = array<i32>} : memref<5x48xf32, #tpu.memory_space<vmem>>, vector<16xf32>,
      %mul3A_1857 = arith.mulf %mul3A_1771, %get3A_1856 : vector<16xf32>
      %get3A_1858 = arith.constant 3 : i32
      %get3A_1859 = arith.index_cast %get3A_1858 : i32 to index
      %get3A_1860 = arith.constant 16 : index
      %get3A_1861 = tpu.vector_load %arg45[%get3A_1859, %get3A_1860] {strides = array<i32>} : memref<5x48xf32, #tpu.memory_space<vmem>>, vector<16xf32>,
      %mul3A_1862 = arith.mulf %gather3A_1769, %get3A_1861 : vector<16xf32>
      %add3A_1863 = arith.addf %mul3A_1857, %mul3A_1862 : vector<16xf32>
      %get3A_1864 = arith.constant 3 : i32
      %get3A_1865 = arith.index_cast %get3A_1864 : i32 to index
      %get3A_1866 = arith.constant 32 : index
      %get3A_1867 = tpu.vector_load %arg45[%get3A_1865, %get3A_1866] {strides = array<i32>} : memref<5x48xf32, #tpu.memory_space<vmem>>, vector<16xf32>,
      %mul3A_1868 = arith.mulf %gather3A_1770, %get3A_1867 : vector<16xf32>
      %add3A_1869 = arith.addf %add3A_1863, %mul3A_1868 : vector<16xf32>
      %reduce_sum3A_1870 = arith.constant true
      %reduce_sum3A_1871 = vector.broadcast %reduce_sum3A_1870 : i1 to vector<16xi1>
      %reduce_sum3A_1872 = tpu.scan <sum>, %add3A_1869 masked %reduce_sum3A_1871 : vector<16xf32>, vector<16xi1> -> vector<16xf32>
      %reduce_sum3A_1873 = vector.extract %reduce_sum3A_1872[15] : f32 from vector<16xf32>
      %eq3A_1874 = arith.constant 3 : i32
      %eq3A_1875 = vector.broadcast %eq3A_1874 : i32 to vector<16xi32>
      %eq3A_1876 = arith.cmpi eq, %iota3A, %eq3A_1875 : vector<16xi32>
      %add3A_1877 = vector.broadcast %reduce_sum3A_1873 : f32 to vector<16xf32>
      %add3A_1878 = arith.addf %select_n3A_1852, %add3A_1877 : vector<16xf32>
      %select_n3A_1879 = arith.select %eq3A_1876, %add3A_1878, %select_n3A_1852 : vector<16xi1>, vector<16xf32>
      %get3A_1880 = arith.constant 4 : i32
      %get3A_1881 = arith.index_cast %get3A_1880 : i32 to index
      %get3A_1882 = arith.constant 0 : index
      %get3A_1883 = tpu.vector_load %arg45[%get3A_1881, %get3A_1882] {strides = array<i32>} : memref<5x48xf32, #tpu.memory_space<vmem>>, vector<16xf32>,
      %mul3A_1884 = arith.mulf %mul3A_1771, %get3A_1883 : vector<16xf32>
      %get3A_1885 = arith.constant 4 : i32
      %get3A_1886 = arith.index_cast %get3A_1885 : i32 to index
      %get3A_1887 = arith.constant 16 : index
      %get3A_1888 = tpu.vector_load %arg45[%get3A_1886, %get3A_1887] {strides = array<i32>} : memref<5x48xf32, #tpu.memory_space<vmem>>, vector<16xf32>,
      %mul3A_1889 = arith.mulf %gather3A_1769, %get3A_1888 : vector<16xf32>
      %add3A_1890 = arith.addf %mul3A_1884, %mul3A_1889 : vector<16xf32>
      %get3A_1891 = arith.constant 4 : i32
      %get3A_1892 = arith.index_cast %get3A_1891 : i32 to index
      %get3A_1893 = arith.constant 32 : index
      %get3A_1894 = tpu.vector_load %arg45[%get3A_1892, %get3A_1893] {strides = array<i32>} : memref<5x48xf32, #tpu.memory_space<vmem>>, vector<16xf32>,
      %mul3A_1895 = arith.mulf %gather3A_1770, %get3A_1894 : vector<16xf32>
      %add3A_1896 = arith.addf %add3A_1890, %mul3A_1895 : vector<16xf32>
      %reduce_sum3A_1897 = arith.constant true
      %reduce_sum3A_1898 = vector.broadcast %reduce_sum3A_1897 : i1 to vector<16xi1>
      %reduce_sum3A_1899 = tpu.scan <sum>, %add3A_1896 masked %reduce_sum3A_1898 : vector<16xf32>, vector<16xi1> -> vector<16xf32>
      %reduce_sum3A_1900 = vector.extract %reduce_sum3A_1899[15] : f32 from vector<16xf32>
      %eq3A_1901 = arith.constant 4 : i32
      %eq3A_1902 = vector.broadcast %eq3A_1901 : i32 to vector<16xi32>
      %eq3A_1903 = arith.cmpi eq, %iota3A, %eq3A_1902 : vector<16xi32>
      %add3A_1904 = vector.broadcast %reduce_sum3A_1900 : f32 to vector<16xf32>
      %add3A_1905 = arith.addf %select_n3A_1879, %add3A_1904 : vector<16xf32>
      %select_n3A_1906 = arith.select %eq3A_1903, %add3A_1905, %select_n3A_1879 : vector<16xi1>, vector<16xf32>
      %mul3A_1907 = arith.constant 16 : i32
      %mul3A_1908 = arith.muli %scan3A_247, %mul3A_1907 : i32
      %add3A_1909 = arith.constant 7 : i32
      %add3A_1910 = arith.addi %mul3A_1908, %add3A_1909 : i32
      %add3A_1911 = arith.constant 0 : i32
      %add3A_1912 = arith.addi %add3A_1910, %add3A_1911 : i32
      %broadcast_in_dim3A_1913 = vector.broadcast %add3A_1912 : i32 to vector<16xi32>
      tpu.vector_store_idx %arg47[%iota3A, %broadcast_in_dim3A_1913], %select_n3A_1906 : memref<16x512xf32, #tpu.memory_space<vmem>>[vector<16xi32>, vector<16xi32>], vector<16xf32>,
      %slice3A_1914 = vector.extract_strided_slice %get3A_251 {offsets = [15], sizes = [1], strides = [1]} : vector<16xi32> to vector<1xi32>
      %squeeze3A_1915 = vector.extract %slice3A_1914[0] : i32 from vector<1xi32>
      %slice3A_1916 = vector.extract_strided_slice %get3A_253 {offsets = [15], sizes = [1], strides = [1]} : vector<16xi32> to vector<1xi32>
      %squeeze3A_1917 = vector.extract %slice3A_1916[0] : i32 from vector<1xi32>
      %shift_right_arithmetic3A_1918 = arith.constant 7 : i32
      %shift_right_arithmetic3A_1919 = arith.shrsi %squeeze3A_1915, %shift_right_arithmetic3A_1918 : i32
      %shift_left3A_1920 = arith.constant 7 : i32
      %shift_left3A_1921 = arith.shli %shift_right_arithmetic3A_1919, %shift_left3A_1920 : i32
      %multiple_of3A_1922 = tpu.assume_multiple %shift_left3A_1921, 128 : i32
      %shift_right_arithmetic3A_1923 = arith.constant 7 : i32
      %shift_right_arithmetic3A_1924 = arith.shrsi %squeeze3A_1917, %shift_right_arithmetic3A_1923 : i32
      %shift_left3A_1925 = arith.constant 7 : i32
      %shift_left3A_1926 = arith.shli %shift_right_arithmetic3A_1924, %shift_left3A_1925 : i32
      %multiple_of3A_1927 = tpu.assume_multiple %shift_left3A_1926, 128 : i32
      %dma_start3A_1928 = arith.constant 0 : i32
      %dma_start3A_1929 = tpu.memref_slice %arg4[%dma_start3A_1928, %multiple_of3A_1922] : memref<16x1000000xf32, #tpu.memory_space<hbm>> -> memref<16x128xf32, #tpu.memory_space<hbm>>
      %dma_start3A_1930 = arith.constant 0 : i32
      %dma_start3A_1931 = tpu.memref_slice %arg4[%dma_start3A_1930, %multiple_of3A_1922] : memref<16x1000000xf32, #tpu.memory_space<hbm>> -> memref<16x128xf32, #tpu.memory_space<hbm>>
      tpu.enqueue_dma source(%dma_start3A_1931 : memref<16x128xf32, #tpu.memory_space<hbm>>) target(%arg41 : memref<16x128xf32, #tpu.memory_space<vmem>>) target_semaphore(%arg55 : memref<!tpu.dma_semaphore, #tpu.memory_space<semaphore_mem>>)
      %dma_start3A_1932 = arith.constant 0 : i32
      %dma_start3A_1933 = tpu.memref_slice %arg5[%dma_start3A_1932, %multiple_of3A_1927] : memref<16x1000000xf32, #tpu.memory_space<hbm>> -> memref<16x128xf32, #tpu.memory_space<hbm>>
      %dma_start3A_1934 = arith.constant 0 : i32
      %dma_start3A_1935 = tpu.memref_slice %arg5[%dma_start3A_1934, %multiple_of3A_1927] : memref<16x1000000xf32, #tpu.memory_space<hbm>> -> memref<16x128xf32, #tpu.memory_space<hbm>>
      tpu.enqueue_dma source(%dma_start3A_1935 : memref<16x128xf32, #tpu.memory_space<hbm>>) target(%arg42 : memref<16x128xf32, #tpu.memory_space<vmem>>) target_semaphore(%arg55 : memref<!tpu.dma_semaphore, #tpu.memory_space<semaphore_mem>>)
      %dma_start3A_1936 = arith.constant 0 : i32
      %dma_start3A_1937 = tpu.memref_slice %arg6[%dma_start3A_1936, %multiple_of3A_1922] : memref<16x1000000xf32, #tpu.memory_space<hbm>> -> memref<16x128xf32, #tpu.memory_space<hbm>>
      %dma_start3A_1938 = arith.constant 0 : i32
      %dma_start3A_1939 = tpu.memref_slice %arg6[%dma_start3A_1938, %multiple_of3A_1922] : memref<16x1000000xf32, #tpu.memory_space<hbm>> -> memref<16x128xf32, #tpu.memory_space<hbm>>
      tpu.enqueue_dma source(%dma_start3A_1939 : memref<16x128xf32, #tpu.memory_space<hbm>>) target(%arg43 : memref<16x128xf32, #tpu.memory_space<vmem>>) target_semaphore(%arg55 : memref<!tpu.dma_semaphore, #tpu.memory_space<semaphore_mem>>)
      %dma_start3A_1940 = arith.constant 0 : i32
      %dma_start3A_1941 = tpu.memref_slice %arg7[%dma_start3A_1940, %multiple_of3A_1927] : memref<16x1000000xf32, #tpu.memory_space<hbm>> -> memref<16x128xf32, #tpu.memory_space<hbm>>
      %dma_start3A_1942 = arith.constant 0 : i32
      %dma_start3A_1943 = tpu.memref_slice %arg7[%dma_start3A_1942, %multiple_of3A_1927] : memref<16x1000000xf32, #tpu.memory_space<hbm>> -> memref<16x128xf32, #tpu.memory_space<hbm>>
      tpu.enqueue_dma source(%dma_start3A_1943 : memref<16x128xf32, #tpu.memory_space<hbm>>) target(%arg44 : memref<16x128xf32, #tpu.memory_space<vmem>>) target_semaphore(%arg55 : memref<!tpu.dma_semaphore, #tpu.memory_space<semaphore_mem>>)
      %dma_wait3A_1944 = arith.constant 0 : i32
      %dma_wait3A_1945 = arith.constant 0 : i32
      %dma_wait3A_1946 = tpu.memref_slice %arg4[%dma_wait3A_1944, %dma_wait3A_1945] : memref<16x1000000xf32, #tpu.memory_space<hbm>> -> memref<16x128xf32, #tpu.memory_space<hbm>>
      %dma_wait3A_1947 = arith.constant 0 : i32
      %dma_wait3A_1948 = arith.constant 0 : i32
      %dma_wait3A_1949 = tpu.memref_slice %arg4[%dma_wait3A_1947, %dma_wait3A_1948] : memref<16x1000000xf32, #tpu.memory_space<hbm>> -> memref<16x128xf32, #tpu.memory_space<hbm>>
      tpu.wait_dma2 semaphore(%arg48 : memref<!tpu.dma_semaphore, #tpu.memory_space<semaphore_mem>>) src(%dma_wait3A_1949 : memref<16x128xf32, #tpu.memory_space<hbm>>) dst(%arg13 : memref<16x128xf32, #tpu.memory_space<vmem>>)
      %dma_wait3A_1950 = arith.constant 0 : i32
      %dma_wait3A_1951 = arith.constant 0 : i32
      %dma_wait3A_1952 = tpu.memref_slice %arg5[%dma_wait3A_1950, %dma_wait3A_1951] : memref<16x1000000xf32, #tpu.memory_space<hbm>> -> memref<16x128xf32, #tpu.memory_space<hbm>>
      %dma_wait3A_1953 = arith.constant 0 : i32
      %dma_wait3A_1954 = arith.constant 0 : i32
      %dma_wait3A_1955 = tpu.memref_slice %arg5[%dma_wait3A_1953, %dma_wait3A_1954] : memref<16x1000000xf32, #tpu.memory_space<hbm>> -> memref<16x128xf32, #tpu.memory_space<hbm>>
      tpu.wait_dma2 semaphore(%arg48 : memref<!tpu.dma_semaphore, #tpu.memory_space<semaphore_mem>>) src(%dma_wait3A_1955 : memref<16x128xf32, #tpu.memory_space<hbm>>) dst(%arg14 : memref<16x128xf32, #tpu.memory_space<vmem>>)
      %dma_wait3A_1956 = arith.constant 0 : i32
      %dma_wait3A_1957 = arith.constant 0 : i32
      %dma_wait3A_1958 = tpu.memref_slice %arg6[%dma_wait3A_1956, %dma_wait3A_1957] : memref<16x1000000xf32, #tpu.memory_space<hbm>> -> memref<16x128xf32, #tpu.memory_space<hbm>>
      %dma_wait3A_1959 = arith.constant 0 : i32
      %dma_wait3A_1960 = arith.constant 0 : i32
      %dma_wait3A_1961 = tpu.memref_slice %arg6[%dma_wait3A_1959, %dma_wait3A_1960] : memref<16x1000000xf32, #tpu.memory_space<hbm>> -> memref<16x128xf32, #tpu.memory_space<hbm>>
      tpu.wait_dma2 semaphore(%arg48 : memref<!tpu.dma_semaphore, #tpu.memory_space<semaphore_mem>>) src(%dma_wait3A_1961 : memref<16x128xf32, #tpu.memory_space<hbm>>) dst(%arg15 : memref<16x128xf32, #tpu.memory_space<vmem>>)
      %dma_wait3A_1962 = arith.constant 0 : i32
      %dma_wait3A_1963 = arith.constant 0 : i32
      %dma_wait3A_1964 = tpu.memref_slice %arg7[%dma_wait3A_1962, %dma_wait3A_1963] : memref<16x1000000xf32, #tpu.memory_space<hbm>> -> memref<16x128xf32, #tpu.memory_space<hbm>>
      %dma_wait3A_1965 = arith.constant 0 : i32
      %dma_wait3A_1966 = arith.constant 0 : i32
      %dma_wait3A_1967 = tpu.memref_slice %arg7[%dma_wait3A_1965, %dma_wait3A_1966] : memref<16x1000000xf32, #tpu.memory_space<hbm>> -> memref<16x128xf32, #tpu.memory_space<hbm>>
      tpu.wait_dma2 semaphore(%arg48 : memref<!tpu.dma_semaphore, #tpu.memory_space<semaphore_mem>>) src(%dma_wait3A_1967 : memref<16x128xf32, #tpu.memory_space<hbm>>) dst(%arg16 : memref<16x128xf32, #tpu.memory_space<vmem>>)
      %slice3A_1968 = vector.extract_strided_slice %get3A_251 {offsets = [8], sizes = [1], strides = [1]} : vector<16xi32> to vector<1xi32>
      %squeeze3A_1969 = vector.extract %slice3A_1968[0] : i32 from vector<1xi32>
      %slice3A_1970 = vector.extract_strided_slice %get3A_253 {offsets = [8], sizes = [1], strides = [1]} : vector<16xi32> to vector<1xi32>
      %squeeze3A_1971 = vector.extract %slice3A_1970[0] : i32 from vector<1xi32>
      %and3A_1972 = arith.constant 127 : i32
      %and3A_1973 = arith.andi %squeeze3A_1969, %and3A_1972 : i32
      %broadcast_in_dim3A_1974 = vector.broadcast %and3A_1973 : i32 to vector<16xi32>
      %and3A_1975 = arith.constant 127 : i32
      %and3A_1976 = arith.andi %squeeze3A_1971, %and3A_1975 : i32
      %broadcast_in_dim3A_1977 = vector.broadcast %and3A_1976 : i32 to vector<16xi32>
      %gather3A_1978 = tpu.vector_load_idx %arg13[%iota3A, %broadcast_in_dim3A_1974] : memref<16x128xf32, #tpu.memory_space<vmem>>[vector<16xi32>, vector<16xi32>], vector<16xf32>,
      %gather3A_1979 = tpu.vector_load_idx %arg14[%iota3A, %broadcast_in_dim3A_1977] : memref<16x128xf32, #tpu.memory_space<vmem>>[vector<16xi32>, vector<16xi32>], vector<16xf32>,
      %gather3A_1980 = tpu.vector_load_idx %arg15[%iota3A, %broadcast_in_dim3A_1974] : memref<16x128xf32, #tpu.memory_space<vmem>>[vector<16xi32>, vector<16xi32>], vector<16xf32>,
      %gather3A_1981 = tpu.vector_load_idx %arg16[%iota3A, %broadcast_in_dim3A_1977] : memref<16x128xf32, #tpu.memory_space<vmem>>[vector<16xi32>, vector<16xi32>], vector<16xf32>,
      %mul3A_1982 = arith.mulf %gather3A_1978, %gather3A_1979 : vector<16xf32>
      %get3A_1983 = arith.constant 0 : i32
      %get3A_1984 = arith.index_cast %get3A_1983 : i32 to index
      %get3A_1985 = arith.constant 0 : index
      %get3A_1986 = tpu.vector_load %arg45[%get3A_1984, %get3A_1985] {strides = array<i32>} : memref<5x48xf32, #tpu.memory_space<vmem>>, vector<16xf32>,
      %mul3A_1987 = arith.mulf %mul3A_1982, %get3A_1986 : vector<16xf32>
      %get3A_1988 = arith.constant 0 : i32
      %get3A_1989 = arith.index_cast %get3A_1988 : i32 to index
      %get3A_1990 = arith.constant 16 : index
      %get3A_1991 = tpu.vector_load %arg45[%get3A_1989, %get3A_1990] {strides = array<i32>} : memref<5x48xf32, #tpu.memory_space<vmem>>, vector<16xf32>,
      %mul3A_1992 = arith.mulf %gather3A_1980, %get3A_1991 : vector<16xf32>
      %add3A_1993 = arith.addf %mul3A_1987, %mul3A_1992 : vector<16xf32>
      %get3A_1994 = arith.constant 0 : i32
      %get3A_1995 = arith.index_cast %get3A_1994 : i32 to index
      %get3A_1996 = arith.constant 32 : index
      %get3A_1997 = tpu.vector_load %arg45[%get3A_1995, %get3A_1996] {strides = array<i32>} : memref<5x48xf32, #tpu.memory_space<vmem>>, vector<16xf32>,
      %mul3A_1998 = arith.mulf %gather3A_1981, %get3A_1997 : vector<16xf32>
      %add3A_1999 = arith.addf %add3A_1993, %mul3A_1998 : vector<16xf32>
      %reduce_sum3A_2000 = arith.constant true
      %reduce_sum3A_2001 = vector.broadcast %reduce_sum3A_2000 : i1 to vector<16xi1>
      %reduce_sum3A_2002 = tpu.scan <sum>, %add3A_1999 masked %reduce_sum3A_2001 : vector<16xf32>, vector<16xi1> -> vector<16xf32>
      %reduce_sum3A_2003 = vector.extract %reduce_sum3A_2002[15] : f32 from vector<16xf32>
      %eq3A_2004 = arith.constant 0 : i32
      %eq3A_2005 = vector.broadcast %eq3A_2004 : i32 to vector<16xi32>
      %eq3A_2006 = arith.cmpi eq, %iota3A, %eq3A_2005 : vector<16xi32>
      %add3A_2007 = vector.broadcast %reduce_sum3A_2003 : f32 to vector<16xf32>
      %add3A_2008 = arith.addf %get3A_3, %add3A_2007 : vector<16xf32>
      %select_n3A_2009 = arith.select %eq3A_2006, %add3A_2008, %get3A_3 : vector<16xi1>, vector<16xf32>
      %get3A_2010 = arith.constant 1 : i32
      %get3A_2011 = arith.index_cast %get3A_2010 : i32 to index
      %get3A_2012 = arith.constant 0 : index
      %get3A_2013 = tpu.vector_load %arg45[%get3A_2011, %get3A_2012] {strides = array<i32>} : memref<5x48xf32, #tpu.memory_space<vmem>>, vector<16xf32>,
      %mul3A_2014 = arith.mulf %mul3A_1982, %get3A_2013 : vector<16xf32>
      %get3A_2015 = arith.constant 1 : i32
      %get3A_2016 = arith.index_cast %get3A_2015 : i32 to index
      %get3A_2017 = arith.constant 16 : index
      %get3A_2018 = tpu.vector_load %arg45[%get3A_2016, %get3A_2017] {strides = array<i32>} : memref<5x48xf32, #tpu.memory_space<vmem>>, vector<16xf32>,
      %mul3A_2019 = arith.mulf %gather3A_1980, %get3A_2018 : vector<16xf32>
      %add3A_2020 = arith.addf %mul3A_2014, %mul3A_2019 : vector<16xf32>
      %get3A_2021 = arith.constant 1 : i32
      %get3A_2022 = arith.index_cast %get3A_2021 : i32 to index
      %get3A_2023 = arith.constant 32 : index
      %get3A_2024 = tpu.vector_load %arg45[%get3A_2022, %get3A_2023] {strides = array<i32>} : memref<5x48xf32, #tpu.memory_space<vmem>>, vector<16xf32>,
      %mul3A_2025 = arith.mulf %gather3A_1981, %get3A_2024 : vector<16xf32>
      %add3A_2026 = arith.addf %add3A_2020, %mul3A_2025 : vector<16xf32>
      %reduce_sum3A_2027 = arith.constant true
      %reduce_sum3A_2028 = vector.broadcast %reduce_sum3A_2027 : i1 to vector<16xi1>
      %reduce_sum3A_2029 = tpu.scan <sum>, %add3A_2026 masked %reduce_sum3A_2028 : vector<16xf32>, vector<16xi1> -> vector<16xf32>
      %reduce_sum3A_2030 = vector.extract %reduce_sum3A_2029[15] : f32 from vector<16xf32>
      %eq3A_2031 = arith.constant 1 : i32
      %eq3A_2032 = vector.broadcast %eq3A_2031 : i32 to vector<16xi32>
      %eq3A_2033 = arith.cmpi eq, %iota3A, %eq3A_2032 : vector<16xi32>
      %add3A_2034 = vector.broadcast %reduce_sum3A_2030 : f32 to vector<16xf32>
      %add3A_2035 = arith.addf %select_n3A_2009, %add3A_2034 : vector<16xf32>
      %select_n3A_2036 = arith.select %eq3A_2033, %add3A_2035, %select_n3A_2009 : vector<16xi1>, vector<16xf32>
      %get3A_2037 = arith.constant 2 : i32
      %get3A_2038 = arith.index_cast %get3A_2037 : i32 to index
      %get3A_2039 = arith.constant 0 : index
      %get3A_2040 = tpu.vector_load %arg45[%get3A_2038, %get3A_2039] {strides = array<i32>} : memref<5x48xf32, #tpu.memory_space<vmem>>, vector<16xf32>,
      %mul3A_2041 = arith.mulf %mul3A_1982, %get3A_2040 : vector<16xf32>
      %get3A_2042 = arith.constant 2 : i32
      %get3A_2043 = arith.index_cast %get3A_2042 : i32 to index
      %get3A_2044 = arith.constant 16 : index
      %get3A_2045 = tpu.vector_load %arg45[%get3A_2043, %get3A_2044] {strides = array<i32>} : memref<5x48xf32, #tpu.memory_space<vmem>>, vector<16xf32>,
      %mul3A_2046 = arith.mulf %gather3A_1980, %get3A_2045 : vector<16xf32>
      %add3A_2047 = arith.addf %mul3A_2041, %mul3A_2046 : vector<16xf32>
      %get3A_2048 = arith.constant 2 : i32
      %get3A_2049 = arith.index_cast %get3A_2048 : i32 to index
      %get3A_2050 = arith.constant 32 : index
      %get3A_2051 = tpu.vector_load %arg45[%get3A_2049, %get3A_2050] {strides = array<i32>} : memref<5x48xf32, #tpu.memory_space<vmem>>, vector<16xf32>,
      %mul3A_2052 = arith.mulf %gather3A_1981, %get3A_2051 : vector<16xf32>
      %add3A_2053 = arith.addf %add3A_2047, %mul3A_2052 : vector<16xf32>
      %reduce_sum3A_2054 = arith.constant true
      %reduce_sum3A_2055 = vector.broadcast %reduce_sum3A_2054 : i1 to vector<16xi1>
      %reduce_sum3A_2056 = tpu.scan <sum>, %add3A_2053 masked %reduce_sum3A_2055 : vector<16xf32>, vector<16xi1> -> vector<16xf32>
      %reduce_sum3A_2057 = vector.extract %reduce_sum3A_2056[15] : f32 from vector<16xf32>
      %eq3A_2058 = arith.constant 2 : i32
      %eq3A_2059 = vector.broadcast %eq3A_2058 : i32 to vector<16xi32>
      %eq3A_2060 = arith.cmpi eq, %iota3A, %eq3A_2059 : vector<16xi32>
      %add3A_2061 = vector.broadcast %reduce_sum3A_2057 : f32 to vector<16xf32>
      %add3A_2062 = arith.addf %select_n3A_2036, %add3A_2061 : vector<16xf32>
      %select_n3A_2063 = arith.select %eq3A_2060, %add3A_2062, %select_n3A_2036 : vector<16xi1>, vector<16xf32>
      %get3A_2064 = arith.constant 3 : i32
      %get3A_2065 = arith.index_cast %get3A_2064 : i32 to index
      %get3A_2066 = arith.constant 0 : index
      %get3A_2067 = tpu.vector_load %arg45[%get3A_2065, %get3A_2066] {strides = array<i32>} : memref<5x48xf32, #tpu.memory_space<vmem>>, vector<16xf32>,
      %mul3A_2068 = arith.mulf %mul3A_1982, %get3A_2067 : vector<16xf32>
      %get3A_2069 = arith.constant 3 : i32
      %get3A_2070 = arith.index_cast %get3A_2069 : i32 to index
      %get3A_2071 = arith.constant 16 : index
      %get3A_2072 = tpu.vector_load %arg45[%get3A_2070, %get3A_2071] {strides = array<i32>} : memref<5x48xf32, #tpu.memory_space<vmem>>, vector<16xf32>,
      %mul3A_2073 = arith.mulf %gather3A_1980, %get3A_2072 : vector<16xf32>
      %add3A_2074 = arith.addf %mul3A_2068, %mul3A_2073 : vector<16xf32>
      %get3A_2075 = arith.constant 3 : i32
      %get3A_2076 = arith.index_cast %get3A_2075 : i32 to index
      %get3A_2077 = arith.constant 32 : index
      %get3A_2078 = tpu.vector_load %arg45[%get3A_2076, %get3A_2077] {strides = array<i32>} : memref<5x48xf32, #tpu.memory_space<vmem>>, vector<16xf32>,
      %mul3A_2079 = arith.mulf %gather3A_1981, %get3A_2078 : vector<16xf32>
      %add3A_2080 = arith.addf %add3A_2074, %mul3A_2079 : vector<16xf32>
      %reduce_sum3A_2081 = arith.constant true
      %reduce_sum3A_2082 = vector.broadcast %reduce_sum3A_2081 : i1 to vector<16xi1>
      %reduce_sum3A_2083 = tpu.scan <sum>, %add3A_2080 masked %reduce_sum3A_2082 : vector<16xf32>, vector<16xi1> -> vector<16xf32>
      %reduce_sum3A_2084 = vector.extract %reduce_sum3A_2083[15] : f32 from vector<16xf32>
      %eq3A_2085 = arith.constant 3 : i32
      %eq3A_2086 = vector.broadcast %eq3A_2085 : i32 to vector<16xi32>
      %eq3A_2087 = arith.cmpi eq, %iota3A, %eq3A_2086 : vector<16xi32>
      %add3A_2088 = vector.broadcast %reduce_sum3A_2084 : f32 to vector<16xf32>
      %add3A_2089 = arith.addf %select_n3A_2063, %add3A_2088 : vector<16xf32>
      %select_n3A_2090 = arith.select %eq3A_2087, %add3A_2089, %select_n3A_2063 : vector<16xi1>, vector<16xf32>
      %get3A_2091 = arith.constant 4 : i32
      %get3A_2092 = arith.index_cast %get3A_2091 : i32 to index
      %get3A_2093 = arith.constant 0 : index
      %get3A_2094 = tpu.vector_load %arg45[%get3A_2092, %get3A_2093] {strides = array<i32>} : memref<5x48xf32, #tpu.memory_space<vmem>>, vector<16xf32>,
      %mul3A_2095 = arith.mulf %mul3A_1982, %get3A_2094 : vector<16xf32>
      %get3A_2096 = arith.constant 4 : i32
      %get3A_2097 = arith.index_cast %get3A_2096 : i32 to index
      %get3A_2098 = arith.constant 16 : index
      %get3A_2099 = tpu.vector_load %arg45[%get3A_2097, %get3A_2098] {strides = array<i32>} : memref<5x48xf32, #tpu.memory_space<vmem>>, vector<16xf32>,
      %mul3A_2100 = arith.mulf %gather3A_1980, %get3A_2099 : vector<16xf32>
      %add3A_2101 = arith.addf %mul3A_2095, %mul3A_2100 : vector<16xf32>
      %get3A_2102 = arith.constant 4 : i32
      %get3A_2103 = arith.index_cast %get3A_2102 : i32 to index
      %get3A_2104 = arith.constant 32 : index
      %get3A_2105 = tpu.vector_load %arg45[%get3A_2103, %get3A_2104] {strides = array<i32>} : memref<5x48xf32, #tpu.memory_space<vmem>>, vector<16xf32>,
      %mul3A_2106 = arith.mulf %gather3A_1981, %get3A_2105 : vector<16xf32>
      %add3A_2107 = arith.addf %add3A_2101, %mul3A_2106 : vector<16xf32>
      %reduce_sum3A_2108 = arith.constant true
      %reduce_sum3A_2109 = vector.broadcast %reduce_sum3A_2108 : i1 to vector<16xi1>
      %reduce_sum3A_2110 = tpu.scan <sum>, %add3A_2107 masked %reduce_sum3A_2109 : vector<16xf32>, vector<16xi1> -> vector<16xf32>
      %reduce_sum3A_2111 = vector.extract %reduce_sum3A_2110[15] : f32 from vector<16xf32>
      %eq3A_2112 = arith.constant 4 : i32
      %eq3A_2113 = vector.broadcast %eq3A_2112 : i32 to vector<16xi32>
      %eq3A_2114 = arith.cmpi eq, %iota3A, %eq3A_2113 : vector<16xi32>
      %add3A_2115 = vector.broadcast %reduce_sum3A_2111 : f32 to vector<16xf32>
      %add3A_2116 = arith.addf %select_n3A_2090, %add3A_2115 : vector<16xf32>
      %select_n3A_2117 = arith.select %eq3A_2114, %add3A_2116, %select_n3A_2090 : vector<16xi1>, vector<16xf32>
      %mul3A_2118 = arith.constant 16 : i32
      %mul3A_2119 = arith.muli %scan3A_247, %mul3A_2118 : i32
      %add3A_2120 = arith.constant 8 : i32
      %add3A_2121 = arith.addi %mul3A_2119, %add3A_2120 : i32
      %add3A_2122 = arith.constant 0 : i32
      %add3A_2123 = arith.addi %add3A_2121, %add3A_2122 : i32
      %broadcast_in_dim3A_2124 = vector.broadcast %add3A_2123 : i32 to vector<16xi32>
      tpu.vector_store_idx %arg47[%iota3A, %broadcast_in_dim3A_2124], %select_n3A_2117 : memref<16x512xf32, #tpu.memory_space<vmem>>[vector<16xi32>, vector<16xi32>], vector<16xf32>,
      %lt3A = arith.constant 31 : i32
      %lt3A_2125 = arith.cmpi slt, %scan3A_247, %lt3A : i32
      %convert_element_type3A = arith.extui %lt3A_2125 : i1 to i32
      %cond3A = arith.constant 0 : i32
      %cond3A_2126 = arith.cmpi ne, %convert_element_type3A, %cond3A : i32
      scf.if %cond3A_2126 {
        %slice3A_3429 = vector.extract_strided_slice %get3A_260 {offsets = [0], sizes = [1], strides = [1]} : vector<16xi32> to vector<1xi32>
        %squeeze3A_3430 = vector.extract %slice3A_3429[0] : i32 from vector<1xi32>
        %slice3A_3431 = vector.extract_strided_slice %get3A_262 {offsets = [0], sizes = [1], strides = [1]} : vector<16xi32> to vector<1xi32>
        %squeeze3A_3432 = vector.extract %slice3A_3431[0] : i32 from vector<1xi32>
        %shift_right_arithmetic3A_3433 = arith.constant 7 : i32
        %shift_right_arithmetic3A_3434 = arith.shrsi %squeeze3A_3430, %shift_right_arithmetic3A_3433 : i32
        %shift_left3A_3435 = arith.constant 7 : i32
        %shift_left3A_3436 = arith.shli %shift_right_arithmetic3A_3434, %shift_left3A_3435 : i32
        %multiple_of3A_3437 = tpu.assume_multiple %shift_left3A_3436, 128 : i32
        %shift_right_arithmetic3A_3438 = arith.constant 7 : i32
        %shift_right_arithmetic3A_3439 = arith.shrsi %squeeze3A_3432, %shift_right_arithmetic3A_3438 : i32
        %shift_left3A_3440 = arith.constant 7 : i32
        %shift_left3A_3441 = arith.shli %shift_right_arithmetic3A_3439, %shift_left3A_3440 : i32
        %multiple_of3A_3442 = tpu.assume_multiple %shift_left3A_3441, 128 : i32
        %dma_start3A_3443 = arith.constant 0 : i32
        %dma_start3A_3444 = tpu.memref_slice %arg4[%dma_start3A_3443, %multiple_of3A_3437] : memref<16x1000000xf32, #tpu.memory_space<hbm>> -> memref<16x128xf32, #tpu.memory_space<hbm>>
        %dma_start3A_3445 = arith.constant 0 : i32
        %dma_start3A_3446 = tpu.memref_slice %arg4[%dma_start3A_3445, %multiple_of3A_3437] : memref<16x1000000xf32, #tpu.memory_space<hbm>> -> memref<16x128xf32, #tpu.memory_space<hbm>>
        tpu.enqueue_dma source(%dma_start3A_3446 : memref<16x128xf32, #tpu.memory_space<hbm>>) target(%arg13 : memref<16x128xf32, #tpu.memory_space<vmem>>) target_semaphore(%arg48 : memref<!tpu.dma_semaphore, #tpu.memory_space<semaphore_mem>>)
        %dma_start3A_3447 = arith.constant 0 : i32
        %dma_start3A_3448 = tpu.memref_slice %arg5[%dma_start3A_3447, %multiple_of3A_3442] : memref<16x1000000xf32, #tpu.memory_space<hbm>> -> memref<16x128xf32, #tpu.memory_space<hbm>>
        %dma_start3A_3449 = arith.constant 0 : i32
        %dma_start3A_3450 = tpu.memref_slice %arg5[%dma_start3A_3449, %multiple_of3A_3442] : memref<16x1000000xf32, #tpu.memory_space<hbm>> -> memref<16x128xf32, #tpu.memory_space<hbm>>
        tpu.enqueue_dma source(%dma_start3A_3450 : memref<16x128xf32, #tpu.memory_space<hbm>>) target(%arg14 : memref<16x128xf32, #tpu.memory_space<vmem>>) target_semaphore(%arg48 : memref<!tpu.dma_semaphore, #tpu.memory_space<semaphore_mem>>)
        %dma_start3A_3451 = arith.constant 0 : i32
        %dma_start3A_3452 = tpu.memref_slice %arg6[%dma_start3A_3451, %multiple_of3A_3437] : memref<16x1000000xf32, #tpu.memory_space<hbm>> -> memref<16x128xf32, #tpu.memory_space<hbm>>
        %dma_start3A_3453 = arith.constant 0 : i32
        %dma_start3A_3454 = tpu.memref_slice %arg6[%dma_start3A_3453, %multiple_of3A_3437] : memref<16x1000000xf32, #tpu.memory_space<hbm>> -> memref<16x128xf32, #tpu.memory_space<hbm>>
        tpu.enqueue_dma source(%dma_start3A_3454 : memref<16x128xf32, #tpu.memory_space<hbm>>) target(%arg15 : memref<16x128xf32, #tpu.memory_space<vmem>>) target_semaphore(%arg48 : memref<!tpu.dma_semaphore, #tpu.memory_space<semaphore_mem>>)
        %dma_start3A_3455 = arith.constant 0 : i32
        %dma_start3A_3456 = tpu.memref_slice %arg7[%dma_start3A_3455, %multiple_of3A_3442] : memref<16x1000000xf32, #tpu.memory_space<hbm>> -> memref<16x128xf32, #tpu.memory_space<hbm>>
        %dma_start3A_3457 = arith.constant 0 : i32
        %dma_start3A_3458 = tpu.memref_slice %arg7[%dma_start3A_3457, %multiple_of3A_3442] : memref<16x1000000xf32, #tpu.memory_space<hbm>> -> memref<16x128xf32, #tpu.memory_space<hbm>>
        tpu.enqueue_dma source(%dma_start3A_3458 : memref<16x128xf32, #tpu.memory_space<hbm>>) target(%arg16 : memref<16x128xf32, #tpu.memory_space<vmem>>) target_semaphore(%arg48 : memref<!tpu.dma_semaphore, #tpu.memory_space<semaphore_mem>>)
      } else {
      }
      %dma_wait3A_2127 = arith.constant 0 : i32
      %dma_wait3A_2128 = arith.constant 0 : i32
      %dma_wait3A_2129 = tpu.memref_slice %arg4[%dma_wait3A_2127, %dma_wait3A_2128] : memref<16x1000000xf32, #tpu.memory_space<hbm>> -> memref<16x128xf32, #tpu.memory_space<hbm>>
      %dma_wait3A_2130 = arith.constant 0 : i32
      %dma_wait3A_2131 = arith.constant 0 : i32
      %dma_wait3A_2132 = tpu.memref_slice %arg4[%dma_wait3A_2130, %dma_wait3A_2131] : memref<16x1000000xf32, #tpu.memory_space<hbm>> -> memref<16x128xf32, #tpu.memory_space<hbm>>
      tpu.wait_dma2 semaphore(%arg49 : memref<!tpu.dma_semaphore, #tpu.memory_space<semaphore_mem>>) src(%dma_wait3A_2132 : memref<16x128xf32, #tpu.memory_space<hbm>>) dst(%arg17 : memref<16x128xf32, #tpu.memory_space<vmem>>)
      %dma_wait3A_2133 = arith.constant 0 : i32
      %dma_wait3A_2134 = arith.constant 0 : i32
      %dma_wait3A_2135 = tpu.memref_slice %arg5[%dma_wait3A_2133, %dma_wait3A_2134] : memref<16x1000000xf32, #tpu.memory_space<hbm>> -> memref<16x128xf32, #tpu.memory_space<hbm>>
      %dma_wait3A_2136 = arith.constant 0 : i32
      %dma_wait3A_2137 = arith.constant 0 : i32
      %dma_wait3A_2138 = tpu.memref_slice %arg5[%dma_wait3A_2136, %dma_wait3A_2137] : memref<16x1000000xf32, #tpu.memory_space<hbm>> -> memref<16x128xf32, #tpu.memory_space<hbm>>
      tpu.wait_dma2 semaphore(%arg49 : memref<!tpu.dma_semaphore, #tpu.memory_space<semaphore_mem>>) src(%dma_wait3A_2138 : memref<16x128xf32, #tpu.memory_space<hbm>>) dst(%arg18 : memref<16x128xf32, #tpu.memory_space<vmem>>)
      %dma_wait3A_2139 = arith.constant 0 : i32
      %dma_wait3A_2140 = arith.constant 0 : i32
      %dma_wait3A_2141 = tpu.memref_slice %arg6[%dma_wait3A_2139, %dma_wait3A_2140] : memref<16x1000000xf32, #tpu.memory_space<hbm>> -> memref<16x128xf32, #tpu.memory_space<hbm>>
      %dma_wait3A_2142 = arith.constant 0 : i32
      %dma_wait3A_2143 = arith.constant 0 : i32
      %dma_wait3A_2144 = tpu.memref_slice %arg6[%dma_wait3A_2142, %dma_wait3A_2143] : memref<16x1000000xf32, #tpu.memory_space<hbm>> -> memref<16x128xf32, #tpu.memory_space<hbm>>
      tpu.wait_dma2 semaphore(%arg49 : memref<!tpu.dma_semaphore, #tpu.memory_space<semaphore_mem>>) src(%dma_wait3A_2144 : memref<16x128xf32, #tpu.memory_space<hbm>>) dst(%arg19 : memref<16x128xf32, #tpu.memory_space<vmem>>)
      %dma_wait3A_2145 = arith.constant 0 : i32
      %dma_wait3A_2146 = arith.constant 0 : i32
      %dma_wait3A_2147 = tpu.memref_slice %arg7[%dma_wait3A_2145, %dma_wait3A_2146] : memref<16x1000000xf32, #tpu.memory_space<hbm>> -> memref<16x128xf32, #tpu.memory_space<hbm>>
      %dma_wait3A_2148 = arith.constant 0 : i32
      %dma_wait3A_2149 = arith.constant 0 : i32
      %dma_wait3A_2150 = tpu.memref_slice %arg7[%dma_wait3A_2148, %dma_wait3A_2149] : memref<16x1000000xf32, #tpu.memory_space<hbm>> -> memref<16x128xf32, #tpu.memory_space<hbm>>
      tpu.wait_dma2 semaphore(%arg49 : memref<!tpu.dma_semaphore, #tpu.memory_space<semaphore_mem>>) src(%dma_wait3A_2150 : memref<16x128xf32, #tpu.memory_space<hbm>>) dst(%arg20 : memref<16x128xf32, #tpu.memory_space<vmem>>)
      %slice3A_2151 = vector.extract_strided_slice %get3A_251 {offsets = [9], sizes = [1], strides = [1]} : vector<16xi32> to vector<1xi32>
      %squeeze3A_2152 = vector.extract %slice3A_2151[0] : i32 from vector<1xi32>
      %slice3A_2153 = vector.extract_strided_slice %get3A_253 {offsets = [9], sizes = [1], strides = [1]} : vector<16xi32> to vector<1xi32>
      %squeeze3A_2154 = vector.extract %slice3A_2153[0] : i32 from vector<1xi32>
      %and3A_2155 = arith.constant 127 : i32
      %and3A_2156 = arith.andi %squeeze3A_2152, %and3A_2155 : i32
      %broadcast_in_dim3A_2157 = vector.broadcast %and3A_2156 : i32 to vector<16xi32>
      %and3A_2158 = arith.constant 127 : i32
      %and3A_2159 = arith.andi %squeeze3A_2154, %and3A_2158 : i32
      %broadcast_in_dim3A_2160 = vector.broadcast %and3A_2159 : i32 to vector<16xi32>
      %gather3A_2161 = tpu.vector_load_idx %arg17[%iota3A, %broadcast_in_dim3A_2157] : memref<16x128xf32, #tpu.memory_space<vmem>>[vector<16xi32>, vector<16xi32>], vector<16xf32>,
      %gather3A_2162 = tpu.vector_load_idx %arg18[%iota3A, %broadcast_in_dim3A_2160] : memref<16x128xf32, #tpu.memory_space<vmem>>[vector<16xi32>, vector<16xi32>], vector<16xf32>,
      %gather3A_2163 = tpu.vector_load_idx %arg19[%iota3A, %broadcast_in_dim3A_2157] : memref<16x128xf32, #tpu.memory_space<vmem>>[vector<16xi32>, vector<16xi32>], vector<16xf32>,
      %gather3A_2164 = tpu.vector_load_idx %arg20[%iota3A, %broadcast_in_dim3A_2160] : memref<16x128xf32, #tpu.memory_space<vmem>>[vector<16xi32>, vector<16xi32>], vector<16xf32>,
      %mul3A_2165 = arith.mulf %gather3A_2161, %gather3A_2162 : vector<16xf32>
      %get3A_2166 = arith.constant 0 : i32
      %get3A_2167 = arith.index_cast %get3A_2166 : i32 to index
      %get3A_2168 = arith.constant 0 : index
      %get3A_2169 = tpu.vector_load %arg45[%get3A_2167, %get3A_2168] {strides = array<i32>} : memref<5x48xf32, #tpu.memory_space<vmem>>, vector<16xf32>,
      %mul3A_2170 = arith.mulf %mul3A_2165, %get3A_2169 : vector<16xf32>
      %get3A_2171 = arith.constant 0 : i32
      %get3A_2172 = arith.index_cast %get3A_2171 : i32 to index
      %get3A_2173 = arith.constant 16 : index
      %get3A_2174 = tpu.vector_load %arg45[%get3A_2172, %get3A_2173] {strides = array<i32>} : memref<5x48xf32, #tpu.memory_space<vmem>>, vector<16xf32>,
      %mul3A_2175 = arith.mulf %gather3A_2163, %get3A_2174 : vector<16xf32>
      %add3A_2176 = arith.addf %mul3A_2170, %mul3A_2175 : vector<16xf32>
      %get3A_2177 = arith.constant 0 : i32
      %get3A_2178 = arith.index_cast %get3A_2177 : i32 to index
      %get3A_2179 = arith.constant 32 : index
      %get3A_2180 = tpu.vector_load %arg45[%get3A_2178, %get3A_2179] {strides = array<i32>} : memref<5x48xf32, #tpu.memory_space<vmem>>, vector<16xf32>,
      %mul3A_2181 = arith.mulf %gather3A_2164, %get3A_2180 : vector<16xf32>
      %add3A_2182 = arith.addf %add3A_2176, %mul3A_2181 : vector<16xf32>
      %reduce_sum3A_2183 = arith.constant true
      %reduce_sum3A_2184 = vector.broadcast %reduce_sum3A_2183 : i1 to vector<16xi1>
      %reduce_sum3A_2185 = tpu.scan <sum>, %add3A_2182 masked %reduce_sum3A_2184 : vector<16xf32>, vector<16xi1> -> vector<16xf32>
      %reduce_sum3A_2186 = vector.extract %reduce_sum3A_2185[15] : f32 from vector<16xf32>
      %eq3A_2187 = arith.constant 0 : i32
      %eq3A_2188 = vector.broadcast %eq3A_2187 : i32 to vector<16xi32>
      %eq3A_2189 = arith.cmpi eq, %iota3A, %eq3A_2188 : vector<16xi32>
      %add3A_2190 = vector.broadcast %reduce_sum3A_2186 : f32 to vector<16xf32>
      %add3A_2191 = arith.addf %get3A_3, %add3A_2190 : vector<16xf32>
      %select_n3A_2192 = arith.select %eq3A_2189, %add3A_2191, %get3A_3 : vector<16xi1>, vector<16xf32>
      %get3A_2193 = arith.constant 1 : i32
      %get3A_2194 = arith.index_cast %get3A_2193 : i32 to index
      %get3A_2195 = arith.constant 0 : index
      %get3A_2196 = tpu.vector_load %arg45[%get3A_2194, %get3A_2195] {strides = array<i32>} : memref<5x48xf32, #tpu.memory_space<vmem>>, vector<16xf32>,
      %mul3A_2197 = arith.mulf %mul3A_2165, %get3A_2196 : vector<16xf32>
      %get3A_2198 = arith.constant 1 : i32
      %get3A_2199 = arith.index_cast %get3A_2198 : i32 to index
      %get3A_2200 = arith.constant 16 : index
      %get3A_2201 = tpu.vector_load %arg45[%get3A_2199, %get3A_2200] {strides = array<i32>} : memref<5x48xf32, #tpu.memory_space<vmem>>, vector<16xf32>,
      %mul3A_2202 = arith.mulf %gather3A_2163, %get3A_2201 : vector<16xf32>
      %add3A_2203 = arith.addf %mul3A_2197, %mul3A_2202 : vector<16xf32>
      %get3A_2204 = arith.constant 1 : i32
      %get3A_2205 = arith.index_cast %get3A_2204 : i32 to index
      %get3A_2206 = arith.constant 32 : index
      %get3A_2207 = tpu.vector_load %arg45[%get3A_2205, %get3A_2206] {strides = array<i32>} : memref<5x48xf32, #tpu.memory_space<vmem>>, vector<16xf32>,
      %mul3A_2208 = arith.mulf %gather3A_2164, %get3A_2207 : vector<16xf32>
      %add3A_2209 = arith.addf %add3A_2203, %mul3A_2208 : vector<16xf32>
      %reduce_sum3A_2210 = arith.constant true
      %reduce_sum3A_2211 = vector.broadcast %reduce_sum3A_2210 : i1 to vector<16xi1>
      %reduce_sum3A_2212 = tpu.scan <sum>, %add3A_2209 masked %reduce_sum3A_2211 : vector<16xf32>, vector<16xi1> -> vector<16xf32>
      %reduce_sum3A_2213 = vector.extract %reduce_sum3A_2212[15] : f32 from vector<16xf32>
      %eq3A_2214 = arith.constant 1 : i32
      %eq3A_2215 = vector.broadcast %eq3A_2214 : i32 to vector<16xi32>
      %eq3A_2216 = arith.cmpi eq, %iota3A, %eq3A_2215 : vector<16xi32>
      %add3A_2217 = vector.broadcast %reduce_sum3A_2213 : f32 to vector<16xf32>
      %add3A_2218 = arith.addf %select_n3A_2192, %add3A_2217 : vector<16xf32>
      %select_n3A_2219 = arith.select %eq3A_2216, %add3A_2218, %select_n3A_2192 : vector<16xi1>, vector<16xf32>
      %get3A_2220 = arith.constant 2 : i32
      %get3A_2221 = arith.index_cast %get3A_2220 : i32 to index
      %get3A_2222 = arith.constant 0 : index
      %get3A_2223 = tpu.vector_load %arg45[%get3A_2221, %get3A_2222] {strides = array<i32>} : memref<5x48xf32, #tpu.memory_space<vmem>>, vector<16xf32>,
      %mul3A_2224 = arith.mulf %mul3A_2165, %get3A_2223 : vector<16xf32>
      %get3A_2225 = arith.constant 2 : i32
      %get3A_2226 = arith.index_cast %get3A_2225 : i32 to index
      %get3A_2227 = arith.constant 16 : index
      %get3A_2228 = tpu.vector_load %arg45[%get3A_2226, %get3A_2227] {strides = array<i32>} : memref<5x48xf32, #tpu.memory_space<vmem>>, vector<16xf32>,
      %mul3A_2229 = arith.mulf %gather3A_2163, %get3A_2228 : vector<16xf32>
      %add3A_2230 = arith.addf %mul3A_2224, %mul3A_2229 : vector<16xf32>
      %get3A_2231 = arith.constant 2 : i32
      %get3A_2232 = arith.index_cast %get3A_2231 : i32 to index
      %get3A_2233 = arith.constant 32 : index
      %get3A_2234 = tpu.vector_load %arg45[%get3A_2232, %get3A_2233] {strides = array<i32>} : memref<5x48xf32, #tpu.memory_space<vmem>>, vector<16xf32>,
      %mul3A_2235 = arith.mulf %gather3A_2164, %get3A_2234 : vector<16xf32>
      %add3A_2236 = arith.addf %add3A_2230, %mul3A_2235 : vector<16xf32>
      %reduce_sum3A_2237 = arith.constant true
      %reduce_sum3A_2238 = vector.broadcast %reduce_sum3A_2237 : i1 to vector<16xi1>
      %reduce_sum3A_2239 = tpu.scan <sum>, %add3A_2236 masked %reduce_sum3A_2238 : vector<16xf32>, vector<16xi1> -> vector<16xf32>
      %reduce_sum3A_2240 = vector.extract %reduce_sum3A_2239[15] : f32 from vector<16xf32>
      %eq3A_2241 = arith.constant 2 : i32
      %eq3A_2242 = vector.broadcast %eq3A_2241 : i32 to vector<16xi32>
      %eq3A_2243 = arith.cmpi eq, %iota3A, %eq3A_2242 : vector<16xi32>
      %add3A_2244 = vector.broadcast %reduce_sum3A_2240 : f32 to vector<16xf32>
      %add3A_2245 = arith.addf %select_n3A_2219, %add3A_2244 : vector<16xf32>
      %select_n3A_2246 = arith.select %eq3A_2243, %add3A_2245, %select_n3A_2219 : vector<16xi1>, vector<16xf32>
      %get3A_2247 = arith.constant 3 : i32
      %get3A_2248 = arith.index_cast %get3A_2247 : i32 to index
      %get3A_2249 = arith.constant 0 : index
      %get3A_2250 = tpu.vector_load %arg45[%get3A_2248, %get3A_2249] {strides = array<i32>} : memref<5x48xf32, #tpu.memory_space<vmem>>, vector<16xf32>,
      %mul3A_2251 = arith.mulf %mul3A_2165, %get3A_2250 : vector<16xf32>
      %get3A_2252 = arith.constant 3 : i32
      %get3A_2253 = arith.index_cast %get3A_2252 : i32 to index
      %get3A_2254 = arith.constant 16 : index
      %get3A_2255 = tpu.vector_load %arg45[%get3A_2253, %get3A_2254] {strides = array<i32>} : memref<5x48xf32, #tpu.memory_space<vmem>>, vector<16xf32>,
      %mul3A_2256 = arith.mulf %gather3A_2163, %get3A_2255 : vector<16xf32>
      %add3A_2257 = arith.addf %mul3A_2251, %mul3A_2256 : vector<16xf32>
      %get3A_2258 = arith.constant 3 : i32
      %get3A_2259 = arith.index_cast %get3A_2258 : i32 to index
      %get3A_2260 = arith.constant 32 : index
      %get3A_2261 = tpu.vector_load %arg45[%get3A_2259, %get3A_2260] {strides = array<i32>} : memref<5x48xf32, #tpu.memory_space<vmem>>, vector<16xf32>,
      %mul3A_2262 = arith.mulf %gather3A_2164, %get3A_2261 : vector<16xf32>
      %add3A_2263 = arith.addf %add3A_2257, %mul3A_2262 : vector<16xf32>
      %reduce_sum3A_2264 = arith.constant true
      %reduce_sum3A_2265 = vector.broadcast %reduce_sum3A_2264 : i1 to vector<16xi1>
      %reduce_sum3A_2266 = tpu.scan <sum>, %add3A_2263 masked %reduce_sum3A_2265 : vector<16xf32>, vector<16xi1> -> vector<16xf32>
      %reduce_sum3A_2267 = vector.extract %reduce_sum3A_2266[15] : f32 from vector<16xf32>
      %eq3A_2268 = arith.constant 3 : i32
      %eq3A_2269 = vector.broadcast %eq3A_2268 : i32 to vector<16xi32>
      %eq3A_2270 = arith.cmpi eq, %iota3A, %eq3A_2269 : vector<16xi32>
      %add3A_2271 = vector.broadcast %reduce_sum3A_2267 : f32 to vector<16xf32>
      %add3A_2272 = arith.addf %select_n3A_2246, %add3A_2271 : vector<16xf32>
      %select_n3A_2273 = arith.select %eq3A_2270, %add3A_2272, %select_n3A_2246 : vector<16xi1>, vector<16xf32>
      %get3A_2274 = arith.constant 4 : i32
      %get3A_2275 = arith.index_cast %get3A_2274 : i32 to index
      %get3A_2276 = arith.constant 0 : index
      %get3A_2277 = tpu.vector_load %arg45[%get3A_2275, %get3A_2276] {strides = array<i32>} : memref<5x48xf32, #tpu.memory_space<vmem>>, vector<16xf32>,
      %mul3A_2278 = arith.mulf %mul3A_2165, %get3A_2277 : vector<16xf32>
      %get3A_2279 = arith.constant 4 : i32
      %get3A_2280 = arith.index_cast %get3A_2279 : i32 to index
      %get3A_2281 = arith.constant 16 : index
      %get3A_2282 = tpu.vector_load %arg45[%get3A_2280, %get3A_2281] {strides = array<i32>} : memref<5x48xf32, #tpu.memory_space<vmem>>, vector<16xf32>,
      %mul3A_2283 = arith.mulf %gather3A_2163, %get3A_2282 : vector<16xf32>
      %add3A_2284 = arith.addf %mul3A_2278, %mul3A_2283 : vector<16xf32>
      %get3A_2285 = arith.constant 4 : i32
      %get3A_2286 = arith.index_cast %get3A_2285 : i32 to index
      %get3A_2287 = arith.constant 32 : index
      %get3A_2288 = tpu.vector_load %arg45[%get3A_2286, %get3A_2287] {strides = array<i32>} : memref<5x48xf32, #tpu.memory_space<vmem>>, vector<16xf32>,
      %mul3A_2289 = arith.mulf %gather3A_2164, %get3A_2288 : vector<16xf32>
      %add3A_2290 = arith.addf %add3A_2284, %mul3A_2289 : vector<16xf32>
      %reduce_sum3A_2291 = arith.constant true
      %reduce_sum3A_2292 = vector.broadcast %reduce_sum3A_2291 : i1 to vector<16xi1>
      %reduce_sum3A_2293 = tpu.scan <sum>, %add3A_2290 masked %reduce_sum3A_2292 : vector<16xf32>, vector<16xi1> -> vector<16xf32>
      %reduce_sum3A_2294 = vector.extract %reduce_sum3A_2293[15] : f32 from vector<16xf32>
      %eq3A_2295 = arith.constant 4 : i32
      %eq3A_2296 = vector.broadcast %eq3A_2295 : i32 to vector<16xi32>
      %eq3A_2297 = arith.cmpi eq, %iota3A, %eq3A_2296 : vector<16xi32>
      %add3A_2298 = vector.broadcast %reduce_sum3A_2294 : f32 to vector<16xf32>
      %add3A_2299 = arith.addf %select_n3A_2273, %add3A_2298 : vector<16xf32>
      %select_n3A_2300 = arith.select %eq3A_2297, %add3A_2299, %select_n3A_2273 : vector<16xi1>, vector<16xf32>
      %mul3A_2301 = arith.constant 16 : i32
      %mul3A_2302 = arith.muli %scan3A_247, %mul3A_2301 : i32
      %add3A_2303 = arith.constant 9 : i32
      %add3A_2304 = arith.addi %mul3A_2302, %add3A_2303 : i32
      %add3A_2305 = arith.constant 0 : i32
      %add3A_2306 = arith.addi %add3A_2304, %add3A_2305 : i32
      %broadcast_in_dim3A_2307 = vector.broadcast %add3A_2306 : i32 to vector<16xi32>
      tpu.vector_store_idx %arg47[%iota3A, %broadcast_in_dim3A_2307], %select_n3A_2300 : memref<16x512xf32, #tpu.memory_space<vmem>>[vector<16xi32>, vector<16xi32>], vector<16xf32>,
      %lt3A_2308 = arith.constant 31 : i32
      %lt3A_2309 = arith.cmpi slt, %scan3A_247, %lt3A_2308 : i32
      %convert_element_type3A_2310 = arith.extui %lt3A_2309 : i1 to i32
      %cond3A_2311 = arith.constant 0 : i32
      %cond3A_2312 = arith.cmpi ne, %convert_element_type3A_2310, %cond3A_2311 : i32
      scf.if %cond3A_2312 {
        %slice3A_3429 = vector.extract_strided_slice %get3A_260 {offsets = [1], sizes = [1], strides = [1]} : vector<16xi32> to vector<1xi32>
        %squeeze3A_3430 = vector.extract %slice3A_3429[0] : i32 from vector<1xi32>
        %slice3A_3431 = vector.extract_strided_slice %get3A_262 {offsets = [1], sizes = [1], strides = [1]} : vector<16xi32> to vector<1xi32>
        %squeeze3A_3432 = vector.extract %slice3A_3431[0] : i32 from vector<1xi32>
        %shift_right_arithmetic3A_3433 = arith.constant 7 : i32
        %shift_right_arithmetic3A_3434 = arith.shrsi %squeeze3A_3430, %shift_right_arithmetic3A_3433 : i32
        %shift_left3A_3435 = arith.constant 7 : i32
        %shift_left3A_3436 = arith.shli %shift_right_arithmetic3A_3434, %shift_left3A_3435 : i32
        %multiple_of3A_3437 = tpu.assume_multiple %shift_left3A_3436, 128 : i32
        %shift_right_arithmetic3A_3438 = arith.constant 7 : i32
        %shift_right_arithmetic3A_3439 = arith.shrsi %squeeze3A_3432, %shift_right_arithmetic3A_3438 : i32
        %shift_left3A_3440 = arith.constant 7 : i32
        %shift_left3A_3441 = arith.shli %shift_right_arithmetic3A_3439, %shift_left3A_3440 : i32
        %multiple_of3A_3442 = tpu.assume_multiple %shift_left3A_3441, 128 : i32
        %dma_start3A_3443 = arith.constant 0 : i32
        %dma_start3A_3444 = tpu.memref_slice %arg4[%dma_start3A_3443, %multiple_of3A_3437] : memref<16x1000000xf32, #tpu.memory_space<hbm>> -> memref<16x128xf32, #tpu.memory_space<hbm>>
        %dma_start3A_3445 = arith.constant 0 : i32
        %dma_start3A_3446 = tpu.memref_slice %arg4[%dma_start3A_3445, %multiple_of3A_3437] : memref<16x1000000xf32, #tpu.memory_space<hbm>> -> memref<16x128xf32, #tpu.memory_space<hbm>>
        tpu.enqueue_dma source(%dma_start3A_3446 : memref<16x128xf32, #tpu.memory_space<hbm>>) target(%arg17 : memref<16x128xf32, #tpu.memory_space<vmem>>) target_semaphore(%arg49 : memref<!tpu.dma_semaphore, #tpu.memory_space<semaphore_mem>>)
        %dma_start3A_3447 = arith.constant 0 : i32
        %dma_start3A_3448 = tpu.memref_slice %arg5[%dma_start3A_3447, %multiple_of3A_3442] : memref<16x1000000xf32, #tpu.memory_space<hbm>> -> memref<16x128xf32, #tpu.memory_space<hbm>>
        %dma_start3A_3449 = arith.constant 0 : i32
        %dma_start3A_3450 = tpu.memref_slice %arg5[%dma_start3A_3449, %multiple_of3A_3442] : memref<16x1000000xf32, #tpu.memory_space<hbm>> -> memref<16x128xf32, #tpu.memory_space<hbm>>
        tpu.enqueue_dma source(%dma_start3A_3450 : memref<16x128xf32, #tpu.memory_space<hbm>>) target(%arg18 : memref<16x128xf32, #tpu.memory_space<vmem>>) target_semaphore(%arg49 : memref<!tpu.dma_semaphore, #tpu.memory_space<semaphore_mem>>)
        %dma_start3A_3451 = arith.constant 0 : i32
        %dma_start3A_3452 = tpu.memref_slice %arg6[%dma_start3A_3451, %multiple_of3A_3437] : memref<16x1000000xf32, #tpu.memory_space<hbm>> -> memref<16x128xf32, #tpu.memory_space<hbm>>
        %dma_start3A_3453 = arith.constant 0 : i32
        %dma_start3A_3454 = tpu.memref_slice %arg6[%dma_start3A_3453, %multiple_of3A_3437] : memref<16x1000000xf32, #tpu.memory_space<hbm>> -> memref<16x128xf32, #tpu.memory_space<hbm>>
        tpu.enqueue_dma source(%dma_start3A_3454 : memref<16x128xf32, #tpu.memory_space<hbm>>) target(%arg19 : memref<16x128xf32, #tpu.memory_space<vmem>>) target_semaphore(%arg49 : memref<!tpu.dma_semaphore, #tpu.memory_space<semaphore_mem>>)
        %dma_start3A_3455 = arith.constant 0 : i32
        %dma_start3A_3456 = tpu.memref_slice %arg7[%dma_start3A_3455, %multiple_of3A_3442] : memref<16x1000000xf32, #tpu.memory_space<hbm>> -> memref<16x128xf32, #tpu.memory_space<hbm>>
        %dma_start3A_3457 = arith.constant 0 : i32
        %dma_start3A_3458 = tpu.memref_slice %arg7[%dma_start3A_3457, %multiple_of3A_3442] : memref<16x1000000xf32, #tpu.memory_space<hbm>> -> memref<16x128xf32, #tpu.memory_space<hbm>>
        tpu.enqueue_dma source(%dma_start3A_3458 : memref<16x128xf32, #tpu.memory_space<hbm>>) target(%arg20 : memref<16x128xf32, #tpu.memory_space<vmem>>) target_semaphore(%arg49 : memref<!tpu.dma_semaphore, #tpu.memory_space<semaphore_mem>>)
      } else {
      }
      %dma_wait3A_2313 = arith.constant 0 : i32
      %dma_wait3A_2314 = arith.constant 0 : i32
      %dma_wait3A_2315 = tpu.memref_slice %arg4[%dma_wait3A_2313, %dma_wait3A_2314] : memref<16x1000000xf32, #tpu.memory_space<hbm>> -> memref<16x128xf32, #tpu.memory_space<hbm>>
      %dma_wait3A_2316 = arith.constant 0 : i32
      %dma_wait3A_2317 = arith.constant 0 : i32
      %dma_wait3A_2318 = tpu.memref_slice %arg4[%dma_wait3A_2316, %dma_wait3A_2317] : memref<16x1000000xf32, #tpu.memory_space<hbm>> -> memref<16x128xf32, #tpu.memory_space<hbm>>
      tpu.wait_dma2 semaphore(%arg50 : memref<!tpu.dma_semaphore, #tpu.memory_space<semaphore_mem>>) src(%dma_wait3A_2318 : memref<16x128xf32, #tpu.memory_space<hbm>>) dst(%arg21 : memref<16x128xf32, #tpu.memory_space<vmem>>)
      %dma_wait3A_2319 = arith.constant 0 : i32
      %dma_wait3A_2320 = arith.constant 0 : i32
      %dma_wait3A_2321 = tpu.memref_slice %arg5[%dma_wait3A_2319, %dma_wait3A_2320] : memref<16x1000000xf32, #tpu.memory_space<hbm>> -> memref<16x128xf32, #tpu.memory_space<hbm>>
      %dma_wait3A_2322 = arith.constant 0 : i32
      %dma_wait3A_2323 = arith.constant 0 : i32
      %dma_wait3A_2324 = tpu.memref_slice %arg5[%dma_wait3A_2322, %dma_wait3A_2323] : memref<16x1000000xf32, #tpu.memory_space<hbm>> -> memref<16x128xf32, #tpu.memory_space<hbm>>
      tpu.wait_dma2 semaphore(%arg50 : memref<!tpu.dma_semaphore, #tpu.memory_space<semaphore_mem>>) src(%dma_wait3A_2324 : memref<16x128xf32, #tpu.memory_space<hbm>>) dst(%arg22 : memref<16x128xf32, #tpu.memory_space<vmem>>)
      %dma_wait3A_2325 = arith.constant 0 : i32
      %dma_wait3A_2326 = arith.constant 0 : i32
      %dma_wait3A_2327 = tpu.memref_slice %arg6[%dma_wait3A_2325, %dma_wait3A_2326] : memref<16x1000000xf32, #tpu.memory_space<hbm>> -> memref<16x128xf32, #tpu.memory_space<hbm>>
      %dma_wait3A_2328 = arith.constant 0 : i32
      %dma_wait3A_2329 = arith.constant 0 : i32
      %dma_wait3A_2330 = tpu.memref_slice %arg6[%dma_wait3A_2328, %dma_wait3A_2329] : memref<16x1000000xf32, #tpu.memory_space<hbm>> -> memref<16x128xf32, #tpu.memory_space<hbm>>
      tpu.wait_dma2 semaphore(%arg50 : memref<!tpu.dma_semaphore, #tpu.memory_space<semaphore_mem>>) src(%dma_wait3A_2330 : memref<16x128xf32, #tpu.memory_space<hbm>>) dst(%arg23 : memref<16x128xf32, #tpu.memory_space<vmem>>)
      %dma_wait3A_2331 = arith.constant 0 : i32
      %dma_wait3A_2332 = arith.constant 0 : i32
      %dma_wait3A_2333 = tpu.memref_slice %arg7[%dma_wait3A_2331, %dma_wait3A_2332] : memref<16x1000000xf32, #tpu.memory_space<hbm>> -> memref<16x128xf32, #tpu.memory_space<hbm>>
      %dma_wait3A_2334 = arith.constant 0 : i32
      %dma_wait3A_2335 = arith.constant 0 : i32
      %dma_wait3A_2336 = tpu.memref_slice %arg7[%dma_wait3A_2334, %dma_wait3A_2335] : memref<16x1000000xf32, #tpu.memory_space<hbm>> -> memref<16x128xf32, #tpu.memory_space<hbm>>
      tpu.wait_dma2 semaphore(%arg50 : memref<!tpu.dma_semaphore, #tpu.memory_space<semaphore_mem>>) src(%dma_wait3A_2336 : memref<16x128xf32, #tpu.memory_space<hbm>>) dst(%arg24 : memref<16x128xf32, #tpu.memory_space<vmem>>)
      %slice3A_2337 = vector.extract_strided_slice %get3A_251 {offsets = [10], sizes = [1], strides = [1]} : vector<16xi32> to vector<1xi32>
      %squeeze3A_2338 = vector.extract %slice3A_2337[0] : i32 from vector<1xi32>
      %slice3A_2339 = vector.extract_strided_slice %get3A_253 {offsets = [10], sizes = [1], strides = [1]} : vector<16xi32> to vector<1xi32>
      %squeeze3A_2340 = vector.extract %slice3A_2339[0] : i32 from vector<1xi32>
      %and3A_2341 = arith.constant 127 : i32
      %and3A_2342 = arith.andi %squeeze3A_2338, %and3A_2341 : i32
      %broadcast_in_dim3A_2343 = vector.broadcast %and3A_2342 : i32 to vector<16xi32>
      %and3A_2344 = arith.constant 127 : i32
      %and3A_2345 = arith.andi %squeeze3A_2340, %and3A_2344 : i32
      %broadcast_in_dim3A_2346 = vector.broadcast %and3A_2345 : i32 to vector<16xi32>
      %gather3A_2347 = tpu.vector_load_idx %arg21[%iota3A, %broadcast_in_dim3A_2343] : memref<16x128xf32, #tpu.memory_space<vmem>>[vector<16xi32>, vector<16xi32>], vector<16xf32>,
      %gather3A_2348 = tpu.vector_load_idx %arg22[%iota3A, %broadcast_in_dim3A_2346] : memref<16x128xf32, #tpu.memory_space<vmem>>[vector<16xi32>, vector<16xi32>], vector<16xf32>,
      %gather3A_2349 = tpu.vector_load_idx %arg23[%iota3A, %broadcast_in_dim3A_2343] : memref<16x128xf32, #tpu.memory_space<vmem>>[vector<16xi32>, vector<16xi32>], vector<16xf32>,
      %gather3A_2350 = tpu.vector_load_idx %arg24[%iota3A, %broadcast_in_dim3A_2346] : memref<16x128xf32, #tpu.memory_space<vmem>>[vector<16xi32>, vector<16xi32>], vector<16xf32>,
      %mul3A_2351 = arith.mulf %gather3A_2347, %gather3A_2348 : vector<16xf32>
      %get3A_2352 = arith.constant 0 : i32
      %get3A_2353 = arith.index_cast %get3A_2352 : i32 to index
      %get3A_2354 = arith.constant 0 : index
      %get3A_2355 = tpu.vector_load %arg45[%get3A_2353, %get3A_2354] {strides = array<i32>} : memref<5x48xf32, #tpu.memory_space<vmem>>, vector<16xf32>,
      %mul3A_2356 = arith.mulf %mul3A_2351, %get3A_2355 : vector<16xf32>
      %get3A_2357 = arith.constant 0 : i32
      %get3A_2358 = arith.index_cast %get3A_2357 : i32 to index
      %get3A_2359 = arith.constant 16 : index
      %get3A_2360 = tpu.vector_load %arg45[%get3A_2358, %get3A_2359] {strides = array<i32>} : memref<5x48xf32, #tpu.memory_space<vmem>>, vector<16xf32>,
      %mul3A_2361 = arith.mulf %gather3A_2349, %get3A_2360 : vector<16xf32>
      %add3A_2362 = arith.addf %mul3A_2356, %mul3A_2361 : vector<16xf32>
      %get3A_2363 = arith.constant 0 : i32
      %get3A_2364 = arith.index_cast %get3A_2363 : i32 to index
      %get3A_2365 = arith.constant 32 : index
      %get3A_2366 = tpu.vector_load %arg45[%get3A_2364, %get3A_2365] {strides = array<i32>} : memref<5x48xf32, #tpu.memory_space<vmem>>, vector<16xf32>,
      %mul3A_2367 = arith.mulf %gather3A_2350, %get3A_2366 : vector<16xf32>
      %add3A_2368 = arith.addf %add3A_2362, %mul3A_2367 : vector<16xf32>
      %reduce_sum3A_2369 = arith.constant true
      %reduce_sum3A_2370 = vector.broadcast %reduce_sum3A_2369 : i1 to vector<16xi1>
      %reduce_sum3A_2371 = tpu.scan <sum>, %add3A_2368 masked %reduce_sum3A_2370 : vector<16xf32>, vector<16xi1> -> vector<16xf32>
      %reduce_sum3A_2372 = vector.extract %reduce_sum3A_2371[15] : f32 from vector<16xf32>
      %eq3A_2373 = arith.constant 0 : i32
      %eq3A_2374 = vector.broadcast %eq3A_2373 : i32 to vector<16xi32>
      %eq3A_2375 = arith.cmpi eq, %iota3A, %eq3A_2374 : vector<16xi32>
      %add3A_2376 = vector.broadcast %reduce_sum3A_2372 : f32 to vector<16xf32>
      %add3A_2377 = arith.addf %get3A_3, %add3A_2376 : vector<16xf32>
      %select_n3A_2378 = arith.select %eq3A_2375, %add3A_2377, %get3A_3 : vector<16xi1>, vector<16xf32>
      %get3A_2379 = arith.constant 1 : i32
      %get3A_2380 = arith.index_cast %get3A_2379 : i32 to index
      %get3A_2381 = arith.constant 0 : index
      %get3A_2382 = tpu.vector_load %arg45[%get3A_2380, %get3A_2381] {strides = array<i32>} : memref<5x48xf32, #tpu.memory_space<vmem>>, vector<16xf32>,
      %mul3A_2383 = arith.mulf %mul3A_2351, %get3A_2382 : vector<16xf32>
      %get3A_2384 = arith.constant 1 : i32
      %get3A_2385 = arith.index_cast %get3A_2384 : i32 to index
      %get3A_2386 = arith.constant 16 : index
      %get3A_2387 = tpu.vector_load %arg45[%get3A_2385, %get3A_2386] {strides = array<i32>} : memref<5x48xf32, #tpu.memory_space<vmem>>, vector<16xf32>,
      %mul3A_2388 = arith.mulf %gather3A_2349, %get3A_2387 : vector<16xf32>
      %add3A_2389 = arith.addf %mul3A_2383, %mul3A_2388 : vector<16xf32>
      %get3A_2390 = arith.constant 1 : i32
      %get3A_2391 = arith.index_cast %get3A_2390 : i32 to index
      %get3A_2392 = arith.constant 32 : index
      %get3A_2393 = tpu.vector_load %arg45[%get3A_2391, %get3A_2392] {strides = array<i32>} : memref<5x48xf32, #tpu.memory_space<vmem>>, vector<16xf32>,
      %mul3A_2394 = arith.mulf %gather3A_2350, %get3A_2393 : vector<16xf32>
      %add3A_2395 = arith.addf %add3A_2389, %mul3A_2394 : vector<16xf32>
      %reduce_sum3A_2396 = arith.constant true
      %reduce_sum3A_2397 = vector.broadcast %reduce_sum3A_2396 : i1 to vector<16xi1>
      %reduce_sum3A_2398 = tpu.scan <sum>, %add3A_2395 masked %reduce_sum3A_2397 : vector<16xf32>, vector<16xi1> -> vector<16xf32>
      %reduce_sum3A_2399 = vector.extract %reduce_sum3A_2398[15] : f32 from vector<16xf32>
      %eq3A_2400 = arith.constant 1 : i32
      %eq3A_2401 = vector.broadcast %eq3A_2400 : i32 to vector<16xi32>
      %eq3A_2402 = arith.cmpi eq, %iota3A, %eq3A_2401 : vector<16xi32>
      %add3A_2403 = vector.broadcast %reduce_sum3A_2399 : f32 to vector<16xf32>
      %add3A_2404 = arith.addf %select_n3A_2378, %add3A_2403 : vector<16xf32>
      %select_n3A_2405 = arith.select %eq3A_2402, %add3A_2404, %select_n3A_2378 : vector<16xi1>, vector<16xf32>
      %get3A_2406 = arith.constant 2 : i32
      %get3A_2407 = arith.index_cast %get3A_2406 : i32 to index
      %get3A_2408 = arith.constant 0 : index
      %get3A_2409 = tpu.vector_load %arg45[%get3A_2407, %get3A_2408] {strides = array<i32>} : memref<5x48xf32, #tpu.memory_space<vmem>>, vector<16xf32>,
      %mul3A_2410 = arith.mulf %mul3A_2351, %get3A_2409 : vector<16xf32>
      %get3A_2411 = arith.constant 2 : i32
      %get3A_2412 = arith.index_cast %get3A_2411 : i32 to index
      %get3A_2413 = arith.constant 16 : index
      %get3A_2414 = tpu.vector_load %arg45[%get3A_2412, %get3A_2413] {strides = array<i32>} : memref<5x48xf32, #tpu.memory_space<vmem>>, vector<16xf32>,
      %mul3A_2415 = arith.mulf %gather3A_2349, %get3A_2414 : vector<16xf32>
      %add3A_2416 = arith.addf %mul3A_2410, %mul3A_2415 : vector<16xf32>
      %get3A_2417 = arith.constant 2 : i32
      %get3A_2418 = arith.index_cast %get3A_2417 : i32 to index
      %get3A_2419 = arith.constant 32 : index
      %get3A_2420 = tpu.vector_load %arg45[%get3A_2418, %get3A_2419] {strides = array<i32>} : memref<5x48xf32, #tpu.memory_space<vmem>>, vector<16xf32>,
      %mul3A_2421 = arith.mulf %gather3A_2350, %get3A_2420 : vector<16xf32>
      %add3A_2422 = arith.addf %add3A_2416, %mul3A_2421 : vector<16xf32>
      %reduce_sum3A_2423 = arith.constant true
      %reduce_sum3A_2424 = vector.broadcast %reduce_sum3A_2423 : i1 to vector<16xi1>
      %reduce_sum3A_2425 = tpu.scan <sum>, %add3A_2422 masked %reduce_sum3A_2424 : vector<16xf32>, vector<16xi1> -> vector<16xf32>
      %reduce_sum3A_2426 = vector.extract %reduce_sum3A_2425[15] : f32 from vector<16xf32>
      %eq3A_2427 = arith.constant 2 : i32
      %eq3A_2428 = vector.broadcast %eq3A_2427 : i32 to vector<16xi32>
      %eq3A_2429 = arith.cmpi eq, %iota3A, %eq3A_2428 : vector<16xi32>
      %add3A_2430 = vector.broadcast %reduce_sum3A_2426 : f32 to vector<16xf32>
      %add3A_2431 = arith.addf %select_n3A_2405, %add3A_2430 : vector<16xf32>
      %select_n3A_2432 = arith.select %eq3A_2429, %add3A_2431, %select_n3A_2405 : vector<16xi1>, vector<16xf32>
      %get3A_2433 = arith.constant 3 : i32
      %get3A_2434 = arith.index_cast %get3A_2433 : i32 to index
      %get3A_2435 = arith.constant 0 : index
      %get3A_2436 = tpu.vector_load %arg45[%get3A_2434, %get3A_2435] {strides = array<i32>} : memref<5x48xf32, #tpu.memory_space<vmem>>, vector<16xf32>,
      %mul3A_2437 = arith.mulf %mul3A_2351, %get3A_2436 : vector<16xf32>
      %get3A_2438 = arith.constant 3 : i32
      %get3A_2439 = arith.index_cast %get3A_2438 : i32 to index
      %get3A_2440 = arith.constant 16 : index
      %get3A_2441 = tpu.vector_load %arg45[%get3A_2439, %get3A_2440] {strides = array<i32>} : memref<5x48xf32, #tpu.memory_space<vmem>>, vector<16xf32>,
      %mul3A_2442 = arith.mulf %gather3A_2349, %get3A_2441 : vector<16xf32>
      %add3A_2443 = arith.addf %mul3A_2437, %mul3A_2442 : vector<16xf32>
      %get3A_2444 = arith.constant 3 : i32
      %get3A_2445 = arith.index_cast %get3A_2444 : i32 to index
      %get3A_2446 = arith.constant 32 : index
      %get3A_2447 = tpu.vector_load %arg45[%get3A_2445, %get3A_2446] {strides = array<i32>} : memref<5x48xf32, #tpu.memory_space<vmem>>, vector<16xf32>,
      %mul3A_2448 = arith.mulf %gather3A_2350, %get3A_2447 : vector<16xf32>
      %add3A_2449 = arith.addf %add3A_2443, %mul3A_2448 : vector<16xf32>
      %reduce_sum3A_2450 = arith.constant true
      %reduce_sum3A_2451 = vector.broadcast %reduce_sum3A_2450 : i1 to vector<16xi1>
      %reduce_sum3A_2452 = tpu.scan <sum>, %add3A_2449 masked %reduce_sum3A_2451 : vector<16xf32>, vector<16xi1> -> vector<16xf32>
      %reduce_sum3A_2453 = vector.extract %reduce_sum3A_2452[15] : f32 from vector<16xf32>
      %eq3A_2454 = arith.constant 3 : i32
      %eq3A_2455 = vector.broadcast %eq3A_2454 : i32 to vector<16xi32>
      %eq3A_2456 = arith.cmpi eq, %iota3A, %eq3A_2455 : vector<16xi32>
      %add3A_2457 = vector.broadcast %reduce_sum3A_2453 : f32 to vector<16xf32>
      %add3A_2458 = arith.addf %select_n3A_2432, %add3A_2457 : vector<16xf32>
      %select_n3A_2459 = arith.select %eq3A_2456, %add3A_2458, %select_n3A_2432 : vector<16xi1>, vector<16xf32>
      %get3A_2460 = arith.constant 4 : i32
      %get3A_2461 = arith.index_cast %get3A_2460 : i32 to index
      %get3A_2462 = arith.constant 0 : index
      %get3A_2463 = tpu.vector_load %arg45[%get3A_2461, %get3A_2462] {strides = array<i32>} : memref<5x48xf32, #tpu.memory_space<vmem>>, vector<16xf32>,
      %mul3A_2464 = arith.mulf %mul3A_2351, %get3A_2463 : vector<16xf32>
      %get3A_2465 = arith.constant 4 : i32
      %get3A_2466 = arith.index_cast %get3A_2465 : i32 to index
      %get3A_2467 = arith.constant 16 : index
      %get3A_2468 = tpu.vector_load %arg45[%get3A_2466, %get3A_2467] {strides = array<i32>} : memref<5x48xf32, #tpu.memory_space<vmem>>, vector<16xf32>,
      %mul3A_2469 = arith.mulf %gather3A_2349, %get3A_2468 : vector<16xf32>
      %add3A_2470 = arith.addf %mul3A_2464, %mul3A_2469 : vector<16xf32>
      %get3A_2471 = arith.constant 4 : i32
      %get3A_2472 = arith.index_cast %get3A_2471 : i32 to index
      %get3A_2473 = arith.constant 32 : index
      %get3A_2474 = tpu.vector_load %arg45[%get3A_2472, %get3A_2473] {strides = array<i32>} : memref<5x48xf32, #tpu.memory_space<vmem>>, vector<16xf32>,
      %mul3A_2475 = arith.mulf %gather3A_2350, %get3A_2474 : vector<16xf32>
      %add3A_2476 = arith.addf %add3A_2470, %mul3A_2475 : vector<16xf32>
      %reduce_sum3A_2477 = arith.constant true
      %reduce_sum3A_2478 = vector.broadcast %reduce_sum3A_2477 : i1 to vector<16xi1>
      %reduce_sum3A_2479 = tpu.scan <sum>, %add3A_2476 masked %reduce_sum3A_2478 : vector<16xf32>, vector<16xi1> -> vector<16xf32>
      %reduce_sum3A_2480 = vector.extract %reduce_sum3A_2479[15] : f32 from vector<16xf32>
      %eq3A_2481 = arith.constant 4 : i32
      %eq3A_2482 = vector.broadcast %eq3A_2481 : i32 to vector<16xi32>
      %eq3A_2483 = arith.cmpi eq, %iota3A, %eq3A_2482 : vector<16xi32>
      %add3A_2484 = vector.broadcast %reduce_sum3A_2480 : f32 to vector<16xf32>
      %add3A_2485 = arith.addf %select_n3A_2459, %add3A_2484 : vector<16xf32>
      %select_n3A_2486 = arith.select %eq3A_2483, %add3A_2485, %select_n3A_2459 : vector<16xi1>, vector<16xf32>
      %mul3A_2487 = arith.constant 16 : i32
      %mul3A_2488 = arith.muli %scan3A_247, %mul3A_2487 : i32
      %add3A_2489 = arith.constant 10 : i32
      %add3A_2490 = arith.addi %mul3A_2488, %add3A_2489 : i32
      %add3A_2491 = arith.constant 0 : i32
      %add3A_2492 = arith.addi %add3A_2490, %add3A_2491 : i32
      %broadcast_in_dim3A_2493 = vector.broadcast %add3A_2492 : i32 to vector<16xi32>
      tpu.vector_store_idx %arg47[%iota3A, %broadcast_in_dim3A_2493], %select_n3A_2486 : memref<16x512xf32, #tpu.memory_space<vmem>>[vector<16xi32>, vector<16xi32>], vector<16xf32>,
      %lt3A_2494 = arith.constant 31 : i32
      %lt3A_2495 = arith.cmpi slt, %scan3A_247, %lt3A_2494 : i32
      %convert_element_type3A_2496 = arith.extui %lt3A_2495 : i1 to i32
      %cond3A_2497 = arith.constant 0 : i32
      %cond3A_2498 = arith.cmpi ne, %convert_element_type3A_2496, %cond3A_2497 : i32
      scf.if %cond3A_2498 {
        %slice3A_3429 = vector.extract_strided_slice %get3A_260 {offsets = [2], sizes = [1], strides = [1]} : vector<16xi32> to vector<1xi32>
        %squeeze3A_3430 = vector.extract %slice3A_3429[0] : i32 from vector<1xi32>
        %slice3A_3431 = vector.extract_strided_slice %get3A_262 {offsets = [2], sizes = [1], strides = [1]} : vector<16xi32> to vector<1xi32>
        %squeeze3A_3432 = vector.extract %slice3A_3431[0] : i32 from vector<1xi32>
        %shift_right_arithmetic3A_3433 = arith.constant 7 : i32
        %shift_right_arithmetic3A_3434 = arith.shrsi %squeeze3A_3430, %shift_right_arithmetic3A_3433 : i32
        %shift_left3A_3435 = arith.constant 7 : i32
        %shift_left3A_3436 = arith.shli %shift_right_arithmetic3A_3434, %shift_left3A_3435 : i32
        %multiple_of3A_3437 = tpu.assume_multiple %shift_left3A_3436, 128 : i32
        %shift_right_arithmetic3A_3438 = arith.constant 7 : i32
        %shift_right_arithmetic3A_3439 = arith.shrsi %squeeze3A_3432, %shift_right_arithmetic3A_3438 : i32
        %shift_left3A_3440 = arith.constant 7 : i32
        %shift_left3A_3441 = arith.shli %shift_right_arithmetic3A_3439, %shift_left3A_3440 : i32
        %multiple_of3A_3442 = tpu.assume_multiple %shift_left3A_3441, 128 : i32
        %dma_start3A_3443 = arith.constant 0 : i32
        %dma_start3A_3444 = tpu.memref_slice %arg4[%dma_start3A_3443, %multiple_of3A_3437] : memref<16x1000000xf32, #tpu.memory_space<hbm>> -> memref<16x128xf32, #tpu.memory_space<hbm>>
        %dma_start3A_3445 = arith.constant 0 : i32
        %dma_start3A_3446 = tpu.memref_slice %arg4[%dma_start3A_3445, %multiple_of3A_3437] : memref<16x1000000xf32, #tpu.memory_space<hbm>> -> memref<16x128xf32, #tpu.memory_space<hbm>>
        tpu.enqueue_dma source(%dma_start3A_3446 : memref<16x128xf32, #tpu.memory_space<hbm>>) target(%arg21 : memref<16x128xf32, #tpu.memory_space<vmem>>) target_semaphore(%arg50 : memref<!tpu.dma_semaphore, #tpu.memory_space<semaphore_mem>>)
        %dma_start3A_3447 = arith.constant 0 : i32
        %dma_start3A_3448 = tpu.memref_slice %arg5[%dma_start3A_3447, %multiple_of3A_3442] : memref<16x1000000xf32, #tpu.memory_space<hbm>> -> memref<16x128xf32, #tpu.memory_space<hbm>>
        %dma_start3A_3449 = arith.constant 0 : i32
        %dma_start3A_3450 = tpu.memref_slice %arg5[%dma_start3A_3449, %multiple_of3A_3442] : memref<16x1000000xf32, #tpu.memory_space<hbm>> -> memref<16x128xf32, #tpu.memory_space<hbm>>
        tpu.enqueue_dma source(%dma_start3A_3450 : memref<16x128xf32, #tpu.memory_space<hbm>>) target(%arg22 : memref<16x128xf32, #tpu.memory_space<vmem>>) target_semaphore(%arg50 : memref<!tpu.dma_semaphore, #tpu.memory_space<semaphore_mem>>)
        %dma_start3A_3451 = arith.constant 0 : i32
        %dma_start3A_3452 = tpu.memref_slice %arg6[%dma_start3A_3451, %multiple_of3A_3437] : memref<16x1000000xf32, #tpu.memory_space<hbm>> -> memref<16x128xf32, #tpu.memory_space<hbm>>
        %dma_start3A_3453 = arith.constant 0 : i32
        %dma_start3A_3454 = tpu.memref_slice %arg6[%dma_start3A_3453, %multiple_of3A_3437] : memref<16x1000000xf32, #tpu.memory_space<hbm>> -> memref<16x128xf32, #tpu.memory_space<hbm>>
        tpu.enqueue_dma source(%dma_start3A_3454 : memref<16x128xf32, #tpu.memory_space<hbm>>) target(%arg23 : memref<16x128xf32, #tpu.memory_space<vmem>>) target_semaphore(%arg50 : memref<!tpu.dma_semaphore, #tpu.memory_space<semaphore_mem>>)
        %dma_start3A_3455 = arith.constant 0 : i32
        %dma_start3A_3456 = tpu.memref_slice %arg7[%dma_start3A_3455, %multiple_of3A_3442] : memref<16x1000000xf32, #tpu.memory_space<hbm>> -> memref<16x128xf32, #tpu.memory_space<hbm>>
        %dma_start3A_3457 = arith.constant 0 : i32
        %dma_start3A_3458 = tpu.memref_slice %arg7[%dma_start3A_3457, %multiple_of3A_3442] : memref<16x1000000xf32, #tpu.memory_space<hbm>> -> memref<16x128xf32, #tpu.memory_space<hbm>>
        tpu.enqueue_dma source(%dma_start3A_3458 : memref<16x128xf32, #tpu.memory_space<hbm>>) target(%arg24 : memref<16x128xf32, #tpu.memory_space<vmem>>) target_semaphore(%arg50 : memref<!tpu.dma_semaphore, #tpu.memory_space<semaphore_mem>>)
      } else {
      }
      %dma_wait3A_2499 = arith.constant 0 : i32
      %dma_wait3A_2500 = arith.constant 0 : i32
      %dma_wait3A_2501 = tpu.memref_slice %arg4[%dma_wait3A_2499, %dma_wait3A_2500] : memref<16x1000000xf32, #tpu.memory_space<hbm>> -> memref<16x128xf32, #tpu.memory_space<hbm>>
      %dma_wait3A_2502 = arith.constant 0 : i32
      %dma_wait3A_2503 = arith.constant 0 : i32
      %dma_wait3A_2504 = tpu.memref_slice %arg4[%dma_wait3A_2502, %dma_wait3A_2503] : memref<16x1000000xf32, #tpu.memory_space<hbm>> -> memref<16x128xf32, #tpu.memory_space<hbm>>
      tpu.wait_dma2 semaphore(%arg51 : memref<!tpu.dma_semaphore, #tpu.memory_space<semaphore_mem>>) src(%dma_wait3A_2504 : memref<16x128xf32, #tpu.memory_space<hbm>>) dst(%arg25 : memref<16x128xf32, #tpu.memory_space<vmem>>)
      %dma_wait3A_2505 = arith.constant 0 : i32
      %dma_wait3A_2506 = arith.constant 0 : i32
      %dma_wait3A_2507 = tpu.memref_slice %arg5[%dma_wait3A_2505, %dma_wait3A_2506] : memref<16x1000000xf32, #tpu.memory_space<hbm>> -> memref<16x128xf32, #tpu.memory_space<hbm>>
      %dma_wait3A_2508 = arith.constant 0 : i32
      %dma_wait3A_2509 = arith.constant 0 : i32
      %dma_wait3A_2510 = tpu.memref_slice %arg5[%dma_wait3A_2508, %dma_wait3A_2509] : memref<16x1000000xf32, #tpu.memory_space<hbm>> -> memref<16x128xf32, #tpu.memory_space<hbm>>
      tpu.wait_dma2 semaphore(%arg51 : memref<!tpu.dma_semaphore, #tpu.memory_space<semaphore_mem>>) src(%dma_wait3A_2510 : memref<16x128xf32, #tpu.memory_space<hbm>>) dst(%arg26 : memref<16x128xf32, #tpu.memory_space<vmem>>)
      %dma_wait3A_2511 = arith.constant 0 : i32
      %dma_wait3A_2512 = arith.constant 0 : i32
      %dma_wait3A_2513 = tpu.memref_slice %arg6[%dma_wait3A_2511, %dma_wait3A_2512] : memref<16x1000000xf32, #tpu.memory_space<hbm>> -> memref<16x128xf32, #tpu.memory_space<hbm>>
      %dma_wait3A_2514 = arith.constant 0 : i32
      %dma_wait3A_2515 = arith.constant 0 : i32
      %dma_wait3A_2516 = tpu.memref_slice %arg6[%dma_wait3A_2514, %dma_wait3A_2515] : memref<16x1000000xf32, #tpu.memory_space<hbm>> -> memref<16x128xf32, #tpu.memory_space<hbm>>
      tpu.wait_dma2 semaphore(%arg51 : memref<!tpu.dma_semaphore, #tpu.memory_space<semaphore_mem>>) src(%dma_wait3A_2516 : memref<16x128xf32, #tpu.memory_space<hbm>>) dst(%arg27 : memref<16x128xf32, #tpu.memory_space<vmem>>)
      %dma_wait3A_2517 = arith.constant 0 : i32
      %dma_wait3A_2518 = arith.constant 0 : i32
      %dma_wait3A_2519 = tpu.memref_slice %arg7[%dma_wait3A_2517, %dma_wait3A_2518] : memref<16x1000000xf32, #tpu.memory_space<hbm>> -> memref<16x128xf32, #tpu.memory_space<hbm>>
      %dma_wait3A_2520 = arith.constant 0 : i32
      %dma_wait3A_2521 = arith.constant 0 : i32
      %dma_wait3A_2522 = tpu.memref_slice %arg7[%dma_wait3A_2520, %dma_wait3A_2521] : memref<16x1000000xf32, #tpu.memory_space<hbm>> -> memref<16x128xf32, #tpu.memory_space<hbm>>
      tpu.wait_dma2 semaphore(%arg51 : memref<!tpu.dma_semaphore, #tpu.memory_space<semaphore_mem>>) src(%dma_wait3A_2522 : memref<16x128xf32, #tpu.memory_space<hbm>>) dst(%arg28 : memref<16x128xf32, #tpu.memory_space<vmem>>)
      %slice3A_2523 = vector.extract_strided_slice %get3A_251 {offsets = [11], sizes = [1], strides = [1]} : vector<16xi32> to vector<1xi32>
      %squeeze3A_2524 = vector.extract %slice3A_2523[0] : i32 from vector<1xi32>
      %slice3A_2525 = vector.extract_strided_slice %get3A_253 {offsets = [11], sizes = [1], strides = [1]} : vector<16xi32> to vector<1xi32>
      %squeeze3A_2526 = vector.extract %slice3A_2525[0] : i32 from vector<1xi32>
      %and3A_2527 = arith.constant 127 : i32
      %and3A_2528 = arith.andi %squeeze3A_2524, %and3A_2527 : i32
      %broadcast_in_dim3A_2529 = vector.broadcast %and3A_2528 : i32 to vector<16xi32>
      %and3A_2530 = arith.constant 127 : i32
      %and3A_2531 = arith.andi %squeeze3A_2526, %and3A_2530 : i32
      %broadcast_in_dim3A_2532 = vector.broadcast %and3A_2531 : i32 to vector<16xi32>
      %gather3A_2533 = tpu.vector_load_idx %arg25[%iota3A, %broadcast_in_dim3A_2529] : memref<16x128xf32, #tpu.memory_space<vmem>>[vector<16xi32>, vector<16xi32>], vector<16xf32>,
      %gather3A_2534 = tpu.vector_load_idx %arg26[%iota3A, %broadcast_in_dim3A_2532] : memref<16x128xf32, #tpu.memory_space<vmem>>[vector<16xi32>, vector<16xi32>], vector<16xf32>,
      %gather3A_2535 = tpu.vector_load_idx %arg27[%iota3A, %broadcast_in_dim3A_2529] : memref<16x128xf32, #tpu.memory_space<vmem>>[vector<16xi32>, vector<16xi32>], vector<16xf32>,
      %gather3A_2536 = tpu.vector_load_idx %arg28[%iota3A, %broadcast_in_dim3A_2532] : memref<16x128xf32, #tpu.memory_space<vmem>>[vector<16xi32>, vector<16xi32>], vector<16xf32>,
      %mul3A_2537 = arith.mulf %gather3A_2533, %gather3A_2534 : vector<16xf32>
      %get3A_2538 = arith.constant 0 : i32
      %get3A_2539 = arith.index_cast %get3A_2538 : i32 to index
      %get3A_2540 = arith.constant 0 : index
      %get3A_2541 = tpu.vector_load %arg45[%get3A_2539, %get3A_2540] {strides = array<i32>} : memref<5x48xf32, #tpu.memory_space<vmem>>, vector<16xf32>,
      %mul3A_2542 = arith.mulf %mul3A_2537, %get3A_2541 : vector<16xf32>
      %get3A_2543 = arith.constant 0 : i32
      %get3A_2544 = arith.index_cast %get3A_2543 : i32 to index
      %get3A_2545 = arith.constant 16 : index
      %get3A_2546 = tpu.vector_load %arg45[%get3A_2544, %get3A_2545] {strides = array<i32>} : memref<5x48xf32, #tpu.memory_space<vmem>>, vector<16xf32>,
      %mul3A_2547 = arith.mulf %gather3A_2535, %get3A_2546 : vector<16xf32>
      %add3A_2548 = arith.addf %mul3A_2542, %mul3A_2547 : vector<16xf32>
      %get3A_2549 = arith.constant 0 : i32
      %get3A_2550 = arith.index_cast %get3A_2549 : i32 to index
      %get3A_2551 = arith.constant 32 : index
      %get3A_2552 = tpu.vector_load %arg45[%get3A_2550, %get3A_2551] {strides = array<i32>} : memref<5x48xf32, #tpu.memory_space<vmem>>, vector<16xf32>,
      %mul3A_2553 = arith.mulf %gather3A_2536, %get3A_2552 : vector<16xf32>
      %add3A_2554 = arith.addf %add3A_2548, %mul3A_2553 : vector<16xf32>
      %reduce_sum3A_2555 = arith.constant true
      %reduce_sum3A_2556 = vector.broadcast %reduce_sum3A_2555 : i1 to vector<16xi1>
      %reduce_sum3A_2557 = tpu.scan <sum>, %add3A_2554 masked %reduce_sum3A_2556 : vector<16xf32>, vector<16xi1> -> vector<16xf32>
      %reduce_sum3A_2558 = vector.extract %reduce_sum3A_2557[15] : f32 from vector<16xf32>
      %eq3A_2559 = arith.constant 0 : i32
      %eq3A_2560 = vector.broadcast %eq3A_2559 : i32 to vector<16xi32>
      %eq3A_2561 = arith.cmpi eq, %iota3A, %eq3A_2560 : vector<16xi32>
      %add3A_2562 = vector.broadcast %reduce_sum3A_2558 : f32 to vector<16xf32>
      %add3A_2563 = arith.addf %get3A_3, %add3A_2562 : vector<16xf32>
      %select_n3A_2564 = arith.select %eq3A_2561, %add3A_2563, %get3A_3 : vector<16xi1>, vector<16xf32>
      %get3A_2565 = arith.constant 1 : i32
      %get3A_2566 = arith.index_cast %get3A_2565 : i32 to index
      %get3A_2567 = arith.constant 0 : index
      %get3A_2568 = tpu.vector_load %arg45[%get3A_2566, %get3A_2567] {strides = array<i32>} : memref<5x48xf32, #tpu.memory_space<vmem>>, vector<16xf32>,
      %mul3A_2569 = arith.mulf %mul3A_2537, %get3A_2568 : vector<16xf32>
      %get3A_2570 = arith.constant 1 : i32
      %get3A_2571 = arith.index_cast %get3A_2570 : i32 to index
      %get3A_2572 = arith.constant 16 : index
      %get3A_2573 = tpu.vector_load %arg45[%get3A_2571, %get3A_2572] {strides = array<i32>} : memref<5x48xf32, #tpu.memory_space<vmem>>, vector<16xf32>,
      %mul3A_2574 = arith.mulf %gather3A_2535, %get3A_2573 : vector<16xf32>
      %add3A_2575 = arith.addf %mul3A_2569, %mul3A_2574 : vector<16xf32>
      %get3A_2576 = arith.constant 1 : i32
      %get3A_2577 = arith.index_cast %get3A_2576 : i32 to index
      %get3A_2578 = arith.constant 32 : index
      %get3A_2579 = tpu.vector_load %arg45[%get3A_2577, %get3A_2578] {strides = array<i32>} : memref<5x48xf32, #tpu.memory_space<vmem>>, vector<16xf32>,
      %mul3A_2580 = arith.mulf %gather3A_2536, %get3A_2579 : vector<16xf32>
      %add3A_2581 = arith.addf %add3A_2575, %mul3A_2580 : vector<16xf32>
      %reduce_sum3A_2582 = arith.constant true
      %reduce_sum3A_2583 = vector.broadcast %reduce_sum3A_2582 : i1 to vector<16xi1>
      %reduce_sum3A_2584 = tpu.scan <sum>, %add3A_2581 masked %reduce_sum3A_2583 : vector<16xf32>, vector<16xi1> -> vector<16xf32>
      %reduce_sum3A_2585 = vector.extract %reduce_sum3A_2584[15] : f32 from vector<16xf32>
      %eq3A_2586 = arith.constant 1 : i32
      %eq3A_2587 = vector.broadcast %eq3A_2586 : i32 to vector<16xi32>
      %eq3A_2588 = arith.cmpi eq, %iota3A, %eq3A_2587 : vector<16xi32>
      %add3A_2589 = vector.broadcast %reduce_sum3A_2585 : f32 to vector<16xf32>
      %add3A_2590 = arith.addf %select_n3A_2564, %add3A_2589 : vector<16xf32>
      %select_n3A_2591 = arith.select %eq3A_2588, %add3A_2590, %select_n3A_2564 : vector<16xi1>, vector<16xf32>
      %get3A_2592 = arith.constant 2 : i32
      %get3A_2593 = arith.index_cast %get3A_2592 : i32 to index
      %get3A_2594 = arith.constant 0 : index
      %get3A_2595 = tpu.vector_load %arg45[%get3A_2593, %get3A_2594] {strides = array<i32>} : memref<5x48xf32, #tpu.memory_space<vmem>>, vector<16xf32>,
      %mul3A_2596 = arith.mulf %mul3A_2537, %get3A_2595 : vector<16xf32>
      %get3A_2597 = arith.constant 2 : i32
      %get3A_2598 = arith.index_cast %get3A_2597 : i32 to index
      %get3A_2599 = arith.constant 16 : index
      %get3A_2600 = tpu.vector_load %arg45[%get3A_2598, %get3A_2599] {strides = array<i32>} : memref<5x48xf32, #tpu.memory_space<vmem>>, vector<16xf32>,
      %mul3A_2601 = arith.mulf %gather3A_2535, %get3A_2600 : vector<16xf32>
      %add3A_2602 = arith.addf %mul3A_2596, %mul3A_2601 : vector<16xf32>
      %get3A_2603 = arith.constant 2 : i32
      %get3A_2604 = arith.index_cast %get3A_2603 : i32 to index
      %get3A_2605 = arith.constant 32 : index
      %get3A_2606 = tpu.vector_load %arg45[%get3A_2604, %get3A_2605] {strides = array<i32>} : memref<5x48xf32, #tpu.memory_space<vmem>>, vector<16xf32>,
      %mul3A_2607 = arith.mulf %gather3A_2536, %get3A_2606 : vector<16xf32>
      %add3A_2608 = arith.addf %add3A_2602, %mul3A_2607 : vector<16xf32>
      %reduce_sum3A_2609 = arith.constant true
      %reduce_sum3A_2610 = vector.broadcast %reduce_sum3A_2609 : i1 to vector<16xi1>
      %reduce_sum3A_2611 = tpu.scan <sum>, %add3A_2608 masked %reduce_sum3A_2610 : vector<16xf32>, vector<16xi1> -> vector<16xf32>
      %reduce_sum3A_2612 = vector.extract %reduce_sum3A_2611[15] : f32 from vector<16xf32>
      %eq3A_2613 = arith.constant 2 : i32
      %eq3A_2614 = vector.broadcast %eq3A_2613 : i32 to vector<16xi32>
      %eq3A_2615 = arith.cmpi eq, %iota3A, %eq3A_2614 : vector<16xi32>
      %add3A_2616 = vector.broadcast %reduce_sum3A_2612 : f32 to vector<16xf32>
      %add3A_2617 = arith.addf %select_n3A_2591, %add3A_2616 : vector<16xf32>
      %select_n3A_2618 = arith.select %eq3A_2615, %add3A_2617, %select_n3A_2591 : vector<16xi1>, vector<16xf32>
      %get3A_2619 = arith.constant 3 : i32
      %get3A_2620 = arith.index_cast %get3A_2619 : i32 to index
      %get3A_2621 = arith.constant 0 : index
      %get3A_2622 = tpu.vector_load %arg45[%get3A_2620, %get3A_2621] {strides = array<i32>} : memref<5x48xf32, #tpu.memory_space<vmem>>, vector<16xf32>,
      %mul3A_2623 = arith.mulf %mul3A_2537, %get3A_2622 : vector<16xf32>
      %get3A_2624 = arith.constant 3 : i32
      %get3A_2625 = arith.index_cast %get3A_2624 : i32 to index
      %get3A_2626 = arith.constant 16 : index
      %get3A_2627 = tpu.vector_load %arg45[%get3A_2625, %get3A_2626] {strides = array<i32>} : memref<5x48xf32, #tpu.memory_space<vmem>>, vector<16xf32>,
      %mul3A_2628 = arith.mulf %gather3A_2535, %get3A_2627 : vector<16xf32>
      %add3A_2629 = arith.addf %mul3A_2623, %mul3A_2628 : vector<16xf32>
      %get3A_2630 = arith.constant 3 : i32
      %get3A_2631 = arith.index_cast %get3A_2630 : i32 to index
      %get3A_2632 = arith.constant 32 : index
      %get3A_2633 = tpu.vector_load %arg45[%get3A_2631, %get3A_2632] {strides = array<i32>} : memref<5x48xf32, #tpu.memory_space<vmem>>, vector<16xf32>,
      %mul3A_2634 = arith.mulf %gather3A_2536, %get3A_2633 : vector<16xf32>
      %add3A_2635 = arith.addf %add3A_2629, %mul3A_2634 : vector<16xf32>
      %reduce_sum3A_2636 = arith.constant true
      %reduce_sum3A_2637 = vector.broadcast %reduce_sum3A_2636 : i1 to vector<16xi1>
      %reduce_sum3A_2638 = tpu.scan <sum>, %add3A_2635 masked %reduce_sum3A_2637 : vector<16xf32>, vector<16xi1> -> vector<16xf32>
      %reduce_sum3A_2639 = vector.extract %reduce_sum3A_2638[15] : f32 from vector<16xf32>
      %eq3A_2640 = arith.constant 3 : i32
      %eq3A_2641 = vector.broadcast %eq3A_2640 : i32 to vector<16xi32>
      %eq3A_2642 = arith.cmpi eq, %iota3A, %eq3A_2641 : vector<16xi32>
      %add3A_2643 = vector.broadcast %reduce_sum3A_2639 : f32 to vector<16xf32>
      %add3A_2644 = arith.addf %select_n3A_2618, %add3A_2643 : vector<16xf32>
      %select_n3A_2645 = arith.select %eq3A_2642, %add3A_2644, %select_n3A_2618 : vector<16xi1>, vector<16xf32>
      %get3A_2646 = arith.constant 4 : i32
      %get3A_2647 = arith.index_cast %get3A_2646 : i32 to index
      %get3A_2648 = arith.constant 0 : index
      %get3A_2649 = tpu.vector_load %arg45[%get3A_2647, %get3A_2648] {strides = array<i32>} : memref<5x48xf32, #tpu.memory_space<vmem>>, vector<16xf32>,
      %mul3A_2650 = arith.mulf %mul3A_2537, %get3A_2649 : vector<16xf32>
      %get3A_2651 = arith.constant 4 : i32
      %get3A_2652 = arith.index_cast %get3A_2651 : i32 to index
      %get3A_2653 = arith.constant 16 : index
      %get3A_2654 = tpu.vector_load %arg45[%get3A_2652, %get3A_2653] {strides = array<i32>} : memref<5x48xf32, #tpu.memory_space<vmem>>, vector<16xf32>,
      %mul3A_2655 = arith.mulf %gather3A_2535, %get3A_2654 : vector<16xf32>
      %add3A_2656 = arith.addf %mul3A_2650, %mul3A_2655 : vector<16xf32>
      %get3A_2657 = arith.constant 4 : i32
      %get3A_2658 = arith.index_cast %get3A_2657 : i32 to index
      %get3A_2659 = arith.constant 32 : index
      %get3A_2660 = tpu.vector_load %arg45[%get3A_2658, %get3A_2659] {strides = array<i32>} : memref<5x48xf32, #tpu.memory_space<vmem>>, vector<16xf32>,
      %mul3A_2661 = arith.mulf %gather3A_2536, %get3A_2660 : vector<16xf32>
      %add3A_2662 = arith.addf %add3A_2656, %mul3A_2661 : vector<16xf32>
      %reduce_sum3A_2663 = arith.constant true
      %reduce_sum3A_2664 = vector.broadcast %reduce_sum3A_2663 : i1 to vector<16xi1>
      %reduce_sum3A_2665 = tpu.scan <sum>, %add3A_2662 masked %reduce_sum3A_2664 : vector<16xf32>, vector<16xi1> -> vector<16xf32>
      %reduce_sum3A_2666 = vector.extract %reduce_sum3A_2665[15] : f32 from vector<16xf32>
      %eq3A_2667 = arith.constant 4 : i32
      %eq3A_2668 = vector.broadcast %eq3A_2667 : i32 to vector<16xi32>
      %eq3A_2669 = arith.cmpi eq, %iota3A, %eq3A_2668 : vector<16xi32>
      %add3A_2670 = vector.broadcast %reduce_sum3A_2666 : f32 to vector<16xf32>
      %add3A_2671 = arith.addf %select_n3A_2645, %add3A_2670 : vector<16xf32>
      %select_n3A_2672 = arith.select %eq3A_2669, %add3A_2671, %select_n3A_2645 : vector<16xi1>, vector<16xf32>
      %mul3A_2673 = arith.constant 16 : i32
      %mul3A_2674 = arith.muli %scan3A_247, %mul3A_2673 : i32
      %add3A_2675 = arith.constant 11 : i32
      %add3A_2676 = arith.addi %mul3A_2674, %add3A_2675 : i32
      %add3A_2677 = arith.constant 0 : i32
      %add3A_2678 = arith.addi %add3A_2676, %add3A_2677 : i32
      %broadcast_in_dim3A_2679 = vector.broadcast %add3A_2678 : i32 to vector<16xi32>
      tpu.vector_store_idx %arg47[%iota3A, %broadcast_in_dim3A_2679], %select_n3A_2672 : memref<16x512xf32, #tpu.memory_space<vmem>>[vector<16xi32>, vector<16xi32>], vector<16xf32>,
      %lt3A_2680 = arith.constant 31 : i32
      %lt3A_2681 = arith.cmpi slt, %scan3A_247, %lt3A_2680 : i32
      %convert_element_type3A_2682 = arith.extui %lt3A_2681 : i1 to i32
      %cond3A_2683 = arith.constant 0 : i32
      %cond3A_2684 = arith.cmpi ne, %convert_element_type3A_2682, %cond3A_2683 : i32
      scf.if %cond3A_2684 {
        %slice3A_3429 = vector.extract_strided_slice %get3A_260 {offsets = [3], sizes = [1], strides = [1]} : vector<16xi32> to vector<1xi32>
        %squeeze3A_3430 = vector.extract %slice3A_3429[0] : i32 from vector<1xi32>
        %slice3A_3431 = vector.extract_strided_slice %get3A_262 {offsets = [3], sizes = [1], strides = [1]} : vector<16xi32> to vector<1xi32>
        %squeeze3A_3432 = vector.extract %slice3A_3431[0] : i32 from vector<1xi32>
        %shift_right_arithmetic3A_3433 = arith.constant 7 : i32
        %shift_right_arithmetic3A_3434 = arith.shrsi %squeeze3A_3430, %shift_right_arithmetic3A_3433 : i32
        %shift_left3A_3435 = arith.constant 7 : i32
        %shift_left3A_3436 = arith.shli %shift_right_arithmetic3A_3434, %shift_left3A_3435 : i32
        %multiple_of3A_3437 = tpu.assume_multiple %shift_left3A_3436, 128 : i32
        %shift_right_arithmetic3A_3438 = arith.constant 7 : i32
        %shift_right_arithmetic3A_3439 = arith.shrsi %squeeze3A_3432, %shift_right_arithmetic3A_3438 : i32
        %shift_left3A_3440 = arith.constant 7 : i32
        %shift_left3A_3441 = arith.shli %shift_right_arithmetic3A_3439, %shift_left3A_3440 : i32
        %multiple_of3A_3442 = tpu.assume_multiple %shift_left3A_3441, 128 : i32
        %dma_start3A_3443 = arith.constant 0 : i32
        %dma_start3A_3444 = tpu.memref_slice %arg4[%dma_start3A_3443, %multiple_of3A_3437] : memref<16x1000000xf32, #tpu.memory_space<hbm>> -> memref<16x128xf32, #tpu.memory_space<hbm>>
        %dma_start3A_3445 = arith.constant 0 : i32
        %dma_start3A_3446 = tpu.memref_slice %arg4[%dma_start3A_3445, %multiple_of3A_3437] : memref<16x1000000xf32, #tpu.memory_space<hbm>> -> memref<16x128xf32, #tpu.memory_space<hbm>>
        tpu.enqueue_dma source(%dma_start3A_3446 : memref<16x128xf32, #tpu.memory_space<hbm>>) target(%arg25 : memref<16x128xf32, #tpu.memory_space<vmem>>) target_semaphore(%arg51 : memref<!tpu.dma_semaphore, #tpu.memory_space<semaphore_mem>>)
        %dma_start3A_3447 = arith.constant 0 : i32
        %dma_start3A_3448 = tpu.memref_slice %arg5[%dma_start3A_3447, %multiple_of3A_3442] : memref<16x1000000xf32, #tpu.memory_space<hbm>> -> memref<16x128xf32, #tpu.memory_space<hbm>>
        %dma_start3A_3449 = arith.constant 0 : i32
        %dma_start3A_3450 = tpu.memref_slice %arg5[%dma_start3A_3449, %multiple_of3A_3442] : memref<16x1000000xf32, #tpu.memory_space<hbm>> -> memref<16x128xf32, #tpu.memory_space<hbm>>
        tpu.enqueue_dma source(%dma_start3A_3450 : memref<16x128xf32, #tpu.memory_space<hbm>>) target(%arg26 : memref<16x128xf32, #tpu.memory_space<vmem>>) target_semaphore(%arg51 : memref<!tpu.dma_semaphore, #tpu.memory_space<semaphore_mem>>)
        %dma_start3A_3451 = arith.constant 0 : i32
        %dma_start3A_3452 = tpu.memref_slice %arg6[%dma_start3A_3451, %multiple_of3A_3437] : memref<16x1000000xf32, #tpu.memory_space<hbm>> -> memref<16x128xf32, #tpu.memory_space<hbm>>
        %dma_start3A_3453 = arith.constant 0 : i32
        %dma_start3A_3454 = tpu.memref_slice %arg6[%dma_start3A_3453, %multiple_of3A_3437] : memref<16x1000000xf32, #tpu.memory_space<hbm>> -> memref<16x128xf32, #tpu.memory_space<hbm>>
        tpu.enqueue_dma source(%dma_start3A_3454 : memref<16x128xf32, #tpu.memory_space<hbm>>) target(%arg27 : memref<16x128xf32, #tpu.memory_space<vmem>>) target_semaphore(%arg51 : memref<!tpu.dma_semaphore, #tpu.memory_space<semaphore_mem>>)
        %dma_start3A_3455 = arith.constant 0 : i32
        %dma_start3A_3456 = tpu.memref_slice %arg7[%dma_start3A_3455, %multiple_of3A_3442] : memref<16x1000000xf32, #tpu.memory_space<hbm>> -> memref<16x128xf32, #tpu.memory_space<hbm>>
        %dma_start3A_3457 = arith.constant 0 : i32
        %dma_start3A_3458 = tpu.memref_slice %arg7[%dma_start3A_3457, %multiple_of3A_3442] : memref<16x1000000xf32, #tpu.memory_space<hbm>> -> memref<16x128xf32, #tpu.memory_space<hbm>>
        tpu.enqueue_dma source(%dma_start3A_3458 : memref<16x128xf32, #tpu.memory_space<hbm>>) target(%arg28 : memref<16x128xf32, #tpu.memory_space<vmem>>) target_semaphore(%arg51 : memref<!tpu.dma_semaphore, #tpu.memory_space<semaphore_mem>>)
      } else {
      }
      %dma_wait3A_2685 = arith.constant 0 : i32
      %dma_wait3A_2686 = arith.constant 0 : i32
      %dma_wait3A_2687 = tpu.memref_slice %arg4[%dma_wait3A_2685, %dma_wait3A_2686] : memref<16x1000000xf32, #tpu.memory_space<hbm>> -> memref<16x128xf32, #tpu.memory_space<hbm>>
      %dma_wait3A_2688 = arith.constant 0 : i32
      %dma_wait3A_2689 = arith.constant 0 : i32
      %dma_wait3A_2690 = tpu.memref_slice %arg4[%dma_wait3A_2688, %dma_wait3A_2689] : memref<16x1000000xf32, #tpu.memory_space<hbm>> -> memref<16x128xf32, #tpu.memory_space<hbm>>
      tpu.wait_dma2 semaphore(%arg52 : memref<!tpu.dma_semaphore, #tpu.memory_space<semaphore_mem>>) src(%dma_wait3A_2690 : memref<16x128xf32, #tpu.memory_space<hbm>>) dst(%arg29 : memref<16x128xf32, #tpu.memory_space<vmem>>)
      %dma_wait3A_2691 = arith.constant 0 : i32
      %dma_wait3A_2692 = arith.constant 0 : i32
      %dma_wait3A_2693 = tpu.memref_slice %arg5[%dma_wait3A_2691, %dma_wait3A_2692] : memref<16x1000000xf32, #tpu.memory_space<hbm>> -> memref<16x128xf32, #tpu.memory_space<hbm>>
      %dma_wait3A_2694 = arith.constant 0 : i32
      %dma_wait3A_2695 = arith.constant 0 : i32
      %dma_wait3A_2696 = tpu.memref_slice %arg5[%dma_wait3A_2694, %dma_wait3A_2695] : memref<16x1000000xf32, #tpu.memory_space<hbm>> -> memref<16x128xf32, #tpu.memory_space<hbm>>
      tpu.wait_dma2 semaphore(%arg52 : memref<!tpu.dma_semaphore, #tpu.memory_space<semaphore_mem>>) src(%dma_wait3A_2696 : memref<16x128xf32, #tpu.memory_space<hbm>>) dst(%arg30 : memref<16x128xf32, #tpu.memory_space<vmem>>)
      %dma_wait3A_2697 = arith.constant 0 : i32
      %dma_wait3A_2698 = arith.constant 0 : i32
      %dma_wait3A_2699 = tpu.memref_slice %arg6[%dma_wait3A_2697, %dma_wait3A_2698] : memref<16x1000000xf32, #tpu.memory_space<hbm>> -> memref<16x128xf32, #tpu.memory_space<hbm>>
      %dma_wait3A_2700 = arith.constant 0 : i32
      %dma_wait3A_2701 = arith.constant 0 : i32
      %dma_wait3A_2702 = tpu.memref_slice %arg6[%dma_wait3A_2700, %dma_wait3A_2701] : memref<16x1000000xf32, #tpu.memory_space<hbm>> -> memref<16x128xf32, #tpu.memory_space<hbm>>
      tpu.wait_dma2 semaphore(%arg52 : memref<!tpu.dma_semaphore, #tpu.memory_space<semaphore_mem>>) src(%dma_wait3A_2702 : memref<16x128xf32, #tpu.memory_space<hbm>>) dst(%arg31 : memref<16x128xf32, #tpu.memory_space<vmem>>)
      %dma_wait3A_2703 = arith.constant 0 : i32
      %dma_wait3A_2704 = arith.constant 0 : i32
      %dma_wait3A_2705 = tpu.memref_slice %arg7[%dma_wait3A_2703, %dma_wait3A_2704] : memref<16x1000000xf32, #tpu.memory_space<hbm>> -> memref<16x128xf32, #tpu.memory_space<hbm>>
      %dma_wait3A_2706 = arith.constant 0 : i32
      %dma_wait3A_2707 = arith.constant 0 : i32
      %dma_wait3A_2708 = tpu.memref_slice %arg7[%dma_wait3A_2706, %dma_wait3A_2707] : memref<16x1000000xf32, #tpu.memory_space<hbm>> -> memref<16x128xf32, #tpu.memory_space<hbm>>
      tpu.wait_dma2 semaphore(%arg52 : memref<!tpu.dma_semaphore, #tpu.memory_space<semaphore_mem>>) src(%dma_wait3A_2708 : memref<16x128xf32, #tpu.memory_space<hbm>>) dst(%arg32 : memref<16x128xf32, #tpu.memory_space<vmem>>)
      %slice3A_2709 = vector.extract_strided_slice %get3A_251 {offsets = [12], sizes = [1], strides = [1]} : vector<16xi32> to vector<1xi32>
      %squeeze3A_2710 = vector.extract %slice3A_2709[0] : i32 from vector<1xi32>
      %slice3A_2711 = vector.extract_strided_slice %get3A_253 {offsets = [12], sizes = [1], strides = [1]} : vector<16xi32> to vector<1xi32>
      %squeeze3A_2712 = vector.extract %slice3A_2711[0] : i32 from vector<1xi32>
      %and3A_2713 = arith.constant 127 : i32
      %and3A_2714 = arith.andi %squeeze3A_2710, %and3A_2713 : i32
      %broadcast_in_dim3A_2715 = vector.broadcast %and3A_2714 : i32 to vector<16xi32>
      %and3A_2716 = arith.constant 127 : i32
      %and3A_2717 = arith.andi %squeeze3A_2712, %and3A_2716 : i32
      %broadcast_in_dim3A_2718 = vector.broadcast %and3A_2717 : i32 to vector<16xi32>
      %gather3A_2719 = tpu.vector_load_idx %arg29[%iota3A, %broadcast_in_dim3A_2715] : memref<16x128xf32, #tpu.memory_space<vmem>>[vector<16xi32>, vector<16xi32>], vector<16xf32>,
      %gather3A_2720 = tpu.vector_load_idx %arg30[%iota3A, %broadcast_in_dim3A_2718] : memref<16x128xf32, #tpu.memory_space<vmem>>[vector<16xi32>, vector<16xi32>], vector<16xf32>,
      %gather3A_2721 = tpu.vector_load_idx %arg31[%iota3A, %broadcast_in_dim3A_2715] : memref<16x128xf32, #tpu.memory_space<vmem>>[vector<16xi32>, vector<16xi32>], vector<16xf32>,
      %gather3A_2722 = tpu.vector_load_idx %arg32[%iota3A, %broadcast_in_dim3A_2718] : memref<16x128xf32, #tpu.memory_space<vmem>>[vector<16xi32>, vector<16xi32>], vector<16xf32>,
      %mul3A_2723 = arith.mulf %gather3A_2719, %gather3A_2720 : vector<16xf32>
      %get3A_2724 = arith.constant 0 : i32
      %get3A_2725 = arith.index_cast %get3A_2724 : i32 to index
      %get3A_2726 = arith.constant 0 : index
      %get3A_2727 = tpu.vector_load %arg45[%get3A_2725, %get3A_2726] {strides = array<i32>} : memref<5x48xf32, #tpu.memory_space<vmem>>, vector<16xf32>,
      %mul3A_2728 = arith.mulf %mul3A_2723, %get3A_2727 : vector<16xf32>
      %get3A_2729 = arith.constant 0 : i32
      %get3A_2730 = arith.index_cast %get3A_2729 : i32 to index
      %get3A_2731 = arith.constant 16 : index
      %get3A_2732 = tpu.vector_load %arg45[%get3A_2730, %get3A_2731] {strides = array<i32>} : memref<5x48xf32, #tpu.memory_space<vmem>>, vector<16xf32>,
      %mul3A_2733 = arith.mulf %gather3A_2721, %get3A_2732 : vector<16xf32>
      %add3A_2734 = arith.addf %mul3A_2728, %mul3A_2733 : vector<16xf32>
      %get3A_2735 = arith.constant 0 : i32
      %get3A_2736 = arith.index_cast %get3A_2735 : i32 to index
      %get3A_2737 = arith.constant 32 : index
      %get3A_2738 = tpu.vector_load %arg45[%get3A_2736, %get3A_2737] {strides = array<i32>} : memref<5x48xf32, #tpu.memory_space<vmem>>, vector<16xf32>,
      %mul3A_2739 = arith.mulf %gather3A_2722, %get3A_2738 : vector<16xf32>
      %add3A_2740 = arith.addf %add3A_2734, %mul3A_2739 : vector<16xf32>
      %reduce_sum3A_2741 = arith.constant true
      %reduce_sum3A_2742 = vector.broadcast %reduce_sum3A_2741 : i1 to vector<16xi1>
      %reduce_sum3A_2743 = tpu.scan <sum>, %add3A_2740 masked %reduce_sum3A_2742 : vector<16xf32>, vector<16xi1> -> vector<16xf32>
      %reduce_sum3A_2744 = vector.extract %reduce_sum3A_2743[15] : f32 from vector<16xf32>
      %eq3A_2745 = arith.constant 0 : i32
      %eq3A_2746 = vector.broadcast %eq3A_2745 : i32 to vector<16xi32>
      %eq3A_2747 = arith.cmpi eq, %iota3A, %eq3A_2746 : vector<16xi32>
      %add3A_2748 = vector.broadcast %reduce_sum3A_2744 : f32 to vector<16xf32>
      %add3A_2749 = arith.addf %get3A_3, %add3A_2748 : vector<16xf32>
      %select_n3A_2750 = arith.select %eq3A_2747, %add3A_2749, %get3A_3 : vector<16xi1>, vector<16xf32>
      %get3A_2751 = arith.constant 1 : i32
      %get3A_2752 = arith.index_cast %get3A_2751 : i32 to index
      %get3A_2753 = arith.constant 0 : index
      %get3A_2754 = tpu.vector_load %arg45[%get3A_2752, %get3A_2753] {strides = array<i32>} : memref<5x48xf32, #tpu.memory_space<vmem>>, vector<16xf32>,
      %mul3A_2755 = arith.mulf %mul3A_2723, %get3A_2754 : vector<16xf32>
      %get3A_2756 = arith.constant 1 : i32
      %get3A_2757 = arith.index_cast %get3A_2756 : i32 to index
      %get3A_2758 = arith.constant 16 : index
      %get3A_2759 = tpu.vector_load %arg45[%get3A_2757, %get3A_2758] {strides = array<i32>} : memref<5x48xf32, #tpu.memory_space<vmem>>, vector<16xf32>,
      %mul3A_2760 = arith.mulf %gather3A_2721, %get3A_2759 : vector<16xf32>
      %add3A_2761 = arith.addf %mul3A_2755, %mul3A_2760 : vector<16xf32>
      %get3A_2762 = arith.constant 1 : i32
      %get3A_2763 = arith.index_cast %get3A_2762 : i32 to index
      %get3A_2764 = arith.constant 32 : index
      %get3A_2765 = tpu.vector_load %arg45[%get3A_2763, %get3A_2764] {strides = array<i32>} : memref<5x48xf32, #tpu.memory_space<vmem>>, vector<16xf32>,
      %mul3A_2766 = arith.mulf %gather3A_2722, %get3A_2765 : vector<16xf32>
      %add3A_2767 = arith.addf %add3A_2761, %mul3A_2766 : vector<16xf32>
      %reduce_sum3A_2768 = arith.constant true
      %reduce_sum3A_2769 = vector.broadcast %reduce_sum3A_2768 : i1 to vector<16xi1>
      %reduce_sum3A_2770 = tpu.scan <sum>, %add3A_2767 masked %reduce_sum3A_2769 : vector<16xf32>, vector<16xi1> -> vector<16xf32>
      %reduce_sum3A_2771 = vector.extract %reduce_sum3A_2770[15] : f32 from vector<16xf32>
      %eq3A_2772 = arith.constant 1 : i32
      %eq3A_2773 = vector.broadcast %eq3A_2772 : i32 to vector<16xi32>
      %eq3A_2774 = arith.cmpi eq, %iota3A, %eq3A_2773 : vector<16xi32>
      %add3A_2775 = vector.broadcast %reduce_sum3A_2771 : f32 to vector<16xf32>
      %add3A_2776 = arith.addf %select_n3A_2750, %add3A_2775 : vector<16xf32>
      %select_n3A_2777 = arith.select %eq3A_2774, %add3A_2776, %select_n3A_2750 : vector<16xi1>, vector<16xf32>
      %get3A_2778 = arith.constant 2 : i32
      %get3A_2779 = arith.index_cast %get3A_2778 : i32 to index
      %get3A_2780 = arith.constant 0 : index
      %get3A_2781 = tpu.vector_load %arg45[%get3A_2779, %get3A_2780] {strides = array<i32>} : memref<5x48xf32, #tpu.memory_space<vmem>>, vector<16xf32>,
      %mul3A_2782 = arith.mulf %mul3A_2723, %get3A_2781 : vector<16xf32>
      %get3A_2783 = arith.constant 2 : i32
      %get3A_2784 = arith.index_cast %get3A_2783 : i32 to index
      %get3A_2785 = arith.constant 16 : index
      %get3A_2786 = tpu.vector_load %arg45[%get3A_2784, %get3A_2785] {strides = array<i32>} : memref<5x48xf32, #tpu.memory_space<vmem>>, vector<16xf32>,
      %mul3A_2787 = arith.mulf %gather3A_2721, %get3A_2786 : vector<16xf32>
      %add3A_2788 = arith.addf %mul3A_2782, %mul3A_2787 : vector<16xf32>
      %get3A_2789 = arith.constant 2 : i32
      %get3A_2790 = arith.index_cast %get3A_2789 : i32 to index
      %get3A_2791 = arith.constant 32 : index
      %get3A_2792 = tpu.vector_load %arg45[%get3A_2790, %get3A_2791] {strides = array<i32>} : memref<5x48xf32, #tpu.memory_space<vmem>>, vector<16xf32>,
      %mul3A_2793 = arith.mulf %gather3A_2722, %get3A_2792 : vector<16xf32>
      %add3A_2794 = arith.addf %add3A_2788, %mul3A_2793 : vector<16xf32>
      %reduce_sum3A_2795 = arith.constant true
      %reduce_sum3A_2796 = vector.broadcast %reduce_sum3A_2795 : i1 to vector<16xi1>
      %reduce_sum3A_2797 = tpu.scan <sum>, %add3A_2794 masked %reduce_sum3A_2796 : vector<16xf32>, vector<16xi1> -> vector<16xf32>
      %reduce_sum3A_2798 = vector.extract %reduce_sum3A_2797[15] : f32 from vector<16xf32>
      %eq3A_2799 = arith.constant 2 : i32
      %eq3A_2800 = vector.broadcast %eq3A_2799 : i32 to vector<16xi32>
      %eq3A_2801 = arith.cmpi eq, %iota3A, %eq3A_2800 : vector<16xi32>
      %add3A_2802 = vector.broadcast %reduce_sum3A_2798 : f32 to vector<16xf32>
      %add3A_2803 = arith.addf %select_n3A_2777, %add3A_2802 : vector<16xf32>
      %select_n3A_2804 = arith.select %eq3A_2801, %add3A_2803, %select_n3A_2777 : vector<16xi1>, vector<16xf32>
      %get3A_2805 = arith.constant 3 : i32
      %get3A_2806 = arith.index_cast %get3A_2805 : i32 to index
      %get3A_2807 = arith.constant 0 : index
      %get3A_2808 = tpu.vector_load %arg45[%get3A_2806, %get3A_2807] {strides = array<i32>} : memref<5x48xf32, #tpu.memory_space<vmem>>, vector<16xf32>,
      %mul3A_2809 = arith.mulf %mul3A_2723, %get3A_2808 : vector<16xf32>
      %get3A_2810 = arith.constant 3 : i32
      %get3A_2811 = arith.index_cast %get3A_2810 : i32 to index
      %get3A_2812 = arith.constant 16 : index
      %get3A_2813 = tpu.vector_load %arg45[%get3A_2811, %get3A_2812] {strides = array<i32>} : memref<5x48xf32, #tpu.memory_space<vmem>>, vector<16xf32>,
      %mul3A_2814 = arith.mulf %gather3A_2721, %get3A_2813 : vector<16xf32>
      %add3A_2815 = arith.addf %mul3A_2809, %mul3A_2814 : vector<16xf32>
      %get3A_2816 = arith.constant 3 : i32
      %get3A_2817 = arith.index_cast %get3A_2816 : i32 to index
      %get3A_2818 = arith.constant 32 : index
      %get3A_2819 = tpu.vector_load %arg45[%get3A_2817, %get3A_2818] {strides = array<i32>} : memref<5x48xf32, #tpu.memory_space<vmem>>, vector<16xf32>,
      %mul3A_2820 = arith.mulf %gather3A_2722, %get3A_2819 : vector<16xf32>
      %add3A_2821 = arith.addf %add3A_2815, %mul3A_2820 : vector<16xf32>
      %reduce_sum3A_2822 = arith.constant true
      %reduce_sum3A_2823 = vector.broadcast %reduce_sum3A_2822 : i1 to vector<16xi1>
      %reduce_sum3A_2824 = tpu.scan <sum>, %add3A_2821 masked %reduce_sum3A_2823 : vector<16xf32>, vector<16xi1> -> vector<16xf32>
      %reduce_sum3A_2825 = vector.extract %reduce_sum3A_2824[15] : f32 from vector<16xf32>
      %eq3A_2826 = arith.constant 3 : i32
      %eq3A_2827 = vector.broadcast %eq3A_2826 : i32 to vector<16xi32>
      %eq3A_2828 = arith.cmpi eq, %iota3A, %eq3A_2827 : vector<16xi32>
      %add3A_2829 = vector.broadcast %reduce_sum3A_2825 : f32 to vector<16xf32>
      %add3A_2830 = arith.addf %select_n3A_2804, %add3A_2829 : vector<16xf32>
      %select_n3A_2831 = arith.select %eq3A_2828, %add3A_2830, %select_n3A_2804 : vector<16xi1>, vector<16xf32>
      %get3A_2832 = arith.constant 4 : i32
      %get3A_2833 = arith.index_cast %get3A_2832 : i32 to index
      %get3A_2834 = arith.constant 0 : index
      %get3A_2835 = tpu.vector_load %arg45[%get3A_2833, %get3A_2834] {strides = array<i32>} : memref<5x48xf32, #tpu.memory_space<vmem>>, vector<16xf32>,
      %mul3A_2836 = arith.mulf %mul3A_2723, %get3A_2835 : vector<16xf32>
      %get3A_2837 = arith.constant 4 : i32
      %get3A_2838 = arith.index_cast %get3A_2837 : i32 to index
      %get3A_2839 = arith.constant 16 : index
      %get3A_2840 = tpu.vector_load %arg45[%get3A_2838, %get3A_2839] {strides = array<i32>} : memref<5x48xf32, #tpu.memory_space<vmem>>, vector<16xf32>,
      %mul3A_2841 = arith.mulf %gather3A_2721, %get3A_2840 : vector<16xf32>
      %add3A_2842 = arith.addf %mul3A_2836, %mul3A_2841 : vector<16xf32>
      %get3A_2843 = arith.constant 4 : i32
      %get3A_2844 = arith.index_cast %get3A_2843 : i32 to index
      %get3A_2845 = arith.constant 32 : index
      %get3A_2846 = tpu.vector_load %arg45[%get3A_2844, %get3A_2845] {strides = array<i32>} : memref<5x48xf32, #tpu.memory_space<vmem>>, vector<16xf32>,
      %mul3A_2847 = arith.mulf %gather3A_2722, %get3A_2846 : vector<16xf32>
      %add3A_2848 = arith.addf %add3A_2842, %mul3A_2847 : vector<16xf32>
      %reduce_sum3A_2849 = arith.constant true
      %reduce_sum3A_2850 = vector.broadcast %reduce_sum3A_2849 : i1 to vector<16xi1>
      %reduce_sum3A_2851 = tpu.scan <sum>, %add3A_2848 masked %reduce_sum3A_2850 : vector<16xf32>, vector<16xi1> -> vector<16xf32>
      %reduce_sum3A_2852 = vector.extract %reduce_sum3A_2851[15] : f32 from vector<16xf32>
      %eq3A_2853 = arith.constant 4 : i32
      %eq3A_2854 = vector.broadcast %eq3A_2853 : i32 to vector<16xi32>
      %eq3A_2855 = arith.cmpi eq, %iota3A, %eq3A_2854 : vector<16xi32>
      %add3A_2856 = vector.broadcast %reduce_sum3A_2852 : f32 to vector<16xf32>
      %add3A_2857 = arith.addf %select_n3A_2831, %add3A_2856 : vector<16xf32>
      %select_n3A_2858 = arith.select %eq3A_2855, %add3A_2857, %select_n3A_2831 : vector<16xi1>, vector<16xf32>
      %mul3A_2859 = arith.constant 16 : i32
      %mul3A_2860 = arith.muli %scan3A_247, %mul3A_2859 : i32
      %add3A_2861 = arith.constant 12 : i32
      %add3A_2862 = arith.addi %mul3A_2860, %add3A_2861 : i32
      %add3A_2863 = arith.constant 0 : i32
      %add3A_2864 = arith.addi %add3A_2862, %add3A_2863 : i32
      %broadcast_in_dim3A_2865 = vector.broadcast %add3A_2864 : i32 to vector<16xi32>
      tpu.vector_store_idx %arg47[%iota3A, %broadcast_in_dim3A_2865], %select_n3A_2858 : memref<16x512xf32, #tpu.memory_space<vmem>>[vector<16xi32>, vector<16xi32>], vector<16xf32>,
      %lt3A_2866 = arith.constant 31 : i32
      %lt3A_2867 = arith.cmpi slt, %scan3A_247, %lt3A_2866 : i32
      %convert_element_type3A_2868 = arith.extui %lt3A_2867 : i1 to i32
      %cond3A_2869 = arith.constant 0 : i32
      %cond3A_2870 = arith.cmpi ne, %convert_element_type3A_2868, %cond3A_2869 : i32
      scf.if %cond3A_2870 {
        %slice3A_3429 = vector.extract_strided_slice %get3A_260 {offsets = [4], sizes = [1], strides = [1]} : vector<16xi32> to vector<1xi32>
        %squeeze3A_3430 = vector.extract %slice3A_3429[0] : i32 from vector<1xi32>
        %slice3A_3431 = vector.extract_strided_slice %get3A_262 {offsets = [4], sizes = [1], strides = [1]} : vector<16xi32> to vector<1xi32>
        %squeeze3A_3432 = vector.extract %slice3A_3431[0] : i32 from vector<1xi32>
        %shift_right_arithmetic3A_3433 = arith.constant 7 : i32
        %shift_right_arithmetic3A_3434 = arith.shrsi %squeeze3A_3430, %shift_right_arithmetic3A_3433 : i32
        %shift_left3A_3435 = arith.constant 7 : i32
        %shift_left3A_3436 = arith.shli %shift_right_arithmetic3A_3434, %shift_left3A_3435 : i32
        %multiple_of3A_3437 = tpu.assume_multiple %shift_left3A_3436, 128 : i32
        %shift_right_arithmetic3A_3438 = arith.constant 7 : i32
        %shift_right_arithmetic3A_3439 = arith.shrsi %squeeze3A_3432, %shift_right_arithmetic3A_3438 : i32
        %shift_left3A_3440 = arith.constant 7 : i32
        %shift_left3A_3441 = arith.shli %shift_right_arithmetic3A_3439, %shift_left3A_3440 : i32
        %multiple_of3A_3442 = tpu.assume_multiple %shift_left3A_3441, 128 : i32
        %dma_start3A_3443 = arith.constant 0 : i32
        %dma_start3A_3444 = tpu.memref_slice %arg4[%dma_start3A_3443, %multiple_of3A_3437] : memref<16x1000000xf32, #tpu.memory_space<hbm>> -> memref<16x128xf32, #tpu.memory_space<hbm>>
        %dma_start3A_3445 = arith.constant 0 : i32
        %dma_start3A_3446 = tpu.memref_slice %arg4[%dma_start3A_3445, %multiple_of3A_3437] : memref<16x1000000xf32, #tpu.memory_space<hbm>> -> memref<16x128xf32, #tpu.memory_space<hbm>>
        tpu.enqueue_dma source(%dma_start3A_3446 : memref<16x128xf32, #tpu.memory_space<hbm>>) target(%arg29 : memref<16x128xf32, #tpu.memory_space<vmem>>) target_semaphore(%arg52 : memref<!tpu.dma_semaphore, #tpu.memory_space<semaphore_mem>>)
        %dma_start3A_3447 = arith.constant 0 : i32
        %dma_start3A_3448 = tpu.memref_slice %arg5[%dma_start3A_3447, %multiple_of3A_3442] : memref<16x1000000xf32, #tpu.memory_space<hbm>> -> memref<16x128xf32, #tpu.memory_space<hbm>>
        %dma_start3A_3449 = arith.constant 0 : i32
        %dma_start3A_3450 = tpu.memref_slice %arg5[%dma_start3A_3449, %multiple_of3A_3442] : memref<16x1000000xf32, #tpu.memory_space<hbm>> -> memref<16x128xf32, #tpu.memory_space<hbm>>
        tpu.enqueue_dma source(%dma_start3A_3450 : memref<16x128xf32, #tpu.memory_space<hbm>>) target(%arg30 : memref<16x128xf32, #tpu.memory_space<vmem>>) target_semaphore(%arg52 : memref<!tpu.dma_semaphore, #tpu.memory_space<semaphore_mem>>)
        %dma_start3A_3451 = arith.constant 0 : i32
        %dma_start3A_3452 = tpu.memref_slice %arg6[%dma_start3A_3451, %multiple_of3A_3437] : memref<16x1000000xf32, #tpu.memory_space<hbm>> -> memref<16x128xf32, #tpu.memory_space<hbm>>
        %dma_start3A_3453 = arith.constant 0 : i32
        %dma_start3A_3454 = tpu.memref_slice %arg6[%dma_start3A_3453, %multiple_of3A_3437] : memref<16x1000000xf32, #tpu.memory_space<hbm>> -> memref<16x128xf32, #tpu.memory_space<hbm>>
        tpu.enqueue_dma source(%dma_start3A_3454 : memref<16x128xf32, #tpu.memory_space<hbm>>) target(%arg31 : memref<16x128xf32, #tpu.memory_space<vmem>>) target_semaphore(%arg52 : memref<!tpu.dma_semaphore, #tpu.memory_space<semaphore_mem>>)
        %dma_start3A_3455 = arith.constant 0 : i32
        %dma_start3A_3456 = tpu.memref_slice %arg7[%dma_start3A_3455, %multiple_of3A_3442] : memref<16x1000000xf32, #tpu.memory_space<hbm>> -> memref<16x128xf32, #tpu.memory_space<hbm>>
        %dma_start3A_3457 = arith.constant 0 : i32
        %dma_start3A_3458 = tpu.memref_slice %arg7[%dma_start3A_3457, %multiple_of3A_3442] : memref<16x1000000xf32, #tpu.memory_space<hbm>> -> memref<16x128xf32, #tpu.memory_space<hbm>>
        tpu.enqueue_dma source(%dma_start3A_3458 : memref<16x128xf32, #tpu.memory_space<hbm>>) target(%arg32 : memref<16x128xf32, #tpu.memory_space<vmem>>) target_semaphore(%arg52 : memref<!tpu.dma_semaphore, #tpu.memory_space<semaphore_mem>>)
      } else {
      }
      %dma_wait3A_2871 = arith.constant 0 : i32
      %dma_wait3A_2872 = arith.constant 0 : i32
      %dma_wait3A_2873 = tpu.memref_slice %arg4[%dma_wait3A_2871, %dma_wait3A_2872] : memref<16x1000000xf32, #tpu.memory_space<hbm>> -> memref<16x128xf32, #tpu.memory_space<hbm>>
      %dma_wait3A_2874 = arith.constant 0 : i32
      %dma_wait3A_2875 = arith.constant 0 : i32
      %dma_wait3A_2876 = tpu.memref_slice %arg4[%dma_wait3A_2874, %dma_wait3A_2875] : memref<16x1000000xf32, #tpu.memory_space<hbm>> -> memref<16x128xf32, #tpu.memory_space<hbm>>
      tpu.wait_dma2 semaphore(%arg53 : memref<!tpu.dma_semaphore, #tpu.memory_space<semaphore_mem>>) src(%dma_wait3A_2876 : memref<16x128xf32, #tpu.memory_space<hbm>>) dst(%arg33 : memref<16x128xf32, #tpu.memory_space<vmem>>)
      %dma_wait3A_2877 = arith.constant 0 : i32
      %dma_wait3A_2878 = arith.constant 0 : i32
      %dma_wait3A_2879 = tpu.memref_slice %arg5[%dma_wait3A_2877, %dma_wait3A_2878] : memref<16x1000000xf32, #tpu.memory_space<hbm>> -> memref<16x128xf32, #tpu.memory_space<hbm>>
      %dma_wait3A_2880 = arith.constant 0 : i32
      %dma_wait3A_2881 = arith.constant 0 : i32
      %dma_wait3A_2882 = tpu.memref_slice %arg5[%dma_wait3A_2880, %dma_wait3A_2881] : memref<16x1000000xf32, #tpu.memory_space<hbm>> -> memref<16x128xf32, #tpu.memory_space<hbm>>
      tpu.wait_dma2 semaphore(%arg53 : memref<!tpu.dma_semaphore, #tpu.memory_space<semaphore_mem>>) src(%dma_wait3A_2882 : memref<16x128xf32, #tpu.memory_space<hbm>>) dst(%arg34 : memref<16x128xf32, #tpu.memory_space<vmem>>)
      %dma_wait3A_2883 = arith.constant 0 : i32
      %dma_wait3A_2884 = arith.constant 0 : i32
      %dma_wait3A_2885 = tpu.memref_slice %arg6[%dma_wait3A_2883, %dma_wait3A_2884] : memref<16x1000000xf32, #tpu.memory_space<hbm>> -> memref<16x128xf32, #tpu.memory_space<hbm>>
      %dma_wait3A_2886 = arith.constant 0 : i32
      %dma_wait3A_2887 = arith.constant 0 : i32
      %dma_wait3A_2888 = tpu.memref_slice %arg6[%dma_wait3A_2886, %dma_wait3A_2887] : memref<16x1000000xf32, #tpu.memory_space<hbm>> -> memref<16x128xf32, #tpu.memory_space<hbm>>
      tpu.wait_dma2 semaphore(%arg53 : memref<!tpu.dma_semaphore, #tpu.memory_space<semaphore_mem>>) src(%dma_wait3A_2888 : memref<16x128xf32, #tpu.memory_space<hbm>>) dst(%arg35 : memref<16x128xf32, #tpu.memory_space<vmem>>)
      %dma_wait3A_2889 = arith.constant 0 : i32
      %dma_wait3A_2890 = arith.constant 0 : i32
      %dma_wait3A_2891 = tpu.memref_slice %arg7[%dma_wait3A_2889, %dma_wait3A_2890] : memref<16x1000000xf32, #tpu.memory_space<hbm>> -> memref<16x128xf32, #tpu.memory_space<hbm>>
      %dma_wait3A_2892 = arith.constant 0 : i32
      %dma_wait3A_2893 = arith.constant 0 : i32
      %dma_wait3A_2894 = tpu.memref_slice %arg7[%dma_wait3A_2892, %dma_wait3A_2893] : memref<16x1000000xf32, #tpu.memory_space<hbm>> -> memref<16x128xf32, #tpu.memory_space<hbm>>
      tpu.wait_dma2 semaphore(%arg53 : memref<!tpu.dma_semaphore, #tpu.memory_space<semaphore_mem>>) src(%dma_wait3A_2894 : memref<16x128xf32, #tpu.memory_space<hbm>>) dst(%arg36 : memref<16x128xf32, #tpu.memory_space<vmem>>)
      %slice3A_2895 = vector.extract_strided_slice %get3A_251 {offsets = [13], sizes = [1], strides = [1]} : vector<16xi32> to vector<1xi32>
      %squeeze3A_2896 = vector.extract %slice3A_2895[0] : i32 from vector<1xi32>
      %slice3A_2897 = vector.extract_strided_slice %get3A_253 {offsets = [13], sizes = [1], strides = [1]} : vector<16xi32> to vector<1xi32>
      %squeeze3A_2898 = vector.extract %slice3A_2897[0] : i32 from vector<1xi32>
      %and3A_2899 = arith.constant 127 : i32
      %and3A_2900 = arith.andi %squeeze3A_2896, %and3A_2899 : i32
      %broadcast_in_dim3A_2901 = vector.broadcast %and3A_2900 : i32 to vector<16xi32>
      %and3A_2902 = arith.constant 127 : i32
      %and3A_2903 = arith.andi %squeeze3A_2898, %and3A_2902 : i32
      %broadcast_in_dim3A_2904 = vector.broadcast %and3A_2903 : i32 to vector<16xi32>
      %gather3A_2905 = tpu.vector_load_idx %arg33[%iota3A, %broadcast_in_dim3A_2901] : memref<16x128xf32, #tpu.memory_space<vmem>>[vector<16xi32>, vector<16xi32>], vector<16xf32>,
      %gather3A_2906 = tpu.vector_load_idx %arg34[%iota3A, %broadcast_in_dim3A_2904] : memref<16x128xf32, #tpu.memory_space<vmem>>[vector<16xi32>, vector<16xi32>], vector<16xf32>,
      %gather3A_2907 = tpu.vector_load_idx %arg35[%iota3A, %broadcast_in_dim3A_2901] : memref<16x128xf32, #tpu.memory_space<vmem>>[vector<16xi32>, vector<16xi32>], vector<16xf32>,
      %gather3A_2908 = tpu.vector_load_idx %arg36[%iota3A, %broadcast_in_dim3A_2904] : memref<16x128xf32, #tpu.memory_space<vmem>>[vector<16xi32>, vector<16xi32>], vector<16xf32>,
      %mul3A_2909 = arith.mulf %gather3A_2905, %gather3A_2906 : vector<16xf32>
      %get3A_2910 = arith.constant 0 : i32
      %get3A_2911 = arith.index_cast %get3A_2910 : i32 to index
      %get3A_2912 = arith.constant 0 : index
      %get3A_2913 = tpu.vector_load %arg45[%get3A_2911, %get3A_2912] {strides = array<i32>} : memref<5x48xf32, #tpu.memory_space<vmem>>, vector<16xf32>,
      %mul3A_2914 = arith.mulf %mul3A_2909, %get3A_2913 : vector<16xf32>
      %get3A_2915 = arith.constant 0 : i32
      %get3A_2916 = arith.index_cast %get3A_2915 : i32 to index
      %get3A_2917 = arith.constant 16 : index
      %get3A_2918 = tpu.vector_load %arg45[%get3A_2916, %get3A_2917] {strides = array<i32>} : memref<5x48xf32, #tpu.memory_space<vmem>>, vector<16xf32>,
      %mul3A_2919 = arith.mulf %gather3A_2907, %get3A_2918 : vector<16xf32>
      %add3A_2920 = arith.addf %mul3A_2914, %mul3A_2919 : vector<16xf32>
      %get3A_2921 = arith.constant 0 : i32
      %get3A_2922 = arith.index_cast %get3A_2921 : i32 to index
      %get3A_2923 = arith.constant 32 : index
      %get3A_2924 = tpu.vector_load %arg45[%get3A_2922, %get3A_2923] {strides = array<i32>} : memref<5x48xf32, #tpu.memory_space<vmem>>, vector<16xf32>,
      %mul3A_2925 = arith.mulf %gather3A_2908, %get3A_2924 : vector<16xf32>
      %add3A_2926 = arith.addf %add3A_2920, %mul3A_2925 : vector<16xf32>
      %reduce_sum3A_2927 = arith.constant true
      %reduce_sum3A_2928 = vector.broadcast %reduce_sum3A_2927 : i1 to vector<16xi1>
      %reduce_sum3A_2929 = tpu.scan <sum>, %add3A_2926 masked %reduce_sum3A_2928 : vector<16xf32>, vector<16xi1> -> vector<16xf32>
      %reduce_sum3A_2930 = vector.extract %reduce_sum3A_2929[15] : f32 from vector<16xf32>
      %eq3A_2931 = arith.constant 0 : i32
      %eq3A_2932 = vector.broadcast %eq3A_2931 : i32 to vector<16xi32>
      %eq3A_2933 = arith.cmpi eq, %iota3A, %eq3A_2932 : vector<16xi32>
      %add3A_2934 = vector.broadcast %reduce_sum3A_2930 : f32 to vector<16xf32>
      %add3A_2935 = arith.addf %get3A_3, %add3A_2934 : vector<16xf32>
      %select_n3A_2936 = arith.select %eq3A_2933, %add3A_2935, %get3A_3 : vector<16xi1>, vector<16xf32>
      %get3A_2937 = arith.constant 1 : i32
      %get3A_2938 = arith.index_cast %get3A_2937 : i32 to index
      %get3A_2939 = arith.constant 0 : index
      %get3A_2940 = tpu.vector_load %arg45[%get3A_2938, %get3A_2939] {strides = array<i32>} : memref<5x48xf32, #tpu.memory_space<vmem>>, vector<16xf32>,
      %mul3A_2941 = arith.mulf %mul3A_2909, %get3A_2940 : vector<16xf32>
      %get3A_2942 = arith.constant 1 : i32
      %get3A_2943 = arith.index_cast %get3A_2942 : i32 to index
      %get3A_2944 = arith.constant 16 : index
      %get3A_2945 = tpu.vector_load %arg45[%get3A_2943, %get3A_2944] {strides = array<i32>} : memref<5x48xf32, #tpu.memory_space<vmem>>, vector<16xf32>,
      %mul3A_2946 = arith.mulf %gather3A_2907, %get3A_2945 : vector<16xf32>
      %add3A_2947 = arith.addf %mul3A_2941, %mul3A_2946 : vector<16xf32>
      %get3A_2948 = arith.constant 1 : i32
      %get3A_2949 = arith.index_cast %get3A_2948 : i32 to index
      %get3A_2950 = arith.constant 32 : index
      %get3A_2951 = tpu.vector_load %arg45[%get3A_2949, %get3A_2950] {strides = array<i32>} : memref<5x48xf32, #tpu.memory_space<vmem>>, vector<16xf32>,
      %mul3A_2952 = arith.mulf %gather3A_2908, %get3A_2951 : vector<16xf32>
      %add3A_2953 = arith.addf %add3A_2947, %mul3A_2952 : vector<16xf32>
      %reduce_sum3A_2954 = arith.constant true
      %reduce_sum3A_2955 = vector.broadcast %reduce_sum3A_2954 : i1 to vector<16xi1>
      %reduce_sum3A_2956 = tpu.scan <sum>, %add3A_2953 masked %reduce_sum3A_2955 : vector<16xf32>, vector<16xi1> -> vector<16xf32>
      %reduce_sum3A_2957 = vector.extract %reduce_sum3A_2956[15] : f32 from vector<16xf32>
      %eq3A_2958 = arith.constant 1 : i32
      %eq3A_2959 = vector.broadcast %eq3A_2958 : i32 to vector<16xi32>
      %eq3A_2960 = arith.cmpi eq, %iota3A, %eq3A_2959 : vector<16xi32>
      %add3A_2961 = vector.broadcast %reduce_sum3A_2957 : f32 to vector<16xf32>
      %add3A_2962 = arith.addf %select_n3A_2936, %add3A_2961 : vector<16xf32>
      %select_n3A_2963 = arith.select %eq3A_2960, %add3A_2962, %select_n3A_2936 : vector<16xi1>, vector<16xf32>
      %get3A_2964 = arith.constant 2 : i32
      %get3A_2965 = arith.index_cast %get3A_2964 : i32 to index
      %get3A_2966 = arith.constant 0 : index
      %get3A_2967 = tpu.vector_load %arg45[%get3A_2965, %get3A_2966] {strides = array<i32>} : memref<5x48xf32, #tpu.memory_space<vmem>>, vector<16xf32>,
      %mul3A_2968 = arith.mulf %mul3A_2909, %get3A_2967 : vector<16xf32>
      %get3A_2969 = arith.constant 2 : i32
      %get3A_2970 = arith.index_cast %get3A_2969 : i32 to index
      %get3A_2971 = arith.constant 16 : index
      %get3A_2972 = tpu.vector_load %arg45[%get3A_2970, %get3A_2971] {strides = array<i32>} : memref<5x48xf32, #tpu.memory_space<vmem>>, vector<16xf32>,
      %mul3A_2973 = arith.mulf %gather3A_2907, %get3A_2972 : vector<16xf32>
      %add3A_2974 = arith.addf %mul3A_2968, %mul3A_2973 : vector<16xf32>
      %get3A_2975 = arith.constant 2 : i32
      %get3A_2976 = arith.index_cast %get3A_2975 : i32 to index
      %get3A_2977 = arith.constant 32 : index
      %get3A_2978 = tpu.vector_load %arg45[%get3A_2976, %get3A_2977] {strides = array<i32>} : memref<5x48xf32, #tpu.memory_space<vmem>>, vector<16xf32>,
      %mul3A_2979 = arith.mulf %gather3A_2908, %get3A_2978 : vector<16xf32>
      %add3A_2980 = arith.addf %add3A_2974, %mul3A_2979 : vector<16xf32>
      %reduce_sum3A_2981 = arith.constant true
      %reduce_sum3A_2982 = vector.broadcast %reduce_sum3A_2981 : i1 to vector<16xi1>
      %reduce_sum3A_2983 = tpu.scan <sum>, %add3A_2980 masked %reduce_sum3A_2982 : vector<16xf32>, vector<16xi1> -> vector<16xf32>
      %reduce_sum3A_2984 = vector.extract %reduce_sum3A_2983[15] : f32 from vector<16xf32>
      %eq3A_2985 = arith.constant 2 : i32
      %eq3A_2986 = vector.broadcast %eq3A_2985 : i32 to vector<16xi32>
      %eq3A_2987 = arith.cmpi eq, %iota3A, %eq3A_2986 : vector<16xi32>
      %add3A_2988 = vector.broadcast %reduce_sum3A_2984 : f32 to vector<16xf32>
      %add3A_2989 = arith.addf %select_n3A_2963, %add3A_2988 : vector<16xf32>
      %select_n3A_2990 = arith.select %eq3A_2987, %add3A_2989, %select_n3A_2963 : vector<16xi1>, vector<16xf32>
      %get3A_2991 = arith.constant 3 : i32
      %get3A_2992 = arith.index_cast %get3A_2991 : i32 to index
      %get3A_2993 = arith.constant 0 : index
      %get3A_2994 = tpu.vector_load %arg45[%get3A_2992, %get3A_2993] {strides = array<i32>} : memref<5x48xf32, #tpu.memory_space<vmem>>, vector<16xf32>,
      %mul3A_2995 = arith.mulf %mul3A_2909, %get3A_2994 : vector<16xf32>
      %get3A_2996 = arith.constant 3 : i32
      %get3A_2997 = arith.index_cast %get3A_2996 : i32 to index
      %get3A_2998 = arith.constant 16 : index
      %get3A_2999 = tpu.vector_load %arg45[%get3A_2997, %get3A_2998] {strides = array<i32>} : memref<5x48xf32, #tpu.memory_space<vmem>>, vector<16xf32>,
      %mul3A_3000 = arith.mulf %gather3A_2907, %get3A_2999 : vector<16xf32>
      %add3A_3001 = arith.addf %mul3A_2995, %mul3A_3000 : vector<16xf32>
      %get3A_3002 = arith.constant 3 : i32
      %get3A_3003 = arith.index_cast %get3A_3002 : i32 to index
      %get3A_3004 = arith.constant 32 : index
      %get3A_3005 = tpu.vector_load %arg45[%get3A_3003, %get3A_3004] {strides = array<i32>} : memref<5x48xf32, #tpu.memory_space<vmem>>, vector<16xf32>,
      %mul3A_3006 = arith.mulf %gather3A_2908, %get3A_3005 : vector<16xf32>
      %add3A_3007 = arith.addf %add3A_3001, %mul3A_3006 : vector<16xf32>
      %reduce_sum3A_3008 = arith.constant true
      %reduce_sum3A_3009 = vector.broadcast %reduce_sum3A_3008 : i1 to vector<16xi1>
      %reduce_sum3A_3010 = tpu.scan <sum>, %add3A_3007 masked %reduce_sum3A_3009 : vector<16xf32>, vector<16xi1> -> vector<16xf32>
      %reduce_sum3A_3011 = vector.extract %reduce_sum3A_3010[15] : f32 from vector<16xf32>
      %eq3A_3012 = arith.constant 3 : i32
      %eq3A_3013 = vector.broadcast %eq3A_3012 : i32 to vector<16xi32>
      %eq3A_3014 = arith.cmpi eq, %iota3A, %eq3A_3013 : vector<16xi32>
      %add3A_3015 = vector.broadcast %reduce_sum3A_3011 : f32 to vector<16xf32>
      %add3A_3016 = arith.addf %select_n3A_2990, %add3A_3015 : vector<16xf32>
      %select_n3A_3017 = arith.select %eq3A_3014, %add3A_3016, %select_n3A_2990 : vector<16xi1>, vector<16xf32>
      %get3A_3018 = arith.constant 4 : i32
      %get3A_3019 = arith.index_cast %get3A_3018 : i32 to index
      %get3A_3020 = arith.constant 0 : index
      %get3A_3021 = tpu.vector_load %arg45[%get3A_3019, %get3A_3020] {strides = array<i32>} : memref<5x48xf32, #tpu.memory_space<vmem>>, vector<16xf32>,
      %mul3A_3022 = arith.mulf %mul3A_2909, %get3A_3021 : vector<16xf32>
      %get3A_3023 = arith.constant 4 : i32
      %get3A_3024 = arith.index_cast %get3A_3023 : i32 to index
      %get3A_3025 = arith.constant 16 : index
      %get3A_3026 = tpu.vector_load %arg45[%get3A_3024, %get3A_3025] {strides = array<i32>} : memref<5x48xf32, #tpu.memory_space<vmem>>, vector<16xf32>,
      %mul3A_3027 = arith.mulf %gather3A_2907, %get3A_3026 : vector<16xf32>
      %add3A_3028 = arith.addf %mul3A_3022, %mul3A_3027 : vector<16xf32>
      %get3A_3029 = arith.constant 4 : i32
      %get3A_3030 = arith.index_cast %get3A_3029 : i32 to index
      %get3A_3031 = arith.constant 32 : index
      %get3A_3032 = tpu.vector_load %arg45[%get3A_3030, %get3A_3031] {strides = array<i32>} : memref<5x48xf32, #tpu.memory_space<vmem>>, vector<16xf32>,
      %mul3A_3033 = arith.mulf %gather3A_2908, %get3A_3032 : vector<16xf32>
      %add3A_3034 = arith.addf %add3A_3028, %mul3A_3033 : vector<16xf32>
      %reduce_sum3A_3035 = arith.constant true
      %reduce_sum3A_3036 = vector.broadcast %reduce_sum3A_3035 : i1 to vector<16xi1>
      %reduce_sum3A_3037 = tpu.scan <sum>, %add3A_3034 masked %reduce_sum3A_3036 : vector<16xf32>, vector<16xi1> -> vector<16xf32>
      %reduce_sum3A_3038 = vector.extract %reduce_sum3A_3037[15] : f32 from vector<16xf32>
      %eq3A_3039 = arith.constant 4 : i32
      %eq3A_3040 = vector.broadcast %eq3A_3039 : i32 to vector<16xi32>
      %eq3A_3041 = arith.cmpi eq, %iota3A, %eq3A_3040 : vector<16xi32>
      %add3A_3042 = vector.broadcast %reduce_sum3A_3038 : f32 to vector<16xf32>
      %add3A_3043 = arith.addf %select_n3A_3017, %add3A_3042 : vector<16xf32>
      %select_n3A_3044 = arith.select %eq3A_3041, %add3A_3043, %select_n3A_3017 : vector<16xi1>, vector<16xf32>
      %mul3A_3045 = arith.constant 16 : i32
      %mul3A_3046 = arith.muli %scan3A_247, %mul3A_3045 : i32
      %add3A_3047 = arith.constant 13 : i32
      %add3A_3048 = arith.addi %mul3A_3046, %add3A_3047 : i32
      %add3A_3049 = arith.constant 0 : i32
      %add3A_3050 = arith.addi %add3A_3048, %add3A_3049 : i32
      %broadcast_in_dim3A_3051 = vector.broadcast %add3A_3050 : i32 to vector<16xi32>
      tpu.vector_store_idx %arg47[%iota3A, %broadcast_in_dim3A_3051], %select_n3A_3044 : memref<16x512xf32, #tpu.memory_space<vmem>>[vector<16xi32>, vector<16xi32>], vector<16xf32>,
      %lt3A_3052 = arith.constant 31 : i32
      %lt3A_3053 = arith.cmpi slt, %scan3A_247, %lt3A_3052 : i32
      %convert_element_type3A_3054 = arith.extui %lt3A_3053 : i1 to i32
      %cond3A_3055 = arith.constant 0 : i32
      %cond3A_3056 = arith.cmpi ne, %convert_element_type3A_3054, %cond3A_3055 : i32
      scf.if %cond3A_3056 {
        %slice3A_3429 = vector.extract_strided_slice %get3A_260 {offsets = [5], sizes = [1], strides = [1]} : vector<16xi32> to vector<1xi32>
        %squeeze3A_3430 = vector.extract %slice3A_3429[0] : i32 from vector<1xi32>
        %slice3A_3431 = vector.extract_strided_slice %get3A_262 {offsets = [5], sizes = [1], strides = [1]} : vector<16xi32> to vector<1xi32>
        %squeeze3A_3432 = vector.extract %slice3A_3431[0] : i32 from vector<1xi32>
        %shift_right_arithmetic3A_3433 = arith.constant 7 : i32
        %shift_right_arithmetic3A_3434 = arith.shrsi %squeeze3A_3430, %shift_right_arithmetic3A_3433 : i32
        %shift_left3A_3435 = arith.constant 7 : i32
        %shift_left3A_3436 = arith.shli %shift_right_arithmetic3A_3434, %shift_left3A_3435 : i32
        %multiple_of3A_3437 = tpu.assume_multiple %shift_left3A_3436, 128 : i32
        %shift_right_arithmetic3A_3438 = arith.constant 7 : i32
        %shift_right_arithmetic3A_3439 = arith.shrsi %squeeze3A_3432, %shift_right_arithmetic3A_3438 : i32
        %shift_left3A_3440 = arith.constant 7 : i32
        %shift_left3A_3441 = arith.shli %shift_right_arithmetic3A_3439, %shift_left3A_3440 : i32
        %multiple_of3A_3442 = tpu.assume_multiple %shift_left3A_3441, 128 : i32
        %dma_start3A_3443 = arith.constant 0 : i32
        %dma_start3A_3444 = tpu.memref_slice %arg4[%dma_start3A_3443, %multiple_of3A_3437] : memref<16x1000000xf32, #tpu.memory_space<hbm>> -> memref<16x128xf32, #tpu.memory_space<hbm>>
        %dma_start3A_3445 = arith.constant 0 : i32
        %dma_start3A_3446 = tpu.memref_slice %arg4[%dma_start3A_3445, %multiple_of3A_3437] : memref<16x1000000xf32, #tpu.memory_space<hbm>> -> memref<16x128xf32, #tpu.memory_space<hbm>>
        tpu.enqueue_dma source(%dma_start3A_3446 : memref<16x128xf32, #tpu.memory_space<hbm>>) target(%arg33 : memref<16x128xf32, #tpu.memory_space<vmem>>) target_semaphore(%arg53 : memref<!tpu.dma_semaphore, #tpu.memory_space<semaphore_mem>>)
        %dma_start3A_3447 = arith.constant 0 : i32
        %dma_start3A_3448 = tpu.memref_slice %arg5[%dma_start3A_3447, %multiple_of3A_3442] : memref<16x1000000xf32, #tpu.memory_space<hbm>> -> memref<16x128xf32, #tpu.memory_space<hbm>>
        %dma_start3A_3449 = arith.constant 0 : i32
        %dma_start3A_3450 = tpu.memref_slice %arg5[%dma_start3A_3449, %multiple_of3A_3442] : memref<16x1000000xf32, #tpu.memory_space<hbm>> -> memref<16x128xf32, #tpu.memory_space<hbm>>
        tpu.enqueue_dma source(%dma_start3A_3450 : memref<16x128xf32, #tpu.memory_space<hbm>>) target(%arg34 : memref<16x128xf32, #tpu.memory_space<vmem>>) target_semaphore(%arg53 : memref<!tpu.dma_semaphore, #tpu.memory_space<semaphore_mem>>)
        %dma_start3A_3451 = arith.constant 0 : i32
        %dma_start3A_3452 = tpu.memref_slice %arg6[%dma_start3A_3451, %multiple_of3A_3437] : memref<16x1000000xf32, #tpu.memory_space<hbm>> -> memref<16x128xf32, #tpu.memory_space<hbm>>
        %dma_start3A_3453 = arith.constant 0 : i32
        %dma_start3A_3454 = tpu.memref_slice %arg6[%dma_start3A_3453, %multiple_of3A_3437] : memref<16x1000000xf32, #tpu.memory_space<hbm>> -> memref<16x128xf32, #tpu.memory_space<hbm>>
        tpu.enqueue_dma source(%dma_start3A_3454 : memref<16x128xf32, #tpu.memory_space<hbm>>) target(%arg35 : memref<16x128xf32, #tpu.memory_space<vmem>>) target_semaphore(%arg53 : memref<!tpu.dma_semaphore, #tpu.memory_space<semaphore_mem>>)
        %dma_start3A_3455 = arith.constant 0 : i32
        %dma_start3A_3456 = tpu.memref_slice %arg7[%dma_start3A_3455, %multiple_of3A_3442] : memref<16x1000000xf32, #tpu.memory_space<hbm>> -> memref<16x128xf32, #tpu.memory_space<hbm>>
        %dma_start3A_3457 = arith.constant 0 : i32
        %dma_start3A_3458 = tpu.memref_slice %arg7[%dma_start3A_3457, %multiple_of3A_3442] : memref<16x1000000xf32, #tpu.memory_space<hbm>> -> memref<16x128xf32, #tpu.memory_space<hbm>>
        tpu.enqueue_dma source(%dma_start3A_3458 : memref<16x128xf32, #tpu.memory_space<hbm>>) target(%arg36 : memref<16x128xf32, #tpu.memory_space<vmem>>) target_semaphore(%arg53 : memref<!tpu.dma_semaphore, #tpu.memory_space<semaphore_mem>>)
      } else {
      }
      %dma_wait3A_3057 = arith.constant 0 : i32
      %dma_wait3A_3058 = arith.constant 0 : i32
      %dma_wait3A_3059 = tpu.memref_slice %arg4[%dma_wait3A_3057, %dma_wait3A_3058] : memref<16x1000000xf32, #tpu.memory_space<hbm>> -> memref<16x128xf32, #tpu.memory_space<hbm>>
      %dma_wait3A_3060 = arith.constant 0 : i32
      %dma_wait3A_3061 = arith.constant 0 : i32
      %dma_wait3A_3062 = tpu.memref_slice %arg4[%dma_wait3A_3060, %dma_wait3A_3061] : memref<16x1000000xf32, #tpu.memory_space<hbm>> -> memref<16x128xf32, #tpu.memory_space<hbm>>
      tpu.wait_dma2 semaphore(%arg54 : memref<!tpu.dma_semaphore, #tpu.memory_space<semaphore_mem>>) src(%dma_wait3A_3062 : memref<16x128xf32, #tpu.memory_space<hbm>>) dst(%arg37 : memref<16x128xf32, #tpu.memory_space<vmem>>)
      %dma_wait3A_3063 = arith.constant 0 : i32
      %dma_wait3A_3064 = arith.constant 0 : i32
      %dma_wait3A_3065 = tpu.memref_slice %arg5[%dma_wait3A_3063, %dma_wait3A_3064] : memref<16x1000000xf32, #tpu.memory_space<hbm>> -> memref<16x128xf32, #tpu.memory_space<hbm>>
      %dma_wait3A_3066 = arith.constant 0 : i32
      %dma_wait3A_3067 = arith.constant 0 : i32
      %dma_wait3A_3068 = tpu.memref_slice %arg5[%dma_wait3A_3066, %dma_wait3A_3067] : memref<16x1000000xf32, #tpu.memory_space<hbm>> -> memref<16x128xf32, #tpu.memory_space<hbm>>
      tpu.wait_dma2 semaphore(%arg54 : memref<!tpu.dma_semaphore, #tpu.memory_space<semaphore_mem>>) src(%dma_wait3A_3068 : memref<16x128xf32, #tpu.memory_space<hbm>>) dst(%arg38 : memref<16x128xf32, #tpu.memory_space<vmem>>)
      %dma_wait3A_3069 = arith.constant 0 : i32
      %dma_wait3A_3070 = arith.constant 0 : i32
      %dma_wait3A_3071 = tpu.memref_slice %arg6[%dma_wait3A_3069, %dma_wait3A_3070] : memref<16x1000000xf32, #tpu.memory_space<hbm>> -> memref<16x128xf32, #tpu.memory_space<hbm>>
      %dma_wait3A_3072 = arith.constant 0 : i32
      %dma_wait3A_3073 = arith.constant 0 : i32
      %dma_wait3A_3074 = tpu.memref_slice %arg6[%dma_wait3A_3072, %dma_wait3A_3073] : memref<16x1000000xf32, #tpu.memory_space<hbm>> -> memref<16x128xf32, #tpu.memory_space<hbm>>
      tpu.wait_dma2 semaphore(%arg54 : memref<!tpu.dma_semaphore, #tpu.memory_space<semaphore_mem>>) src(%dma_wait3A_3074 : memref<16x128xf32, #tpu.memory_space<hbm>>) dst(%arg39 : memref<16x128xf32, #tpu.memory_space<vmem>>)
      %dma_wait3A_3075 = arith.constant 0 : i32
      %dma_wait3A_3076 = arith.constant 0 : i32
      %dma_wait3A_3077 = tpu.memref_slice %arg7[%dma_wait3A_3075, %dma_wait3A_3076] : memref<16x1000000xf32, #tpu.memory_space<hbm>> -> memref<16x128xf32, #tpu.memory_space<hbm>>
      %dma_wait3A_3078 = arith.constant 0 : i32
      %dma_wait3A_3079 = arith.constant 0 : i32
      %dma_wait3A_3080 = tpu.memref_slice %arg7[%dma_wait3A_3078, %dma_wait3A_3079] : memref<16x1000000xf32, #tpu.memory_space<hbm>> -> memref<16x128xf32, #tpu.memory_space<hbm>>
      tpu.wait_dma2 semaphore(%arg54 : memref<!tpu.dma_semaphore, #tpu.memory_space<semaphore_mem>>) src(%dma_wait3A_3080 : memref<16x128xf32, #tpu.memory_space<hbm>>) dst(%arg40 : memref<16x128xf32, #tpu.memory_space<vmem>>)
      %slice3A_3081 = vector.extract_strided_slice %get3A_251 {offsets = [14], sizes = [1], strides = [1]} : vector<16xi32> to vector<1xi32>
      %squeeze3A_3082 = vector.extract %slice3A_3081[0] : i32 from vector<1xi32>
      %slice3A_3083 = vector.extract_strided_slice %get3A_253 {offsets = [14], sizes = [1], strides = [1]} : vector<16xi32> to vector<1xi32>
      %squeeze3A_3084 = vector.extract %slice3A_3083[0] : i32 from vector<1xi32>
      %and3A_3085 = arith.constant 127 : i32
      %and3A_3086 = arith.andi %squeeze3A_3082, %and3A_3085 : i32
      %broadcast_in_dim3A_3087 = vector.broadcast %and3A_3086 : i32 to vector<16xi32>
      %and3A_3088 = arith.constant 127 : i32
      %and3A_3089 = arith.andi %squeeze3A_3084, %and3A_3088 : i32
      %broadcast_in_dim3A_3090 = vector.broadcast %and3A_3089 : i32 to vector<16xi32>
      %gather3A_3091 = tpu.vector_load_idx %arg37[%iota3A, %broadcast_in_dim3A_3087] : memref<16x128xf32, #tpu.memory_space<vmem>>[vector<16xi32>, vector<16xi32>], vector<16xf32>,
      %gather3A_3092 = tpu.vector_load_idx %arg38[%iota3A, %broadcast_in_dim3A_3090] : memref<16x128xf32, #tpu.memory_space<vmem>>[vector<16xi32>, vector<16xi32>], vector<16xf32>,
      %gather3A_3093 = tpu.vector_load_idx %arg39[%iota3A, %broadcast_in_dim3A_3087] : memref<16x128xf32, #tpu.memory_space<vmem>>[vector<16xi32>, vector<16xi32>], vector<16xf32>,
      %gather3A_3094 = tpu.vector_load_idx %arg40[%iota3A, %broadcast_in_dim3A_3090] : memref<16x128xf32, #tpu.memory_space<vmem>>[vector<16xi32>, vector<16xi32>], vector<16xf32>,
      %mul3A_3095 = arith.mulf %gather3A_3091, %gather3A_3092 : vector<16xf32>
      %get3A_3096 = arith.constant 0 : i32
      %get3A_3097 = arith.index_cast %get3A_3096 : i32 to index
      %get3A_3098 = arith.constant 0 : index
      %get3A_3099 = tpu.vector_load %arg45[%get3A_3097, %get3A_3098] {strides = array<i32>} : memref<5x48xf32, #tpu.memory_space<vmem>>, vector<16xf32>,
      %mul3A_3100 = arith.mulf %mul3A_3095, %get3A_3099 : vector<16xf32>
      %get3A_3101 = arith.constant 0 : i32
      %get3A_3102 = arith.index_cast %get3A_3101 : i32 to index
      %get3A_3103 = arith.constant 16 : index
      %get3A_3104 = tpu.vector_load %arg45[%get3A_3102, %get3A_3103] {strides = array<i32>} : memref<5x48xf32, #tpu.memory_space<vmem>>, vector<16xf32>,
      %mul3A_3105 = arith.mulf %gather3A_3093, %get3A_3104 : vector<16xf32>
      %add3A_3106 = arith.addf %mul3A_3100, %mul3A_3105 : vector<16xf32>
      %get3A_3107 = arith.constant 0 : i32
      %get3A_3108 = arith.index_cast %get3A_3107 : i32 to index
      %get3A_3109 = arith.constant 32 : index
      %get3A_3110 = tpu.vector_load %arg45[%get3A_3108, %get3A_3109] {strides = array<i32>} : memref<5x48xf32, #tpu.memory_space<vmem>>, vector<16xf32>,
      %mul3A_3111 = arith.mulf %gather3A_3094, %get3A_3110 : vector<16xf32>
      %add3A_3112 = arith.addf %add3A_3106, %mul3A_3111 : vector<16xf32>
      %reduce_sum3A_3113 = arith.constant true
      %reduce_sum3A_3114 = vector.broadcast %reduce_sum3A_3113 : i1 to vector<16xi1>
      %reduce_sum3A_3115 = tpu.scan <sum>, %add3A_3112 masked %reduce_sum3A_3114 : vector<16xf32>, vector<16xi1> -> vector<16xf32>
      %reduce_sum3A_3116 = vector.extract %reduce_sum3A_3115[15] : f32 from vector<16xf32>
      %eq3A_3117 = arith.constant 0 : i32
      %eq3A_3118 = vector.broadcast %eq3A_3117 : i32 to vector<16xi32>
      %eq3A_3119 = arith.cmpi eq, %iota3A, %eq3A_3118 : vector<16xi32>
      %add3A_3120 = vector.broadcast %reduce_sum3A_3116 : f32 to vector<16xf32>
      %add3A_3121 = arith.addf %get3A_3, %add3A_3120 : vector<16xf32>
      %select_n3A_3122 = arith.select %eq3A_3119, %add3A_3121, %get3A_3 : vector<16xi1>, vector<16xf32>
      %get3A_3123 = arith.constant 1 : i32
      %get3A_3124 = arith.index_cast %get3A_3123 : i32 to index
      %get3A_3125 = arith.constant 0 : index
      %get3A_3126 = tpu.vector_load %arg45[%get3A_3124, %get3A_3125] {strides = array<i32>} : memref<5x48xf32, #tpu.memory_space<vmem>>, vector<16xf32>,
      %mul3A_3127 = arith.mulf %mul3A_3095, %get3A_3126 : vector<16xf32>
      %get3A_3128 = arith.constant 1 : i32
      %get3A_3129 = arith.index_cast %get3A_3128 : i32 to index
      %get3A_3130 = arith.constant 16 : index
      %get3A_3131 = tpu.vector_load %arg45[%get3A_3129, %get3A_3130] {strides = array<i32>} : memref<5x48xf32, #tpu.memory_space<vmem>>, vector<16xf32>,
      %mul3A_3132 = arith.mulf %gather3A_3093, %get3A_3131 : vector<16xf32>
      %add3A_3133 = arith.addf %mul3A_3127, %mul3A_3132 : vector<16xf32>
      %get3A_3134 = arith.constant 1 : i32
      %get3A_3135 = arith.index_cast %get3A_3134 : i32 to index
      %get3A_3136 = arith.constant 32 : index
      %get3A_3137 = tpu.vector_load %arg45[%get3A_3135, %get3A_3136] {strides = array<i32>} : memref<5x48xf32, #tpu.memory_space<vmem>>, vector<16xf32>,
      %mul3A_3138 = arith.mulf %gather3A_3094, %get3A_3137 : vector<16xf32>
      %add3A_3139 = arith.addf %add3A_3133, %mul3A_3138 : vector<16xf32>
      %reduce_sum3A_3140 = arith.constant true
      %reduce_sum3A_3141 = vector.broadcast %reduce_sum3A_3140 : i1 to vector<16xi1>
      %reduce_sum3A_3142 = tpu.scan <sum>, %add3A_3139 masked %reduce_sum3A_3141 : vector<16xf32>, vector<16xi1> -> vector<16xf32>
      %reduce_sum3A_3143 = vector.extract %reduce_sum3A_3142[15] : f32 from vector<16xf32>
      %eq3A_3144 = arith.constant 1 : i32
      %eq3A_3145 = vector.broadcast %eq3A_3144 : i32 to vector<16xi32>
      %eq3A_3146 = arith.cmpi eq, %iota3A, %eq3A_3145 : vector<16xi32>
      %add3A_3147 = vector.broadcast %reduce_sum3A_3143 : f32 to vector<16xf32>
      %add3A_3148 = arith.addf %select_n3A_3122, %add3A_3147 : vector<16xf32>
      %select_n3A_3149 = arith.select %eq3A_3146, %add3A_3148, %select_n3A_3122 : vector<16xi1>, vector<16xf32>
      %get3A_3150 = arith.constant 2 : i32
      %get3A_3151 = arith.index_cast %get3A_3150 : i32 to index
      %get3A_3152 = arith.constant 0 : index
      %get3A_3153 = tpu.vector_load %arg45[%get3A_3151, %get3A_3152] {strides = array<i32>} : memref<5x48xf32, #tpu.memory_space<vmem>>, vector<16xf32>,
      %mul3A_3154 = arith.mulf %mul3A_3095, %get3A_3153 : vector<16xf32>
      %get3A_3155 = arith.constant 2 : i32
      %get3A_3156 = arith.index_cast %get3A_3155 : i32 to index
      %get3A_3157 = arith.constant 16 : index
      %get3A_3158 = tpu.vector_load %arg45[%get3A_3156, %get3A_3157] {strides = array<i32>} : memref<5x48xf32, #tpu.memory_space<vmem>>, vector<16xf32>,
      %mul3A_3159 = arith.mulf %gather3A_3093, %get3A_3158 : vector<16xf32>
      %add3A_3160 = arith.addf %mul3A_3154, %mul3A_3159 : vector<16xf32>
      %get3A_3161 = arith.constant 2 : i32
      %get3A_3162 = arith.index_cast %get3A_3161 : i32 to index
      %get3A_3163 = arith.constant 32 : index
      %get3A_3164 = tpu.vector_load %arg45[%get3A_3162, %get3A_3163] {strides = array<i32>} : memref<5x48xf32, #tpu.memory_space<vmem>>, vector<16xf32>,
      %mul3A_3165 = arith.mulf %gather3A_3094, %get3A_3164 : vector<16xf32>
      %add3A_3166 = arith.addf %add3A_3160, %mul3A_3165 : vector<16xf32>
      %reduce_sum3A_3167 = arith.constant true
      %reduce_sum3A_3168 = vector.broadcast %reduce_sum3A_3167 : i1 to vector<16xi1>
      %reduce_sum3A_3169 = tpu.scan <sum>, %add3A_3166 masked %reduce_sum3A_3168 : vector<16xf32>, vector<16xi1> -> vector<16xf32>
      %reduce_sum3A_3170 = vector.extract %reduce_sum3A_3169[15] : f32 from vector<16xf32>
      %eq3A_3171 = arith.constant 2 : i32
      %eq3A_3172 = vector.broadcast %eq3A_3171 : i32 to vector<16xi32>
      %eq3A_3173 = arith.cmpi eq, %iota3A, %eq3A_3172 : vector<16xi32>
      %add3A_3174 = vector.broadcast %reduce_sum3A_3170 : f32 to vector<16xf32>
      %add3A_3175 = arith.addf %select_n3A_3149, %add3A_3174 : vector<16xf32>
      %select_n3A_3176 = arith.select %eq3A_3173, %add3A_3175, %select_n3A_3149 : vector<16xi1>, vector<16xf32>
      %get3A_3177 = arith.constant 3 : i32
      %get3A_3178 = arith.index_cast %get3A_3177 : i32 to index
      %get3A_3179 = arith.constant 0 : index
      %get3A_3180 = tpu.vector_load %arg45[%get3A_3178, %get3A_3179] {strides = array<i32>} : memref<5x48xf32, #tpu.memory_space<vmem>>, vector<16xf32>,
      %mul3A_3181 = arith.mulf %mul3A_3095, %get3A_3180 : vector<16xf32>
      %get3A_3182 = arith.constant 3 : i32
      %get3A_3183 = arith.index_cast %get3A_3182 : i32 to index
      %get3A_3184 = arith.constant 16 : index
      %get3A_3185 = tpu.vector_load %arg45[%get3A_3183, %get3A_3184] {strides = array<i32>} : memref<5x48xf32, #tpu.memory_space<vmem>>, vector<16xf32>,
      %mul3A_3186 = arith.mulf %gather3A_3093, %get3A_3185 : vector<16xf32>
      %add3A_3187 = arith.addf %mul3A_3181, %mul3A_3186 : vector<16xf32>
      %get3A_3188 = arith.constant 3 : i32
      %get3A_3189 = arith.index_cast %get3A_3188 : i32 to index
      %get3A_3190 = arith.constant 32 : index
      %get3A_3191 = tpu.vector_load %arg45[%get3A_3189, %get3A_3190] {strides = array<i32>} : memref<5x48xf32, #tpu.memory_space<vmem>>, vector<16xf32>,
      %mul3A_3192 = arith.mulf %gather3A_3094, %get3A_3191 : vector<16xf32>
      %add3A_3193 = arith.addf %add3A_3187, %mul3A_3192 : vector<16xf32>
      %reduce_sum3A_3194 = arith.constant true
      %reduce_sum3A_3195 = vector.broadcast %reduce_sum3A_3194 : i1 to vector<16xi1>
      %reduce_sum3A_3196 = tpu.scan <sum>, %add3A_3193 masked %reduce_sum3A_3195 : vector<16xf32>, vector<16xi1> -> vector<16xf32>
      %reduce_sum3A_3197 = vector.extract %reduce_sum3A_3196[15] : f32 from vector<16xf32>
      %eq3A_3198 = arith.constant 3 : i32
      %eq3A_3199 = vector.broadcast %eq3A_3198 : i32 to vector<16xi32>
      %eq3A_3200 = arith.cmpi eq, %iota3A, %eq3A_3199 : vector<16xi32>
      %add3A_3201 = vector.broadcast %reduce_sum3A_3197 : f32 to vector<16xf32>
      %add3A_3202 = arith.addf %select_n3A_3176, %add3A_3201 : vector<16xf32>
      %select_n3A_3203 = arith.select %eq3A_3200, %add3A_3202, %select_n3A_3176 : vector<16xi1>, vector<16xf32>
      %get3A_3204 = arith.constant 4 : i32
      %get3A_3205 = arith.index_cast %get3A_3204 : i32 to index
      %get3A_3206 = arith.constant 0 : index
      %get3A_3207 = tpu.vector_load %arg45[%get3A_3205, %get3A_3206] {strides = array<i32>} : memref<5x48xf32, #tpu.memory_space<vmem>>, vector<16xf32>,
      %mul3A_3208 = arith.mulf %mul3A_3095, %get3A_3207 : vector<16xf32>
      %get3A_3209 = arith.constant 4 : i32
      %get3A_3210 = arith.index_cast %get3A_3209 : i32 to index
      %get3A_3211 = arith.constant 16 : index
      %get3A_3212 = tpu.vector_load %arg45[%get3A_3210, %get3A_3211] {strides = array<i32>} : memref<5x48xf32, #tpu.memory_space<vmem>>, vector<16xf32>,
      %mul3A_3213 = arith.mulf %gather3A_3093, %get3A_3212 : vector<16xf32>
      %add3A_3214 = arith.addf %mul3A_3208, %mul3A_3213 : vector<16xf32>
      %get3A_3215 = arith.constant 4 : i32
      %get3A_3216 = arith.index_cast %get3A_3215 : i32 to index
      %get3A_3217 = arith.constant 32 : index
      %get3A_3218 = tpu.vector_load %arg45[%get3A_3216, %get3A_3217] {strides = array<i32>} : memref<5x48xf32, #tpu.memory_space<vmem>>, vector<16xf32>,
      %mul3A_3219 = arith.mulf %gather3A_3094, %get3A_3218 : vector<16xf32>
      %add3A_3220 = arith.addf %add3A_3214, %mul3A_3219 : vector<16xf32>
      %reduce_sum3A_3221 = arith.constant true
      %reduce_sum3A_3222 = vector.broadcast %reduce_sum3A_3221 : i1 to vector<16xi1>
      %reduce_sum3A_3223 = tpu.scan <sum>, %add3A_3220 masked %reduce_sum3A_3222 : vector<16xf32>, vector<16xi1> -> vector<16xf32>
      %reduce_sum3A_3224 = vector.extract %reduce_sum3A_3223[15] : f32 from vector<16xf32>
      %eq3A_3225 = arith.constant 4 : i32
      %eq3A_3226 = vector.broadcast %eq3A_3225 : i32 to vector<16xi32>
      %eq3A_3227 = arith.cmpi eq, %iota3A, %eq3A_3226 : vector<16xi32>
      %add3A_3228 = vector.broadcast %reduce_sum3A_3224 : f32 to vector<16xf32>
      %add3A_3229 = arith.addf %select_n3A_3203, %add3A_3228 : vector<16xf32>
      %select_n3A_3230 = arith.select %eq3A_3227, %add3A_3229, %select_n3A_3203 : vector<16xi1>, vector<16xf32>
      %mul3A_3231 = arith.constant 16 : i32
      %mul3A_3232 = arith.muli %scan3A_247, %mul3A_3231 : i32
      %add3A_3233 = arith.constant 14 : i32
      %add3A_3234 = arith.addi %mul3A_3232, %add3A_3233 : i32
      %add3A_3235 = arith.constant 0 : i32
      %add3A_3236 = arith.addi %add3A_3234, %add3A_3235 : i32
      %broadcast_in_dim3A_3237 = vector.broadcast %add3A_3236 : i32 to vector<16xi32>
      tpu.vector_store_idx %arg47[%iota3A, %broadcast_in_dim3A_3237], %select_n3A_3230 : memref<16x512xf32, #tpu.memory_space<vmem>>[vector<16xi32>, vector<16xi32>], vector<16xf32>,
      %lt3A_3238 = arith.constant 31 : i32
      %lt3A_3239 = arith.cmpi slt, %scan3A_247, %lt3A_3238 : i32
      %convert_element_type3A_3240 = arith.extui %lt3A_3239 : i1 to i32
      %cond3A_3241 = arith.constant 0 : i32
      %cond3A_3242 = arith.cmpi ne, %convert_element_type3A_3240, %cond3A_3241 : i32
      scf.if %cond3A_3242 {
        %slice3A_3429 = vector.extract_strided_slice %get3A_260 {offsets = [6], sizes = [1], strides = [1]} : vector<16xi32> to vector<1xi32>
        %squeeze3A_3430 = vector.extract %slice3A_3429[0] : i32 from vector<1xi32>
        %slice3A_3431 = vector.extract_strided_slice %get3A_262 {offsets = [6], sizes = [1], strides = [1]} : vector<16xi32> to vector<1xi32>
        %squeeze3A_3432 = vector.extract %slice3A_3431[0] : i32 from vector<1xi32>
        %shift_right_arithmetic3A_3433 = arith.constant 7 : i32
        %shift_right_arithmetic3A_3434 = arith.shrsi %squeeze3A_3430, %shift_right_arithmetic3A_3433 : i32
        %shift_left3A_3435 = arith.constant 7 : i32
        %shift_left3A_3436 = arith.shli %shift_right_arithmetic3A_3434, %shift_left3A_3435 : i32
        %multiple_of3A_3437 = tpu.assume_multiple %shift_left3A_3436, 128 : i32
        %shift_right_arithmetic3A_3438 = arith.constant 7 : i32
        %shift_right_arithmetic3A_3439 = arith.shrsi %squeeze3A_3432, %shift_right_arithmetic3A_3438 : i32
        %shift_left3A_3440 = arith.constant 7 : i32
        %shift_left3A_3441 = arith.shli %shift_right_arithmetic3A_3439, %shift_left3A_3440 : i32
        %multiple_of3A_3442 = tpu.assume_multiple %shift_left3A_3441, 128 : i32
        %dma_start3A_3443 = arith.constant 0 : i32
        %dma_start3A_3444 = tpu.memref_slice %arg4[%dma_start3A_3443, %multiple_of3A_3437] : memref<16x1000000xf32, #tpu.memory_space<hbm>> -> memref<16x128xf32, #tpu.memory_space<hbm>>
        %dma_start3A_3445 = arith.constant 0 : i32
        %dma_start3A_3446 = tpu.memref_slice %arg4[%dma_start3A_3445, %multiple_of3A_3437] : memref<16x1000000xf32, #tpu.memory_space<hbm>> -> memref<16x128xf32, #tpu.memory_space<hbm>>
        tpu.enqueue_dma source(%dma_start3A_3446 : memref<16x128xf32, #tpu.memory_space<hbm>>) target(%arg37 : memref<16x128xf32, #tpu.memory_space<vmem>>) target_semaphore(%arg54 : memref<!tpu.dma_semaphore, #tpu.memory_space<semaphore_mem>>)
        %dma_start3A_3447 = arith.constant 0 : i32
        %dma_start3A_3448 = tpu.memref_slice %arg5[%dma_start3A_3447, %multiple_of3A_3442] : memref<16x1000000xf32, #tpu.memory_space<hbm>> -> memref<16x128xf32, #tpu.memory_space<hbm>>
        %dma_start3A_3449 = arith.constant 0 : i32
        %dma_start3A_3450 = tpu.memref_slice %arg5[%dma_start3A_3449, %multiple_of3A_3442] : memref<16x1000000xf32, #tpu.memory_space<hbm>> -> memref<16x128xf32, #tpu.memory_space<hbm>>
        tpu.enqueue_dma source(%dma_start3A_3450 : memref<16x128xf32, #tpu.memory_space<hbm>>) target(%arg38 : memref<16x128xf32, #tpu.memory_space<vmem>>) target_semaphore(%arg54 : memref<!tpu.dma_semaphore, #tpu.memory_space<semaphore_mem>>)
        %dma_start3A_3451 = arith.constant 0 : i32
        %dma_start3A_3452 = tpu.memref_slice %arg6[%dma_start3A_3451, %multiple_of3A_3437] : memref<16x1000000xf32, #tpu.memory_space<hbm>> -> memref<16x128xf32, #tpu.memory_space<hbm>>
        %dma_start3A_3453 = arith.constant 0 : i32
        %dma_start3A_3454 = tpu.memref_slice %arg6[%dma_start3A_3453, %multiple_of3A_3437] : memref<16x1000000xf32, #tpu.memory_space<hbm>> -> memref<16x128xf32, #tpu.memory_space<hbm>>
        tpu.enqueue_dma source(%dma_start3A_3454 : memref<16x128xf32, #tpu.memory_space<hbm>>) target(%arg39 : memref<16x128xf32, #tpu.memory_space<vmem>>) target_semaphore(%arg54 : memref<!tpu.dma_semaphore, #tpu.memory_space<semaphore_mem>>)
        %dma_start3A_3455 = arith.constant 0 : i32
        %dma_start3A_3456 = tpu.memref_slice %arg7[%dma_start3A_3455, %multiple_of3A_3442] : memref<16x1000000xf32, #tpu.memory_space<hbm>> -> memref<16x128xf32, #tpu.memory_space<hbm>>
        %dma_start3A_3457 = arith.constant 0 : i32
        %dma_start3A_3458 = tpu.memref_slice %arg7[%dma_start3A_3457, %multiple_of3A_3442] : memref<16x1000000xf32, #tpu.memory_space<hbm>> -> memref<16x128xf32, #tpu.memory_space<hbm>>
        tpu.enqueue_dma source(%dma_start3A_3458 : memref<16x128xf32, #tpu.memory_space<hbm>>) target(%arg40 : memref<16x128xf32, #tpu.memory_space<vmem>>) target_semaphore(%arg54 : memref<!tpu.dma_semaphore, #tpu.memory_space<semaphore_mem>>)
      } else {
      }
      %dma_wait3A_3243 = arith.constant 0 : i32
      %dma_wait3A_3244 = arith.constant 0 : i32
      %dma_wait3A_3245 = tpu.memref_slice %arg4[%dma_wait3A_3243, %dma_wait3A_3244] : memref<16x1000000xf32, #tpu.memory_space<hbm>> -> memref<16x128xf32, #tpu.memory_space<hbm>>
      %dma_wait3A_3246 = arith.constant 0 : i32
      %dma_wait3A_3247 = arith.constant 0 : i32
      %dma_wait3A_3248 = tpu.memref_slice %arg4[%dma_wait3A_3246, %dma_wait3A_3247] : memref<16x1000000xf32, #tpu.memory_space<hbm>> -> memref<16x128xf32, #tpu.memory_space<hbm>>
      tpu.wait_dma2 semaphore(%arg55 : memref<!tpu.dma_semaphore, #tpu.memory_space<semaphore_mem>>) src(%dma_wait3A_3248 : memref<16x128xf32, #tpu.memory_space<hbm>>) dst(%arg41 : memref<16x128xf32, #tpu.memory_space<vmem>>)
      %dma_wait3A_3249 = arith.constant 0 : i32
      %dma_wait3A_3250 = arith.constant 0 : i32
      %dma_wait3A_3251 = tpu.memref_slice %arg5[%dma_wait3A_3249, %dma_wait3A_3250] : memref<16x1000000xf32, #tpu.memory_space<hbm>> -> memref<16x128xf32, #tpu.memory_space<hbm>>
      %dma_wait3A_3252 = arith.constant 0 : i32
      %dma_wait3A_3253 = arith.constant 0 : i32
      %dma_wait3A_3254 = tpu.memref_slice %arg5[%dma_wait3A_3252, %dma_wait3A_3253] : memref<16x1000000xf32, #tpu.memory_space<hbm>> -> memref<16x128xf32, #tpu.memory_space<hbm>>
      tpu.wait_dma2 semaphore(%arg55 : memref<!tpu.dma_semaphore, #tpu.memory_space<semaphore_mem>>) src(%dma_wait3A_3254 : memref<16x128xf32, #tpu.memory_space<hbm>>) dst(%arg42 : memref<16x128xf32, #tpu.memory_space<vmem>>)
      %dma_wait3A_3255 = arith.constant 0 : i32
      %dma_wait3A_3256 = arith.constant 0 : i32
      %dma_wait3A_3257 = tpu.memref_slice %arg6[%dma_wait3A_3255, %dma_wait3A_3256] : memref<16x1000000xf32, #tpu.memory_space<hbm>> -> memref<16x128xf32, #tpu.memory_space<hbm>>
      %dma_wait3A_3258 = arith.constant 0 : i32
      %dma_wait3A_3259 = arith.constant 0 : i32
      %dma_wait3A_3260 = tpu.memref_slice %arg6[%dma_wait3A_3258, %dma_wait3A_3259] : memref<16x1000000xf32, #tpu.memory_space<hbm>> -> memref<16x128xf32, #tpu.memory_space<hbm>>
      tpu.wait_dma2 semaphore(%arg55 : memref<!tpu.dma_semaphore, #tpu.memory_space<semaphore_mem>>) src(%dma_wait3A_3260 : memref<16x128xf32, #tpu.memory_space<hbm>>) dst(%arg43 : memref<16x128xf32, #tpu.memory_space<vmem>>)
      %dma_wait3A_3261 = arith.constant 0 : i32
      %dma_wait3A_3262 = arith.constant 0 : i32
      %dma_wait3A_3263 = tpu.memref_slice %arg7[%dma_wait3A_3261, %dma_wait3A_3262] : memref<16x1000000xf32, #tpu.memory_space<hbm>> -> memref<16x128xf32, #tpu.memory_space<hbm>>
      %dma_wait3A_3264 = arith.constant 0 : i32
      %dma_wait3A_3265 = arith.constant 0 : i32
      %dma_wait3A_3266 = tpu.memref_slice %arg7[%dma_wait3A_3264, %dma_wait3A_3265] : memref<16x1000000xf32, #tpu.memory_space<hbm>> -> memref<16x128xf32, #tpu.memory_space<hbm>>
      tpu.wait_dma2 semaphore(%arg55 : memref<!tpu.dma_semaphore, #tpu.memory_space<semaphore_mem>>) src(%dma_wait3A_3266 : memref<16x128xf32, #tpu.memory_space<hbm>>) dst(%arg44 : memref<16x128xf32, #tpu.memory_space<vmem>>)
      %slice3A_3267 = vector.extract_strided_slice %get3A_251 {offsets = [15], sizes = [1], strides = [1]} : vector<16xi32> to vector<1xi32>
      %squeeze3A_3268 = vector.extract %slice3A_3267[0] : i32 from vector<1xi32>
      %slice3A_3269 = vector.extract_strided_slice %get3A_253 {offsets = [15], sizes = [1], strides = [1]} : vector<16xi32> to vector<1xi32>
      %squeeze3A_3270 = vector.extract %slice3A_3269[0] : i32 from vector<1xi32>
      %and3A_3271 = arith.constant 127 : i32
      %and3A_3272 = arith.andi %squeeze3A_3268, %and3A_3271 : i32
      %broadcast_in_dim3A_3273 = vector.broadcast %and3A_3272 : i32 to vector<16xi32>
      %and3A_3274 = arith.constant 127 : i32
      %and3A_3275 = arith.andi %squeeze3A_3270, %and3A_3274 : i32
      %broadcast_in_dim3A_3276 = vector.broadcast %and3A_3275 : i32 to vector<16xi32>
      %gather3A_3277 = tpu.vector_load_idx %arg41[%iota3A, %broadcast_in_dim3A_3273] : memref<16x128xf32, #tpu.memory_space<vmem>>[vector<16xi32>, vector<16xi32>], vector<16xf32>,
      %gather3A_3278 = tpu.vector_load_idx %arg42[%iota3A, %broadcast_in_dim3A_3276] : memref<16x128xf32, #tpu.memory_space<vmem>>[vector<16xi32>, vector<16xi32>], vector<16xf32>,
      %gather3A_3279 = tpu.vector_load_idx %arg43[%iota3A, %broadcast_in_dim3A_3273] : memref<16x128xf32, #tpu.memory_space<vmem>>[vector<16xi32>, vector<16xi32>], vector<16xf32>,
      %gather3A_3280 = tpu.vector_load_idx %arg44[%iota3A, %broadcast_in_dim3A_3276] : memref<16x128xf32, #tpu.memory_space<vmem>>[vector<16xi32>, vector<16xi32>], vector<16xf32>,
      %mul3A_3281 = arith.mulf %gather3A_3277, %gather3A_3278 : vector<16xf32>
      %get3A_3282 = arith.constant 0 : i32
      %get3A_3283 = arith.index_cast %get3A_3282 : i32 to index
      %get3A_3284 = arith.constant 0 : index
      %get3A_3285 = tpu.vector_load %arg45[%get3A_3283, %get3A_3284] {strides = array<i32>} : memref<5x48xf32, #tpu.memory_space<vmem>>, vector<16xf32>,
      %mul3A_3286 = arith.mulf %mul3A_3281, %get3A_3285 : vector<16xf32>
      %get3A_3287 = arith.constant 0 : i32
      %get3A_3288 = arith.index_cast %get3A_3287 : i32 to index
      %get3A_3289 = arith.constant 16 : index
      %get3A_3290 = tpu.vector_load %arg45[%get3A_3288, %get3A_3289] {strides = array<i32>} : memref<5x48xf32, #tpu.memory_space<vmem>>, vector<16xf32>,
      %mul3A_3291 = arith.mulf %gather3A_3279, %get3A_3290 : vector<16xf32>
      %add3A_3292 = arith.addf %mul3A_3286, %mul3A_3291 : vector<16xf32>
      %get3A_3293 = arith.constant 0 : i32
      %get3A_3294 = arith.index_cast %get3A_3293 : i32 to index
      %get3A_3295 = arith.constant 32 : index
      %get3A_3296 = tpu.vector_load %arg45[%get3A_3294, %get3A_3295] {strides = array<i32>} : memref<5x48xf32, #tpu.memory_space<vmem>>, vector<16xf32>,
      %mul3A_3297 = arith.mulf %gather3A_3280, %get3A_3296 : vector<16xf32>
      %add3A_3298 = arith.addf %add3A_3292, %mul3A_3297 : vector<16xf32>
      %reduce_sum3A_3299 = arith.constant true
      %reduce_sum3A_3300 = vector.broadcast %reduce_sum3A_3299 : i1 to vector<16xi1>
      %reduce_sum3A_3301 = tpu.scan <sum>, %add3A_3298 masked %reduce_sum3A_3300 : vector<16xf32>, vector<16xi1> -> vector<16xf32>
      %reduce_sum3A_3302 = vector.extract %reduce_sum3A_3301[15] : f32 from vector<16xf32>
      %eq3A_3303 = arith.constant 0 : i32
      %eq3A_3304 = vector.broadcast %eq3A_3303 : i32 to vector<16xi32>
      %eq3A_3305 = arith.cmpi eq, %iota3A, %eq3A_3304 : vector<16xi32>
      %add3A_3306 = vector.broadcast %reduce_sum3A_3302 : f32 to vector<16xf32>
      %add3A_3307 = arith.addf %get3A_3, %add3A_3306 : vector<16xf32>
      %select_n3A_3308 = arith.select %eq3A_3305, %add3A_3307, %get3A_3 : vector<16xi1>, vector<16xf32>
      %get3A_3309 = arith.constant 1 : i32
      %get3A_3310 = arith.index_cast %get3A_3309 : i32 to index
      %get3A_3311 = arith.constant 0 : index
      %get3A_3312 = tpu.vector_load %arg45[%get3A_3310, %get3A_3311] {strides = array<i32>} : memref<5x48xf32, #tpu.memory_space<vmem>>, vector<16xf32>,
      %mul3A_3313 = arith.mulf %mul3A_3281, %get3A_3312 : vector<16xf32>
      %get3A_3314 = arith.constant 1 : i32
      %get3A_3315 = arith.index_cast %get3A_3314 : i32 to index
      %get3A_3316 = arith.constant 16 : index
      %get3A_3317 = tpu.vector_load %arg45[%get3A_3315, %get3A_3316] {strides = array<i32>} : memref<5x48xf32, #tpu.memory_space<vmem>>, vector<16xf32>,
      %mul3A_3318 = arith.mulf %gather3A_3279, %get3A_3317 : vector<16xf32>
      %add3A_3319 = arith.addf %mul3A_3313, %mul3A_3318 : vector<16xf32>
      %get3A_3320 = arith.constant 1 : i32
      %get3A_3321 = arith.index_cast %get3A_3320 : i32 to index
      %get3A_3322 = arith.constant 32 : index
      %get3A_3323 = tpu.vector_load %arg45[%get3A_3321, %get3A_3322] {strides = array<i32>} : memref<5x48xf32, #tpu.memory_space<vmem>>, vector<16xf32>,
      %mul3A_3324 = arith.mulf %gather3A_3280, %get3A_3323 : vector<16xf32>
      %add3A_3325 = arith.addf %add3A_3319, %mul3A_3324 : vector<16xf32>
      %reduce_sum3A_3326 = arith.constant true
      %reduce_sum3A_3327 = vector.broadcast %reduce_sum3A_3326 : i1 to vector<16xi1>
      %reduce_sum3A_3328 = tpu.scan <sum>, %add3A_3325 masked %reduce_sum3A_3327 : vector<16xf32>, vector<16xi1> -> vector<16xf32>
      %reduce_sum3A_3329 = vector.extract %reduce_sum3A_3328[15] : f32 from vector<16xf32>
      %eq3A_3330 = arith.constant 1 : i32
      %eq3A_3331 = vector.broadcast %eq3A_3330 : i32 to vector<16xi32>
      %eq3A_3332 = arith.cmpi eq, %iota3A, %eq3A_3331 : vector<16xi32>
      %add3A_3333 = vector.broadcast %reduce_sum3A_3329 : f32 to vector<16xf32>
      %add3A_3334 = arith.addf %select_n3A_3308, %add3A_3333 : vector<16xf32>
      %select_n3A_3335 = arith.select %eq3A_3332, %add3A_3334, %select_n3A_3308 : vector<16xi1>, vector<16xf32>
      %get3A_3336 = arith.constant 2 : i32
      %get3A_3337 = arith.index_cast %get3A_3336 : i32 to index
      %get3A_3338 = arith.constant 0 : index
      %get3A_3339 = tpu.vector_load %arg45[%get3A_3337, %get3A_3338] {strides = array<i32>} : memref<5x48xf32, #tpu.memory_space<vmem>>, vector<16xf32>,
      %mul3A_3340 = arith.mulf %mul3A_3281, %get3A_3339 : vector<16xf32>
      %get3A_3341 = arith.constant 2 : i32
      %get3A_3342 = arith.index_cast %get3A_3341 : i32 to index
      %get3A_3343 = arith.constant 16 : index
      %get3A_3344 = tpu.vector_load %arg45[%get3A_3342, %get3A_3343] {strides = array<i32>} : memref<5x48xf32, #tpu.memory_space<vmem>>, vector<16xf32>,
      %mul3A_3345 = arith.mulf %gather3A_3279, %get3A_3344 : vector<16xf32>
      %add3A_3346 = arith.addf %mul3A_3340, %mul3A_3345 : vector<16xf32>
      %get3A_3347 = arith.constant 2 : i32
      %get3A_3348 = arith.index_cast %get3A_3347 : i32 to index
      %get3A_3349 = arith.constant 32 : index
      %get3A_3350 = tpu.vector_load %arg45[%get3A_3348, %get3A_3349] {strides = array<i32>} : memref<5x48xf32, #tpu.memory_space<vmem>>, vector<16xf32>,
      %mul3A_3351 = arith.mulf %gather3A_3280, %get3A_3350 : vector<16xf32>
      %add3A_3352 = arith.addf %add3A_3346, %mul3A_3351 : vector<16xf32>
      %reduce_sum3A_3353 = arith.constant true
      %reduce_sum3A_3354 = vector.broadcast %reduce_sum3A_3353 : i1 to vector<16xi1>
      %reduce_sum3A_3355 = tpu.scan <sum>, %add3A_3352 masked %reduce_sum3A_3354 : vector<16xf32>, vector<16xi1> -> vector<16xf32>
      %reduce_sum3A_3356 = vector.extract %reduce_sum3A_3355[15] : f32 from vector<16xf32>
      %eq3A_3357 = arith.constant 2 : i32
      %eq3A_3358 = vector.broadcast %eq3A_3357 : i32 to vector<16xi32>
      %eq3A_3359 = arith.cmpi eq, %iota3A, %eq3A_3358 : vector<16xi32>
      %add3A_3360 = vector.broadcast %reduce_sum3A_3356 : f32 to vector<16xf32>
      %add3A_3361 = arith.addf %select_n3A_3335, %add3A_3360 : vector<16xf32>
      %select_n3A_3362 = arith.select %eq3A_3359, %add3A_3361, %select_n3A_3335 : vector<16xi1>, vector<16xf32>
      %get3A_3363 = arith.constant 3 : i32
      %get3A_3364 = arith.index_cast %get3A_3363 : i32 to index
      %get3A_3365 = arith.constant 0 : index
      %get3A_3366 = tpu.vector_load %arg45[%get3A_3364, %get3A_3365] {strides = array<i32>} : memref<5x48xf32, #tpu.memory_space<vmem>>, vector<16xf32>,
      %mul3A_3367 = arith.mulf %mul3A_3281, %get3A_3366 : vector<16xf32>
      %get3A_3368 = arith.constant 3 : i32
      %get3A_3369 = arith.index_cast %get3A_3368 : i32 to index
      %get3A_3370 = arith.constant 16 : index
      %get3A_3371 = tpu.vector_load %arg45[%get3A_3369, %get3A_3370] {strides = array<i32>} : memref<5x48xf32, #tpu.memory_space<vmem>>, vector<16xf32>,
      %mul3A_3372 = arith.mulf %gather3A_3279, %get3A_3371 : vector<16xf32>
      %add3A_3373 = arith.addf %mul3A_3367, %mul3A_3372 : vector<16xf32>
      %get3A_3374 = arith.constant 3 : i32
      %get3A_3375 = arith.index_cast %get3A_3374 : i32 to index
      %get3A_3376 = arith.constant 32 : index
      %get3A_3377 = tpu.vector_load %arg45[%get3A_3375, %get3A_3376] {strides = array<i32>} : memref<5x48xf32, #tpu.memory_space<vmem>>, vector<16xf32>,
      %mul3A_3378 = arith.mulf %gather3A_3280, %get3A_3377 : vector<16xf32>
      %add3A_3379 = arith.addf %add3A_3373, %mul3A_3378 : vector<16xf32>
      %reduce_sum3A_3380 = arith.constant true
      %reduce_sum3A_3381 = vector.broadcast %reduce_sum3A_3380 : i1 to vector<16xi1>
      %reduce_sum3A_3382 = tpu.scan <sum>, %add3A_3379 masked %reduce_sum3A_3381 : vector<16xf32>, vector<16xi1> -> vector<16xf32>
      %reduce_sum3A_3383 = vector.extract %reduce_sum3A_3382[15] : f32 from vector<16xf32>
      %eq3A_3384 = arith.constant 3 : i32
      %eq3A_3385 = vector.broadcast %eq3A_3384 : i32 to vector<16xi32>
      %eq3A_3386 = arith.cmpi eq, %iota3A, %eq3A_3385 : vector<16xi32>
      %add3A_3387 = vector.broadcast %reduce_sum3A_3383 : f32 to vector<16xf32>
      %add3A_3388 = arith.addf %select_n3A_3362, %add3A_3387 : vector<16xf32>
      %select_n3A_3389 = arith.select %eq3A_3386, %add3A_3388, %select_n3A_3362 : vector<16xi1>, vector<16xf32>
      %get3A_3390 = arith.constant 4 : i32
      %get3A_3391 = arith.index_cast %get3A_3390 : i32 to index
      %get3A_3392 = arith.constant 0 : index
      %get3A_3393 = tpu.vector_load %arg45[%get3A_3391, %get3A_3392] {strides = array<i32>} : memref<5x48xf32, #tpu.memory_space<vmem>>, vector<16xf32>,
      %mul3A_3394 = arith.mulf %mul3A_3281, %get3A_3393 : vector<16xf32>
      %get3A_3395 = arith.constant 4 : i32
      %get3A_3396 = arith.index_cast %get3A_3395 : i32 to index
      %get3A_3397 = arith.constant 16 : index
      %get3A_3398 = tpu.vector_load %arg45[%get3A_3396, %get3A_3397] {strides = array<i32>} : memref<5x48xf32, #tpu.memory_space<vmem>>, vector<16xf32>,
      %mul3A_3399 = arith.mulf %gather3A_3279, %get3A_3398 : vector<16xf32>
      %add3A_3400 = arith.addf %mul3A_3394, %mul3A_3399 : vector<16xf32>
      %get3A_3401 = arith.constant 4 : i32
      %get3A_3402 = arith.index_cast %get3A_3401 : i32 to index
      %get3A_3403 = arith.constant 32 : index
      %get3A_3404 = tpu.vector_load %arg45[%get3A_3402, %get3A_3403] {strides = array<i32>} : memref<5x48xf32, #tpu.memory_space<vmem>>, vector<16xf32>,
      %mul3A_3405 = arith.mulf %gather3A_3280, %get3A_3404 : vector<16xf32>
      %add3A_3406 = arith.addf %add3A_3400, %mul3A_3405 : vector<16xf32>
      %reduce_sum3A_3407 = arith.constant true
      %reduce_sum3A_3408 = vector.broadcast %reduce_sum3A_3407 : i1 to vector<16xi1>
      %reduce_sum3A_3409 = tpu.scan <sum>, %add3A_3406 masked %reduce_sum3A_3408 : vector<16xf32>, vector<16xi1> -> vector<16xf32>
      %reduce_sum3A_3410 = vector.extract %reduce_sum3A_3409[15] : f32 from vector<16xf32>
      %eq3A_3411 = arith.constant 4 : i32
      %eq3A_3412 = vector.broadcast %eq3A_3411 : i32 to vector<16xi32>
      %eq3A_3413 = arith.cmpi eq, %iota3A, %eq3A_3412 : vector<16xi32>
      %add3A_3414 = vector.broadcast %reduce_sum3A_3410 : f32 to vector<16xf32>
      %add3A_3415 = arith.addf %select_n3A_3389, %add3A_3414 : vector<16xf32>
      %select_n3A_3416 = arith.select %eq3A_3413, %add3A_3415, %select_n3A_3389 : vector<16xi1>, vector<16xf32>
      %mul3A_3417 = arith.constant 16 : i32
      %mul3A_3418 = arith.muli %scan3A_247, %mul3A_3417 : i32
      %add3A_3419 = arith.constant 15 : i32
      %add3A_3420 = arith.addi %mul3A_3418, %add3A_3419 : i32
      %add3A_3421 = arith.constant 0 : i32
      %add3A_3422 = arith.addi %add3A_3420, %add3A_3421 : i32
      %broadcast_in_dim3A_3423 = vector.broadcast %add3A_3422 : i32 to vector<16xi32>
      tpu.vector_store_idx %arg47[%iota3A, %broadcast_in_dim3A_3423], %select_n3A_3416 : memref<16x512xf32, #tpu.memory_space<vmem>>[vector<16xi32>, vector<16xi32>], vector<16xf32>,
      %lt3A_3424 = arith.constant 31 : i32
      %lt3A_3425 = arith.cmpi slt, %scan3A_247, %lt3A_3424 : i32
      %convert_element_type3A_3426 = arith.extui %lt3A_3425 : i1 to i32
      %cond3A_3427 = arith.constant 0 : i32
      %cond3A_3428 = arith.cmpi ne, %convert_element_type3A_3426, %cond3A_3427 : i32
      scf.if %cond3A_3428 {
        %slice3A_3429 = vector.extract_strided_slice %get3A_260 {offsets = [7], sizes = [1], strides = [1]} : vector<16xi32> to vector<1xi32>
        %squeeze3A_3430 = vector.extract %slice3A_3429[0] : i32 from vector<1xi32>
        %slice3A_3431 = vector.extract_strided_slice %get3A_262 {offsets = [7], sizes = [1], strides = [1]} : vector<16xi32> to vector<1xi32>
        %squeeze3A_3432 = vector.extract %slice3A_3431[0] : i32 from vector<1xi32>
        %shift_right_arithmetic3A_3433 = arith.constant 7 : i32
        %shift_right_arithmetic3A_3434 = arith.shrsi %squeeze3A_3430, %shift_right_arithmetic3A_3433 : i32
        %shift_left3A_3435 = arith.constant 7 : i32
        %shift_left3A_3436 = arith.shli %shift_right_arithmetic3A_3434, %shift_left3A_3435 : i32
        %multiple_of3A_3437 = tpu.assume_multiple %shift_left3A_3436, 128 : i32
        %shift_right_arithmetic3A_3438 = arith.constant 7 : i32
        %shift_right_arithmetic3A_3439 = arith.shrsi %squeeze3A_3432, %shift_right_arithmetic3A_3438 : i32
        %shift_left3A_3440 = arith.constant 7 : i32
        %shift_left3A_3441 = arith.shli %shift_right_arithmetic3A_3439, %shift_left3A_3440 : i32
        %multiple_of3A_3442 = tpu.assume_multiple %shift_left3A_3441, 128 : i32
        %dma_start3A_3443 = arith.constant 0 : i32
        %dma_start3A_3444 = tpu.memref_slice %arg4[%dma_start3A_3443, %multiple_of3A_3437] : memref<16x1000000xf32, #tpu.memory_space<hbm>> -> memref<16x128xf32, #tpu.memory_space<hbm>>
        %dma_start3A_3445 = arith.constant 0 : i32
        %dma_start3A_3446 = tpu.memref_slice %arg4[%dma_start3A_3445, %multiple_of3A_3437] : memref<16x1000000xf32, #tpu.memory_space<hbm>> -> memref<16x128xf32, #tpu.memory_space<hbm>>
        tpu.enqueue_dma source(%dma_start3A_3446 : memref<16x128xf32, #tpu.memory_space<hbm>>) target(%arg41 : memref<16x128xf32, #tpu.memory_space<vmem>>) target_semaphore(%arg55 : memref<!tpu.dma_semaphore, #tpu.memory_space<semaphore_mem>>)
        %dma_start3A_3447 = arith.constant 0 : i32
        %dma_start3A_3448 = tpu.memref_slice %arg5[%dma_start3A_3447, %multiple_of3A_3442] : memref<16x1000000xf32, #tpu.memory_space<hbm>> -> memref<16x128xf32, #tpu.memory_space<hbm>>
        %dma_start3A_3449 = arith.constant 0 : i32
        %dma_start3A_3450 = tpu.memref_slice %arg5[%dma_start3A_3449, %multiple_of3A_3442] : memref<16x1000000xf32, #tpu.memory_space<hbm>> -> memref<16x128xf32, #tpu.memory_space<hbm>>
        tpu.enqueue_dma source(%dma_start3A_3450 : memref<16x128xf32, #tpu.memory_space<hbm>>) target(%arg42 : memref<16x128xf32, #tpu.memory_space<vmem>>) target_semaphore(%arg55 : memref<!tpu.dma_semaphore, #tpu.memory_space<semaphore_mem>>)
        %dma_start3A_3451 = arith.constant 0 : i32
        %dma_start3A_3452 = tpu.memref_slice %arg6[%dma_start3A_3451, %multiple_of3A_3437] : memref<16x1000000xf32, #tpu.memory_space<hbm>> -> memref<16x128xf32, #tpu.memory_space<hbm>>
        %dma_start3A_3453 = arith.constant 0 : i32
        %dma_start3A_3454 = tpu.memref_slice %arg6[%dma_start3A_3453, %multiple_of3A_3437] : memref<16x1000000xf32, #tpu.memory_space<hbm>> -> memref<16x128xf32, #tpu.memory_space<hbm>>
        tpu.enqueue_dma source(%dma_start3A_3454 : memref<16x128xf32, #tpu.memory_space<hbm>>) target(%arg43 : memref<16x128xf32, #tpu.memory_space<vmem>>) target_semaphore(%arg55 : memref<!tpu.dma_semaphore, #tpu.memory_space<semaphore_mem>>)
        %dma_start3A_3455 = arith.constant 0 : i32
        %dma_start3A_3456 = tpu.memref_slice %arg7[%dma_start3A_3455, %multiple_of3A_3442] : memref<16x1000000xf32, #tpu.memory_space<hbm>> -> memref<16x128xf32, #tpu.memory_space<hbm>>
        %dma_start3A_3457 = arith.constant 0 : i32
        %dma_start3A_3458 = tpu.memref_slice %arg7[%dma_start3A_3457, %multiple_of3A_3442] : memref<16x1000000xf32, #tpu.memory_space<hbm>> -> memref<16x128xf32, #tpu.memory_space<hbm>>
        tpu.enqueue_dma source(%dma_start3A_3458 : memref<16x128xf32, #tpu.memory_space<hbm>>) target(%arg44 : memref<16x128xf32, #tpu.memory_space<vmem>>) target_semaphore(%arg55 : memref<!tpu.dma_semaphore, #tpu.memory_space<semaphore_mem>>)
      } else {
      }
    }
    %scan3A_246 = arith.constant 32 : i32
    "tpu.region"() ({
      %run_scoped3A = tpu.sem_alloc : memref<!tpu.dma_semaphore, #tpu.memory_space<semaphore_mem>>
      %dma_start3A_247 = arith.constant 0 : i32
      %dma_start3A_248 = tpu.memref_slice %arg10[%dma_start3A_247, %mul3A_2] : memref<16x16384xf32, #tpu.memory_space<hbm>> -> memref<16x512xf32, #tpu.memory_space<hbm>>
      %dma_start3A_249 = arith.constant 0 : i32
      %dma_start3A_250 = tpu.memref_slice %arg10[%dma_start3A_249, %mul3A_2] : memref<16x16384xf32, #tpu.memory_space<hbm>> -> memref<16x512xf32, #tpu.memory_space<hbm>>
      tpu.enqueue_dma source(%arg47 : memref<16x512xf32, #tpu.memory_space<vmem>>) target(%dma_start3A_250 : memref<16x512xf32, #tpu.memory_space<hbm>>) target_semaphore(%run_scoped3A : memref<!tpu.dma_semaphore, #tpu.memory_space<semaphore_mem>>)
      %dma_wait3A = arith.constant 0 : i32
      %dma_wait3A_251 = tpu.memref_slice %arg10[%dma_wait3A, %mul3A_2] : memref<16x16384xf32, #tpu.memory_space<hbm>> -> memref<16x512xf32, #tpu.memory_space<hbm>>
      %dma_wait3A_252 = arith.constant 0 : i32
      %dma_wait3A_253 = tpu.memref_slice %arg10[%dma_wait3A_252, %mul3A_2] : memref<16x16384xf32, #tpu.memory_space<hbm>> -> memref<16x512xf32, #tpu.memory_space<hbm>>
      tpu.wait_dma2 semaphore(%run_scoped3A : memref<!tpu.dma_semaphore, #tpu.memory_space<semaphore_mem>>) src(%arg47 : memref<16x512xf32, #tpu.memory_space<vmem>>) dst(%dma_wait3A_253 : memref<16x512xf32, #tpu.memory_space<hbm>>)
      tpu.yield
    }) : () -> ()
    return
  }
}

</mosaic_0001>

<sc_bundles>
// kernel: kernel.3.cloned.1.call-start
scs
__scs_entry_jumppad:
0x0: {  	(pc) =	sbr.rel $0x88, $3  }
0x1: {  	(tag) =	ssettag $0x0;
	lr =	simm.s32 $0x1  }
0x2: {  	[smem:$0x3F99] =	sst lr;
	_ =	strace $0xD0000000  }
0x3: {  	_ = 	snop  }
0x4: {  	_ = 	snop  }
0x5: {  	_ = 	snop  }
0x6: {  	_ = 	snop  }
0x7: {  	_ = 	snop  }
__scs_overlays_trampoline_lowered:
0x8: {  	[smem:$0x3FA8] =	sst s0  }
0x9: {  	[smem:$0x3FA9] =	sst s1  }
0xa: {  	[smem:$0x3FAA] =	sst s2  }
0xb: {  	[smem:$0x3FAB] =	sst s3  }
0xc: {  	[smem:$0x3FAC] =	sst s4  }
0xd: {  	[smem:$0x3FAD] =	sst s5  }
0xe: {  	[smem:$0x3FAE] =	sst s6  }
0xf: {  	[smem:$0x3FAF] =	sst s7  }
0x10: {  	[smem:$0x3FB0] =	sst s8  }
0x11: {  	[smem:$0x3FB1] =	sst s9;
	s0 =	simm.s32 @!p0 $0x0  }
0x12: {  	s1 =	sld [smem:$0x3F97];
	s0 =	simm.s32 @p0 $0x1  }
0x13: {  	[smem:$0x3FB2] =	sst s0;
	s0 =	simm.s32 @!p1 $0x0  }
0x14: {  	s2 =	sld [smem:$0x3F96];
	s0 =	simm.s32 @p1 $0x1  }
0x15: {  	[smem:$0x3FB3] =	sst s0;
	s0 =	simm.s32 @!p2 $0x0  }
0x16: {  	s3 =	sld [smem:$0x3FDB];
	s0 =	simm.s32 @p2 $0x1  }
0x17: {  	s4 =	simm.s32 $0x1BF5;
	[smem:$0x3FB5] =	sst s0  }
0x18: {  	s0 =	sld [smem:$0x3F98];
	_ =	swait.ge [sflag:s4], $0x0  }
0x19: {  	s7 =	sld [smem:$0x3F99]  }
0x1a: {  	s8 =	sadd.s32 $0xFFFFE003, lr  }
0x1b: {  	s9 =	sadd.s32 $0xFFFFFEF7, lr;
	s5 =	simm.s32 $0xFFFFFFFF;
	p2 =	slt.u32 s8, $0xFFFFF086  }
0x1c: {  	p1 =	slt.u32 s9, $0xF7A;
	s5 =	simm.s32 @!p2 $0x0  }
0x1d: {  	s5 =	simm.s32 @p1 $0x1;
	p0 =	seq.s32 s7, s2  }
0x1e: {  	s7 =	smul.u32 @!p0 $0xF7A, s2;
	p2 =	seq.s32 @!p0 s5, $0x0  }
0x1f: {  	s9 =	smul.u32 $0xF7A, s1;
	s8 =	simm.s32 @!p0 $0x1BF5;
	p2 =	por !p2, p0  }
0x20: {  	[sflag:s8] =	ssyncset.s32 @!p0 $0xFFFFF086;
	s6 =	sadd.s32 @!p0 s3, s7;
	s7 =	simm.s32 @!p0 $0x108  }
0x21: {  	s3 =	sadd.s32 s3, s9;
	s6 =	sadd.s32 @!p0 $0x88, s6;
	s7 =	simm.s32 @p2 $0x1082  }
0x22: {  	[simem:s7], [sflag:s8] =	dma.local @!p0 [hbm:s6], $0xF7A  }
0x23: {  	s9 =	sor.u32 $0xD0000000, s2;
	s6 =	simm.s32 $0x108;
	_ =	swait.ge @!p0 [sflag:s8], $0x0  }
0x24: {  	s3 =	sadd.s32 $0x88, s3;
	s6 =	simm.s32 @!p1 $0x1082;
	[sflag:s4] =	ssyncset.s32 $0xFFFFF086  }
0x25: {  	[simem:s6], [sflag:s4] =	dma.local [hbm:s3], $0xF7A  }
0x26: {  	[smem:$0x3F99] =	sst s1;
	(tag) =	ssettag s2;
	_ =	strace s9  }
0x27: {  	s1 =	sld [smem:$0x3FA9]  }
0x28: {  	s2 =	sld [smem:$0x3FAA]  }
0x29: {  	s4 =	sld [smem:$0x3FAC]  }
0x2a: {  	p0 =	seq.s32 s5, $0x0;
	s5 =	sld [smem:$0x3FAD]  }
0x2b: {  	s6 =	sld [smem:$0x3FAE]  }
0x2c: {  	s7 =	sld [smem:$0x3FAF]  }
0x2d: {  	s3 =	simm.s32 $0x108;
	s8 =	sld [smem:$0x3FB0]  }
0x2e: {  	s3 =	simm.s32 @!p0 $0x1082;
	s9 =	sld [smem:$0x3FB1]  }
0x2f: {  	lr =	sadd.s32 s0, s3;
	s0 =	sld [smem:$0x3FA8]  }
0x30: {  	s3 =	sld [smem:$0x3FAB]  }
0x31: {  	[smem:$0x3FB4] =	sst s10  }
0x32: {  	s10 =	sld [smem:$0x3FB2];
	_ =	sdelay $0x3  }
0x33: {  	p0 =	seq.s32 s10, $0x1;
	s10 =	sld [smem:$0x3FB4];
	_ =	sdelay $0x3  }
0x34: {  	[smem:$0x3FB4] =	sst s10  }
0x35: {  	s10 =	sld [smem:$0x3FB3];
	_ =	sdelay $0x3  }
0x36: {  	p1 =	seq.s32 s10, $0x1;
	s10 =	sld [smem:$0x3FB4];
	_ =	sdelay $0x3  }
0x37: {  	[smem:$0x3FB4] =	sst s10  }
0x38: {  	s10 =	sld [smem:$0x3FB5]  }
0x39: {  	_ = 	snop;
	(pc) =	sbr.ind lr, $3  }
0x3a: {  	_ = 	snop  }
0x3b: {  	_ = 	snop  }
0x3c: {  	p2 =	seq.s32 s10, $0x1;
	s10 =	sld [smem:$0x3FB4]  }
0x3d: {  	_ =	shalt  }
0x3e: {  	_ =	shalt  }
0x3f: {  	_ =	shalt  }
0x40: {  	_ =	shalt  }
0x41: {  	_ =	shalt  }
0x42: {  	_ =	shalt  }
0x43: {  	_ =	shalt  }
0x44: {  	_ =	shalt  }
0x45: {  	_ =	shalt  }
0x46: {  	_ =	shalt  }
0x47: {  	_ =	shalt  }
0x48: {  	_ =	shalt  }
0x49: {  	_ =	shalt  }
0x4a: {  	_ =	shalt  }
0x4b: {  	_ =	shalt  }
0x4c: {  	_ =	shalt  }
0x4d: {  	_ =	shalt  }
0x4e: {  	_ =	shalt  }
0x4f: {  	_ =	shalt  }
0x50: {  	_ =	shalt  }
0x51: {  	_ =	shalt  }
0x52: {  	_ =	shalt  }
0x53: {  	_ =	shalt  }
0x54: {  	_ =	shalt  }
0x55: {  	_ =	shalt  }
0x56: {  	_ =	shalt  }
0x57: {  	_ =	shalt  }
0x58: {  	_ =	shalt  }
0x59: {  	_ =	shalt  }
0x5a: {  	_ =	shalt  }
0x5b: {  	_ =	shalt  }
0x5c: {  	_ =	shalt  }
0x5d: {  	_ =	shalt  }
0x5e: {  	_ =	shalt  }
0x5f: {  	_ =	shalt  }
0x60: {  	_ =	shalt  }
0x61: {  	_ =	shalt  }
0x62: {  	_ =	shalt  }
0x63: {  	_ =	shalt  }
0x64: {  	_ =	shalt  }
0x65: {  	_ =	shalt  }
0x66: {  	_ =	shalt  }
0x67: {  	_ =	shalt  }
0x68: {  	_ =	shalt  }
0x69: {  	_ =	shalt  }
0x6a: {  	_ =	shalt  }
0x6b: {  	_ =	shalt  }
0x6c: {  	_ =	shalt  }
0x6d: {  	_ =	shalt  }
0x6e: {  	_ =	shalt  }
0x6f: {  	_ =	shalt  }
0x70: {  	_ =	shalt  }
0x71: {  	_ =	shalt  }
0x72: {  	_ =	shalt  }
0x73: {  	_ =	shalt  }
0x74: {  	_ =	shalt  }
0x75: {  	_ =	shalt  }
0x76: {  	_ =	shalt  }
0x77: {  	_ =	shalt  }
0x78: {  	_ =	shalt  }
0x79: {  	_ =	shalt  }
0x7a: {  	_ =	shalt  }
0x7b: {  	_ =	shalt  }
0x7c: {  	_ =	shalt  }
0x7d: {  	_ =	shalt  }
0x7e: {  	_ =	shalt  }
0x7f: {  	_ =	shalt  }
0x80: {  	_ =	shalt  }
0x81: {  	_ =	shalt  }
0x82: {  	_ =	shalt  }
0x83: {  	_ =	shalt  }
0x84: {  	_ =	shalt  }
0x85: {  	_ =	shalt  }
0x86: {  	_ =	shalt  }
0x87: {  	_ =	shalt  }
.Lfunc_end0:
.L_simem_size_0:
called_computation_lowered:
.L_overlay_start_0:
0x88: {  	s2 =	sld [smem:$0x3FD9]  }
0x89: {  	s3 =	sld [smem:$0x3FFE];
	_ =	sdelay $0x1  }
0x8a: {  	s1 =	srdreg.scid  }
0x8b: {  	s0 =	sand.u32 $0x1, s1  }
0x8c: {  	s17 =	sshll.u32 s0, $0xA;
	s2 =	sadd.s32 s3, s2  }
0x8d: {  	s2 =	sadd.s32 s2, s17  }
0x8e: {  	[smem:$0x3FC0] =	sst s2  }
0x8f: {  	_ = 	snop  }
0x90: {  	s2 =	sld [smem:$0x3FC9]  }
0x91: {  	s18 =	sld [smem:$0x3FC8]  }
0x92: {  	s4 =	sld [smem:$0x3FC7]  }
0x93: {  	s5 =	sld [smem:$0x3FC6]  }
0x94: {  	s6 =	sld [smem:$0x3FC5]  }
0x95: {  	s7 =	sld [smem:$0x3FC4]  }
0x96: {  	s8 =	sld [smem:$0x3FC3]  }
0x97: {  	s9 =	sld [smem:$0x3FD0];
	(tm) =	ssettm $0x1  }
0x98: {  	s10 =	sld [smem:$0x3FFB];
	_ =	sdelay $0x3  }
0x99: {  	_ =	strace s10  }
0x9a: {  	s10 =	sld [smem:$0x3FFC];
	_ =	sdelay $0x3  }
0x9b: {  	_ =	strace s10  }
0x9c: {  	s10 =	sld [smem:$0x3FFD];
	_ =	sdelay $0x3  }
0x9d: {  	_ =	strace s10  }
0x9e: {  	_ =	strace $0x8FFFFFFF  }
0x9f: {  	s19 =	sld [smem:$0x3FDB];
	_ =	sdelay $0x1  }
0xa0: {  	s11 =	simm.s32 $_scs_section_size  }
0xa1: {  	s12 =	simm.s32 $_size__tile_overlayer_lowered;
	s13 =	simm.s32 $_tile_overlayer_lowered  }
0xa2: {  	s22 =	simm.s32 $0x1BFF;
	s21 =	sshll.u32 s13, $0x1;
	s10 =	sadd.s32 s11, s19  }
0xa3: {  	s14 =	simm.s32 $0x0;
	s20 =	sshll.u32 s12, $0x1;
	s12 =	sadd.s32 s21, s10  }
0xa4: {  	[timem:s14], [sflag:s22] =	dma.local [hbm:s12], s20  }
0xa5: {  	_ =	swait.ge [sflag:s22], s20  }
0xa6: {  	s11 =	ssub.s32 $0x0, s20;
	[sflag:s22] =	ssyncset.done $0x0  }
0xa7: {  	[sflag:s22] =	ssyncadd.s32 s11;
	_ =	sdelay $0x1  }
0xa8: {  	s23 =	simm.s32 $0x1B8B  }
0xa9: {  	_ =	swait.ge [sflag:s23], $0x1  }
0xaa: {  	[sflag:s23] =	ssyncset.done $0x0  }
0xab: {  	s25 =	simm.s32 $0x1B8E;
	s24 =	sld [smem:$0x3FFE];
	[sflag:s23] =	ssyncadd.s32 $0xFFFFFFFF  }
0xac: {  	s26 =	simm.s32 $execute0_lowered;
	[smem:$0x3FD2] =	sst s25  }
0xad: {  	s12 =	sshll.u32 s26, $0x1;
	_ =	strace $0x80000046;
	[dreg:$0x1] =	wrdreg $0xFFFFFFFF  }
0xae: {  	s28 =	simm.s32 $_size_execute0_lowered;
	s10 =	sadd.s32 s10, s12;
	[dreg:$0x0] =	wrdreg $0x0  }
0xaf: {  	s12 =	sshll.u32 s28, $0x1;
	[dreg:$0x2] =	wrdreg s10  }
0xb0: {  	[dreg:$0x3] =	wrdreg s12  }
0xb1: {  	[dreg:$0x4] =	wrdreg $0xC0  }
0xb2: {  	_ =	task [dreg:s14], $0x5FFFF  }
0xb3: {  	[dreg:$0x1] =	wrdreg $0xFFFFFFFF  }
0xb4: {  	[dreg:$0x0] =	wrdreg $0x60  }
0xb5: {  	[dreg:$0x2] =	wrdreg s2  }
0xb6: {  	[dreg:$0x3] =	wrdreg s18  }
0xb7: {  	[dreg:$0x4] =	wrdreg s4  }
0xb8: {  	[dreg:$0x5] =	wrdreg s5  }
0xb9: {  	[dreg:$0x6] =	wrdreg s6  }
0xba: {  	[dreg:$0x7] =	wrdreg s7  }
0xbb: {  	[dreg:$0x8] =	wrdreg s8  }
0xbc: {  	[dreg:$0x9] =	wrdreg s9  }
0xbd: {  	[dreg:$0xa] =	wrdreg s24  }
0xbe: {  	[dreg:$0xb] =	wrdreg $0x9  }
0xbf: {  	_ =	task.clear_ibuf [dreg:s14], $0xCFFFF;
	_ =	strace $0x90000046  }
0xc0: {  	s29 =	simm.s32 $0x9;
	_ =	strace $0x80000048  }
0xc1: {  	_ =	swait.ge [sflag:s29], $0x1  }
0xc2: {  	[sflag:s29] =	ssyncadd.s32 $0xFFFFFFFF  }
0xc3: {  	_ =	strace $0x90000048  }
0xc4: {  	_ =	sfence  }
0xc5: {  	s30 =	sld [smem:$0x0];
	_ =	sdelay $0x2  }
0xc6: {  	s31 =	sshll.u32 s1, $0xD;
	s1 =	sshrl.u32 s1, $0x2  }
0xc7: {  	s3 =	sand.u32 $0x4000, s31;
	s1 =	sadd.s32 s1, s30  }
0xc8: {  	s0 =	sor.u32 s3, s0;
	s1 =	sshll.u32 s1, $0x11  }
0xc9: {  	s0 =	sor.u32 s1, s0  }
0xca: {  	s0 =	sadd.s32 $0x8F2B, s0  }
0xcb: {  	[sflag:s0] =	ssyncadd.remote.s32 $0x1  }
0xcc: {  	_ =	sfence.sel $0xFFFF  }
0xcd: {  	[dreg:$0x0] =	wrdreg $0xFFFFFFFF;
	(pc) =	sbr.abs _section_cstart, $3  }
0xce: {  	[dreg:$0x1] =	wrdreg $0xFFFFFFFF  }
0xcf: {  	_ =	task.clear_ibuf [dreg:s14], $0x2FFFF;
	_ =	strace $0x9FFFFFFF  }
0xd0: {  	(tm) =	ssettm $0x7FFFFFFF  }
0xd1: {  	_ =	shalt  }
tec
execute0_lowered:
.L_overlay_start_1:
0x0: {  	(tag) =	ssettag $0x1  }
0x1: {  	s2 =	rddreg [dreg:$0x0]  }
0x2: {  	s5 =	rddreg [dreg:$0x1]  }
0x3: {  	s0 =	rddreg [dreg:$0x2]  }
0x4: {  	s1 =	rddreg [dreg:$0x3]  }
0x5: {  	s3 =	rddreg [dreg:$0x4]  }
0x6: {  	s4 =	rddreg [dreg:$0x5]  }
0x7: {  	s6 =	rddreg [dreg:$0x8];
	s7 =	srdreg.scid;
	v0 =	vimm.s32 $0x1380;
	vm0 =	vcmask $0x300  }
0x8: {  	s8 =	stileid.u32;
	s10 =	simm.s32 $0x0;
	s16 =	simm.s32 $0x7A1400;
	v0 =	vsel vm0, $0x0, v0;
	vm0 =	vcmask $0x704  }
0x9: {  	s17 =	simm.s32 $0x400;
	s11 =	simm.s32 $0x1400;
	s12 =	simm.s32 $0x1C00;
	v0 =	vsel vm0, $0x80, v0;
	vm0 =	vcmask $0xB08  }
0xa: {  	s19 =	simm.s32 $0x2400;
	s15 =	simm.s32 $0x2C00;
	s14 =	simm.s32 $0x3400;
	v0 =	vsel vm0, $0x100, v0;
	vm0 =	vcmask $0xF0C  }
0xb: {  	s20 =	simm.s32 $0x4400;
	s18 =	simm.s32 $0x4C00;
	s21 =	simm.s32 $0x5400;
	v0 =	vsel vm0, $0x180, v0;
	vm0 =	vcmask $0x1310  }
0xc: {  	s28 =	simm.s32 $0x3;
	s29 =	simm.s32 $0x4;
	s30 =	simm.s32 $0x5;
	v0 =	vsel vm0, $0x200, v0;
	vm0 =	vcmask $0x1714  }
0xd: {  	s31 =	simm.s32 $0x6;
	s7 =	sand.u32 $0x1, s7;
	s8 =	sshll.u32 s8, $0xA;
	v0 =	vsel vm0, $0x280, v0;
	vm0 =	vcmask $0x1B18  }
0xe: {  	[smem:$0x7FF] =	sst s10;
	s10 =	simm.s32 $0xC00;
	s9 =	sshll.u32 s7, $0x9;
	v0 =	vsel vm0, $0x300, v0;
	vm0 =	vcmask $0x1F1C  }
0xf: {  	s7 =	ssub.s32 $0x2, s7;
	_ =	strace $0x80000047;
	s8 =	sor.u32 s9, s8;
	v0 =	vsel vm0, $0x380, v0;
	vm0 =	vcmask $0x2320  }
0x10: {  	s22 =	sshrl.u32 s7, $0x1;
	s23 =	sshrl.u32 s8, $0x3;
	s6 =	sadd.s32 s8, s6;
	v0 =	vsel vm0, $0x1000, v0;
	vm0 =	vcmask $0x2724  }
0x11: {  	v1 =	vlaneseq.u32;
	s7 =	ssub.s32 s7, s22;
	s8 =	simm.s32 $0x9;
	s2 =	sadd.s32 s2, s23;
	v2 =	vsel vm0, $0x1080, v0;
	vm0 =	vcmask $0x2B28  }
0x12: {  	vm1 =	vcmask $0x2F2C;
	s22 =	simm.s32 $0x5C00;
	s24 =	sadd.s32 s5, s23;
	[dreg:$0xa] =	wrdreg s2;
	v0 =	vmul.u32 $0x80, v1;
	v1 =	vsel vm0, $0x1100, v2  }
0x13: {  	vm2 =	vcmask $0x3330;
	vm3 =	vcmask $0x3734;
	s25 =	sadd.s32 $0x400, s6;
	s26 =	smax.u32 s7, $0x1;
	[dreg:$0xb] =	wrdreg s24;
	v1 =	vsel vm1, $0x1180, v1  }
0x14: {  	vm5 =	vcmask $0x3B38;
	vm4 =	vcmask $0xF14;
	s23 =	simm.s32 $0x6400;
	s6 =	simm.s32 $0x8;
	[dreg:$0xc] =	wrdreg s25;
	v1 =	vsel vm2, $0x1200, v1  }
0x15: {  	s7 =	simm.s32 $0x0;
	[dreg:$0xd] =	wrdreg s26;
	s24 =	simm.s32 $0x1;
	vm0 =	vmmov $0x1;
	vm1 =	vcmask $0x30C;
	v1 =	vsel vm3, $0x1280, v1  }
0x16: {  	s25 =	simm.s32 $0x10880;
	s26 =	simm.s32 $0x2;
	s2 =	simm.s32 $0x7;
	vm2 =	vcmask $0x710;
	vm3 =	vcmask $0xB14;
	v1 =	vsel vm5, $0x1300, v1  }
.LBB2_1:
0x17: {  	[dreg:$0xe] =	wrdreg s7  }
0x18: {  	s7 =	simm.s32 $0x0;
	s5 =	rddreg [dreg:$0xa]  }
0x19: {  	[tilespmem:s7], [sflag:$0x9] =	stream.linear.gather [hbm4b:s5+s7], $0x200, $0x38;
	[tilespmem:$0x12880] =	vst v63  }
0x1a: {  	_ =	swait.ge [sflag:s8], $0x200  }
0x1b: {  	[sflag:s8] =	ssyncset.done $0x0  }
0x1c: {  	s9 =	simm.s32 $0x200;
	s5 =	rddreg [dreg:$0xb];
	[sflag:s8] =	ssyncadd.s32 $0xFFFFFE00  }
0x1d: {  	[tilespmem:s9], [sflag:$0x9] =	stream.linear.gather [hbm4b:s5+s7], $0x200, $0x38;
	[tilespmem:$0x12880] =	vst v63  }
0x1e: {  	_ =	swait.ge [sflag:s8], $0x200  }
0x1f: {  	[sflag:s8] =	ssyncset.done $0x0  }
0x20: {  	[sflag:s8] =	ssyncadd.s32 $0xFFFFFE00  }
0x21: {  	s9 =	simm.s32 $0x10400;
	s5 =	rddreg [dreg:$0x6]  }
0x22: {  	[tilespmem:s9], [sflag:$0x9] =	stream.linear.gather [hbm4b:s5+s7], $0x280, $0x38;
	[tilespmem:$0x12880] =	vst v63  }
0x23: {  	_ =	swait.ge [sflag:s8], $0x280  }
0x24: {  	[sflag:s8] =	ssyncset.done $0x0  }
0x25: {  	[sflag:s8] =	ssyncadd.s32 $0xFFFFFD80  }
0x26: {  	s9 =	simm.s32 $0x10800;
	s5 =	rddreg [dreg:$0x7]  }
0x27: {  	[tilespmem:s9], [sflag:$0x9] =	stream.linear.gather [hbm4b:s5+s7], $0x80, $0x38;
	[tilespmem:$0x12880] =	vst v63  }
0x28: {  	_ =	swait.ge [sflag:s8], $0x80  }
0x29: {  	[sflag:s8] =	ssyncset.done $0x0  }
0x2a: {  	[sflag:s8] =	ssyncadd.s32 $0xFFFFFF80  }
0x2b: {  	v3 =	vld [tilespmem:$0x0]  }
0x2c: {  	v4 =	vld [tilespmem:$0x200];
	_ =	sdelay $0x3  }
0x2d: {  	(v2sf) =	vpush v3, $0x0  }
0x2e: {  	(v2sf) =	vpush v4, $0x0;
	_ =	sdelay $0x4  }
0x2f: {  	(v2sf) =	vpush v3, $0x1;
	_ =	sdelay $0x1  }
0x30: {  	(v2sf) =	vpush v4, $0x1;
	_ =	sdelay $0x6  }
0x31: {  	s8 =	spop (v2sf)  }
0x32: {  	(v2sf) =	vpush v3, $0x2;
	s5 =	sand.u32 $0xFFFFF80, s8;
	s7 =	spop (v2sf)  }
0x33: {  	(v2sf) =	vpush v4, $0x2;
	s9 =	sadd.s32 s0, s5;
	s7 =	sand.u32 $0xFFFFF80, s7  }
0x34: {  	v2 =	vld [tilespmem:$0x10800];
	[tilespmem:s17], [sflag:$0x1] =	stream.strided.gather [hbm4b:s9+s17], $0x800, s16, s17, $0x38  }
0x35: {  	s9 =	sadd.s32 s1, s7  }
0x36: {  	[tilespmem:s10], [sflag:$0x1] =	stream.strided.gather [hbm4b:s9+s17], $0x800, s16, s17, $0x38;
	[tilespmem:$0x12880] =	vst v63  }
0x37: {  	s5 =	sadd.s32 s3, s5;
	s9 =	spop (v2sf)  }
0x38: {  	[tilespmem:s11], [sflag:$0x1] =	stream.strided.gather [hbm4b:s5+s17], $0x800, s16, s17, $0x38;
	[tilespmem:$0x12880] =	vst v63  }
0x39: {  	s8 =	sadd.s32 s4, s7;
	(v2sf) =	vpush v3, $0x3;
	s10 =	spop (v2sf);
	s5 =	sand.u32 $0xFFFFF80, s9  }
0x3a: {  	[tilespmem:s12], [sflag:$0x1] =	stream.strided.gather [hbm4b:s8+s17], $0x800, s16, s17, $0x38;
	[tilespmem:$0x12880] =	vst v63  }
0x3b: {  	(v2sf) =	vpush v4, $0x3;
	s7 =	sand.u32 $0xFFFFF80, s10;
	s11 =	sadd.s32 s0, s5  }
0x3c: {  	[tilespmem:s19], [sflag:$0x2] =	stream.strided.gather [hbm4b:s11+s17], $0x800, s16, s17, $0x38;
	[tilespmem:$0x12880] =	vst v63  }
0x3d: {  	s12 =	sadd.s32 s1, s7  }
0x3e: {  	[tilespmem:s15], [sflag:$0x2] =	stream.strided.gather [hbm4b:s12+s17], $0x800, s16, s17, $0x38;
	[tilespmem:$0x12880] =	vst v63  }
0x3f: {  	s5 =	sadd.s32 s3, s5  }
0x40: {  	[tilespmem:s14], [sflag:$0x2] =	stream.strided.gather [hbm4b:s5+s17], $0x800, s16, s17, $0x38;
	[tilespmem:$0x12880] =	vst v63  }
0x41: {  	s10 =	simm.s32 $0x3C00;
	s11 =	spop (v2sf);
	(v2sf) =	vpush v3, $0x4  }
0x42: {  	s9 =	sadd.s32 s4, s7;
	s5 =	sand.u32 $0xFFFFF80, s11;
	s12 =	spop (v2sf)  }
0x43: {  	(v2sf) =	vpush v4, $0x4;
	[tilespmem:s10], [sflag:$0x2] =	stream.strided.gather [hbm4b:s9+s17], $0x800, s16, s17, $0x38;
	[tilespmem:$0x12880] =	vst v63  }
0x44: {  	s14 =	sadd.s32 s0, s5;
	s7 =	sand.u32 $0xFFFFF80, s12  }
0x45: {  	[tilespmem:s20], [sflag:$0x3] =	stream.strided.gather [hbm4b:s14+s17], $0x800, s16, s17, $0x38;
	[tilespmem:$0x12880] =	vst v63  }
0x46: {  	s15 =	sadd.s32 s1, s7  }
0x47: {  	[tilespmem:s18], [sflag:$0x3] =	stream.strided.gather [hbm4b:s15+s17], $0x800, s16, s17, $0x38;
	[tilespmem:$0x12880] =	vst v63  }
0x48: {  	s5 =	sadd.s32 s3, s5;
	s9 =	spop (v2sf)  }
0x49: {  	(v2sf) =	vpush v3, $0x5;
	[tilespmem:s21], [sflag:$0x3] =	stream.strided.gather [hbm4b:s5+s17], $0x800, s16, s17, $0x38;
	[tilespmem:$0x12880] =	vst v63  }
0x4a: {  	s8 =	sadd.s32 s4, s7;
	s10 =	spop (v2sf);
	s5 =	sand.u32 $0xFFFFF80, s9  }
0x4b: {  	(v2sf) =	vpush v4, $0x5;
	[tilespmem:s22], [sflag:$0x3] =	stream.strided.gather [hbm4b:s8+s17], $0x800, s16, s17, $0x38;
	[tilespmem:$0x12880] =	vst v63  }
0x4c: {  	s13 =	simm.s32 $0x200;
	s7 =	sand.u32 $0xFFFFF80, s10;
	s11 =	sadd.s32 s0, s5  }
0x4d: {  	[tilespmem:s23], [sflag:$0x4] =	stream.strided.gather [hbm4b:s11+s17], $0x800, s16, s17, $0x38;
	[tilespmem:$0x12880] =	vst v63  }
0x4e: {  	s14 =	simm.s32 $0x6C00;
	s15 =	simm.s32 $0x7400;
	s12 =	sadd.s32 s1, s7  }
0x4f: {  	[tilespmem:s14], [sflag:$0x4] =	stream.strided.gather [hbm4b:s12+s17], $0x800, s16, s17, $0x38;
	[tilespmem:$0x12880] =	vst v63  }
0x50: {  	s7 =	sadd.s32 s4, s7;
	s5 =	sadd.s32 s3, s5;
	s9 =	spop (v2sf)  }
0x51: {  	(v2sf) =	vpush v3, $0x6;
	[tilespmem:s15], [sflag:$0x4] =	stream.strided.gather [hbm4b:s5+s17], $0x800, s16, s17, $0x38;
	[tilespmem:$0x12880] =	vst v63  }
0x52: {  	s8 =	simm.s32 $0x7C00;
	s5 =	sand.u32 $0xFFFFF80, s9;
	s10 =	spop (v2sf)  }
0x53: {  	(v2sf) =	vpush v4, $0x6;
	[tilespmem:s8], [sflag:$0x4] =	stream.strided.gather [hbm4b:s7+s17], $0x800, s16, s17, $0x38;
	[tilespmem:$0x12880] =	vst v63  }
0x54: {  	s12 =	simm.s32 $0x8400;
	s11 =	sadd.s32 s0, s5;
	s7 =	sand.u32 $0xFFFFF80, s10  }
0x55: {  	[tilespmem:s12], [sflag:$0x5] =	stream.strided.gather [hbm4b:s11+s17], $0x800, s16, s17, $0x38;
	[tilespmem:$0x12880] =	vst v63  }
0x56: {  	s15 =	simm.s32 $0x8C00;
	s5 =	sadd.s32 s3, s5;
	s14 =	sadd.s32 s1, s7  }
0x57: {  	[tilespmem:s15], [sflag:$0x5] =	stream.strided.gather [hbm4b:s14+s17], $0x800, s16, s17, $0x38;
	[tilespmem:$0x12880] =	vst v63  }
0x58: {  	s10 =	simm.s32 $0x9400;
	s11 =	sadd.s32 s4, s7;
	s14 =	spop (v2sf)  }
0x59: {  	(v2sf) =	vpush v3, $0x7;
	[tilespmem:s10], [sflag:$0x5] =	stream.strided.gather [hbm4b:s5+s17], $0x800, s16, s17, $0x38;
	[tilespmem:$0x12880] =	vst v63  }
0x5a: {  	s12 =	simm.s32 $0x9C00;
	s15 =	spop (v2sf);
	s5 =	sand.u32 $0xFFFFF80, s14  }
0x5b: {  	(v2sf) =	vpush v4, $0x7;
	[tilespmem:s12], [sflag:$0x5] =	stream.strided.gather [hbm4b:s11+s17], $0x800, s16, s17, $0x38;
	[tilespmem:$0x12880] =	vst v63  }
0x5c: {  	s10 =	simm.s32 $0xA400;
	s7 =	sand.u32 $0xFFFFF80, s15;
	s9 =	sadd.s32 s0, s5  }
0x5d: {  	[tilespmem:s10], [sflag:$0x6] =	stream.strided.gather [hbm4b:s9+s17], $0x800, s16, s17, $0x38;
	[tilespmem:$0x12880] =	vst v63  }
0x5e: {  	s14 =	simm.s32 $0xB400;
	s11 =	sadd.s32 s1, s7;
	s12 =	simm.s32 $0xAC00  }
0x5f: {  	[tilespmem:s12], [sflag:$0x6] =	stream.strided.gather [hbm4b:s11+s17], $0x800, s16, s17, $0x38;
	[tilespmem:$0x12880] =	vst v63  }
0x60: {  	s5 =	sadd.s32 s3, s5;
	s7 =	sadd.s32 s4, s7;
	s15 =	spop (v2sf)  }
0x61: {  	[tilespmem:s14], [sflag:$0x6] =	stream.strided.gather [hbm4b:s5+s17], $0x800, s16, s17, $0x38;
	[tilespmem:$0x12880] =	vst v63  }
0x62: {  	s9 =	simm.s32 $0xBC00;
	s10 =	spop (v2sf);
	s5 =	sand.u32 $0xFFFFF80, s15  }
0x63: {  	[tilespmem:s9], [sflag:$0x6] =	stream.strided.gather [hbm4b:s7+s17], $0x800, s16, s17, $0x38;
	[tilespmem:$0x12880] =	vst v63  }
0x64: {  	s12 =	simm.s32 $0xC400;
	s11 =	sadd.s32 s0, s5;
	s7 =	sand.u32 $0xFFFFF80, s10  }
0x65: {  	[tilespmem:s12], [sflag:$0x7] =	stream.strided.gather [hbm4b:s11+s17], $0x800, s16, s17, $0x38;
	[tilespmem:$0x12880] =	vst v63  }
0x66: {  	s15 =	simm.s32 $0xCC00;
	s5 =	sadd.s32 s3, s5;
	s14 =	sadd.s32 s1, s7  }
0x67: {  	[tilespmem:s15], [sflag:$0x7] =	stream.strided.gather [hbm4b:s14+s17], $0x800, s16, s17, $0x38;
	[tilespmem:$0x12880] =	vst v63  }
0x68: {  	s9 =	simm.s32 $0xD400;
	s7 =	sadd.s32 s4, s7;
	s10 =	spop (v2sf)  }
0x69: {  	[tilespmem:s9], [sflag:$0x7] =	stream.strided.gather [hbm4b:s5+s17], $0x800, s16, s17, $0x38;
	[tilespmem:$0x12880] =	vst v63  }
0x6a: {  	s11 =	simm.s32 $0xDC00;
	s12 =	spop (v2sf);
	s5 =	sand.u32 $0xFFFFF80, s10  }
0x6b: {  	[tilespmem:s11], [sflag:$0x7] =	stream.strided.gather [hbm4b:s7+s17], $0x800, s16, s17, $0x38;
	[tilespmem:$0x12880] =	vst v63  }
0x6c: {  	s15 =	simm.s32 $0xE400;
	s14 =	sadd.s32 s0, s5;
	s7 =	sand.u32 $0xFFFFF80, s12  }
0x6d: {  	[tilespmem:s15], [sflag:$0x8] =	stream.strided.gather [hbm4b:s14+s17], $0x800, s16, s17, $0x38;
	[tilespmem:$0x12880] =	vst v63  }
0x6e: {  	s8 =	simm.s32 $0x1;
	s11 =	simm.s32 $0xEC00;
	s10 =	sadd.s32 s1, s7  }
0x6f: {  	[tilespmem:s11], [sflag:$0x8] =	stream.strided.gather [hbm4b:s10+s17], $0x800, s16, s17, $0x38;
	[tilespmem:$0x12880] =	vst v63  }
0x70: {  	s5 =	sadd.s32 s3, s5;
	s12 =	simm.s32 $0xF400;
	s14 =	sadd.s32 s4, s7  }
0x71: {  	[tilespmem:s12], [sflag:$0x8] =	stream.strided.gather [hbm4b:s5+s17], $0x800, s16, s17, $0x38;
	[tilespmem:$0x12880] =	vst v63  }
0x72: {  	s15 =	simm.s32 $0xFC00;
	s7 =	simm.s32 $0xF;
	s5 =	simm.s32 $0x0  }
0x73: {  	[tilespmem:s15], [sflag:$0x8] =	stream.strided.gather [hbm4b:s14+s17], $0x800, s16, s17, $0x38;
	[tilespmem:$0x12880] =	vst v63  }
.LBB2_2:
0x74: {  	[dreg:$0x11] =	wrdreg s8;
	v5 =	vld [tilespmem:s5+$0x0];
	s12 =	smin.u32 s8, $0x1F  }
0x75: {  	[dreg:$0x10] =	wrdreg s5;
	v6 =	vld [tilespmem:s13+$0x0];
	s5 =	sshll.u32 s12, $0x4  }
0x76: {  	[dreg:$0xf] =	wrdreg s13;
	v4 =	vld [tilespmem:s5+$0x0]  }
0x77: {  	v3 =	vld [tilespmem:s5+$0x200];
	_ =	swait.ge [sflag:s24], $0x800  }
0x78: {  	[sflag:s24] =	ssyncset.done $0x0  }
0x79: {  	[sflag:s24] =	ssyncadd.s32 $0xFFFFF800  }
0x7a: {  	_ =	swait.ge [sflag:s24], $0x800  }
0x7b: {  	[sflag:s24] =	ssyncset.done $0x0  }
0x7c: {  	[sflag:s24] =	ssyncadd.s32 $0xFFFFF800  }
0x7d: {  	_ =	swait.ge [sflag:s24], $0x800  }
0x7e: {  	[sflag:s24] =	ssyncset.done $0x0  }
0x7f: {  	[sflag:s24] =	ssyncadd.s32 $0xFFFFF800  }
0x80: {  	_ =	swait.ge [sflag:s24], $0x800  }
0x81: {  	(v2sf) =	vpush v5, $0x0  }
0x82: {  	(v2sf) =	vpush v6, $0x0;
	_ =	sdelay $0xb  }
0x83: {  	[sflag:s24] =	ssyncset.done $0x0  }
0x84: {  	[sflag:s24] =	ssyncadd.s32 $0xFFFFF800  }
0x85: {  	v11 =	vld [tilespmem:$0x10400];
	s14 =	spop (v2sf)  }
0x86: {  	v12 =	vld [tilespmem:$0x10410];
	s15 =	spop (v2sf);
	s5 =	sand.u32 $0x7F, s14  }
0x87: {  	v13 =	vld [tilespmem:$0x10420];
	s8 =	sand.u32 $0x7F, s15;
	v7 =	vor.u32 s5, v0  }
0x88: {  	v14 =	vld [tilespmem:$0x10480];
	v8 =	vor.u32 s8, v0  }
0x89: {  	v15 =	vld [tilespmem:$0x10490]  }
0x8a: {  	v16 =	vld [tilespmem:$0x104A0]  }
0x8b: {  	v17 =	vld [tilespmem:$0x10500]  }
0x8c: {  	s8 =	simm.s32 $0xC00;
	v9 =	vld.idx.msk [tilespmem:v7+s17+$0x0], $0xffff  }
0x8d: {  	v10 =	vld.idx.msk [tilespmem:v8+s8+$0x0], $0xffff  }
0x8e: {  	s9 =	simm.s32 $0x1400;
	v18 =	vld [tilespmem:$0x10510]  }
0x8f: {  	v7 =	vld.idx.msk [tilespmem:v7+s9+$0x0], $0xffff  }
0x90: {  	s10 =	simm.s32 $0x1C00;
	v35 =	vld [tilespmem:$0x10520]  }
0x91: {  	v8 =	vld.idx.msk [tilespmem:v8+s10+$0x0], $0xffff  }
0x92: {  	v20 =	vld [tilespmem:$0x10590];
	v9 =	vmul.f32 v10, v9  }
0x93: {  	v19 =	vld [tilespmem:$0x10580]  }
0x94: {  	v21 =	vld [tilespmem:$0x10600];
	v12 =	vmul.f32 v12, v7;
	v11 =	vmul.f32 v11, v9  }
0x95: {  	v37 =	vld [tilespmem:$0x10610];
	v15 =	vmul.f32 v15, v7;
	v39 =	vmul.f32 v18, v7  }
0x96: {  	v22 =	vld [tilespmem:$0x105A0];
	v36 =	vmul.f32 v13, v8;
	v14 =	vmul.f32 v14, v9;
	v11 =	vadd.f32 v12, v11  }
0x97: {  	v40 =	vld [tilespmem:$0x10620];
	v44 =	vmul.f32 v20, v7;
	v38 =	vmul.f32 v17, v9  }
0x98: {  	v41 =	vmul.f32 v16, v8;
	v14 =	vadd.f32 v15, v14;
	v11 =	vadd.f32 v36, v11  }
0x99: {  	v10 =	vmul.f32 v35, v8;
	v43 =	vmul.f32 v19, v9;
	v42 =	vadd.f32 v39, v38  }
0x9a: {  	v7 =	vmul.f32 v37, v7;
	v9 =	vmul.f32 v21, v9;
	v14 =	vadd.f32 v41, v14;
	(xrf2) =	vadd.scan.msk.f32 $0xffff, v11  }
0x9b: {  	v46 =	vmul.f32 v22, v8;
	v45 =	vadd.f32 v44, v43;
	v10 =	vadd.f32 v10, v42  }
0x9c: {  	v8 =	vmul.f32 v40, v8;
	v7 =	vadd.f32 v7, v9;
	(xrf2) =	vadd.scan.msk.f32 $0xffff, v14  }
0x9d: {  	v47 =	vadd.f32 v46, v45;
	(xrf2) =	vadd.scan.msk.f32 $0xffff, v10  }
0x9e: {  	v7 =	vadd.f32 v8, v7  }
0x9f: {  	(v2sf) =	vpush v5, $0x8;
	(xrf2) =	vadd.scan.msk.f32 $0xffff, v47  }
0xa0: {  	(v2sf) =	vpush v6, $0x8;
	(xrf2) =	vadd.scan.msk.f32 $0xffff, v7;
	_ =	sdelay $0x3  }
0xa1: {  	v48, _, _ =	vpop (xrf2)  }
0xa2: {  	s11 =	sadd.s32 $0xFFFFFFF1, s7;
	v7 =	vbroadcast v48, $0xF  }
0xa3: {  	v51 =	vmov s11;
	v49, _, _ =	vpop (xrf2)  }
0xa4: {  	v52 =	vshll.u32 v51, $0x3;
	v8 =	vbroadcast v49, $0xF;
	v50, _, _ =	vpop (xrf2);
	v7 =	vadd.f32 v7, v2  }
0xa5: {  	v11 =	vand.u32 $0xC00, v52;
	v9 =	vbroadcast v50, $0xF  }
0xa6: {  	v10 =	vand.u32 $0x70, v51;
	v53, _, _ =	vpop (xrf2);
	v8 =	vadd.f32 v8, v2;
	v7 =	vsel vm0, v7, v2  }
0xa7: {  	v10 =	vor.u32 v11, v10;
	v12 =	vbroadcast v53, $0xF;
	v54, _, _ =	vpop (xrf2);
	v9 =	vadd.f32 v9, v7  }
0xa8: {  	v10 =	vor.u32 v1, v10;
	v55 =	vbroadcast v54, $0xF;
	v7 =	vsel vm1, v7, v8  }
0xa9: {  	v9 =	vsel vm2, v7, v9;
	v7 =	vadd.f32 v12, v7  }
0xaa: {  	v8 =	vadd.f32 v55, v9  }
0xab: {  	s9 =	spop (v2sf);
	v7 =	vsel vm3, v9, v7  }
0xac: {  	s8 =	sand.u32 $0xFFFFF80, s9;
	s5 =	spop (v2sf);
	v7 =	vsel vm4, v7, v8  }
0xad: {  	s10 =	sadd.s32 s0, s8;
	s15 =	sand.u32 $0xFFFFF80, s5;
	[tilespmem:v10+s25+$0x0] =	vst.idx.msk $0xffff, v7  }
0xae: {  	[tilespmem:s17], [sflag:$0x1] =	stream.strided.gather [hbm4b:s10+s17], $0x800, s16, s17, $0x38;
	[tilespmem:$0x12880] =	vst v63  }
0xaf: {  	s12 =	simm.s32 $0xC00;
	s11 =	sadd.s32 s1, s15  }
0xb0: {  	[tilespmem:s12], [sflag:$0x1] =	stream.strided.gather [hbm4b:s11+s17], $0x800, s16, s17, $0x38;
	[tilespmem:$0x12880] =	vst v63  }
0xb1: {  	s13 =	simm.s32 $0x1400;
	s8 =	sadd.s32 s3, s8  }
0xb2: {  	[tilespmem:s13], [sflag:$0x1] =	stream.strided.gather [hbm4b:s8+s17], $0x800, s16, s17, $0x38;
	[tilespmem:$0x12880] =	vst v63  }
0xb3: {  	s14 =	simm.s32 $0x1C00;
	s15 =	sadd.s32 s4, s15  }
0xb4: {  	[tilespmem:s14], [sflag:$0x1] =	stream.strided.gather [hbm4b:s15+s17], $0x800, s16, s17, $0x38;
	[tilespmem:$0x12880] =	vst v63  }
0xb5: {  	_ =	swait.ge [sflag:s26], $0x800  }
0xb6: {  	[sflag:s26] =	ssyncset.done $0x0  }
0xb7: {  	[sflag:s26] =	ssyncadd.s32 $0xFFFFF800  }
0xb8: {  	_ =	swait.ge [sflag:s26], $0x800  }
0xb9: {  	[sflag:s26] =	ssyncset.done $0x0  }
0xba: {  	[sflag:s26] =	ssyncadd.s32 $0xFFFFF800  }
0xbb: {  	_ =	swait.ge [sflag:s26], $0x800  }
0xbc: {  	[sflag:s26] =	ssyncset.done $0x0  }
0xbd: {  	[sflag:s26] =	ssyncadd.s32 $0xFFFFF800  }
0xbe: {  	_ =	swait.ge [sflag:s26], $0x800  }
0xbf: {  	(v2sf) =	vpush v5, $0x1  }
0xc0: {  	(v2sf) =	vpush v6, $0x1;
	_ =	sdelay $0xb  }
0xc1: {  	[sflag:s26] =	ssyncset.done $0x0  }
0xc2: {  	[sflag:s26] =	ssyncadd.s32 $0xFFFFF800  }
0xc3: {  	v60 =	vld [tilespmem:$0x10400];
	s10 =	spop (v2sf)  }
0xc4: {  	v61 =	vld [tilespmem:$0x10410];
	s11 =	spop (v2sf);
	s8 =	sand.u32 $0x7F, s10  }
0xc5: {  	v62 =	vld [tilespmem:$0x10420];
	s10 =	sand.u32 $0x7F, s11;
	v56 =	vor.u32 s8, v0  }
0xc6: {  	v63 =	vld [tilespmem:$0x10480];
	v57 =	vor.u32 s10, v0  }
0xc7: {  	v24 =	vld [tilespmem:$0x10490]  }
0xc8: {  	v25 =	vld [tilespmem:$0x104A0]  }
0xc9: {  	v26 =	vld [tilespmem:$0x10500]  }
0xca: {  	s12 =	simm.s32 $0x2C00;
	v58 =	vld.idx.msk [tilespmem:v56+s19+$0x0], $0xffff  }
0xcb: {  	v59 =	vld.idx.msk [tilespmem:v57+s12+$0x0], $0xffff  }
0xcc: {  	s13 =	simm.s32 $0x3400;
	v27 =	vld [tilespmem:$0x10510]  }
0xcd: {  	v7 =	vld.idx.msk [tilespmem:v56+s13+$0x0], $0xffff  }
0xce: {  	s14 =	simm.s32 $0x3C00;
	v28 =	vld [tilespmem:$0x10520]  }
0xcf: {  	v8 =	vld.idx.msk [tilespmem:v57+s14+$0x0], $0xffff  }
0xd0: {  	v30 =	vld [tilespmem:$0x10590];
	v9 =	vmul.f32 v59, v58  }
0xd1: {  	v29 =	vld [tilespmem:$0x10580]  }
0xd2: {  	v31 =	vld [tilespmem:$0x10600];
	v12 =	vmul.f32 v61, v7;
	v11 =	vmul.f32 v60, v9  }
0xd3: {  	v33 =	vld [tilespmem:$0x10610];
	v15 =	vmul.f32 v24, v7;
	v36 =	vmul.f32 v27, v7  }
0xd4: {  	v34 =	vld [tilespmem:$0x105A0];
	v32 =	vmul.f32 v62, v8;
	v14 =	vmul.f32 v63, v9;
	v11 =	vadd.f32 v12, v11  }
0xd5: {  	v37 =	vld [tilespmem:$0x10620];
	v41 =	vmul.f32 v30, v7;
	v35 =	vmul.f32 v26, v9  }
0xd6: {  	v38 =	vmul.f32 v25, v8;
	v14 =	vadd.f32 v15, v14;
	v11 =	vadd.f32 v32, v11  }
0xd7: {  	v10 =	vmul.f32 v28, v8;
	v40 =	vmul.f32 v29, v9;
	v39 =	vadd.f32 v36, v35  }
0xd8: {  	v7 =	vmul.f32 v33, v7;
	v9 =	vmul.f32 v31, v9;
	v14 =	vadd.f32 v38, v14;
	(xrf2) =	vadd.scan.msk.f32 $0xffff, v11  }
0xd9: {  	v43 =	vmul.f32 v34, v8;
	v42 =	vadd.f32 v41, v40;
	v10 =	vadd.f32 v10, v39  }
0xda: {  	v8 =	vmul.f32 v37, v8;
	v7 =	vadd.f32 v7, v9;
	(xrf2) =	vadd.scan.msk.f32 $0xffff, v14  }
0xdb: {  	v44 =	vadd.f32 v43, v42;
	(xrf2) =	vadd.scan.msk.f32 $0xffff, v10  }
0xdc: {  	v7 =	vadd.f32 v8, v7  }
0xdd: {  	(v2sf) =	vpush v5, $0x9;
	(xrf2) =	vadd.scan.msk.f32 $0xffff, v44  }
0xde: {  	(xrf2) =	vadd.scan.msk.f32 $0xffff, v7  }
0xdf: {  	(v2sf) =	vpush v6, $0x9;
	_ =	sdelay $0x2  }
0xe0: {  	v45, _, _ =	vpop (xrf2)  }
0xe1: {  	s15 =	sadd.s32 $0xFFFFFFF2, s7;
	v7 =	vbroadcast v45, $0xF  }
0xe2: {  	v48 =	vmov s15;
	v46, _, _ =	vpop (xrf2)  }
0xe3: {  	v49 =	vshll.u32 v48, $0x3;
	v8 =	vbroadcast v46, $0xF;
	v47, _, _ =	vpop (xrf2);
	v7 =	vadd.f32 v7, v2  }
0xe4: {  	v11 =	vand.u32 $0xC00, v49;
	v9 =	vbroadcast v47, $0xF  }
0xe5: {  	v10 =	vand.u32 $0x71, v48;
	v50, _, _ =	vpop (xrf2);
	v8 =	vadd.f32 v8, v2;
	v7 =	vsel vm0, v7, v2  }
0xe6: {  	v10 =	vor.u32 v11, v10;
	v12 =	vbroadcast v50, $0xF;
	v51, _, _ =	vpop (xrf2);
	v9 =	vadd.f32 v9, v7  }
0xe7: {  	v10 =	vor.u32 v1, v10;
	v52 =	vbroadcast v51, $0xF;
	v7 =	vsel vm1, v7, v8  }
0xe8: {  	v9 =	vsel vm2, v7, v9;
	v7 =	vadd.f32 v12, v7  }
0xe9: {  	v8 =	vadd.f32 v52, v9  }
0xea: {  	s19 =	spop (v2sf);
	v7 =	vsel vm3, v9, v7  }
0xeb: {  	s10 =	simm.s32 $0x2400;
	s8 =	sand.u32 $0xFFFFF80, s19;
	v7 =	vsel vm4, v7, v8  }
0xec: {  	[dreg:$0x12] =	wrdreg s19;
	s19 =	spop (v2sf);
	s15 =	sadd.s32 s0, s8;
	[tilespmem:v10+s25+$0x0] =	vst.idx.msk $0xffff, v7  }
0xed: {  	[tilespmem:s10], [sflag:$0x2] =	stream.strided.gather [hbm4b:s15+s17], $0x800, s16, s17, $0x38;
	[tilespmem:$0x12880] =	vst v63  }
0xee: {  	s10 =	sand.u32 $0xFFFFF80, s19  }
0xef: {  	s12 =	simm.s32 $0x2C00;
	s15 =	sadd.s32 s1, s10  }
0xf0: {  	[tilespmem:s12], [sflag:$0x2] =	stream.strided.gather [hbm4b:s15+s17], $0x800, s16, s17, $0x38;
	[tilespmem:$0x12880] =	vst v63  }
0xf1: {  	s13 =	simm.s32 $0x3400;
	s8 =	sadd.s32 s3, s8  }
0xf2: {  	[tilespmem:s13], [sflag:$0x2] =	stream.strided.gather [hbm4b:s8+s17], $0x800, s16, s17, $0x38;
	[tilespmem:$0x12880] =	vst v63  }
0xf3: {  	s14 =	simm.s32 $0x3C00;
	s15 =	sadd.s32 s4, s10  }
0xf4: {  	[tilespmem:s14], [sflag:$0x2] =	stream.strided.gather [hbm4b:s15+s17], $0x800, s16, s17, $0x38;
	[tilespmem:$0x12880] =	vst v63  }
0xf5: {  	_ =	swait.ge [sflag:s28], $0x800  }
0xf6: {  	[sflag:s28] =	ssyncset.done $0x0  }
0xf7: {  	[sflag:s28] =	ssyncadd.s32 $0xFFFFF800  }
0xf8: {  	_ =	swait.ge [sflag:s28], $0x800  }
0xf9: {  	[sflag:s28] =	ssyncset.done $0x0  }
0xfa: {  	[sflag:s28] =	ssyncadd.s32 $0xFFFFF800  }
0xfb: {  	_ =	swait.ge [sflag:s28], $0x800  }
0xfc: {  	[sflag:s28] =	ssyncset.done $0x0  }
0xfd: {  	[sflag:s28] =	ssyncadd.s32 $0xFFFFF800  }
0xfe: {  	_ =	swait.ge [sflag:s28], $0x800  }
0xff: {  	(v2sf) =	vpush v5, $0x2  }
0x100: {  	(v2sf) =	vpush v6, $0x2;
	_ =	sdelay $0xb  }
0x101: {  	[sflag:s28] =	ssyncset.done $0x0  }
0x102: {  	[sflag:s28] =	ssyncadd.s32 $0xFFFFF800  }
0x103: {  	v57 =	vld [tilespmem:$0x10400];
	s10 =	spop (v2sf)  }
0x104: {  	v58 =	vld [tilespmem:$0x10410];
	s11 =	spop (v2sf);
	s8 =	sand.u32 $0x7F, s10  }
0x105: {  	v59 =	vld [tilespmem:$0x10420];
	s10 =	sand.u32 $0x7F, s11;
	v53 =	vor.u32 s8, v0  }
0x106: {  	v60 =	vld [tilespmem:$0x10480];
	v54 =	vor.u32 s10, v0  }
0x107: {  	v61 =	vld [tilespmem:$0x10490]  }
0x108: {  	v62 =	vld [tilespmem:$0x104A0]  }
0x109: {  	v63 =	vld [tilespmem:$0x10500]  }
0x10a: {  	v55 =	vld.idx.msk [tilespmem:v53+s20+$0x0], $0xffff  }
0x10b: {  	v56 =	vld.idx.msk [tilespmem:v54+s18+$0x0], $0xffff  }
0x10c: {  	v24 =	vld [tilespmem:$0x10510]  }
0x10d: {  	v7 =	vld.idx.msk [tilespmem:v53+s21+$0x0], $0xffff  }
0x10e: {  	v25 =	vld [tilespmem:$0x10520]  }
0x10f: {  	v8 =	vld.idx.msk [tilespmem:v54+s22+$0x0], $0xffff  }
0x110: {  	v27 =	vld [tilespmem:$0x10590];
	v9 =	vmul.f32 v56, v55  }
0x111: {  	v26 =	vld [tilespmem:$0x10580]  }
0x112: {  	v28 =	vld [tilespmem:$0x10600];
	v12 =	vmul.f32 v58, v7;
	v11 =	vmul.f32 v57, v9  }
0x113: {  	v30 =	vld [tilespmem:$0x10610];
	v15 =	vmul.f32 v61, v7;
	v33 =	vmul.f32 v24, v7  }
0x114: {  	v31 =	vld [tilespmem:$0x105A0];
	v29 =	vmul.f32 v59, v8;
	v14 =	vmul.f32 v60, v9;
	v11 =	vadd.f32 v12, v11  }
0x115: {  	v34 =	vld [tilespmem:$0x10620];
	v38 =	vmul.f32 v27, v7;
	v32 =	vmul.f32 v63, v9  }
0x116: {  	v35 =	vmul.f32 v62, v8;
	v14 =	vadd.f32 v15, v14;
	v11 =	vadd.f32 v29, v11  }
0x117: {  	v10 =	vmul.f32 v25, v8;
	v37 =	vmul.f32 v26, v9;
	v36 =	vadd.f32 v33, v32  }
0x118: {  	v7 =	vmul.f32 v30, v7;
	v9 =	vmul.f32 v28, v9;
	v14 =	vadd.f32 v35, v14;
	(xrf2) =	vadd.scan.msk.f32 $0xffff, v11  }
0x119: {  	v40 =	vmul.f32 v31, v8;
	v39 =	vadd.f32 v38, v37;
	v10 =	vadd.f32 v10, v36  }
0x11a: {  	v8 =	vmul.f32 v34, v8;
	v7 =	vadd.f32 v7, v9;
	(xrf2) =	vadd.scan.msk.f32 $0xffff, v14  }
0x11b: {  	v41 =	vadd.f32 v40, v39;
	(xrf2) =	vadd.scan.msk.f32 $0xffff, v10  }
0x11c: {  	v7 =	vadd.f32 v8, v7  }
0x11d: {  	(v2sf) =	vpush v5, $0xA;
	(xrf2) =	vadd.scan.msk.f32 $0xffff, v41  }
0x11e: {  	(v2sf) =	vpush v6, $0xA;
	(xrf2) =	vadd.scan.msk.f32 $0xffff, v7;
	_ =	sdelay $0x3  }
0x11f: {  	v42, _, _ =	vpop (xrf2)  }
0x120: {  	s12 =	sadd.s32 $0xFFFFFFF3, s7;
	v7 =	vbroadcast v42, $0xF  }
0x121: {  	v45 =	vmov s12;
	v43, _, _ =	vpop (xrf2)  }
0x122: {  	v46 =	vshll.u32 v45, $0x3;
	v8 =	vbroadcast v43, $0xF;
	v44, _, _ =	vpop (xrf2);
	v7 =	vadd.f32 v7, v2  }
0x123: {  	v11 =	vand.u32 $0xC00, v46;
	v9 =	vbroadcast v44, $0xF  }
0x124: {  	v10 =	vand.u32 $0x72, v45;
	v47, _, _ =	vpop (xrf2);
	v8 =	vadd.f32 v8, v2;
	v7 =	vsel vm0, v7, v2  }
0x125: {  	v10 =	vor.u32 v11, v10;
	v12 =	vbroadcast v47, $0xF;
	v48, _, _ =	vpop (xrf2);
	v9 =	vadd.f32 v9, v7  }
0x126: {  	v10 =	vor.u32 v1, v10;
	v49 =	vbroadcast v48, $0xF;
	v7 =	vsel vm1, v7, v8  }
0x127: {  	v9 =	vsel vm2, v7, v9;
	v7 =	vadd.f32 v12, v7  }
0x128: {  	v8 =	vadd.f32 v49, v9  }
0x129: {  	s13 =	spop (v2sf);
	v7 =	vsel vm3, v9, v7  }
0x12a: {  	s8 =	sand.u32 $0xFFFFF80, s13;
	s20 =	spop (v2sf);
	v7 =	vsel vm4, v7, v8  }
0x12b: {  	s14 =	simm.s32 $0x4400;
	s15 =	sadd.s32 s0, s8;
	s12 =	sand.u32 $0xFFFFF80, s20;
	[tilespmem:v10+s25+$0x0] =	vst.idx.msk $0xffff, v7  }
0x12c: {  	[tilespmem:s14], [sflag:$0x3] =	stream.strided.gather [hbm4b:s15+s17], $0x800, s16, s17, $0x38;
	[tilespmem:$0x12880] =	vst v63  }
0x12d: {  	[dreg:$0x13] =	wrdreg s13;
	s13 =	sadd.s32 s1, s12  }
0x12e: {  	[tilespmem:s18], [sflag:$0x3] =	stream.strided.gather [hbm4b:s13+s17], $0x800, s16, s17, $0x38;
	[tilespmem:$0x12880] =	vst v63  }
0x12f: {  	s8 =	sadd.s32 s3, s8  }
0x130: {  	[tilespmem:s21], [sflag:$0x3] =	stream.strided.gather [hbm4b:s8+s17], $0x800, s16, s17, $0x38;
	[tilespmem:$0x12880] =	vst v63  }
0x131: {  	s14 =	sadd.s32 s4, s12  }
0x132: {  	[tilespmem:s22], [sflag:$0x3] =	stream.strided.gather [hbm4b:s14+s17], $0x800, s16, s17, $0x38;
	[tilespmem:$0x12880] =	vst v63  }
0x133: {  	_ =	swait.ge [sflag:s29], $0x800  }
0x134: {  	[sflag:s29] =	ssyncset.done $0x0  }
0x135: {  	[sflag:s29] =	ssyncadd.s32 $0xFFFFF800  }
0x136: {  	_ =	swait.ge [sflag:s29], $0x800  }
0x137: {  	[sflag:s29] =	ssyncset.done $0x0  }
0x138: {  	[sflag:s29] =	ssyncadd.s32 $0xFFFFF800  }
0x139: {  	_ =	swait.ge [sflag:s29], $0x800  }
0x13a: {  	[sflag:s29] =	ssyncset.done $0x0  }
0x13b: {  	[sflag:s29] =	ssyncadd.s32 $0xFFFFF800  }
0x13c: {  	_ =	swait.ge [sflag:s29], $0x800  }
0x13d: {  	(v2sf) =	vpush v5, $0x3  }
0x13e: {  	(v2sf) =	vpush v6, $0x3;
	_ =	sdelay $0xb  }
0x13f: {  	[sflag:s29] =	ssyncset.done $0x0  }
0x140: {  	[sflag:s29] =	ssyncadd.s32 $0xFFFFF800  }
0x141: {  	v54 =	vld [tilespmem:$0x10400];
	s15 =	spop (v2sf)  }
0x142: {  	v55 =	vld [tilespmem:$0x10410];
	s18 =	spop (v2sf);
	s8 =	sand.u32 $0x7F, s15  }
0x143: {  	v56 =	vld [tilespmem:$0x10420];
	s10 =	sand.u32 $0x7F, s18;
	v50 =	vor.u32 s8, v0  }
0x144: {  	v57 =	vld [tilespmem:$0x10480];
	v51 =	vor.u32 s10, v0  }
0x145: {  	v58 =	vld [tilespmem:$0x10490]  }
0x146: {  	v59 =	vld [tilespmem:$0x104A0]  }
0x147: {  	v60 =	vld [tilespmem:$0x10500]  }
0x148: {  	s21 =	simm.s32 $0x6C00;
	v52 =	vld.idx.msk [tilespmem:v50+s23+$0x0], $0xffff  }
0x149: {  	v53 =	vld.idx.msk [tilespmem:v51+s21+$0x0], $0xffff  }
0x14a: {  	s22 =	simm.s32 $0x7400;
	v61 =	vld [tilespmem:$0x10510]  }
0x14b: {  	v7 =	vld.idx.msk [tilespmem:v50+s22+$0x0], $0xffff  }
0x14c: {  	v62 =	vld [tilespmem:$0x10520];
	s10 =	simm.s32 $0x7C00  }
0x14d: {  	v8 =	vld.idx.msk [tilespmem:v51+s10+$0x0], $0xffff  }
0x14e: {  	v24 =	vld [tilespmem:$0x10590];
	v9 =	vmul.f32 v53, v52  }
0x14f: {  	v63 =	vld [tilespmem:$0x10580]  }
0x150: {  	v25 =	vld [tilespmem:$0x10600];
	v12 =	vmul.f32 v55, v7;
	v11 =	vmul.f32 v54, v9  }
0x151: {  	v27 =	vld [tilespmem:$0x10610];
	v15 =	vmul.f32 v58, v7;
	v30 =	vmul.f32 v61, v7  }
0x152: {  	v28 =	vld [tilespmem:$0x105A0];
	v26 =	vmul.f32 v56, v8;
	v14 =	vmul.f32 v57, v9;
	v11 =	vadd.f32 v12, v11  }
0x153: {  	v31 =	vld [tilespmem:$0x10620];
	v35 =	vmul.f32 v24, v7;
	v29 =	vmul.f32 v60, v9  }
0x154: {  	v32 =	vmul.f32 v59, v8;
	v14 =	vadd.f32 v15, v14;
	v11 =	vadd.f32 v26, v11  }
0x155: {  	v10 =	vmul.f32 v62, v8;
	v34 =	vmul.f32 v63, v9;
	v33 =	vadd.f32 v30, v29  }
0x156: {  	v7 =	vmul.f32 v27, v7;
	v9 =	vmul.f32 v25, v9;
	v14 =	vadd.f32 v32, v14;
	(xrf2) =	vadd.scan.msk.f32 $0xffff, v11  }
0x157: {  	v37 =	vmul.f32 v28, v8;
	v36 =	vadd.f32 v35, v34;
	v10 =	vadd.f32 v10, v33  }
0x158: {  	v8 =	vmul.f32 v31, v8;
	v7 =	vadd.f32 v7, v9;
	(xrf2) =	vadd.scan.msk.f32 $0xffff, v14  }
0x159: {  	v38 =	vadd.f32 v37, v36;
	(xrf2) =	vadd.scan.msk.f32 $0xffff, v10  }
0x15a: {  	v7 =	vadd.f32 v8, v7  }
0x15b: {  	(v2sf) =	vpush v5, $0xB;
	(xrf2) =	vadd.scan.msk.f32 $0xffff, v38  }
0x15c: {  	(v2sf) =	vpush v6, $0xB;
	(xrf2) =	vadd.scan.msk.f32 $0xffff, v7;
	_ =	sdelay $0x3  }
0x15d: {  	v39, _, _ =	vpop (xrf2)  }
0x15e: {  	s12 =	sadd.s32 $0xFFFFFFF4, s7;
	v7 =	vbroadcast v39, $0xF  }
0x15f: {  	v42 =	vmov s12;
	v40, _, _ =	vpop (xrf2)  }
0x160: {  	v43 =	vshll.u32 v42, $0x3;
	v8 =	vbroadcast v40, $0xF;
	v41, _, _ =	vpop (xrf2);
	v7 =	vadd.f32 v7, v2  }
0x161: {  	v11 =	vand.u32 $0xC00, v43;
	v9 =	vbroadcast v41, $0xF  }
0x162: {  	v10 =	vand.u32 $0x73, v42;
	v44, _, _ =	vpop (xrf2);
	v8 =	vadd.f32 v8, v2;
	v7 =	vsel vm0, v7, v2  }
0x163: {  	v10 =	vor.u32 v11, v10;
	v12 =	vbroadcast v44, $0xF;
	v45, _, _ =	vpop (xrf2);
	v9 =	vadd.f32 v9, v7  }
0x164: {  	v10 =	vor.u32 v1, v10;
	v46 =	vbroadcast v45, $0xF;
	v7 =	vsel vm1, v7, v8  }
0x165: {  	v9 =	vsel vm2, v7, v9;
	v7 =	vadd.f32 v12, v7  }
0x166: {  	v8 =	vadd.f32 v46, v9  }
0x167: {  	s15 =	spop (v2sf);
	v7 =	vsel vm3, v9, v7  }
0x168: {  	s8 =	sand.u32 $0xFFFFF80, s15;
	s21 =	spop (v2sf);
	v7 =	vsel vm4, v7, v8  }
0x169: {  	s18 =	sadd.s32 s0, s8;
	s22 =	sand.u32 $0xFFFFF80, s21;
	[tilespmem:v10+s25+$0x0] =	vst.idx.msk $0xffff, v7  }
0x16a: {  	[tilespmem:s23], [sflag:$0x4] =	stream.strided.gather [hbm4b:s18+s17], $0x800, s16, s17, $0x38;
	[tilespmem:$0x12880] =	vst v63  }
0x16b: {  	s11 =	simm.s32 $0x6C00;
	s23 =	sadd.s32 s1, s22  }
0x16c: {  	[tilespmem:s11], [sflag:$0x4] =	stream.strided.gather [hbm4b:s23+s17], $0x800, s16, s17, $0x38;
	[tilespmem:$0x12880] =	vst v63  }
0x16d: {  	s13 =	simm.s32 $0x7400;
	s8 =	sadd.s32 s3, s8  }
0x16e: {  	[tilespmem:s13], [sflag:$0x4] =	stream.strided.gather [hbm4b:s8+s17], $0x800, s16, s17, $0x38;
	[tilespmem:$0x12880] =	vst v63  }
0x16f: {  	s14 =	simm.s32 $0x7C00;
	[dreg:$0x14] =	wrdreg s15;
	s11 =	sadd.s32 s4, s22  }
0x170: {  	[tilespmem:s14], [sflag:$0x4] =	stream.strided.gather [hbm4b:s11+s17], $0x800, s16, s17, $0x38;
	[tilespmem:$0x12880] =	vst v63  }
0x171: {  	_ =	swait.ge [sflag:s30], $0x800  }
0x172: {  	[sflag:s30] =	ssyncset.done $0x0  }
0x173: {  	[sflag:s30] =	ssyncadd.s32 $0xFFFFF800  }
0x174: {  	_ =	swait.ge [sflag:s30], $0x800  }
0x175: {  	[sflag:s30] =	ssyncset.done $0x0  }
0x176: {  	[sflag:s30] =	ssyncadd.s32 $0xFFFFF800  }
0x177: {  	_ =	swait.ge [sflag:s30], $0x800  }
0x178: {  	[sflag:s30] =	ssyncset.done $0x0  }
0x179: {  	[sflag:s30] =	ssyncadd.s32 $0xFFFFF800  }
0x17a: {  	_ =	swait.ge [sflag:s30], $0x800  }
0x17b: {  	(v2sf) =	vpush v5, $0x4  }
0x17c: {  	(v2sf) =	vpush v6, $0x4;
	_ =	sdelay $0xb  }
0x17d: {  	[sflag:s30] =	ssyncset.done $0x0  }
0x17e: {  	[sflag:s30] =	ssyncadd.s32 $0xFFFFF800  }
0x17f: {  	v51 =	vld [tilespmem:$0x10400];
	s12 =	spop (v2sf)  }
0x180: {  	v52 =	vld [tilespmem:$0x10410];
	s13 =	spop (v2sf);
	s8 =	sand.u32 $0x7F, s12  }
0x181: {  	v53 =	vld [tilespmem:$0x10420];
	s10 =	sand.u32 $0x7F, s13;
	v47 =	vor.u32 s8, v0  }
0x182: {  	v54 =	vld [tilespmem:$0x10480];
	v48 =	vor.u32 s10, v0  }
0x183: {  	v55 =	vld [tilespmem:$0x10490]  }
0x184: {  	v56 =	vld [tilespmem:$0x104A0]  }
0x185: {  	s14 =	simm.s32 $0x8400;
	v57 =	vld [tilespmem:$0x10500]  }
0x186: {  	s15 =	simm.s32 $0x8C00;
	v49 =	vld.idx.msk [tilespmem:v47+s14+$0x0], $0xffff  }
0x187: {  	v50 =	vld.idx.msk [tilespmem:v48+s15+$0x0], $0xffff  }
0x188: {  	s18 =	simm.s32 $0x9400;
	v58 =	vld [tilespmem:$0x10510]  }
0x189: {  	v7 =	vld.idx.msk [tilespmem:v47+s18+$0x0], $0xffff  }
0x18a: {  	s22 =	simm.s32 $0x9C00;
	v59 =	vld [tilespmem:$0x10520]  }
0x18b: {  	v8 =	vld.idx.msk [tilespmem:v48+s22+$0x0], $0xffff  }
0x18c: {  	v61 =	vld [tilespmem:$0x10590];
	v9 =	vmul.f32 v50, v49  }
0x18d: {  	v60 =	vld [tilespmem:$0x10580]  }
0x18e: {  	v62 =	vld [tilespmem:$0x10600];
	v12 =	vmul.f32 v52, v7;
	v11 =	vmul.f32 v51, v9  }
0x18f: {  	v24 =	vld [tilespmem:$0x10610];
	v15 =	vmul.f32 v55, v7;
	v27 =	vmul.f32 v58, v7  }
0x190: {  	v25 =	vld [tilespmem:$0x105A0];
	v63 =	vmul.f32 v53, v8;
	v14 =	vmul.f32 v54, v9;
	v11 =	vadd.f32 v12, v11  }
0x191: {  	v28 =	vld [tilespmem:$0x10620];
	v32 =	vmul.f32 v61, v7;
	v26 =	vmul.f32 v57, v9  }
0x192: {  	v29 =	vmul.f32 v56, v8;
	v14 =	vadd.f32 v15, v14;
	v11 =	vadd.f32 v63, v11  }
0x193: {  	v10 =	vmul.f32 v59, v8;
	v31 =	vmul.f32 v60, v9;
	v30 =	vadd.f32 v27, v26  }
0x194: {  	v7 =	vmul.f32 v24, v7;
	v9 =	vmul.f32 v62, v9;
	v14 =	vadd.f32 v29, v14;
	(xrf2) =	vadd.scan.msk.f32 $0xffff, v11  }
0x195: {  	v34 =	vmul.f32 v25, v8;
	v33 =	vadd.f32 v32, v31;
	v10 =	vadd.f32 v10, v30  }
0x196: {  	v8 =	vmul.f32 v28, v8;
	v7 =	vadd.f32 v7, v9;
	(xrf2) =	vadd.scan.msk.f32 $0xffff, v14  }
0x197: {  	v35 =	vadd.f32 v34, v33;
	(xrf2) =	vadd.scan.msk.f32 $0xffff, v10  }
0x198: {  	v7 =	vadd.f32 v8, v7  }
0x199: {  	(v2sf) =	vpush v5, $0xC;
	(xrf2) =	vadd.scan.msk.f32 $0xffff, v35  }
0x19a: {  	(v2sf) =	vpush v6, $0xC;
	(xrf2) =	vadd.scan.msk.f32 $0xffff, v7;
	_ =	sdelay $0x3  }
0x19b: {  	v36, _, _ =	vpop (xrf2)  }
0x19c: {  	s23 =	sadd.s32 $0xFFFFFFF5, s7;
	v7 =	vbroadcast v36, $0xF  }
0x19d: {  	v39 =	vmov s23;
	v37, _, _ =	vpop (xrf2)  }
0x19e: {  	v40 =	vshll.u32 v39, $0x3;
	v8 =	vbroadcast v37, $0xF;
	v38, _, _ =	vpop (xrf2);
	v7 =	vadd.f32 v7, v2  }
0x19f: {  	v11 =	vand.u32 $0xC00, v40;
	v9 =	vbroadcast v38, $0xF  }
0x1a0: {  	v10 =	vand.u32 $0x74, v39;
	v41, _, _ =	vpop (xrf2);
	v8 =	vadd.f32 v8, v2;
	v7 =	vsel vm0, v7, v2  }
0x1a1: {  	v10 =	vor.u32 v11, v10;
	v12 =	vbroadcast v41, $0xF;
	v42, _, _ =	vpop (xrf2);
	v9 =	vadd.f32 v9, v7  }
0x1a2: {  	v10 =	vor.u32 v1, v10;
	v43 =	vbroadcast v42, $0xF;
	v7 =	vsel vm1, v7, v8  }
0x1a3: {  	v9 =	vsel vm2, v7, v9;
	v7 =	vadd.f32 v12, v7  }
0x1a4: {  	v8 =	vadd.f32 v43, v9  }
0x1a5: {  	s10 =	spop (v2sf);
	v7 =	vsel vm3, v9, v7  }
0x1a6: {  	s8 =	sand.u32 $0xFFFFF80, s10;
	s22 =	spop (v2sf);
	v7 =	vsel vm4, v7, v8  }
0x1a7: {  	s11 =	simm.s32 $0x8400;
	s13 =	sadd.s32 s0, s8;
	s15 =	sand.u32 $0xFFFFF80, s22;
	[tilespmem:v10+s25+$0x0] =	vst.idx.msk $0xffff, v7  }
0x1a8: {  	[tilespmem:s11], [sflag:$0x5] =	stream.strided.gather [hbm4b:s13+s17], $0x800, s16, s17, $0x38;
	[tilespmem:$0x12880] =	vst v63  }
0x1a9: {  	s12 =	simm.s32 $0x8C00;
	s23 =	sadd.s32 s1, s15  }
0x1aa: {  	[tilespmem:s12], [sflag:$0x5] =	stream.strided.gather [hbm4b:s23+s17], $0x800, s16, s17, $0x38;
	[tilespmem:$0x12880] =	vst v63  }
0x1ab: {  	s18 =	simm.s32 $0x9400;
	s8 =	sadd.s32 s3, s8  }
0x1ac: {  	[tilespmem:s18], [sflag:$0x5] =	stream.strided.gather [hbm4b:s8+s17], $0x800, s16, s17, $0x38;
	[tilespmem:$0x12880] =	vst v63  }
0x1ad: {  	s14 =	simm.s32 $0x9C00;
	[dreg:$0x15] =	wrdreg s10;
	s11 =	sadd.s32 s4, s15  }
0x1ae: {  	[tilespmem:s14], [sflag:$0x5] =	stream.strided.gather [hbm4b:s11+s17], $0x800, s16, s17, $0x38;
	[tilespmem:$0x12880] =	vst v63  }
0x1af: {  	_ =	swait.ge [sflag:s31], $0x800  }
0x1b0: {  	[sflag:s31] =	ssyncset.done $0x0  }
0x1b1: {  	[sflag:s31] =	ssyncadd.s32 $0xFFFFF800  }
0x1b2: {  	_ =	swait.ge [sflag:s31], $0x800  }
0x1b3: {  	[sflag:s31] =	ssyncset.done $0x0  }
0x1b4: {  	[sflag:s31] =	ssyncadd.s32 $0xFFFFF800  }
0x1b5: {  	_ =	swait.ge [sflag:s31], $0x800  }
0x1b6: {  	[sflag:s31] =	ssyncset.done $0x0  }
0x1b7: {  	[sflag:s31] =	ssyncadd.s32 $0xFFFFF800  }
0x1b8: {  	_ =	swait.ge [sflag:s31], $0x800  }
0x1b9: {  	(v2sf) =	vpush v5, $0x5  }
0x1ba: {  	(v2sf) =	vpush v6, $0x5;
	_ =	sdelay $0xb  }
0x1bb: {  	[sflag:s31] =	ssyncset.done $0x0  }
0x1bc: {  	[sflag:s31] =	ssyncadd.s32 $0xFFFFF800  }
0x1bd: {  	v48 =	vld [tilespmem:$0x10400];
	s12 =	spop (v2sf)  }
0x1be: {  	v49 =	vld [tilespmem:$0x10410];
	s13 =	spop (v2sf);
	s8 =	sand.u32 $0x7F, s12  }
0x1bf: {  	v50 =	vld [tilespmem:$0x10420];
	s10 =	sand.u32 $0x7F, s13;
	v44 =	vor.u32 s8, v0  }
0x1c0: {  	v51 =	vld [tilespmem:$0x10480];
	v45 =	vor.u32 s10, v0  }
0x1c1: {  	v52 =	vld [tilespmem:$0x10490]  }
0x1c2: {  	v53 =	vld [tilespmem:$0x104A0]  }
0x1c3: {  	s14 =	simm.s32 $0xA400;
	v54 =	vld [tilespmem:$0x10500]  }
0x1c4: {  	s15 =	simm.s32 $0xAC00;
	v46 =	vld.idx.msk [tilespmem:v44+s14+$0x0], $0xffff  }
0x1c5: {  	v47 =	vld.idx.msk [tilespmem:v45+s15+$0x0], $0xffff  }
0x1c6: {  	s18 =	simm.s32 $0xB400;
	v55 =	vld [tilespmem:$0x10510]  }
0x1c7: {  	v7 =	vld.idx.msk [tilespmem:v44+s18+$0x0], $0xffff  }
0x1c8: {  	s23 =	simm.s32 $0xBC00;
	v56 =	vld [tilespmem:$0x10520]  }
0x1c9: {  	v8 =	vld.idx.msk [tilespmem:v45+s23+$0x0], $0xffff  }
0x1ca: {  	v58 =	vld [tilespmem:$0x10590];
	v9 =	vmul.f32 v47, v46  }
0x1cb: {  	v57 =	vld [tilespmem:$0x10580]  }
0x1cc: {  	v59 =	vld [tilespmem:$0x10600];
	v12 =	vmul.f32 v49, v7;
	v11 =	vmul.f32 v48, v9  }
0x1cd: {  	v61 =	vld [tilespmem:$0x10610];
	v15 =	vmul.f32 v52, v7;
	v23 =	vmul.f32 v55, v7  }
0x1ce: {  	v62 =	vld [tilespmem:$0x105A0];
	v60 =	vmul.f32 v50, v8;
	v14 =	vmul.f32 v51, v9;
	v11 =	vadd.f32 v12, v11  }
0x1cf: {  	v24 =	vld [tilespmem:$0x10620];
	v28 =	vmul.f32 v58, v7;
	v63 =	vmul.f32 v54, v9  }
0x1d0: {  	v25 =	vmul.f32 v53, v8;
	v14 =	vadd.f32 v15, v14;
	v11 =	vadd.f32 v60, v11  }
0x1d1: {  	v10 =	vmul.f32 v56, v8;
	v27 =	vmul.f32 v57, v9;
	v26 =	vadd.f32 v23, v63  }
0x1d2: {  	v7 =	vmul.f32 v61, v7;
	v9 =	vmul.f32 v59, v9;
	v14 =	vadd.f32 v25, v14;
	(xrf2) =	vadd.scan.msk.f32 $0xffff, v11  }
0x1d3: {  	v30 =	vmul.f32 v62, v8;
	v29 =	vadd.f32 v28, v27;
	v10 =	vadd.f32 v10, v26  }
0x1d4: {  	v8 =	vmul.f32 v24, v8;
	v7 =	vadd.f32 v7, v9;
	(xrf2) =	vadd.scan.msk.f32 $0xffff, v14  }
0x1d5: {  	v31 =	vadd.f32 v30, v29;
	(xrf2) =	vadd.scan.msk.f32 $0xffff, v10  }
0x1d6: {  	v7 =	vadd.f32 v8, v7  }
0x1d7: {  	(v2sf) =	vpush v5, $0xD;
	(xrf2) =	vadd.scan.msk.f32 $0xffff, v31  }
0x1d8: {  	(xrf2) =	vadd.scan.msk.f32 $0xffff, v7  }
0x1d9: {  	(v2sf) =	vpush v6, $0xD;
	_ =	sdelay $0x2  }
0x1da: {  	v32, _, _ =	vpop (xrf2)  }
0x1db: {  	s10 =	sadd.s32 $0xFFFFFFF6, s7;
	v7 =	vbroadcast v32, $0xF  }
0x1dc: {  	v35 =	vmov s10;
	v33, _, _ =	vpop (xrf2)  }
0x1dd: {  	v36 =	vshll.u32 v35, $0x3;
	v8 =	vbroadcast v33, $0xF;
	v34, _, _ =	vpop (xrf2);
	v7 =	vadd.f32 v7, v2  }
0x1de: {  	v11 =	vand.u32 $0xC00, v36;
	v9 =	vbroadcast v34, $0xF  }
0x1df: {  	v10 =	vand.u32 $0x75, v35;
	v37, _, _ =	vpop (xrf2);
	v8 =	vadd.f32 v8, v2;
	v7 =	vsel vm0, v7, v2  }
0x1e0: {  	v10 =	vor.u32 v11, v10;
	v12 =	vbroadcast v37, $0xF;
	v38, _, _ =	vpop (xrf2);
	v9 =	vadd.f32 v9, v7  }
0x1e1: {  	v10 =	vor.u32 v1, v10;
	v39 =	vbroadcast v38, $0xF;
	v7 =	vsel vm1, v7, v8  }
0x1e2: {  	v9 =	vsel vm2, v7, v9;
	v7 =	vadd.f32 v12, v7  }
0x1e3: {  	v8 =	vadd.f32 v39, v9  }
0x1e4: {  	s13 =	spop (v2sf);
	v7 =	vsel vm3, v9, v7  }
0x1e5: {  	s8 =	sand.u32 $0xFFFFF80, s13;
	v7 =	vsel vm4, v7, v8  }
0x1e6: {  	s11 =	simm.s32 $0xA400;
	s23 =	spop (v2sf);
	s15 =	sadd.s32 s0, s8;
	[tilespmem:v10+s25+$0x0] =	vst.idx.msk $0xffff, v7  }
0x1e7: {  	[tilespmem:s11], [sflag:$0x6] =	stream.strided.gather [hbm4b:s15+s17], $0x800, s16, s17, $0x38;
	[tilespmem:$0x12880] =	vst v63  }
0x1e8: {  	s11 =	sand.u32 $0xFFFFF80, s23  }
0x1e9: {  	s12 =	simm.s32 $0xAC00;
	s15 =	sadd.s32 s1, s11  }
0x1ea: {  	[tilespmem:s12], [sflag:$0x6] =	stream.strided.gather [hbm4b:s15+s17], $0x800, s16, s17, $0x38;
	[tilespmem:$0x12880] =	vst v63  }
0x1eb: {  	s18 =	simm.s32 $0xB400;
	s8 =	sadd.s32 s3, s8  }
0x1ec: {  	[tilespmem:s18], [sflag:$0x6] =	stream.strided.gather [hbm4b:s8+s17], $0x800, s16, s17, $0x38;
	[tilespmem:$0x12880] =	vst v63  }
0x1ed: {  	s14 =	simm.s32 $0xBC00;
	[dreg:$0x16] =	wrdreg s13;
	s18 =	sadd.s32 s4, s11  }
0x1ee: {  	[tilespmem:s14], [sflag:$0x6] =	stream.strided.gather [hbm4b:s18+s17], $0x800, s16, s17, $0x38;
	[tilespmem:$0x12880] =	vst v63  }
0x1ef: {  	_ =	swait.ge [sflag:s2], $0x800  }
0x1f0: {  	[sflag:s2] =	ssyncset.done $0x0  }
0x1f1: {  	[sflag:s2] =	ssyncadd.s32 $0xFFFFF800  }
0x1f2: {  	_ =	swait.ge [sflag:s2], $0x800  }
0x1f3: {  	[sflag:s2] =	ssyncset.done $0x0  }
0x1f4: {  	[sflag:s2] =	ssyncadd.s32 $0xFFFFF800  }
0x1f5: {  	_ =	swait.ge [sflag:s2], $0x800  }
0x1f6: {  	[sflag:s2] =	ssyncset.done $0x0  }
0x1f7: {  	[sflag:s2] =	ssyncadd.s32 $0xFFFFF800  }
0x1f8: {  	_ =	swait.ge [sflag:s2], $0x800  }
0x1f9: {  	(v2sf) =	vpush v5, $0x6  }
0x1fa: {  	(v2sf) =	vpush v6, $0x6;
	_ =	sdelay $0xb  }
0x1fb: {  	[sflag:s2] =	ssyncset.done $0x0  }
0x1fc: {  	[sflag:s2] =	ssyncadd.s32 $0xFFFFF800  }
0x1fd: {  	v44 =	vld [tilespmem:$0x10400];
	s10 =	spop (v2sf)  }
0x1fe: {  	v45 =	vld [tilespmem:$0x10410];
	s11 =	spop (v2sf);
	s8 =	sand.u32 $0x7F, s10  }
0x1ff: {  	v46 =	vld [tilespmem:$0x10420];
	s10 =	sand.u32 $0x7F, s11;
	v40 =	vor.u32 s8, v0  }
0x200: {  	v47 =	vld [tilespmem:$0x10480];
	v41 =	vor.u32 s10, v0  }
0x201: {  	v48 =	vld [tilespmem:$0x10490]  }
0x202: {  	v49 =	vld [tilespmem:$0x104A0]  }
0x203: {  	s12 =	simm.s32 $0xC400;
	v50 =	vld [tilespmem:$0x10500]  }
0x204: {  	s13 =	simm.s32 $0xCC00;
	v42 =	vld.idx.msk [tilespmem:v40+s12+$0x0], $0xffff  }
0x205: {  	v43 =	vld.idx.msk [tilespmem:v41+s13+$0x0], $0xffff  }
0x206: {  	s14 =	simm.s32 $0xD400;
	v51 =	vld [tilespmem:$0x10510]  }
0x207: {  	v7 =	vld.idx.msk [tilespmem:v40+s14+$0x0], $0xffff  }
0x208: {  	s15 =	simm.s32 $0xDC00;
	v52 =	vld [tilespmem:$0x10520]  }
0x209: {  	v8 =	vld.idx.msk [tilespmem:v41+s15+$0x0], $0xffff  }
0x20a: {  	v54 =	vld [tilespmem:$0x10590];
	v9 =	vmul.f32 v43, v42  }
0x20b: {  	v53 =	vld [tilespmem:$0x10580]  }
0x20c: {  	v55 =	vld [tilespmem:$0x10600];
	v12 =	vmul.f32 v45, v7;
	v11 =	vmul.f32 v44, v9  }
0x20d: {  	v57 =	vld [tilespmem:$0x10610];
	v15 =	vmul.f32 v48, v7;
	v60 =	vmul.f32 v51, v7  }
0x20e: {  	v58 =	vld [tilespmem:$0x105A0];
	v56 =	vmul.f32 v46, v8;
	v14 =	vmul.f32 v47, v9;
	v11 =	vadd.f32 v12, v11  }
0x20f: {  	v61 =	vld [tilespmem:$0x10620];
	v24 =	vmul.f32 v54, v7;
	v59 =	vmul.f32 v50, v9  }
0x210: {  	v62 =	vmul.f32 v49, v8;
	v14 =	vadd.f32 v15, v14;
	v11 =	vadd.f32 v56, v11  }
0x211: {  	v10 =	vmul.f32 v52, v8;
	v23 =	vmul.f32 v53, v9;
	v63 =	vadd.f32 v60, v59  }
0x212: {  	v7 =	vmul.f32 v57, v7;
	v9 =	vmul.f32 v55, v9;
	v14 =	vadd.f32 v62, v14;
	(xrf2) =	vadd.scan.msk.f32 $0xffff, v11  }
0x213: {  	v26 =	vmul.f32 v58, v8;
	v25 =	vadd.f32 v24, v23;
	v10 =	vadd.f32 v10, v63  }
0x214: {  	v8 =	vmul.f32 v61, v8;
	v7 =	vadd.f32 v7, v9;
	(xrf2) =	vadd.scan.msk.f32 $0xffff, v14  }
0x215: {  	v27 =	vadd.f32 v26, v25;
	(xrf2) =	vadd.scan.msk.f32 $0xffff, v10  }
0x216: {  	v7 =	vadd.f32 v8, v7  }
0x217: {  	(v2sf) =	vpush v5, $0xE;
	(xrf2) =	vadd.scan.msk.f32 $0xffff, v27  }
0x218: {  	(v2sf) =	vpush v6, $0xE;
	(xrf2) =	vadd.scan.msk.f32 $0xffff, v7;
	_ =	sdelay $0x3  }
0x219: {  	v28, _, _ =	vpop (xrf2)  }
0x21a: {  	s18 =	sadd.s32 $0xFFFFFFF7, s7;
	v7 =	vbroadcast v28, $0xF  }
0x21b: {  	v31 =	vmov s18;
	v29, _, _ =	vpop (xrf2)  }
0x21c: {  	v32 =	vshll.u32 v31, $0x3;
	v8 =	vbroadcast v29, $0xF;
	v30, _, _ =	vpop (xrf2);
	v7 =	vadd.f32 v7, v2  }
0x21d: {  	v11 =	vand.u32 $0xC00, v32;
	v9 =	vbroadcast v30, $0xF  }
0x21e: {  	v10 =	vand.u32 $0x76, v31;
	v33, _, _ =	vpop (xrf2);
	v8 =	vadd.f32 v8, v2;
	v7 =	vsel vm0, v7, v2  }
0x21f: {  	v10 =	vor.u32 v11, v10;
	v12 =	vbroadcast v33, $0xF;
	v34, _, _ =	vpop (xrf2);
	v9 =	vadd.f32 v9, v7  }
0x220: {  	v10 =	vor.u32 v1, v10;
	v35 =	vbroadcast v34, $0xF;
	v7 =	vsel vm1, v7, v8  }
0x221: {  	v9 =	vsel vm2, v7, v9;
	v7 =	vadd.f32 v12, v7  }
0x222: {  	v8 =	vadd.f32 v35, v9  }
0x223: {  	s10 =	spop (v2sf);
	v7 =	vsel vm3, v9, v7  }
0x224: {  	[dreg:$0x17] =	wrdreg s10;
	s8 =	sand.u32 $0xFFFFF80, s10;
	s10 =	spop (v2sf);
	v7 =	vsel vm4, v7, v8  }
0x225: {  	s11 =	simm.s32 $0xC400;
	s15 =	sadd.s32 s0, s8;
	s18 =	sand.u32 $0xFFFFF80, s10;
	[tilespmem:v10+s25+$0x0] =	vst.idx.msk $0xffff, v7  }
0x226: {  	[tilespmem:s11], [sflag:$0x7] =	stream.strided.gather [hbm4b:s15+s17], $0x800, s16, s17, $0x38;
	[tilespmem:$0x12880] =	vst v63  }
0x227: {  	s12 =	simm.s32 $0xCC00;
	s15 =	sadd.s32 s1, s18  }
0x228: {  	[tilespmem:s12], [sflag:$0x7] =	stream.strided.gather [hbm4b:s15+s17], $0x800, s16, s17, $0x38;
	[tilespmem:$0x12880] =	vst v63  }
0x229: {  	s13 =	simm.s32 $0xD400;
	s8 =	sadd.s32 s3, s8  }
0x22a: {  	[tilespmem:s13], [sflag:$0x7] =	stream.strided.gather [hbm4b:s8+s17], $0x800, s16, s17, $0x38;
	[tilespmem:$0x12880] =	vst v63  }
0x22b: {  	s14 =	simm.s32 $0xDC00;
	s13 =	sadd.s32 s4, s18  }
0x22c: {  	[tilespmem:s14], [sflag:$0x7] =	stream.strided.gather [hbm4b:s13+s17], $0x800, s16, s17, $0x38;
	[tilespmem:$0x12880] =	vst v63  }
0x22d: {  	_ =	swait.ge [sflag:s6], $0x800  }
0x22e: {  	[sflag:s6] =	ssyncset.done $0x0  }
0x22f: {  	[sflag:s6] =	ssyncadd.s32 $0xFFFFF800  }
0x230: {  	_ =	swait.ge [sflag:s6], $0x800  }
0x231: {  	[sflag:s6] =	ssyncset.done $0x0  }
0x232: {  	[sflag:s6] =	ssyncadd.s32 $0xFFFFF800  }
0x233: {  	_ =	swait.ge [sflag:s6], $0x800  }
0x234: {  	[sflag:s6] =	ssyncset.done $0x0  }
0x235: {  	[sflag:s6] =	ssyncadd.s32 $0xFFFFF800  }
0x236: {  	_ =	swait.ge [sflag:s6], $0x800  }
0x237: {  	(v2sf) =	vpush v5, $0x7  }
0x238: {  	(v2sf) =	vpush v6, $0x7;
	_ =	sdelay $0xb  }
0x239: {  	[sflag:s6] =	ssyncset.done $0x0  }
0x23a: {  	[sflag:s6] =	ssyncadd.s32 $0xFFFFF800  }
0x23b: {  	v40 =	vld [tilespmem:$0x10400];
	s15 =	spop (v2sf)  }
0x23c: {  	v41 =	vld [tilespmem:$0x10410];
	s18 =	spop (v2sf);
	s8 =	sand.u32 $0x7F, s15  }
0x23d: {  	v42 =	vld [tilespmem:$0x10420];
	s11 =	sand.u32 $0x7F, s18;
	v36 =	vor.u32 s8, v0  }
0x23e: {  	v43 =	vld [tilespmem:$0x10480];
	v37 =	vor.u32 s11, v0  }
0x23f: {  	v44 =	vld [tilespmem:$0x10490]  }
0x240: {  	v45 =	vld [tilespmem:$0x104A0]  }
0x241: {  	v46 =	vld [tilespmem:$0x10500];
	s11 =	simm.s32 $0xE400  }
0x242: {  	s12 =	simm.s32 $0xEC00;
	v38 =	vld.idx.msk [tilespmem:v36+s11+$0x0], $0xffff  }
0x243: {  	v39 =	vld.idx.msk [tilespmem:v37+s12+$0x0], $0xffff  }
0x244: {  	s14 =	simm.s32 $0xF400;
	v47 =	vld [tilespmem:$0x10510]  }
0x245: {  	v7 =	vld.idx.msk [tilespmem:v36+s14+$0x0], $0xffff  }
0x246: {  	v48 =	vld [tilespmem:$0x10520];
	s15 =	simm.s32 $0xFC00  }
0x247: {  	v8 =	vld.idx.msk [tilespmem:v37+s15+$0x0], $0xffff  }
0x248: {  	v50 =	vld [tilespmem:$0x10590];
	v9 =	vmul.f32 v39, v38  }
0x249: {  	v49 =	vld [tilespmem:$0x10580]  }
0x24a: {  	v51 =	vld [tilespmem:$0x10600];
	v12 =	vmul.f32 v41, v7;
	v11 =	vmul.f32 v40, v9  }
0x24b: {  	v53 =	vld [tilespmem:$0x10610];
	v15 =	vmul.f32 v44, v7;
	v56 =	vmul.f32 v47, v7  }
0x24c: {  	v54 =	vld [tilespmem:$0x105A0];
	v52 =	vmul.f32 v42, v8;
	v14 =	vmul.f32 v43, v9;
	v11 =	vadd.f32 v12, v11  }
0x24d: {  	v57 =	vld [tilespmem:$0x10620];
	v61 =	vmul.f32 v50, v7;
	v55 =	vmul.f32 v46, v9  }
0x24e: {  	v58 =	vmul.f32 v45, v8;
	v14 =	vadd.f32 v15, v14;
	v11 =	vadd.f32 v52, v11  }
0x24f: {  	v10 =	vmul.f32 v48, v8;
	v60 =	vmul.f32 v49, v9;
	v59 =	vadd.f32 v56, v55  }
0x250: {  	v7 =	vmul.f32 v53, v7;
	v9 =	vmul.f32 v51, v9;
	v14 =	vadd.f32 v58, v14;
	(xrf2) =	vadd.scan.msk.f32 $0xffff, v11  }
0x251: {  	v63 =	vmul.f32 v54, v8;
	v62 =	vadd.f32 v61, v60;
	v10 =	vadd.f32 v10, v59  }
0x252: {  	v8 =	vmul.f32 v57, v8;
	v7 =	vadd.f32 v7, v9;
	(xrf2) =	vadd.scan.msk.f32 $0xffff, v14  }
0x253: {  	v14 =	vadd.f32 v63, v62;
	(xrf2) =	vadd.scan.msk.f32 $0xffff, v10  }
0x254: {  	v7 =	vadd.f32 v8, v7  }
0x255: {  	(v2sf) =	vpush v5, $0xF;
	(xrf2) =	vadd.scan.msk.f32 $0xffff, v14  }
0x256: {  	(xrf2) =	vadd.scan.msk.f32 $0xffff, v7  }
0x257: {  	(v2sf) =	vpush v6, $0xF;
	_ =	sdelay $0x2  }
0x258: {  	v15, _, _ =	vpop (xrf2)  }
0x259: {  	s11 =	sadd.s32 $0xFFFFFFF8, s7;
	v5 =	vbroadcast v15, $0xF  }
0x25a: {  	v18 =	vmov s11;
	v16, _, _ =	vpop (xrf2)  }
0x25b: {  	v19 =	vshll.u32 v18, $0x3;
	v6 =	vbroadcast v16, $0xF;
	v17, _, _ =	vpop (xrf2);
	v5 =	vadd.f32 v5, v2  }
0x25c: {  	v9 =	vand.u32 $0xC00, v19;
	v7 =	vbroadcast v17, $0xF  }
0x25d: {  	v8 =	vand.u32 $0x77, v18;
	v20, _, _ =	vpop (xrf2);
	v6 =	vadd.f32 v6, v2;
	v5 =	vsel vm0, v5, v2  }
0x25e: {  	v8 =	vor.u32 v9, v8;
	v10 =	vbroadcast v20, $0xF;
	v21, _, _ =	vpop (xrf2);
	v7 =	vadd.f32 v7, v5  }
0x25f: {  	v8 =	vor.u32 v1, v8;
	v22 =	vbroadcast v21, $0xF;
	v5 =	vsel vm1, v5, v6  }
0x260: {  	v7 =	vsel vm2, v5, v7;
	v5 =	vadd.f32 v10, v5  }
0x261: {  	v6 =	vadd.f32 v22, v7  }
0x262: {  	s12 =	spop (v2sf);
	v5 =	vsel vm3, v7, v5  }
0x263: {  	s13 =	simm.s32 $0xE400;
	s11 =	sand.u32 $0xFFFFF80, s12;
	v5 =	vsel vm4, v5, v6  }
0x264: {  	[dreg:$0x18] =	wrdreg s12;
	s8 =	spop (v2sf);
	s12 =	sadd.s32 s0, s11;
	[tilespmem:v8+s25+$0x0] =	vst.idx.msk $0xffff, v5  }
0x265: {  	[tilespmem:s13], [sflag:$0x8] =	stream.strided.gather [hbm4b:s12+s17], $0x800, s16, s17, $0x38;
	[tilespmem:$0x12880] =	vst v63  }
0x266: {  	s12 =	sand.u32 $0xFFFFF80, s8  }
0x267: {  	s18 =	simm.s32 $0xEC00;
	s13 =	sadd.s32 s1, s12  }
0x268: {  	[tilespmem:s18], [sflag:$0x8] =	stream.strided.gather [hbm4b:s13+s17], $0x800, s16, s17, $0x38;
	[tilespmem:$0x12880] =	vst v63  }
0x269: {  	s14 =	simm.s32 $0xF400;
	s11 =	sadd.s32 s3, s11  }
0x26a: {  	[tilespmem:s14], [sflag:$0x8] =	stream.strided.gather [hbm4b:s11+s17], $0x800, s16, s17, $0x38;
	[tilespmem:$0x12880] =	vst v63  }
0x26b: {  	s15 =	simm.s32 $0xFC00;
	s18 =	sadd.s32 s4, s12  }
0x26c: {  	[tilespmem:s15], [sflag:$0x8] =	stream.strided.gather [hbm4b:s18+s17], $0x800, s16, s17, $0x38;
	[tilespmem:$0x12880] =	vst v63  }
0x26d: {  	_ =	swait.ge [sflag:s24], $0x800  }
0x26e: {  	[sflag:s24] =	ssyncset.done $0x0  }
0x26f: {  	[sflag:s24] =	ssyncadd.s32 $0xFFFFF800  }
0x270: {  	_ =	swait.ge [sflag:s24], $0x800  }
0x271: {  	[sflag:s24] =	ssyncset.done $0x0  }
0x272: {  	[sflag:s24] =	ssyncadd.s32 $0xFFFFF800  }
0x273: {  	s9 =	sand.u32 $0x7F, s9;
	_ =	swait.ge [sflag:s24], $0x800  }
0x274: {  	s5 =	sand.u32 $0x7F, s5;
	v23 =	vor.u32 s9, v0;
	[sflag:s24] =	ssyncset.done $0x0  }
0x275: {  	v24 =	vor.u32 s5, v0;
	[sflag:s24] =	ssyncadd.s32 $0xFFFFF800  }
0x276: {  	_ =	swait.ge [sflag:s24], $0x800  }
0x277: {  	[sflag:s24] =	ssyncset.done $0x0  }
0x278: {  	[sflag:s24] =	ssyncadd.s32 $0xFFFFF800  }
0x279: {  	s9 =	simm.s32 $0xC00;
	v25 =	vld.idx.msk [tilespmem:v23+s17+$0x0], $0xffff  }
0x27a: {  	s11 =	simm.s32 $0x1400;
	v26 =	vld.idx.msk [tilespmem:v24+s9+$0x0], $0xffff  }
0x27b: {  	s12 =	simm.s32 $0x1C00;
	v5 =	vld.idx.msk [tilespmem:v23+s11+$0x0], $0xffff  }
0x27c: {  	v6 =	vld.idx.msk [tilespmem:v24+s12+$0x0], $0xffff  }
0x27d: {  	v27 =	vld [tilespmem:$0x10400]  }
0x27e: {  	v28 =	vld [tilespmem:$0x10410]  }
0x27f: {  	v29 =	vld [tilespmem:$0x10420]  }
0x280: {  	v30 =	vld [tilespmem:$0x10480]  }
0x281: {  	v31 =	vld [tilespmem:$0x10490]  }
0x282: {  	v32 =	vld [tilespmem:$0x104A0]  }
0x283: {  	v33 =	vld [tilespmem:$0x10500]  }
0x284: {  	v34 =	vld [tilespmem:$0x10510]  }
0x285: {  	v35 =	vld [tilespmem:$0x10520]  }
0x286: {  	v36 =	vld [tilespmem:$0x10580];
	v7 =	vmul.f32 v26, v25  }
0x287: {  	v37 =	vld [tilespmem:$0x10590]  }
0x288: {  	v38 =	vld [tilespmem:$0x10600];
	v10 =	vmul.f32 v28, v5;
	v9 =	vmul.f32 v27, v7  }
0x289: {  	v40 =	vld [tilespmem:$0x10610];
	v39 =	vmul.f32 v29, v6;
	v13 =	vmul.f32 v31, v5  }
0x28a: {  	v41 =	vld [tilespmem:$0x105A0];
	v43 =	vmul.f32 v34, v5;
	v12 =	vmul.f32 v30, v7;
	v9 =	vadd.f32 v10, v9  }
0x28b: {  	v44 =	vld [tilespmem:$0x10620];
	v45 =	vmul.f32 v32, v6;
	v42 =	vmul.f32 v33, v7  }
0x28c: {  	v8 =	vmul.f32 v35, v6;
	v12 =	vadd.f32 v13, v12;
	v9 =	vadd.f32 v39, v9  }
0x28d: {  	v48 =	vmul.f32 v37, v5;
	v47 =	vmul.f32 v36, v7;
	v46 =	vadd.f32 v43, v42  }
0x28e: {  	v5 =	vmul.f32 v40, v5;
	v7 =	vmul.f32 v38, v7;
	v12 =	vadd.f32 v45, v12;
	(xrf2) =	vadd.scan.msk.f32 $0xffff, v9  }
0x28f: {  	v50 =	vmul.f32 v41, v6;
	v49 =	vadd.f32 v48, v47;
	v8 =	vadd.f32 v8, v46  }
0x290: {  	v6 =	vmul.f32 v44, v6;
	v5 =	vadd.f32 v5, v7;
	(xrf2) =	vadd.scan.msk.f32 $0xffff, v12  }
0x291: {  	v51 =	vadd.f32 v50, v49;
	(xrf2) =	vadd.scan.msk.f32 $0xffff, v8  }
0x292: {  	p0 =	seq.s32 s7, $0x1FF;
	v5 =	vadd.f32 v6, v5  }
0x293: {  	(v2sf) =	vpush @!p0 v4, $0x0;
	(xrf2) =	vadd.scan.msk.f32 $0xffff, v51  }
0x294: {  	(v2sf) =	vpush @!p0 v3, $0x0;
	(xrf2) =	vadd.scan.msk.f32 $0xffff, v5;
	_ =	sdelay $0x3  }
0x295: {  	v52, _, _ =	vpop (xrf2)  }
0x296: {  	s13 =	sadd.s32 $0xFFFFFFF9, s7;
	v5 =	vbroadcast v52, $0xF  }
0x297: {  	v55 =	vmov s13;
	v53, _, _ =	vpop (xrf2)  }
0x298: {  	v56 =	vshll.u32 v55, $0x3;
	v6 =	vbroadcast v53, $0xF;
	v54, _, _ =	vpop (xrf2);
	v5 =	vadd.f32 v5, v2  }
0x299: {  	v9 =	vand.u32 $0xC00, v56;
	v7 =	vbroadcast v54, $0xF  }
0x29a: {  	v8 =	vand.u32 $0x78, v55;
	v57, _, _ =	vpop (xrf2);
	v6 =	vadd.f32 v6, v2;
	v5 =	vsel vm0, v5, v2  }
0x29b: {  	v8 =	vor.u32 v9, v8;
	v10 =	vbroadcast v57, $0xF;
	v58, _, _ =	vpop (xrf2);
	v7 =	vadd.f32 v7, v5  }
0x29c: {  	v8 =	vor.u32 v1, v8;
	v59 =	vbroadcast v58, $0xF;
	v5 =	vsel vm1, v5, v6  }
0x29d: {  	v7 =	vsel vm2, v5, v7;
	v5 =	vadd.f32 v10, v5  }
0x29e: {  	v6 =	vadd.f32 v59, v7  }
0x29f: {  	s5 =	spop @!p0 (v2sf);
	v5 =	vsel vm3, v7, v5  }
0x2a0: {  	s9 =	simm.s32 @!p0 $0x400;
	s11 =	sand.u32 @!p0 $0xFFFFF80, s5;
	s12 =	spop @!p0 (v2sf);
	v5 =	vsel vm4, v5, v6  }
0x2a1: {  	s5 =	simm.s32 @!p0 $0x7A1400;
	s13 =	sadd.s32 @!p0 s0, s11;
	s12 =	sand.u32 @!p0 $0xFFFFF80, s12;
	[tilespmem:v8+s25+$0x0] =	vst.idx.msk $0xffff, v5  }
0x2a2: {  	[tilespmem:s9], [sflag:$0x1] =	stream.strided.gather @!p0 [hbm4b:s13+s9], $0x800, s5, s9, $0x38;
	[tilespmem:$0x12880] =	vst v63  }
0x2a3: {  	s18 =	simm.s32 @!p0 $0xC00;
	s13 =	sadd.s32 @!p0 s1, s12  }
0x2a4: {  	[tilespmem:s18], [sflag:$0x1] =	stream.strided.gather @!p0 [hbm4b:s13+s9], $0x800, s5, s9, $0x38;
	[tilespmem:$0x12880] =	vst v63  }
0x2a5: {  	s11 =	sadd.s32 @!p0 s3, s11;
	s13 =	simm.s32 @!p0 $0x1400  }
0x2a6: {  	[tilespmem:s13], [sflag:$0x1] =	stream.strided.gather @!p0 [hbm4b:s11+s9], $0x800, s5, s9, $0x38;
	[tilespmem:$0x12880] =	vst v63  }
0x2a7: {  	s11 =	sadd.s32 @!p0 s4, s12;
	s12 =	simm.s32 @!p0 $0x1C00  }
0x2a8: {  	[tilespmem:s12], [sflag:$0x1] =	stream.strided.gather @!p0 [hbm4b:s11+s9], $0x800, s5, s9, $0x38;
	[tilespmem:$0x12880] =	vst v63  }
0x2a9: {  	_ =	swait.ge [sflag:s26], $0x800  }
0x2aa: {  	[sflag:s26] =	ssyncset.done $0x0  }
0x2ab: {  	[sflag:s26] =	ssyncadd.s32 $0xFFFFF800  }
0x2ac: {  	_ =	swait.ge [sflag:s26], $0x800  }
0x2ad: {  	[sflag:s26] =	ssyncset.done $0x0  }
0x2ae: {  	[sflag:s26] =	ssyncadd.s32 $0xFFFFF800  }
0x2af: {  	s18 =	sand.u32 $0x7F, s19;
	_ =	swait.ge [sflag:s26], $0x800  }
0x2b0: {  	v61 =	vor.u32 s18, v0;
	[sflag:s26] =	ssyncset.done $0x0  }
0x2b1: {  	[sflag:s26] =	ssyncadd.s32 $0xFFFFF800  }
0x2b2: {  	s15 =	rddreg [dreg:$0x12];
	_ =	swait.ge [sflag:s26], $0x800  }
0x2b3: {  	[sflag:s26] =	ssyncset.done $0x0  }
0x2b4: {  	s12 =	simm.s32 $0x2C00;
	[sflag:s26] =	ssyncadd.s32 $0xFFFFF800  }
0x2b5: {  	s11 =	sand.u32 $0x7F, s15;
	s15 =	simm.s32 $0x3C00;
	v63 =	vld.idx.msk [tilespmem:v61+s12+$0x0], $0xffff  }
0x2b6: {  	v6 =	vld.idx.msk [tilespmem:v61+s15+$0x0], $0xffff  }
0x2b7: {  	v20 =	vld [tilespmem:$0x10400]  }
0x2b8: {  	v60 =	vor.u32 s11, v0;
	v21 =	vld [tilespmem:$0x10410]  }
0x2b9: {  	v22 =	vld [tilespmem:$0x10420]  }
0x2ba: {  	v23 =	vld [tilespmem:$0x10480]  }
0x2bb: {  	v24 =	vld [tilespmem:$0x10490]  }
0x2bc: {  	s19 =	simm.s32 $0x2400;
	v25 =	vld [tilespmem:$0x104A0]  }
0x2bd: {  	v62 =	vld.idx.msk [tilespmem:v60+s19+$0x0], $0xffff  }
0x2be: {  	s13 =	simm.s32 $0x3400;
	v26 =	vld [tilespmem:$0x10500]  }
0x2bf: {  	v5 =	vld.idx.msk [tilespmem:v60+s13+$0x0], $0xffff  }
0x2c0: {  	v27 =	vld [tilespmem:$0x10510]  }
0x2c1: {  	v28 =	vld [tilespmem:$0x10520]  }
0x2c2: {  	v29 =	vld [tilespmem:$0x10580];
	v7 =	vmul.f32 v63, v62  }
0x2c3: {  	v30 =	vld [tilespmem:$0x10590]  }
0x2c4: {  	v31 =	vld [tilespmem:$0x10600];
	v10 =	vmul.f32 v21, v5;
	v9 =	vmul.f32 v20, v7  }
0x2c5: {  	v33 =	vld [tilespmem:$0x10610];
	v32 =	vmul.f32 v22, v6;
	v38 =	vmul.f32 v25, v6  }
0x2c6: {  	v34 =	vld [tilespmem:$0x105A0];
	v13 =	vmul.f32 v24, v5;
	v12 =	vmul.f32 v23, v7;
	v9 =	vadd.f32 v10, v9  }
0x2c7: {  	v37 =	vld [tilespmem:$0x10620];
	v36 =	vmul.f32 v27, v5;
	v35 =	vmul.f32 v26, v7  }
0x2c8: {  	v8 =	vmul.f32 v28, v6;
	v12 =	vadd.f32 v13, v12;
	v9 =	vadd.f32 v32, v9  }
0x2c9: {  	v41 =	vmul.f32 v30, v5;
	v40 =	vmul.f32 v29, v7;
	v39 =	vadd.f32 v36, v35  }
0x2ca: {  	v5 =	vmul.f32 v33, v5;
	v7 =	vmul.f32 v31, v7;
	v12 =	vadd.f32 v38, v12;
	(xrf2) =	vadd.scan.msk.f32 $0xffff, v9  }
0x2cb: {  	v43 =	vmul.f32 v34, v6;
	v42 =	vadd.f32 v41, v40;
	v8 =	vadd.f32 v8, v39  }
0x2cc: {  	v6 =	vmul.f32 v37, v6;
	v5 =	vadd.f32 v5, v7;
	(xrf2) =	vadd.scan.msk.f32 $0xffff, v12  }
0x2cd: {  	v44 =	vadd.f32 v43, v42;
	(xrf2) =	vadd.scan.msk.f32 $0xffff, v8  }
0x2ce: {  	v5 =	vadd.f32 v6, v5  }
0x2cf: {  	(v2sf) =	vpush @!p0 v4, $0x1;
	(xrf2) =	vadd.scan.msk.f32 $0xffff, v44  }
0x2d0: {  	(v2sf) =	vpush @!p0 v3, $0x1;
	(xrf2) =	vadd.scan.msk.f32 $0xffff, v5;
	_ =	sdelay $0x3  }
0x2d1: {  	v45, _, _ =	vpop (xrf2)  }
0x2d2: {  	s18 =	sadd.s32 $0xFFFFFFFA, s7;
	v5 =	vbroadcast v45, $0xF  }
0x2d3: {  	v48 =	vmov s18;
	v46, _, _ =	vpop (xrf2)  }
0x2d4: {  	v49 =	vshll.u32 v48, $0x3;
	v6 =	vbroadcast v46, $0xF;
	v47, _, _ =	vpop (xrf2);
	v5 =	vadd.f32 v5, v2  }
0x2d5: {  	v9 =	vand.u32 $0xC00, v49;
	v7 =	vbroadcast v47, $0xF  }
0x2d6: {  	v8 =	vand.u32 $0x79, v48;
	v50, _, _ =	vpop (xrf2);
	v6 =	vadd.f32 v6, v2;
	v5 =	vsel vm0, v5, v2  }
0x2d7: {  	v8 =	vor.u32 v9, v8;
	v10 =	vbroadcast v50, $0xF;
	v51, _, _ =	vpop (xrf2);
	v7 =	vadd.f32 v7, v5  }
0x2d8: {  	v8 =	vor.u32 v1, v8;
	v52 =	vbroadcast v51, $0xF;
	v5 =	vsel vm1, v5, v6  }
0x2d9: {  	v7 =	vsel vm2, v5, v7;
	v5 =	vadd.f32 v10, v5  }
0x2da: {  	v6 =	vadd.f32 v52, v7  }
0x2db: {  	s11 =	spop @!p0 (v2sf);
	v5 =	vsel vm3, v7, v5  }
0x2dc: {  	s11 =	sand.u32 @!p0 $0xFFFFF80, s11;
	s12 =	spop @!p0 (v2sf);
	v5 =	vsel vm4, v5, v6  }
0x2dd: {  	s18 =	simm.s32 @!p0 $0x2400;
	s13 =	sadd.s32 @!p0 s0, s11;
	s12 =	sand.u32 @!p0 $0xFFFFF80, s12;
	[tilespmem:v8+s25+$0x0] =	vst.idx.msk $0xffff, v5  }
0x2de: {  	[tilespmem:s18], [sflag:$0x2] =	stream.strided.gather @!p0 [hbm4b:s13+s9], $0x800, s5, s9, $0x38;
	[tilespmem:$0x12880] =	vst v63  }
0x2df: {  	s13 =	sadd.s32 @!p0 s1, s12;
	s18 =	simm.s32 @!p0 $0x2C00  }
0x2e0: {  	[tilespmem:s18], [sflag:$0x2] =	stream.strided.gather @!p0 [hbm4b:s13+s9], $0x800, s5, s9, $0x38;
	[tilespmem:$0x12880] =	vst v63  }
0x2e1: {  	s11 =	sadd.s32 @!p0 s3, s11;
	s13 =	simm.s32 @!p0 $0x3400  }
0x2e2: {  	[tilespmem:s13], [sflag:$0x2] =	stream.strided.gather @!p0 [hbm4b:s11+s9], $0x800, s5, s9, $0x38;
	[tilespmem:$0x12880] =	vst v63  }
0x2e3: {  	s11 =	sadd.s32 @!p0 s4, s12;
	s12 =	simm.s32 @!p0 $0x3C00  }
0x2e4: {  	[tilespmem:s12], [sflag:$0x2] =	stream.strided.gather @!p0 [hbm4b:s11+s9], $0x800, s5, s9, $0x38;
	[tilespmem:$0x12880] =	vst v63  }
0x2e5: {  	_ =	swait.ge [sflag:s28], $0x800  }
0x2e6: {  	[sflag:s28] =	ssyncset.done $0x0  }
0x2e7: {  	[sflag:s28] =	ssyncadd.s32 $0xFFFFF800  }
0x2e8: {  	_ =	swait.ge [sflag:s28], $0x800  }
0x2e9: {  	[sflag:s28] =	ssyncset.done $0x0  }
0x2ea: {  	[sflag:s28] =	ssyncadd.s32 $0xFFFFF800  }
0x2eb: {  	s13 =	sand.u32 $0x7F, s20;
	_ =	swait.ge [sflag:s28], $0x800  }
0x2ec: {  	v54 =	vor.u32 s13, v0;
	[sflag:s28] =	ssyncset.done $0x0  }
0x2ed: {  	[sflag:s28] =	ssyncadd.s32 $0xFFFFF800  }
0x2ee: {  	s12 =	rddreg [dreg:$0x13];
	_ =	swait.ge [sflag:s28], $0x800  }
0x2ef: {  	[sflag:s28] =	ssyncset.done $0x0  }
0x2f0: {  	s15 =	simm.s32 $0x4C00;
	[sflag:s28] =	ssyncadd.s32 $0xFFFFF800  }
0x2f1: {  	s11 =	sand.u32 $0x7F, s12;
	s12 =	simm.s32 $0x5C00;
	v56 =	vld.idx.msk [tilespmem:v54+s15+$0x0], $0xffff  }
0x2f2: {  	v6 =	vld.idx.msk [tilespmem:v54+s12+$0x0], $0xffff  }
0x2f3: {  	v57 =	vld [tilespmem:$0x10400]  }
0x2f4: {  	v53 =	vor.u32 s11, v0;
	v58 =	vld [tilespmem:$0x10410]  }
0x2f5: {  	v59 =	vld [tilespmem:$0x10420]  }
0x2f6: {  	v60 =	vld [tilespmem:$0x10480]  }
0x2f7: {  	v61 =	vld [tilespmem:$0x10490]  }
0x2f8: {  	s20 =	simm.s32 $0x4400;
	v62 =	vld [tilespmem:$0x104A0]  }
0x2f9: {  	v55 =	vld.idx.msk [tilespmem:v53+s20+$0x0], $0xffff  }
0x2fa: {  	s18 =	simm.s32 $0x5400;
	v63 =	vld [tilespmem:$0x10500]  }
0x2fb: {  	v5 =	vld.idx.msk [tilespmem:v53+s18+$0x0], $0xffff  }
0x2fc: {  	v24 =	vld [tilespmem:$0x10510]  }
0x2fd: {  	v25 =	vld [tilespmem:$0x10520]  }
0x2fe: {  	v26 =	vld [tilespmem:$0x10580];
	v7 =	vmul.f32 v56, v55  }
0x2ff: {  	v27 =	vld [tilespmem:$0x10590]  }
0x300: {  	v28 =	vld [tilespmem:$0x10600];
	v10 =	vmul.f32 v58, v5;
	v9 =	vmul.f32 v57, v7  }
0x301: {  	v30 =	vld [tilespmem:$0x10610];
	v29 =	vmul.f32 v59, v6;
	v35 =	vmul.f32 v62, v6  }
0x302: {  	v31 =	vld [tilespmem:$0x105A0];
	v13 =	vmul.f32 v61, v5;
	v12 =	vmul.f32 v60, v7;
	v9 =	vadd.f32 v10, v9  }
0x303: {  	v34 =	vld [tilespmem:$0x10620];
	v33 =	vmul.f32 v24, v5;
	v32 =	vmul.f32 v63, v7  }
0x304: {  	v8 =	vmul.f32 v25, v6;
	v12 =	vadd.f32 v13, v12;
	v9 =	vadd.f32 v29, v9  }
0x305: {  	v38 =	vmul.f32 v27, v5;
	v37 =	vmul.f32 v26, v7;
	v36 =	vadd.f32 v33, v32  }
0x306: {  	v5 =	vmul.f32 v30, v5;
	v7 =	vmul.f32 v28, v7;
	v12 =	vadd.f32 v35, v12;
	(xrf2) =	vadd.scan.msk.f32 $0xffff, v9  }
0x307: {  	v40 =	vmul.f32 v31, v6;
	v39 =	vadd.f32 v38, v37;
	v8 =	vadd.f32 v8, v36  }
0x308: {  	v6 =	vmul.f32 v34, v6;
	v5 =	vadd.f32 v5, v7;
	(xrf2) =	vadd.scan.msk.f32 $0xffff, v12  }
0x309: {  	v41 =	vadd.f32 v40, v39;
	(xrf2) =	vadd.scan.msk.f32 $0xffff, v8  }
0x30a: {  	v5 =	vadd.f32 v6, v5  }
0x30b: {  	(v2sf) =	vpush @!p0 v4, $0x2;
	(xrf2) =	vadd.scan.msk.f32 $0xffff, v41  }
0x30c: {  	(v2sf) =	vpush @!p0 v3, $0x2;
	(xrf2) =	vadd.scan.msk.f32 $0xffff, v5;
	_ =	sdelay $0x3  }
0x30d: {  	v42, _, _ =	vpop (xrf2)  }
0x30e: {  	s13 =	sadd.s32 $0xFFFFFFFB, s7;
	v5 =	vbroadcast v42, $0xF  }
0x30f: {  	v45 =	vmov s13;
	v43, _, _ =	vpop (xrf2)  }
0x310: {  	v46 =	vshll.u32 v45, $0x3;
	v6 =	vbroadcast v43, $0xF;
	v44, _, _ =	vpop (xrf2);
	v5 =	vadd.f32 v5, v2  }
0x311: {  	v9 =	vand.u32 $0xC00, v46;
	v7 =	vbroadcast v44, $0xF  }
0x312: {  	v8 =	vand.u32 $0x7A, v45;
	v47, _, _ =	vpop (xrf2);
	v6 =	vadd.f32 v6, v2;
	v5 =	vsel vm0, v5, v2  }
0x313: {  	v8 =	vor.u32 v9, v8;
	v10 =	vbroadcast v47, $0xF;
	v48, _, _ =	vpop (xrf2);
	v7 =	vadd.f32 v7, v5  }
0x314: {  	v8 =	vor.u32 v1, v8;
	v49 =	vbroadcast v48, $0xF;
	v5 =	vsel vm1, v5, v6  }
0x315: {  	v7 =	vsel vm2, v5, v7;
	v5 =	vadd.f32 v10, v5  }
0x316: {  	v6 =	vadd.f32 v49, v7  }
0x317: {  	s11 =	spop @!p0 (v2sf);
	v5 =	vsel vm3, v7, v5  }
0x318: {  	s11 =	sand.u32 @!p0 $0xFFFFF80, s11;
	s12 =	spop @!p0 (v2sf);
	v5 =	vsel vm4, v5, v6  }
0x319: {  	s18 =	simm.s32 @!p0 $0x4400;
	s13 =	sadd.s32 @!p0 s0, s11;
	s12 =	sand.u32 @!p0 $0xFFFFF80, s12;
	[tilespmem:v8+s25+$0x0] =	vst.idx.msk $0xffff, v5  }
0x31a: {  	[tilespmem:s18], [sflag:$0x3] =	stream.strided.gather @!p0 [hbm4b:s13+s9], $0x800, s5, s9, $0x38;
	[tilespmem:$0x12880] =	vst v63  }
0x31b: {  	s13 =	sadd.s32 @!p0 s1, s12;
	s18 =	simm.s32 @!p0 $0x4C00  }
0x31c: {  	[tilespmem:s18], [sflag:$0x3] =	stream.strided.gather @!p0 [hbm4b:s13+s9], $0x800, s5, s9, $0x38;
	[tilespmem:$0x12880] =	vst v63  }
0x31d: {  	s11 =	sadd.s32 @!p0 s3, s11;
	s13 =	simm.s32 @!p0 $0x5400  }
0x31e: {  	[tilespmem:s13], [sflag:$0x3] =	stream.strided.gather @!p0 [hbm4b:s11+s9], $0x800, s5, s9, $0x38;
	[tilespmem:$0x12880] =	vst v63  }
0x31f: {  	s11 =	sadd.s32 @!p0 s4, s12;
	s12 =	simm.s32 @!p0 $0x5C00  }
0x320: {  	[tilespmem:s12], [sflag:$0x3] =	stream.strided.gather @!p0 [hbm4b:s11+s9], $0x800, s5, s9, $0x38;
	[tilespmem:$0x12880] =	vst v63  }
0x321: {  	_ =	swait.ge [sflag:s29], $0x800  }
0x322: {  	[sflag:s29] =	ssyncset.done $0x0  }
0x323: {  	[sflag:s29] =	ssyncadd.s32 $0xFFFFF800  }
0x324: {  	_ =	swait.ge [sflag:s29], $0x800  }
0x325: {  	[sflag:s29] =	ssyncset.done $0x0  }
0x326: {  	[sflag:s29] =	ssyncadd.s32 $0xFFFFF800  }
0x327: {  	s18 =	sand.u32 $0x7F, s21;
	_ =	swait.ge [sflag:s29], $0x800  }
0x328: {  	v51 =	vor.u32 s18, v0;
	[sflag:s29] =	ssyncset.done $0x0  }
0x329: {  	[sflag:s29] =	ssyncadd.s32 $0xFFFFF800  }
0x32a: {  	s15 =	rddreg [dreg:$0x14];
	_ =	swait.ge [sflag:s29], $0x800  }
0x32b: {  	[sflag:s29] =	ssyncset.done $0x0  }
0x32c: {  	s11 =	sand.u32 $0x7F, s15;
	s15 =	simm.s32 $0x6C00;
	[sflag:s29] =	ssyncadd.s32 $0xFFFFF800  }
0x32d: {  	s12 =	simm.s32 $0x7C00;
	v53 =	vld.idx.msk [tilespmem:v51+s15+$0x0], $0xffff  }
0x32e: {  	v6 =	vld.idx.msk [tilespmem:v51+s12+$0x0], $0xffff  }
0x32f: {  	v54 =	vld [tilespmem:$0x10400]  }
0x330: {  	v50 =	vor.u32 s11, v0;
	v55 =	vld [tilespmem:$0x10410]  }
0x331: {  	v56 =	vld [tilespmem:$0x10420]  }
0x332: {  	v57 =	vld [tilespmem:$0x10480]  }
0x333: {  	v58 =	vld [tilespmem:$0x10490]  }
0x334: {  	s13 =	simm.s32 $0x6400;
	v59 =	vld [tilespmem:$0x104A0]  }
0x335: {  	v52 =	vld.idx.msk [tilespmem:v50+s13+$0x0], $0xffff  }
0x336: {  	s18 =	simm.s32 $0x7400;
	v60 =	vld [tilespmem:$0x10500]  }
0x337: {  	v5 =	vld.idx.msk [tilespmem:v50+s18+$0x0], $0xffff  }
0x338: {  	v61 =	vld [tilespmem:$0x10510]  }
0x339: {  	v62 =	vld [tilespmem:$0x10520]  }
0x33a: {  	v63 =	vld [tilespmem:$0x10580];
	v7 =	vmul.f32 v53, v52  }
0x33b: {  	v24 =	vld [tilespmem:$0x10590]  }
0x33c: {  	v25 =	vld [tilespmem:$0x10600];
	v10 =	vmul.f32 v55, v5;
	v9 =	vmul.f32 v54, v7  }
0x33d: {  	v27 =	vld [tilespmem:$0x10610];
	v26 =	vmul.f32 v56, v6;
	v32 =	vmul.f32 v59, v6  }
0x33e: {  	v28 =	vld [tilespmem:$0x105A0];
	v13 =	vmul.f32 v58, v5;
	v12 =	vmul.f32 v57, v7;
	v9 =	vadd.f32 v10, v9  }
0x33f: {  	v31 =	vld [tilespmem:$0x10620];
	v30 =	vmul.f32 v61, v5;
	v29 =	vmul.f32 v60, v7  }
0x340: {  	v8 =	vmul.f32 v62, v6;
	v12 =	vadd.f32 v13, v12;
	v9 =	vadd.f32 v26, v9  }
0x341: {  	v35 =	vmul.f32 v24, v5;
	v34 =	vmul.f32 v63, v7;
	v33 =	vadd.f32 v30, v29  }
0x342: {  	v5 =	vmul.f32 v27, v5;
	v7 =	vmul.f32 v25, v7;
	v12 =	vadd.f32 v32, v12;
	(xrf2) =	vadd.scan.msk.f32 $0xffff, v9  }
0x343: {  	v37 =	vmul.f32 v28, v6;
	v36 =	vadd.f32 v35, v34;
	v8 =	vadd.f32 v8, v33  }
0x344: {  	v6 =	vmul.f32 v31, v6;
	v5 =	vadd.f32 v5, v7;
	(xrf2) =	vadd.scan.msk.f32 $0xffff, v12  }
0x345: {  	v38 =	vadd.f32 v37, v36;
	(xrf2) =	vadd.scan.msk.f32 $0xffff, v8  }
0x346: {  	v5 =	vadd.f32 v6, v5  }
0x347: {  	(v2sf) =	vpush @!p0 v4, $0x3;
	(xrf2) =	vadd.scan.msk.f32 $0xffff, v38  }
0x348: {  	(v2sf) =	vpush @!p0 v3, $0x3;
	(xrf2) =	vadd.scan.msk.f32 $0xffff, v5;
	_ =	sdelay $0x3  }
0x349: {  	v39, _, _ =	vpop (xrf2)  }
0x34a: {  	s13 =	sadd.s32 $0xFFFFFFFC, s7;
	v5 =	vbroadcast v39, $0xF  }
0x34b: {  	v42 =	vmov s13;
	v40, _, _ =	vpop (xrf2)  }
0x34c: {  	v43 =	vshll.u32 v42, $0x3;
	v6 =	vbroadcast v40, $0xF;
	v41, _, _ =	vpop (xrf2);
	v5 =	vadd.f32 v5, v2  }
0x34d: {  	v9 =	vand.u32 $0xC00, v43;
	v7 =	vbroadcast v41, $0xF  }
0x34e: {  	v8 =	vand.u32 $0x7B, v42;
	v44, _, _ =	vpop (xrf2);
	v6 =	vadd.f32 v6, v2;
	v5 =	vsel vm0, v5, v2  }
0x34f: {  	v8 =	vor.u32 v9, v8;
	v10 =	vbroadcast v44, $0xF;
	v45, _, _ =	vpop (xrf2);
	v7 =	vadd.f32 v7, v5  }
0x350: {  	v8 =	vor.u32 v1, v8;
	v46 =	vbroadcast v45, $0xF;
	v5 =	vsel vm1, v5, v6  }
0x351: {  	v7 =	vsel vm2, v5, v7;
	v5 =	vadd.f32 v10, v5  }
0x352: {  	v6 =	vadd.f32 v46, v7  }
0x353: {  	s11 =	spop @!p0 (v2sf);
	v5 =	vsel vm3, v7, v5  }
0x354: {  	s11 =	sand.u32 @!p0 $0xFFFFF80, s11;
	s12 =	spop @!p0 (v2sf);
	v5 =	vsel vm4, v5, v6  }
0x355: {  	s18 =	simm.s32 @!p0 $0x6400;
	s13 =	sadd.s32 @!p0 s0, s11;
	s12 =	sand.u32 @!p0 $0xFFFFF80, s12;
	[tilespmem:v8+s25+$0x0] =	vst.idx.msk $0xffff, v5  }
0x356: {  	[tilespmem:s18], [sflag:$0x4] =	stream.strided.gather @!p0 [hbm4b:s13+s9], $0x800, s5, s9, $0x38;
	[tilespmem:$0x12880] =	vst v63  }
0x357: {  	s13 =	sadd.s32 @!p0 s1, s12;
	s18 =	simm.s32 @!p0 $0x6C00  }
0x358: {  	[tilespmem:s18], [sflag:$0x4] =	stream.strided.gather @!p0 [hbm4b:s13+s9], $0x800, s5, s9, $0x38;
	[tilespmem:$0x12880] =	vst v63  }
0x359: {  	s11 =	sadd.s32 @!p0 s3, s11;
	s13 =	simm.s32 @!p0 $0x7400  }
0x35a: {  	[tilespmem:s13], [sflag:$0x4] =	stream.strided.gather @!p0 [hbm4b:s11+s9], $0x800, s5, s9, $0x38;
	[tilespmem:$0x12880] =	vst v63  }
0x35b: {  	s11 =	sadd.s32 @!p0 s4, s12;
	s12 =	simm.s32 @!p0 $0x7C00  }
0x35c: {  	[tilespmem:s12], [sflag:$0x4] =	stream.strided.gather @!p0 [hbm4b:s11+s9], $0x800, s5, s9, $0x38;
	[tilespmem:$0x12880] =	vst v63  }
0x35d: {  	_ =	swait.ge [sflag:s30], $0x800  }
0x35e: {  	[sflag:s30] =	ssyncset.done $0x0  }
0x35f: {  	[sflag:s30] =	ssyncadd.s32 $0xFFFFF800  }
0x360: {  	_ =	swait.ge [sflag:s30], $0x800  }
0x361: {  	[sflag:s30] =	ssyncset.done $0x0  }
0x362: {  	[sflag:s30] =	ssyncadd.s32 $0xFFFFF800  }
0x363: {  	s18 =	sand.u32 $0x7F, s22;
	_ =	swait.ge [sflag:s30], $0x800  }
0x364: {  	v48 =	vor.u32 s18, v0;
	[sflag:s30] =	ssyncset.done $0x0  }
0x365: {  	[sflag:s30] =	ssyncadd.s32 $0xFFFFF800  }
0x366: {  	s15 =	rddreg [dreg:$0x15];
	_ =	swait.ge [sflag:s30], $0x800  }
0x367: {  	[sflag:s30] =	ssyncset.done $0x0  }
0x368: {  	s11 =	sand.u32 $0x7F, s15;
	s15 =	simm.s32 $0x8C00;
	[sflag:s30] =	ssyncadd.s32 $0xFFFFF800  }
0x369: {  	s12 =	simm.s32 $0x9C00;
	v50 =	vld.idx.msk [tilespmem:v48+s15+$0x0], $0xffff  }
0x36a: {  	v6 =	vld.idx.msk [tilespmem:v48+s12+$0x0], $0xffff  }
0x36b: {  	v51 =	vld [tilespmem:$0x10400]  }
0x36c: {  	v47 =	vor.u32 s11, v0;
	v52 =	vld [tilespmem:$0x10410]  }
0x36d: {  	v53 =	vld [tilespmem:$0x10420]  }
0x36e: {  	v54 =	vld [tilespmem:$0x10480]  }
0x36f: {  	v55 =	vld [tilespmem:$0x10490]  }
0x370: {  	s13 =	simm.s32 $0x8400;
	v56 =	vld [tilespmem:$0x104A0]  }
0x371: {  	v49 =	vld.idx.msk [tilespmem:v47+s13+$0x0], $0xffff  }
0x372: {  	s18 =	simm.s32 $0x9400;
	v57 =	vld [tilespmem:$0x10500]  }
0x373: {  	v5 =	vld.idx.msk [tilespmem:v47+s18+$0x0], $0xffff  }
0x374: {  	v58 =	vld [tilespmem:$0x10510]  }
0x375: {  	v59 =	vld [tilespmem:$0x10520]  }
0x376: {  	v60 =	vld [tilespmem:$0x10580];
	v7 =	vmul.f32 v50, v49  }
0x377: {  	v61 =	vld [tilespmem:$0x10590]  }
0x378: {  	v62 =	vld [tilespmem:$0x10600];
	v10 =	vmul.f32 v52, v5;
	v9 =	vmul.f32 v51, v7  }
0x379: {  	v24 =	vld [tilespmem:$0x10610];
	v63 =	vmul.f32 v53, v6;
	v29 =	vmul.f32 v56, v6  }
0x37a: {  	v25 =	vld [tilespmem:$0x105A0];
	v13 =	vmul.f32 v55, v5;
	v12 =	vmul.f32 v54, v7;
	v9 =	vadd.f32 v10, v9  }
0x37b: {  	v28 =	vld [tilespmem:$0x10620];
	v27 =	vmul.f32 v58, v5;
	v26 =	vmul.f32 v57, v7  }
0x37c: {  	v8 =	vmul.f32 v59, v6;
	v12 =	vadd.f32 v13, v12;
	v9 =	vadd.f32 v63, v9  }
0x37d: {  	v32 =	vmul.f32 v61, v5;
	v31 =	vmul.f32 v60, v7;
	v30 =	vadd.f32 v27, v26  }
0x37e: {  	v5 =	vmul.f32 v24, v5;
	v7 =	vmul.f32 v62, v7;
	v12 =	vadd.f32 v29, v12;
	(xrf2) =	vadd.scan.msk.f32 $0xffff, v9  }
0x37f: {  	v34 =	vmul.f32 v25, v6;
	v33 =	vadd.f32 v32, v31;
	v8 =	vadd.f32 v8, v30  }
0x380: {  	v6 =	vmul.f32 v28, v6;
	v5 =	vadd.f32 v5, v7;
	(xrf2) =	vadd.scan.msk.f32 $0xffff, v12  }
0x381: {  	v35 =	vadd.f32 v34, v33;
	(xrf2) =	vadd.scan.msk.f32 $0xffff, v8  }
0x382: {  	v5 =	vadd.f32 v6, v5  }
0x383: {  	(v2sf) =	vpush @!p0 v4, $0x4;
	(xrf2) =	vadd.scan.msk.f32 $0xffff, v35  }
0x384: {  	(v2sf) =	vpush @!p0 v3, $0x4;
	(xrf2) =	vadd.scan.msk.f32 $0xffff, v5;
	_ =	sdelay $0x3  }
0x385: {  	v36, _, _ =	vpop (xrf2)  }
0x386: {  	s13 =	sadd.s32 $0xFFFFFFFD, s7;
	v5 =	vbroadcast v36, $0xF  }
0x387: {  	v39 =	vmov s13;
	v37, _, _ =	vpop (xrf2)  }
0x388: {  	v40 =	vshll.u32 v39, $0x3;
	v6 =	vbroadcast v37, $0xF;
	v38, _, _ =	vpop (xrf2);
	v5 =	vadd.f32 v5, v2  }
0x389: {  	v9 =	vand.u32 $0xC00, v40;
	v7 =	vbroadcast v38, $0xF  }
0x38a: {  	v8 =	vand.u32 $0x7C, v39;
	v41, _, _ =	vpop (xrf2);
	v6 =	vadd.f32 v6, v2;
	v5 =	vsel vm0, v5, v2  }
0x38b: {  	v8 =	vor.u32 v9, v8;
	v10 =	vbroadcast v41, $0xF;
	v42, _, _ =	vpop (xrf2);
	v7 =	vadd.f32 v7, v5  }
0x38c: {  	v8 =	vor.u32 v1, v8;
	v43 =	vbroadcast v42, $0xF;
	v5 =	vsel vm1, v5, v6  }
0x38d: {  	v7 =	vsel vm2, v5, v7;
	v5 =	vadd.f32 v10, v5  }
0x38e: {  	v6 =	vadd.f32 v43, v7  }
0x38f: {  	s11 =	spop @!p0 (v2sf);
	v5 =	vsel vm3, v7, v5  }
0x390: {  	s11 =	sand.u32 @!p0 $0xFFFFF80, s11;
	s12 =	spop @!p0 (v2sf);
	v5 =	vsel vm4, v5, v6  }
0x391: {  	s18 =	simm.s32 @!p0 $0x8400;
	s13 =	sadd.s32 @!p0 s0, s11;
	s12 =	sand.u32 @!p0 $0xFFFFF80, s12;
	[tilespmem:v8+s25+$0x0] =	vst.idx.msk $0xffff, v5  }
0x392: {  	[tilespmem:s18], [sflag:$0x5] =	stream.strided.gather @!p0 [hbm4b:s13+s9], $0x800, s5, s9, $0x38;
	[tilespmem:$0x12880] =	vst v63  }
0x393: {  	s13 =	sadd.s32 @!p0 s1, s12;
	s18 =	simm.s32 @!p0 $0x8C00  }
0x394: {  	[tilespmem:s18], [sflag:$0x5] =	stream.strided.gather @!p0 [hbm4b:s13+s9], $0x800, s5, s9, $0x38;
	[tilespmem:$0x12880] =	vst v63  }
0x395: {  	s11 =	sadd.s32 @!p0 s3, s11;
	s13 =	simm.s32 @!p0 $0x9400  }
0x396: {  	[tilespmem:s13], [sflag:$0x5] =	stream.strided.gather @!p0 [hbm4b:s11+s9], $0x800, s5, s9, $0x38;
	[tilespmem:$0x12880] =	vst v63  }
0x397: {  	s11 =	sadd.s32 @!p0 s4, s12;
	s12 =	simm.s32 @!p0 $0x9C00  }
0x398: {  	[tilespmem:s12], [sflag:$0x5] =	stream.strided.gather @!p0 [hbm4b:s11+s9], $0x800, s5, s9, $0x38;
	[tilespmem:$0x12880] =	vst v63  }
0x399: {  	_ =	swait.ge [sflag:s31], $0x800  }
0x39a: {  	[sflag:s31] =	ssyncset.done $0x0  }
0x39b: {  	[sflag:s31] =	ssyncadd.s32 $0xFFFFF800  }
0x39c: {  	_ =	swait.ge [sflag:s31], $0x800  }
0x39d: {  	[sflag:s31] =	ssyncset.done $0x0  }
0x39e: {  	[sflag:s31] =	ssyncadd.s32 $0xFFFFF800  }
0x39f: {  	s18 =	sand.u32 $0x7F, s23;
	_ =	swait.ge [sflag:s31], $0x800  }
0x3a0: {  	v45 =	vor.u32 s18, v0;
	[sflag:s31] =	ssyncset.done $0x0  }
0x3a1: {  	[sflag:s31] =	ssyncadd.s32 $0xFFFFF800  }
0x3a2: {  	s15 =	rddreg [dreg:$0x16];
	_ =	swait.ge [sflag:s31], $0x800  }
0x3a3: {  	[sflag:s31] =	ssyncset.done $0x0  }
0x3a4: {  	s13 =	simm.s32 $0xAC00;
	[sflag:s31] =	ssyncadd.s32 $0xFFFFF800  }
0x3a5: {  	s18 =	simm.s32 $0xBC00;
	v47 =	vld.idx.msk [tilespmem:v45+s13+$0x0], $0xffff  }
0x3a6: {  	v6 =	vld.idx.msk [tilespmem:v45+s18+$0x0], $0xffff  }
0x3a7: {  	s11 =	sand.u32 $0x7F, s15;
	v48 =	vld [tilespmem:$0x10400]  }
0x3a8: {  	v44 =	vor.u32 s11, v0;
	v49 =	vld [tilespmem:$0x10410]  }
0x3a9: {  	v50 =	vld [tilespmem:$0x10420]  }
0x3aa: {  	v51 =	vld [tilespmem:$0x10480]  }
0x3ab: {  	v52 =	vld [tilespmem:$0x10490]  }
0x3ac: {  	s12 =	simm.s32 $0xA400;
	v53 =	vld [tilespmem:$0x104A0]  }
0x3ad: {  	v46 =	vld.idx.msk [tilespmem:v44+s12+$0x0], $0xffff  }
0x3ae: {  	s15 =	simm.s32 $0xB400;
	v54 =	vld [tilespmem:$0x10500]  }
0x3af: {  	v5 =	vld.idx.msk [tilespmem:v44+s15+$0x0], $0xffff  }
0x3b0: {  	v55 =	vld [tilespmem:$0x10510]  }
0x3b1: {  	v56 =	vld [tilespmem:$0x10520]  }
0x3b2: {  	v57 =	vld [tilespmem:$0x10580];
	v7 =	vmul.f32 v47, v46  }
0x3b3: {  	v58 =	vld [tilespmem:$0x10590]  }
0x3b4: {  	v59 =	vld [tilespmem:$0x10600];
	v10 =	vmul.f32 v49, v5;
	v9 =	vmul.f32 v48, v7  }
0x3b5: {  	v61 =	vld [tilespmem:$0x10610];
	v60 =	vmul.f32 v50, v6;
	v23 =	vmul.f32 v53, v6  }
0x3b6: {  	v62 =	vld [tilespmem:$0x105A0];
	v13 =	vmul.f32 v52, v5;
	v12 =	vmul.f32 v51, v7;
	v9 =	vadd.f32 v10, v9  }
0x3b7: {  	v22 =	vld [tilespmem:$0x10620];
	v21 =	vmul.f32 v55, v5;
	v63 =	vmul.f32 v54, v7  }
0x3b8: {  	v8 =	vmul.f32 v56, v6;
	v12 =	vadd.f32 v13, v12;
	v9 =	vadd.f32 v60, v9  }
0x3b9: {  	v26 =	vmul.f32 v58, v5;
	v25 =	vmul.f32 v57, v7;
	v24 =	vadd.f32 v21, v63  }
0x3ba: {  	v5 =	vmul.f32 v61, v5;
	v7 =	vmul.f32 v59, v7;
	v12 =	vadd.f32 v23, v12;
	(xrf2) =	vadd.scan.msk.f32 $0xffff, v9  }
0x3bb: {  	v28 =	vmul.f32 v62, v6;
	v27 =	vadd.f32 v26, v25;
	v8 =	vadd.f32 v8, v24  }
0x3bc: {  	v6 =	vmul.f32 v22, v6;
	v5 =	vadd.f32 v5, v7;
	(xrf2) =	vadd.scan.msk.f32 $0xffff, v12  }
0x3bd: {  	v29 =	vadd.f32 v28, v27;
	(xrf2) =	vadd.scan.msk.f32 $0xffff, v8  }
0x3be: {  	v5 =	vadd.f32 v6, v5  }
0x3bf: {  	(v2sf) =	vpush @!p0 v4, $0x5;
	(xrf2) =	vadd.scan.msk.f32 $0xffff, v29  }
0x3c0: {  	(v2sf) =	vpush @!p0 v3, $0x5;
	(xrf2) =	vadd.scan.msk.f32 $0xffff, v5;
	_ =	sdelay $0x3  }
0x3c1: {  	v30, _, _ =	vpop (xrf2)  }
0x3c2: {  	s12 =	sadd.s32 $0xFFFFFFFE, s7;
	v5 =	vbroadcast v30, $0xF  }
0x3c3: {  	v33 =	vmov s12;
	v31, _, _ =	vpop (xrf2)  }
0x3c4: {  	v34 =	vshll.u32 v33, $0x3;
	v6 =	vbroadcast v31, $0xF;
	v32, _, _ =	vpop (xrf2);
	v5 =	vadd.f32 v5, v2  }
0x3c5: {  	v9 =	vand.u32 $0xC00, v34;
	v7 =	vbroadcast v32, $0xF  }
0x3c6: {  	v8 =	vand.u32 $0x7D, v33;
	v35, _, _ =	vpop (xrf2);
	v6 =	vadd.f32 v6, v2;
	v5 =	vsel vm0, v5, v2  }
0x3c7: {  	v8 =	vor.u32 v9, v8;
	v10 =	vbroadcast v35, $0xF;
	v36, _, _ =	vpop (xrf2);
	v7 =	vadd.f32 v7, v5  }
0x3c8: {  	v8 =	vor.u32 v1, v8;
	v37 =	vbroadcast v36, $0xF;
	v5 =	vsel vm1, v5, v6  }
0x3c9: {  	v7 =	vsel vm2, v5, v7;
	v5 =	vadd.f32 v10, v5  }
0x3ca: {  	v6 =	vadd.f32 v37, v7  }
0x3cb: {  	s11 =	spop @!p0 (v2sf);
	v5 =	vsel vm3, v7, v5  }
0x3cc: {  	s11 =	sand.u32 @!p0 $0xFFFFF80, s11;
	s12 =	spop @!p0 (v2sf);
	v5 =	vsel vm4, v5, v6  }
0x3cd: {  	s18 =	simm.s32 @!p0 $0xA400;
	s13 =	sadd.s32 @!p0 s0, s11;
	s12 =	sand.u32 @!p0 $0xFFFFF80, s12;
	[tilespmem:v8+s25+$0x0] =	vst.idx.msk $0xffff, v5  }
0x3ce: {  	[tilespmem:s18], [sflag:$0x6] =	stream.strided.gather @!p0 [hbm4b:s13+s9], $0x800, s5, s9, $0x38;
	[tilespmem:$0x12880] =	vst v63  }
0x3cf: {  	s13 =	sadd.s32 @!p0 s1, s12;
	s18 =	simm.s32 @!p0 $0xAC00  }
0x3d0: {  	[tilespmem:s18], [sflag:$0x6] =	stream.strided.gather @!p0 [hbm4b:s13+s9], $0x800, s5, s9, $0x38;
	[tilespmem:$0x12880] =	vst v63  }
0x3d1: {  	s11 =	sadd.s32 @!p0 s3, s11;
	s13 =	simm.s32 @!p0 $0xB400  }
0x3d2: {  	[tilespmem:s13], [sflag:$0x6] =	stream.strided.gather @!p0 [hbm4b:s11+s9], $0x800, s5, s9, $0x38;
	[tilespmem:$0x12880] =	vst v63  }
0x3d3: {  	s11 =	sadd.s32 @!p0 s4, s12;
	s12 =	simm.s32 @!p0 $0xBC00  }
0x3d4: {  	[tilespmem:s12], [sflag:$0x6] =	stream.strided.gather @!p0 [hbm4b:s11+s9], $0x800, s5, s9, $0x38;
	[tilespmem:$0x12880] =	vst v63  }
0x3d5: {  	_ =	swait.ge [sflag:s2], $0x800  }
0x3d6: {  	[sflag:s2] =	ssyncset.done $0x0  }
0x3d7: {  	[sflag:s2] =	ssyncadd.s32 $0xFFFFF800  }
0x3d8: {  	_ =	swait.ge [sflag:s2], $0x800  }
0x3d9: {  	[sflag:s2] =	ssyncset.done $0x0  }
0x3da: {  	[sflag:s2] =	ssyncadd.s32 $0xFFFFF800  }
0x3db: {  	s10 =	sand.u32 $0x7F, s10;
	_ =	swait.ge [sflag:s2], $0x800  }
0x3dc: {  	v39 =	vor.u32 s10, v0;
	[sflag:s2] =	ssyncset.done $0x0  }
0x3dd: {  	[sflag:s2] =	ssyncadd.s32 $0xFFFFF800  }
0x3de: {  	s13 =	rddreg [dreg:$0x17];
	_ =	swait.ge [sflag:s2], $0x800  }
0x3df: {  	s11 =	sand.u32 $0x7F, s13;
	[sflag:s2] =	ssyncset.done $0x0  }
0x3e0: {  	v38 =	vor.u32 s11, v0;
	s11 =	simm.s32 $0xCC00;
	[sflag:s2] =	ssyncadd.s32 $0xFFFFF800  }
0x3e1: {  	s13 =	simm.s32 $0xDC00;
	v41 =	vld.idx.msk [tilespmem:v39+s11+$0x0], $0xffff  }
0x3e2: {  	v6 =	vld.idx.msk [tilespmem:v39+s13+$0x0], $0xffff  }
0x3e3: {  	v42 =	vld [tilespmem:$0x10400]  }
0x3e4: {  	v43 =	vld [tilespmem:$0x10410]  }
0x3e5: {  	v44 =	vld [tilespmem:$0x10420]  }
0x3e6: {  	v45 =	vld [tilespmem:$0x10480]  }
0x3e7: {  	v46 =	vld [tilespmem:$0x10490]  }
0x3e8: {  	s15 =	simm.s32 $0xC400;
	v47 =	vld [tilespmem:$0x104A0]  }
0x3e9: {  	v40 =	vld.idx.msk [tilespmem:v38+s15+$0x0], $0xffff  }
0x3ea: {  	s12 =	simm.s32 $0xD400;
	v48 =	vld [tilespmem:$0x10500]  }
0x3eb: {  	v5 =	vld.idx.msk [tilespmem:v38+s12+$0x0], $0xffff  }
0x3ec: {  	v49 =	vld [tilespmem:$0x10510]  }
0x3ed: {  	v50 =	vld [tilespmem:$0x10520]  }
0x3ee: {  	v51 =	vld [tilespmem:$0x10580];
	v7 =	vmul.f32 v41, v40  }
0x3ef: {  	v52 =	vld [tilespmem:$0x10590]  }
0x3f0: {  	v53 =	vld [tilespmem:$0x10600];
	v10 =	vmul.f32 v43, v5;
	v9 =	vmul.f32 v42, v7  }
0x3f1: {  	v55 =	vld [tilespmem:$0x10610];
	v54 =	vmul.f32 v44, v6;
	v60 =	vmul.f32 v47, v6  }
0x3f2: {  	v56 =	vld [tilespmem:$0x105A0];
	v13 =	vmul.f32 v46, v5;
	v12 =	vmul.f32 v45, v7;
	v9 =	vadd.f32 v10, v9  }
0x3f3: {  	v59 =	vld [tilespmem:$0x10620];
	v58 =	vmul.f32 v49, v5;
	v57 =	vmul.f32 v48, v7  }
0x3f4: {  	v8 =	vmul.f32 v50, v6;
	v12 =	vadd.f32 v13, v12;
	v9 =	vadd.f32 v54, v9  }
0x3f5: {  	v63 =	vmul.f32 v52, v5;
	v62 =	vmul.f32 v51, v7;
	v61 =	vadd.f32 v58, v57  }
0x3f6: {  	v5 =	vmul.f32 v55, v5;
	v7 =	vmul.f32 v53, v7;
	v12 =	vadd.f32 v60, v12;
	(xrf2) =	vadd.scan.msk.f32 $0xffff, v9  }
0x3f7: {  	v18 =	vmul.f32 v56, v6;
	v17 =	vadd.f32 v63, v62;
	v8 =	vadd.f32 v8, v61  }
0x3f8: {  	v6 =	vmul.f32 v59, v6;
	v5 =	vadd.f32 v5, v7;
	(xrf2) =	vadd.scan.msk.f32 $0xffff, v12  }
0x3f9: {  	v19 =	vadd.f32 v18, v17;
	(xrf2) =	vadd.scan.msk.f32 $0xffff, v8  }
0x3fa: {  	v5 =	vadd.f32 v6, v5  }
0x3fb: {  	(v2sf) =	vpush @!p0 v4, $0x6;
	(xrf2) =	vadd.scan.msk.f32 $0xffff, v19  }
0x3fc: {  	(v2sf) =	vpush @!p0 v3, $0x6;
	(xrf2) =	vadd.scan.msk.f32 $0xffff, v5;
	_ =	sdelay $0x3  }
0x3fd: {  	v20, _, _ =	vpop (xrf2)  }
0x3fe: {  	s15 =	sadd.s32 $0xFFFFFFFF, s7;
	v5 =	vbroadcast v20, $0xF  }
0x3ff: {  	v23 =	vmov s15;
	v21, _, _ =	vpop (xrf2)  }
0x400: {  	v24 =	vshll.u32 v23, $0x3;
	v6 =	vbroadcast v21, $0xF;
	v22, _, _ =	vpop (xrf2);
	v5 =	vadd.f32 v5, v2  }
0x401: {  	v9 =	vand.u32 $0xC00, v24;
	v7 =	vbroadcast v22, $0xF  }
0x402: {  	v8 =	vand.u32 $0x7E, v23;
	v25, _, _ =	vpop (xrf2);
	v6 =	vadd.f32 v6, v2;
	v5 =	vsel vm0, v5, v2  }
0x403: {  	v8 =	vor.u32 v9, v8;
	v10 =	vbroadcast v25, $0xF;
	v26, _, _ =	vpop (xrf2);
	v7 =	vadd.f32 v7, v5  }
0x404: {  	v8 =	vor.u32 v1, v8;
	v27 =	vbroadcast v26, $0xF;
	v5 =	vsel vm1, v5, v6  }
0x405: {  	v7 =	vsel vm2, v5, v7;
	v5 =	vadd.f32 v10, v5  }
0x406: {  	v6 =	vadd.f32 v27, v7  }
0x407: {  	s10 =	spop @!p0 (v2sf);
	v5 =	vsel vm3, v7, v5  }
0x408: {  	s10 =	sand.u32 @!p0 $0xFFFFF80, s10;
	s11 =	spop @!p0 (v2sf);
	v5 =	vsel vm4, v5, v6  }
0x409: {  	s13 =	simm.s32 @!p0 $0xC400;
	s12 =	sadd.s32 @!p0 s0, s10;
	s11 =	sand.u32 @!p0 $0xFFFFF80, s11;
	[tilespmem:v8+s25+$0x0] =	vst.idx.msk $0xffff, v5  }
0x40a: {  	[tilespmem:s13], [sflag:$0x7] =	stream.strided.gather @!p0 [hbm4b:s12+s9], $0x800, s5, s9, $0x38;
	[tilespmem:$0x12880] =	vst v63  }
0x40b: {  	s12 =	sadd.s32 @!p0 s1, s11;
	s13 =	simm.s32 @!p0 $0xCC00  }
0x40c: {  	[tilespmem:s13], [sflag:$0x7] =	stream.strided.gather @!p0 [hbm4b:s12+s9], $0x800, s5, s9, $0x38;
	[tilespmem:$0x12880] =	vst v63  }
0x40d: {  	s10 =	sadd.s32 @!p0 s3, s10;
	s12 =	simm.s32 @!p0 $0xD400  }
0x40e: {  	[tilespmem:s12], [sflag:$0x7] =	stream.strided.gather @!p0 [hbm4b:s10+s9], $0x800, s5, s9, $0x38;
	[tilespmem:$0x12880] =	vst v63  }
0x40f: {  	s10 =	sadd.s32 @!p0 s4, s11;
	s11 =	simm.s32 @!p0 $0xDC00  }
0x410: {  	[tilespmem:s11], [sflag:$0x7] =	stream.strided.gather @!p0 [hbm4b:s10+s9], $0x800, s5, s9, $0x38;
	[tilespmem:$0x12880] =	vst v63  }
0x411: {  	_ =	swait.ge [sflag:s6], $0x800  }
0x412: {  	[sflag:s6] =	ssyncset.done $0x0  }
0x413: {  	[sflag:s6] =	ssyncadd.s32 $0xFFFFF800  }
0x414: {  	_ =	swait.ge [sflag:s6], $0x800  }
0x415: {  	[sflag:s6] =	ssyncset.done $0x0  }
0x416: {  	[sflag:s6] =	ssyncadd.s32 $0xFFFFF800  }
0x417: {  	s8 =	sand.u32 $0x7F, s8;
	_ =	swait.ge [sflag:s6], $0x800  }
0x418: {  	v29 =	vor.u32 s8, v0;
	[sflag:s6] =	ssyncset.done $0x0  }
0x419: {  	[sflag:s6] =	ssyncadd.s32 $0xFFFFF800  }
0x41a: {  	s11 =	rddreg [dreg:$0x18];
	_ =	swait.ge [sflag:s6], $0x800  }
0x41b: {  	[sflag:s6] =	ssyncset.done $0x0  }
0x41c: {  	s13 =	simm.s32 $0xEC00;
	[sflag:s6] =	ssyncadd.s32 $0xFFFFF800  }
0x41d: {  	s14 =	simm.s32 $0xFC00;
	v31 =	vld.idx.msk [tilespmem:v29+s13+$0x0], $0xffff  }
0x41e: {  	v6 =	vld.idx.msk [tilespmem:v29+s14+$0x0], $0xffff  }
0x41f: {  	s10 =	sand.u32 $0x7F, s11;
	v32 =	vld [tilespmem:$0x10400]  }
0x420: {  	v28 =	vor.u32 s10, v0;
	v33 =	vld [tilespmem:$0x10410]  }
0x421: {  	v34 =	vld [tilespmem:$0x10420]  }
0x422: {  	v35 =	vld [tilespmem:$0x10480]  }
0x423: {  	v36 =	vld [tilespmem:$0x10490]  }
0x424: {  	s12 =	simm.s32 $0xE400;
	v37 =	vld [tilespmem:$0x104A0]  }
0x425: {  	v30 =	vld.idx.msk [tilespmem:v28+s12+$0x0], $0xffff  }
0x426: {  	s15 =	simm.s32 $0xF400;
	v38 =	vld [tilespmem:$0x10500]  }
0x427: {  	v5 =	vld.idx.msk [tilespmem:v28+s15+$0x0], $0xffff  }
0x428: {  	v39 =	vld [tilespmem:$0x10510]  }
0x429: {  	v40 =	vld [tilespmem:$0x10520]  }
0x42a: {  	v41 =	vld [tilespmem:$0x10580];
	v7 =	vmul.f32 v31, v30  }
0x42b: {  	v42 =	vld [tilespmem:$0x10590]  }
0x42c: {  	v43 =	vld [tilespmem:$0x10600];
	v10 =	vmul.f32 v33, v5;
	v9 =	vmul.f32 v32, v7  }
0x42d: {  	v45 =	vld [tilespmem:$0x10610];
	v44 =	vmul.f32 v34, v6;
	v50 =	vmul.f32 v37, v6  }
0x42e: {  	v46 =	vld [tilespmem:$0x105A0];
	v13 =	vmul.f32 v36, v5;
	v12 =	vmul.f32 v35, v7;
	v9 =	vadd.f32 v10, v9  }
0x42f: {  	v49 =	vld [tilespmem:$0x10620];
	v48 =	vmul.f32 v39, v5;
	v47 =	vmul.f32 v38, v7  }
0x430: {  	v8 =	vmul.f32 v40, v6;
	v12 =	vadd.f32 v13, v12;
	v9 =	vadd.f32 v44, v9  }
0x431: {  	v53 =	vmul.f32 v42, v5;
	v52 =	vmul.f32 v41, v7;
	v51 =	vadd.f32 v48, v47  }
0x432: {  	v5 =	vmul.f32 v45, v5;
	v7 =	vmul.f32 v43, v7;
	v12 =	vadd.f32 v50, v12;
	(xrf2) =	vadd.scan.msk.f32 $0xffff, v9  }
0x433: {  	v55 =	vmul.f32 v46, v6;
	v54 =	vadd.f32 v53, v52;
	v8 =	vadd.f32 v8, v51  }
0x434: {  	v6 =	vmul.f32 v49, v6;
	v5 =	vadd.f32 v5, v7;
	(xrf2) =	vadd.scan.msk.f32 $0xffff, v12  }
0x435: {  	v56 =	vadd.f32 v55, v54;
	(xrf2) =	vadd.scan.msk.f32 $0xffff, v8  }
0x436: {  	v5 =	vadd.f32 v6, v5  }
0x437: {  	(v2sf) =	vpush @!p0 v4, $0x7;
	(xrf2) =	vadd.scan.msk.f32 $0xffff, v56  }
0x438: {  	(v2sf) =	vpush @!p0 v3, $0x7;
	(xrf2) =	vadd.scan.msk.f32 $0xffff, v5;
	_ =	sdelay $0x3  }
0x439: {  	v3, _, _ =	vpop (xrf2)  }
0x43a: {  	v3 =	vbroadcast v3, $0xF  }
0x43b: {  	v59 =	vmov s7;
	v57, _, _ =	vpop (xrf2)  }
0x43c: {  	v60 =	vshll.u32 v59, $0x3;
	v58, _, _ =	vpop (xrf2);
	v4 =	vbroadcast v57, $0xF;
	v3 =	vadd.f32 v3, v2  }
0x43d: {  	v7 =	vand.u32 $0xC00, v60;
	v5 =	vbroadcast v58, $0xF  }
0x43e: {  	v6 =	vand.u32 $0x7F, v59;
	v61, _, _ =	vpop (xrf2);
	v4 =	vadd.f32 v4, v2;
	v3 =	vsel vm0, v3, v2  }
0x43f: {  	v6 =	vor.u32 v7, v6;
	v8 =	vbroadcast v61, $0xF;
	v62, _, _ =	vpop (xrf2);
	v5 =	vadd.f32 v5, v3  }
0x440: {  	v6 =	vor.u32 v1, v6;
	v63 =	vbroadcast v62, $0xF;
	v3 =	vsel vm1, v3, v4  }
0x441: {  	v5 =	vsel vm2, v3, v5;
	v3 =	vadd.f32 v8, v3  }
0x442: {  	v4 =	vadd.f32 v63, v5  }
0x443: {  	s7 =	sadd.s32 @!p0 $0x10, s7;
	s8 =	spop @!p0 (v2sf);
	v3 =	vsel vm3, v5, v3  }
0x444: {  	p1 =	sne.s32 @!p0 s7, $0x20F;
	s8 =	sand.u32 @!p0 $0xFFFFF80, s8;
	s10 =	spop @!p0 (v2sf);
	v3 =	vsel vm4, v3, v4  }
0x445: {  	s12 =	simm.s32 @!p0 $0xE400;
	s11 =	sadd.s32 @!p0 s0, s8;
	s10 =	sand.u32 @!p0 $0xFFFFF80, s10;
	[tilespmem:v6+s25+$0x0] =	vst.idx.msk $0xffff, v3  }
0x446: {  	[tilespmem:s12], [sflag:$0x8] =	stream.strided.gather @!p0 [hbm4b:s11+s9], $0x800, s5, s9, $0x38;
	[tilespmem:$0x12880] =	vst v63  }
0x447: {  	p1 =	por p0, !p1;
	s11 =	sadd.s32 @!p0 s1, s10;
	s12 =	simm.s32 @!p0 $0xEC00  }
0x448: {  	[tilespmem:s12], [sflag:$0x8] =	stream.strided.gather @!p0 [hbm4b:s11+s9], $0x800, s5, s9, $0x38;
	[tilespmem:$0x12880] =	vst v63  }
0x449: {  	s13 =	rddreg [dreg:$0xf];
	s8 =	sadd.s32 @!p0 s3, s8;
	s11 =	simm.s32 @!p0 $0xF400  }
0x44a: {  	[tilespmem:s11], [sflag:$0x8] =	stream.strided.gather @!p0 [hbm4b:s8+s9], $0x800, s5, s9, $0x38;
	[tilespmem:$0x12880] =	vst v63  }
.Ltmp0:
0x44b: {  	s8 =	sadd.s32 @!p0 s4, s10;
	s10 =	simm.s32 @!p0 $0xFC00;
	(pc) =	sbr.rel @!p1 .LBB2_2-.Ltmp0, $4  }
0x44c: {  	[tilespmem:s10], [sflag:$0x8] =	stream.strided.gather @!p0 [hbm4b:s8+s9], $0x800, s5, s9, $0x38;
	[tilespmem:$0x12880] =	vst v63  }
0x44d: {  	s21 =	simm.s32 $0x5400;
	s22 =	simm.s32 $0x5C00;
	s8 =	rddreg [dreg:$0x11]  }
0x44e: {  	s23 =	simm.s32 $0x6400;
	s18 =	simm.s32 $0x4C00;
	s5 =	rddreg [dreg:$0x10]  }
0x44f: {  	s13 =	sadd.s32 @!p0 $0x10, s13;
	s8 =	sadd.s32 @!p0 $0x1, s8;
	s5 =	sadd.s32 @!p0 $0x10, s5  }
0x450: {  	s5 =	rddreg [dreg:$0xc];
	s7 =	simm.s32 $0x1000;
	s8 =	simm.s32 $0x20000  }
0x451: {  	[hbm4b:s5+s7] =	stream.strided.scatter [tilespmem:s25], [sflag:$0x9], $0x2000, s8, s7, $0x38;
	[tilespmem:$0x12880] =	vst v63  }
0x452: {  	s8 =	simm.s32 $0x9  }
0x453: {  	_ =	swait.ge [sflag:s8], $0x2000  }
0x454: {  	s14 =	rddreg [dreg:$0xe]  }
0x455: {  	s15 =	rddreg [dreg:$0xd];
	s7 =	sadd.s32 $0x1, s14  }
0x456: {  	p0 =	sne.s32 s7, s15  }
.Ltmp1:
0x457: {  	_ = 	snop;
	(pc) =	sbr.rel @p0 .LBB2_1-.Ltmp1, $4  }
0x458: {  	_ = 	snop  }
0x459: {  	s10 =	simm.s32 $0xC00  }
0x45a: {  	s11 =	simm.s32 $0x1400;
	s12 =	simm.s32 $0x1C00;
	[sflag:s8] =	ssyncset.done $0x0  }
0x45b: {  	[sflag:s8] =	ssyncadd.s32 $0xFFFFE000;
	s14 =	simm.s32 $0x3400;
	s15 =	simm.s32 $0x2C00  }
0x45c: {  	_ =	sfence.sel $0x180000  }
0x45d: {  	[bflag:$0x0] =	sbarrier.arrive $0xFFFF  }
0x45e: {  	_ =	strace $0x90000047  }
0x45f: {  	s0 =	stileid.u32;
	[bflag:$0x2] =	sbarrier.arrive $0xFFFF  }
0x460: {  	p0 =	sne.s32 s0, $0x0;
	s0 =	rddreg [dreg:$0x9]  }
0x461: {  	s0 =	sadd.s32 @!p0 $0x100000, s0  }
0x462: {  	[sflag:s0] =	ssyncadd.tile.s32 @!p0 $0x1;
	_ =	shalt  }
.Lfunc_end2:
_tile_overlayer_lowered:
.L_overlay_start_2:
0x463: {  	(tag) =	ssettag $0x2  }
0x464: {  	s0 =	rddreg [dreg:$0x0];
	s2 =	stileid.u32  }
0x465: {  	s1 =	rddreg [dreg:$0x1];
	p0 =	sne.s32 s2, $0x0  }
0x466: {  	s3 =	rddreg [dreg:$0x2];
	[bflag:$0x3] =	sbarrier.arrive $0xFFFF;
	s2 =	simm.s32 @!p0 $0x1C09  }
0x467: {  	[timem:s3], [sflag:s2] =	dma.local @!p0 [hbm:s0], s1  }
0x468: {  	s0 =	simm.s32 @!p0 $0x9  }
0x469: {  	_ =	swait.ge @!p0 [sflag:s0], s1  }
0x46a: {  	s1 =	ssub.s32 @!p0 $0x0, s1;
	[sflag:s0] =	ssyncset.done @!p0 $0x0  }
0x46b: {  	[sflag:s0] =	ssyncadd.s32 @!p0 s1  }
0x46c: {  	[bflag:$0x3] =	sbarrier.arrive $0xFFFF  }
0x46d: {  	_ =	shalt  }

</sc_bundles>
